<compile_context>
chip_gen: v7x
topology: tpu7x:2x2x1
jax: 0.10.2.dev20260603
libtpu: 0.0.44.dev20260713+nightly
codegen_flags: <defaults>
</compile_context>

<pallas_src>
import jax
import jax.numpy as jnp
from jax.experimental import pallas as pl
from jax.experimental.pallas import tpu as pltpu
from jax.experimental.pallas import tpu_sc as plsc

B, F, U, G = 1024, 256, 256, 64
CH = 32
L1 = G * CH
NP = L1 + 1024
MM_STEPS = 4
HG = G // MM_STEPS
LG = 8
SC_WIN = 128



def _route_kernel(gid_ref, posp_ref, counts_ref, ovoff_ref):
    gid = gid_ref[...]
    iota_g = jax.lax.broadcasted_iota(jnp.int32, (G, B), 0)
    onehot = (gid == iota_g).astype(jnp.int32)

    csum = onehot
    k = 1
    while k < B:
        shifted = jnp.concatenate(
            [jnp.zeros((G, k), jnp.int32), csum[:, :B - k]], axis=1)
        csum = csum + shifted
        k *= 2

    counts = csum[:, B - 1:B]
    ovc = jnp.maximum(counts - CH, 0)
    ovpc = ((ovc + 31) >> 5) << 5
    ex = jnp.concatenate([jnp.zeros((1, 1), jnp.int32), ovpc[:G - 1]], axis=0)
    k = 1
    while k < G:
        shifted = jnp.concatenate(
            [jnp.zeros((k, 1), jnp.int32), ex[:G - k]], axis=0)
        ex = ex + shifted
        k *= 2
    ovoff = ex + L1

    rank = csum - 1
    slot = jnp.where(rank < CH,
                     CH * iota_g + rank,
                     ovoff + rank - CH)
    posp = jnp.sum(onehot * slot, axis=0, keepdims=True)
    posp_ref[...] = posp
    counts_ref[...] = counts
    ovoff_ref[...] = ovoff


def _route(gid_row):
    return pl.pallas_call(
        _route_kernel,
        in_specs=[pl.BlockSpec((1, B), lambda: (0, 0))],
        out_specs=[
            pl.BlockSpec((1, B), lambda: (0, 0)),
            pl.BlockSpec((G, 1), lambda: (0, 0)),
            pl.BlockSpec((G, 1), lambda: (0, 0)),
        ],
        out_shape=[
            jax.ShapeDtypeStruct((1, B), jnp.int32),
            jax.ShapeDtypeStruct((G, 1), jnp.int32),
            jax.ShapeDtypeStruct((G, 1), jnp.int32),
        ],
    )(gid_row)



def _sc_mesh():
    return plsc.VectorSubcoreMesh(core_axis_name="c", subcore_axis_name="s")


def _sc_scatter_rows(x, idx_row):
    @pl.kernel(out_type=jax.ShapeDtypeStruct((NP, F), jnp.float32),
               mesh=_sc_mesh())
    def k(x_hbm, i_hbm, o_hbm):
        def body(x_vmem, i_vmem):
            pltpu.sync_copy(x_vmem, o_hbm.at[i_vmem.at[0]])

        pltpu.emit_pipeline(
            body,
            grid=(B // SC_WIN,),
            in_specs=[
                pl.BlockSpec((SC_WIN, F), lambda i: (i, 0)),
                pl.BlockSpec((1, SC_WIN), lambda i: (0, i)),
            ],
            out_specs=[],
            core_axis_name=("c", "s"),
            dimension_semantics=(pltpu.PARALLEL,),
        )(x_hbm, i_hbm)

    return k(x, idx_row)


def _sc_gather_rows(yp, idx_row):
    @pl.kernel(out_type=jax.ShapeDtypeStruct((B, U), jnp.float32),
               mesh=_sc_mesh())
    def k(y_hbm, i_hbm, o_hbm):
        def body(i_vmem, o_vmem):
            pltpu.sync_copy(y_hbm.at[i_vmem.at[0]], o_vmem)

        pltpu.emit_pipeline(
            body,
            grid=(B // SC_WIN,),
            in_specs=[pl.BlockSpec((1, SC_WIN), lambda i: (0, i))],
            out_specs=[pl.BlockSpec((SC_WIN, U), lambda i: (i, 0))],
            core_axis_name=("c", "s"),
            dimension_semantics=(pltpu.PARALLEL,),
        )(i_hbm, o_hbm)

    return k(yp, idx_row)



def _mm_kernel(counts_ref, ovoff_ref, xp1_ref, xpov_ref, w_ref, b_ref,
               yp_ref):
    h = pl.program_id(0)
    ybase = pl.multiple_of(h * (HG * CH), HG * CH)

    for j in range(HG):
        xs = xp1_ref[CH * j:CH * (j + 1), :].astype(jnp.bfloat16)
        y = jax.lax.dot_general(
            xs, w_ref[j].astype(jnp.bfloat16),
            (((1,), (1,)), ((), ())),
            preferred_element_type=jnp.float32)
        yv = jnp.maximum(y + b_ref[j][None, :], 0.0)
        yp_ref[pl.ds(ybase + CH * j, CH), :] = yv

    for j in range(HG):
        cnt = counts_ref[h * HG + j]
        novf = (jnp.maximum(cnt - CH, 0) + CH - 1) // CH
        ov0 = ovoff_ref[h * HG + j]

        def ov_body(c, carry, j=j, ov0=ov0):
            src = pl.multiple_of(ov0 - L1 + CH * c, CH)
            dst = pl.multiple_of(ov0 + CH * c, CH)
            xs = xpov_ref[pl.ds(src, CH), :].astype(jnp.bfloat16)
            y = jax.lax.dot_general(xs, w_ref[j].astype(jnp.bfloat16),
                                    (((1,), (1,)), ((), ())),
                                    preferred_element_type=jnp.float32)
            yp_ref[pl.ds(dst, CH), :] = jnp.maximum(
                y + b_ref[j][None, :], 0.0)
            return carry

        jax.lax.fori_loop(0, novf, ov_body, 0)


def _grouped_matmul(counts, ovoff, xp, w_mu, b_mu):
    grid_spec = pltpu.PrefetchScalarGridSpec(
        num_scalar_prefetch=2,
        grid=(MM_STEPS,),
        in_specs=[
            pl.BlockSpec((HG * CH, F), lambda h, *_: (h, 0)),
            pl.BlockSpec((NP - L1, F), lambda h, *_: (2, 0)),
            pl.BlockSpec((HG, U, F), lambda h, *_: (h, 0, 0)),
            pl.BlockSpec((HG, U), lambda h, *_: (h, 0)),
        ],
        out_specs=[
            pl.BlockSpec((NP, U), lambda h, *_: (0, 0)),
        ],
    )
    return pl.pallas_call(
        _mm_kernel,
        grid_spec=grid_spec,
        out_shape=[
            jax.ShapeDtypeStruct((NP, U), jnp.float32),
        ],
        compiler_params=pltpu.CompilerParams(
            dimension_semantics=("arbitrary",)),
    )(counts, ovoff, xp, xp, w_mu, b_mu)[0]



def _loss_kernel(counts_ref, w_ref, b_ref, w0_ref, b0_ref, loss_ref):
    h = pl.program_id(0)
    w0 = w0_ref[0]
    b0 = b0_ref[...]
    accw = jnp.zeros((1, U), jnp.float32)
    accb = jnp.zeros((1, U), jnp.float32)
    for j in range(LG):
        cntf = counts_ref[h * LG + j].astype(jnp.float32)
        dw = w_ref[j] - w0
        accw = accw + cntf * jnp.sum(dw * dw, axis=0, keepdims=True)
        db = b_ref[j][None, :] - b0
        accb = accb + cntf * (db * db)
    step_loss = jnp.full((1, 1), jnp.sum(accw) + jnp.sum(accb), jnp.float32)

    @pl.when(h == 0)
    def _():
        loss_ref[...] = step_loss

    @pl.when(h != 0)
    def _():
        loss_ref[...] = loss_ref[...] + step_loss


def _prior_loss(counts, w_mu, b_mu, w0_mu, b0_mu):
    grid_spec = pltpu.PrefetchScalarGridSpec(
        num_scalar_prefetch=1,
        grid=(G // LG,),
        in_specs=[
            pl.BlockSpec((LG, U, F), lambda h, *_: (h, 0, 0)),
            pl.BlockSpec((LG, U), lambda h, *_: (h, 0)),
            pl.BlockSpec((1, U, F), lambda h, *_: (0, 0, 0)),
            pl.BlockSpec((1, U), lambda h, *_: (0, 0)),
        ],
        out_specs=[pl.BlockSpec((1, 1), lambda h, *_: (0, 0))],
    )
    return pl.pallas_call(
        _loss_kernel,
        grid_spec=grid_spec,
        out_shape=[jax.ShapeDtypeStruct((1, 1), jnp.float32)],
        compiler_params=pltpu.CompilerParams(
            dimension_semantics=("arbitrary",)),
    )(counts, w_mu, b_mu, w0_mu, b0_mu)[0]


def kernel(x, gid, w_mu, b_mu, w0_mu, b0_mu):
    posp, counts, ovoff = _route(gid[None, :])
    xp = _sc_scatter_rows(x, posp)
    yp = _grouped_matmul(counts[:, 0], ovoff[:, 0], xp, w_mu, b_mu)
    loss = _prior_loss(counts[:, 0], w_mu, b_mu, w0_mu, b0_mu)
    out = _sc_gather_rows(yp, posp)
    return out, loss[0, 0]

# --- scband reference (transcript-rebuilt; emitter-appended) ---
"""Pipeline reference for scband-mapmultilevel-dense-32512902431061 (READ-ONLY COPY).

The authoritative reference and input builder live on the scoring server;
editing this copy changes nothing except your own understanding.
"""

import jax, jax.numpy as jnp
import numpy as np

B, F, U, G = 1024, 256, 256, 64

def setup_inputs(seed: int = 0) -> dict:
    key = jax.random.key(seed)
    k0, k1, k2, k3, k4 = jax.random.split(key, 5)
    x = jax.random.normal(k0, (B, F), dtype=jnp.float32)
    gid = jax.random.randint(k1, (B,), 0, G).astype(jnp.int32)
    # glorot_normal for per-group kernels, shape (G, U, F)
    glorot_std = float(np.sqrt(2.0 / (U + F)))
    w_mu = jax.random.normal(k2, (G, U, F), dtype=jnp.float32) * glorot_std
    # keras 'random_normal' initializer: stddev=0.05
    b_mu = jax.random.normal(k3, (G, U), dtype=jnp.float32) * 0.05
    # prior kernel (glorot) and prior bias (zeros), expanded with leading axis as in build()
    w0_mu = (jax.random.normal(k4, (U, F), dtype=jnp.float32) * glorot_std)[None, :, :]
    b0_mu = jnp.zeros((U,), dtype=jnp.float32)[None, :]
    return {"x": x, "gid": gid, "w_mu": w_mu, "b_mu": b_mu, "w0_mu": w0_mu, "b0_mu": b0_mu}

def reference(x, gid, w_mu, b_mu, w0_mu, b0_mu):
    # gather per-sample group weights and biases
    w = jnp.take(w_mu, gid, axis=0)            # [B, U, F]
    b = jnp.take(b_mu, gid, axis=0)            # [B, U]
    outputs = jnp.einsum('Bup,Bp->Bu', w, x)   # per-sample matmul
    outputs = outputs + b                       # use_bias=True
    outputs = jax.nn.relu(outputs)              # activation='relu'
    # L2 prior regularization cost (added via add_loss in keras)
    w_loss = jnp.sum(jnp.square(w - w0_mu), axis=(1, 2))
    b_loss = jnp.sum(jnp.square(b - b0_mu), axis=(1,))
    reg_loss = 1.0 * (jnp.sum(w_loss) + jnp.sum(b_loss))
    return outputs, reg_loss

if __name__ == "__main__":
    import jax
    _d = setup_inputs()
    print(jax.jit(kernel)(*tuple(_d.values())))

</pallas_src>

<mosaic_0001>
#map = affine_map<(d0, d1) -> (0, 0)>
module attributes {stable_mosaic.version = 14 : i64} {
  func.func @k(%arg0: i32, %arg1: i32, %arg2: memref<3072x256xf32, #tpu.memory_space<hbm>>, %arg3: memref<1x1024xi32, #tpu.memory_space<hbm>>, %arg4: memref<1024x256xf32, #tpu.memory_space<hbm>>) attributes {dimension_semantics = [#tpu.dimension_semantics<core_parallel>, #tpu.dimension_semantics<subcore_parallel>], iteration_bounds = array<i64: 2, 16>, scalar_prefetch = 0 : i64, scratch_operands = 0 : i64, tpu.core_type = #tpu.core_type<sc_vector_subcore>, window_params = [{transform_indices = #map}, {transform_indices = #map}, {transform_indices = #map}]} {
    %mul3A = arith.constant 1 : i32
    %mul3A_0 = arith.muli %arg1, %mul3A : i32
    %add3A = arith.constant 0 : i32
    %add3A_1 = arith.addi %add3A, %mul3A_0 : i32
    %mul3A_2 = arith.constant 16 : i32
    %mul3A_3 = arith.muli %arg0, %mul3A_2 : i32
    %add3A_4 = arith.addi %add3A_1, %mul3A_3 : i32
    %lt3A = arith.constant 8 : i32
    %lt3A_5 = arith.cmpi slt, %add3A_4, %lt3A : i32
    %jit3A = arith.constant 1 : i32
    %jit3A_6 = arith.constant 0 : i32
    %select_n3A = arith.select %lt3A_5, %jit3A, %jit3A_6 : i32
    %lt3A_7 = arith.constant 8 : i32
    %lt3A_8 = arith.cmpi slt, %add3A_4, %lt3A_7 : i32
    %mul3A_9 = arith.muli %add3A_4, %select_n3A : i32
    %mul3A_10 = arith.constant 0 : i32
    %mul3A_11 = arith.muli %add3A_4, %mul3A_10 : i32
    %add3A_12 = arith.constant 8 : i32
    %add3A_13 = arith.addi %mul3A_11, %add3A_12 : i32
    %select_n3A_14 = arith.select %lt3A_8, %mul3A_9, %add3A_13 : i32
    %mul3A_15 = arith.constant 1 : i32
    %mul3A_16 = arith.muli %mul3A_15, %select_n3A : i32
    "tpu.region"() ({
      %run_scoped3A = memref.alloca() : memref<2x1x128xi32, #tpu.memory_space<vmem>>
      %run_scoped3A_17 = tpu.sem_alloc : memref<2x!tpu.dma_semaphore, #tpu.memory_space<semaphore_mem>>
      %run_scoped3A_18 = memref.alloca() : memref<2x128x256xf32, #tpu.memory_space<vmem>>
      %run_scoped3A_19 = tpu.sem_alloc : memref<2x!tpu.dma_semaphore, #tpu.memory_space<semaphore_mem>>
      %gt3A = arith.constant 0 : i32
      %gt3A_20 = arith.cmpi sgt, %mul3A_16, %gt3A : i32
      %convert_element_type3A = arith.extui %gt3A_20 : i1 to i32
      %cond3A = arith.constant 0 : i32
      %cond3A_21 = arith.cmpi ne, %convert_element_type3A, %cond3A : i32
      scf.if %cond3A_21 {
        %mul3A_22 = arith.constant 1 : i32
        %mul3A_23 = arith.muli %mul3A_22, %select_n3A : i32
        %sub3A = arith.constant 1 : i32
        %sub3A_24 = arith.subi %mul3A_23, %sub3A : i32
        %eq3A = arith.constant 0 : i32
        %eq3A_25 = arith.cmpi eq, %sub3A_24, %eq3A : i32
        %add3A_26 = arith.constant 0 : i32
        %add3A_27 = arith.addi %add3A_26, %select_n3A_14 : i32
        %select_n3A_28 = arith.constant true
        %select_n3A_29 = arith.constant 0 : i32
        %select_n3A_30 = arith.constant -1 : i32
        %select_n3A_31 = arith.select %select_n3A_28, %select_n3A_30, %select_n3A_29 : i32
        %eq3A_32 = arith.constant -1 : i32
        %eq3A_33 = arith.cmpi eq, %select_n3A_31, %eq3A_32 : i32
        %sub3A_34 = arith.constant 1 : i32
        %sub3A_35 = arith.subi %select_n3A, %sub3A_34 : i32
        %select_n3A_36 = arith.select %eq3A_33, %sub3A_35, %select_n3A_31 : i32
        %add3A_37 = arith.addi %select_n3A_36, %select_n3A_14 : i32
        %select_n3A_38 = arith.constant true
        %select_n3A_39 = arith.constant 0 : i32
        %select_n3A_40 = arith.constant 1 : i32
        %select_n3A_41 = arith.select %select_n3A_38, %select_n3A_40, %select_n3A_39 : i32
        %eq3A_42 = arith.cmpi eq, %select_n3A_41, %select_n3A : i32
        %select_n3A_43 = arith.constant 0 : i32
        %select_n3A_44 = arith.select %eq3A_42, %select_n3A_43, %select_n3A_41 : i32
        %add3A_45 = arith.addi %select_n3A_44, %select_n3A_14 : i32
        %add3A_46 = arith.constant 1 : i32
        %add3A_47 = arith.addi %select_n3A_44, %add3A_46 : i32
        %select_n3A_48 = arith.constant true
        %select_n3A_49 = arith.select %select_n3A_48, %add3A_47, %select_n3A_44 : i32
        %eq3A_50 = arith.cmpi eq, %select_n3A_49, %select_n3A : i32
        %select_n3A_51 = arith.constant 0 : i32
        %select_n3A_52 = arith.select %eq3A_50, %select_n3A_51, %select_n3A_49 : i32
        %add3A_53 = arith.addi %select_n3A_52, %select_n3A_14 : i32
        "tpu.trace_start"() <{level = 10 : i32, message = "ep_initialize_0"}> : () -> ()
        %rem3A = arith.constant 0 : i32
        %rem3A_54 = arith.constant 2 : i32
        %rem3A_55 = arith.remui %rem3A, %rem3A_54 : i32
        %mul3A_56 = arith.constant 128 : i32
        %mul3A_57 = arith.muli %mul3A_56, %add3A_27 : i32
        %dma_start3A = arith.constant 0 : i32
        %dma_start3A_58 = arith.constant 0 : i32
        %dma_start3A_59 = tpu.memref_slice %run_scoped3A[%rem3A_55, %dma_start3A, %dma_start3A_58] : memref<2x1x128xi32, #tpu.memory_space<vmem>> -> memref<1x1x128xi32, #tpu.memory_space<vmem>>
        %dma_start3A_60 = tpu.memref_squeeze %dma_start3A_59 : memref<1x1x128xi32, #tpu.memory_space<vmem>> -> memref<1x128xi32, #tpu.memory_space<vmem>>
        %dma_start3A_61 = arith.constant 0 : i32
        %dma_start3A_62 = tpu.memref_slice %arg3[%dma_start3A_61, %mul3A_57] : memref<1x1024xi32, #tpu.memory_space<hbm>> -> memref<1x128xi32, #tpu.memory_space<hbm>>
        %dma_start3A_63 = tpu.memref_slice %run_scoped3A_17[%rem3A_55] : memref<2x!tpu.dma_semaphore, #tpu.memory_space<semaphore_mem>> -> memref<1x!tpu.dma_semaphore, #tpu.memory_space<semaphore_mem>>
        %dma_start3A_64 = tpu.memref_squeeze %dma_start3A_63 : memref<1x!tpu.dma_semaphore, #tpu.memory_space<semaphore_mem>> -> memref<!tpu.dma_semaphore, #tpu.memory_space<semaphore_mem>>
        %dma_start3A_65 = arith.constant 0 : i32
        %dma_start3A_66 = arith.constant 0 : i32
        %dma_start3A_67 = tpu.memref_slice %run_scoped3A[%rem3A_55, %dma_start3A_65, %dma_start3A_66] : memref<2x1x128xi32, #tpu.memory_space<vmem>> -> memref<1x1x128xi32, #tpu.memory_space<vmem>>
        %dma_start3A_68 = tpu.memref_squeeze %dma_start3A_67 : memref<1x1x128xi32, #tpu.memory_space<vmem>> -> memref<1x128xi32, #tpu.memory_space<vmem>>
        %dma_start3A_69 = arith.constant 0 : i32
        %dma_start3A_70 = tpu.memref_slice %arg3[%dma_start3A_69, %mul3A_57] : memref<1x1024xi32, #tpu.memory_space<hbm>> -> memref<1x128xi32, #tpu.memory_space<hbm>>
        tpu.enqueue_dma source(%dma_start3A_70 : memref<1x128xi32, #tpu.memory_space<hbm>>) target(%dma_start3A_68 : memref<1x128xi32, #tpu.memory_space<vmem>>) target_semaphore(%dma_start3A_64 : memref<!tpu.dma_semaphore, #tpu.memory_space<semaphore_mem>>)
        %add3A_71 = arith.constant 0 : i32
        %add3A_72 = arith.constant 1 : i32
        %add3A_73 = arith.addi %add3A_71, %add3A_72 : i32
        %select_n3A_74 = arith.constant true
        %select_n3A_75 = arith.constant 0 : i32
        %select_n3A_76 = arith.select %select_n3A_74, %add3A_73, %select_n3A_75 : i32
        %while3A = arith.constant 0 : i32
        %while3A_77 = arith.constant 0 : i32
        %while3A_78 = arith.constant 0 : i32
        %while3A_79 = arith.constant 0 : i32
        %while3A_80 = arith.constant 0 : i32
        "tpu.trace_stop"() : () -> ()
        %while3A_81 = arith.subi %mul3A_16, %while3A : i32
        %while3A_82 = arith.addi %while3A, %while3A_81 : i32
        %while3A_83 = arith.constant 1 : i32
        %while3A_84 = arith.divsi %while3A_81, %while3A_83 : i32
        %while3A_85 = arith.muli %while3A_84, %while3A_83 : i32
        %while3A_86 = arith.addi %while3A, %while3A_85 : i32
        %while3A_87 = arith.constant 1 : i32
        %while3A_88:5 = scf.for %while3A_142 = %while3A to %while3A_86 step %while3A_87 iter_args(%while3A_143 = %select_n3A_76, %while3A_144 = %while3A_77, %while3A_145 = %while3A_78, %while3A_146 = %while3A_79, %while3A_147 = %while3A_80) -> (i32, i32, i32, i32, i32)  : i32 {
          %mul3A_148 = arith.constant 1 : i32
          %mul3A_149 = arith.muli %mul3A_148, %select_n3A : i32
          %eq3A_150 = arith.constant 0 : i32
          %eq3A_151 = arith.cmpi eq, %while3A_142, %eq3A_150 : i32
          %sub3A_152 = arith.constant 1 : i32
          %sub3A_153 = arith.subi %mul3A_149, %sub3A_152 : i32
          %eq3A_154 = arith.cmpi eq, %while3A_142, %sub3A_153 : i32
          %add3A_155 = arith.addi %while3A_147, %select_n3A_14 : i32
          %sub3A_156 = arith.constant 1 : i32
          %sub3A_157 = arith.subi %while3A_147, %sub3A_156 : i32
          %select_n3A_158 = arith.constant true
          %select_n3A_159 = arith.select %select_n3A_158, %sub3A_157, %while3A_147 : i32
          %eq3A_160 = arith.constant -1 : i32
          %eq3A_161 = arith.cmpi eq, %select_n3A_159, %eq3A_160 : i32
          %sub3A_162 = arith.constant 1 : i32
          %sub3A_163 = arith.subi %select_n3A, %sub3A_162 : i32
          %select_n3A_164 = arith.select %eq3A_161, %sub3A_163, %select_n3A_159 : i32
          %add3A_165 = arith.addi %select_n3A_164, %select_n3A_14 : i32
          %add3A_166 = arith.constant 1 : i32
          %add3A_167 = arith.addi %while3A_147, %add3A_166 : i32
          %select_n3A_168 = arith.constant true
          %select_n3A_169 = arith.select %select_n3A_168, %add3A_167, %while3A_147 : i32
          %eq3A_170 = arith.cmpi eq, %select_n3A_169, %select_n3A : i32
          %select_n3A_171 = arith.constant 0 : i32
          %select_n3A_172 = arith.select %eq3A_170, %select_n3A_171, %select_n3A_169 : i32
          %add3A_173 = arith.addi %select_n3A_172, %select_n3A_14 : i32
          %add3A_174 = arith.constant 1 : i32
          %add3A_175 = arith.addi %select_n3A_172, %add3A_174 : i32
          %select_n3A_176 = arith.constant true
          %select_n3A_177 = arith.select %select_n3A_176, %add3A_175, %select_n3A_172 : i32
          %eq3A_178 = arith.cmpi eq, %select_n3A_177, %select_n3A : i32
          %select_n3A_179 = arith.constant 0 : i32
          %select_n3A_180 = arith.select %eq3A_178, %select_n3A_179, %select_n3A_177 : i32
          %add3A_181 = arith.addi %select_n3A_180, %select_n3A_14 : i32
          %ne3A = arith.cmpi ne, %add3A_155, %add3A_173 : i32
          %or3A = arith.constant false
          %or3A_182 = arith.ori %or3A, %ne3A : i1
          %sub3A_183 = arith.constant 2 : i32
          %sub3A_184 = arith.subi %mul3A_149, %sub3A_183 : i32
          %add3A_185 = arith.constant 1 : i32
          %add3A_186 = arith.addi %sub3A_184, %add3A_185 : i32
          %ge3A = arith.cmpi sge, %while3A_142, %add3A_186 : i32
          %not3A = arith.constant true
          %not3A_187 = arith.xori %ge3A, %not3A : i1
          %and3A = arith.andi %or3A_182, %not3A_187 : i1
          %convert_element_type3A_188 = arith.extui %and3A : i1 to i32
          %cond3A_189 = arith.constant 0 : i32
          %cond3A_190 = arith.cmpi ne, %convert_element_type3A_188, %cond3A_189 : i32
          scf.if %cond3A_190 {
            "tpu.trace_start"() <{level = 10 : i32, message = "ep_copy_in"}> : () -> ()
            %rem3A_294 = arith.constant 2 : i32
            %rem3A_295 = arith.remui %while3A_143, %rem3A_294 : i32
            %mul3A_296 = arith.constant 128 : i32
            %mul3A_297 = arith.muli %mul3A_296, %add3A_173 : i32
            %dma_start3A_298 = arith.constant 0 : i32
            %dma_start3A_299 = arith.constant 0 : i32
            %dma_start3A_300 = tpu.memref_slice %run_scoped3A[%rem3A_295, %dma_start3A_298, %dma_start3A_299] : memref<2x1x128xi32, #tpu.memory_space<vmem>> -> memref<1x1x128xi32, #tpu.memory_space<vmem>>
            %dma_start3A_301 = tpu.memref_squeeze %dma_start3A_300 : memref<1x1x128xi32, #tpu.memory_space<vmem>> -> memref<1x128xi32, #tpu.memory_space<vmem>>
            %dma_start3A_302 = arith.constant 0 : i32
            %dma_start3A_303 = tpu.memref_slice %arg3[%dma_start3A_302, %mul3A_297] : memref<1x1024xi32, #tpu.memory_space<hbm>> -> memref<1x128xi32, #tpu.memory_space<hbm>>
            %dma_start3A_304 = tpu.memref_slice %run_scoped3A_17[%rem3A_295] : memref<2x!tpu.dma_semaphore, #tpu.memory_space<semaphore_mem>> -> memref<1x!tpu.dma_semaphore, #tpu.memory_space<semaphore_mem>>
            %dma_start3A_305 = tpu.memref_squeeze %dma_start3A_304 : memref<1x!tpu.dma_semaphore, #tpu.memory_space<semaphore_mem>> -> memref<!tpu.dma_semaphore, #tpu.memory_space<semaphore_mem>>
            %dma_start3A_306 = arith.constant 0 : i32
            %dma_start3A_307 = arith.constant 0 : i32
            %dma_start3A_308 = tpu.memref_slice %run_scoped3A[%rem3A_295, %dma_start3A_306, %dma_start3A_307] : memref<2x1x128xi32, #tpu.memory_space<vmem>> -> memref<1x1x128xi32, #tpu.memory_space<vmem>>
            %dma_start3A_309 = tpu.memref_squeeze %dma_start3A_308 : memref<1x1x128xi32, #tpu.memory_space<vmem>> -> memref<1x128xi32, #tpu.memory_space<vmem>>
            %dma_start3A_310 = arith.constant 0 : i32
            %dma_start3A_311 = tpu.memref_slice %arg3[%dma_start3A_310, %mul3A_297] : memref<1x1024xi32, #tpu.memory_space<hbm>> -> memref<1x128xi32, #tpu.memory_space<hbm>>
            tpu.enqueue_dma source(%dma_start3A_311 : memref<1x128xi32, #tpu.memory_space<hbm>>) target(%dma_start3A_309 : memref<1x128xi32, #tpu.memory_space<vmem>>) target_semaphore(%dma_start3A_305 : memref<!tpu.dma_semaphore, #tpu.memory_space<semaphore_mem>>)
            "tpu.trace_stop"() : () -> ()
          } else {
          }
          %and3A_191 = arith.constant true
          %and3A_192 = arith.andi %and3A, %and3A_191 : i1
          %add3A_193 = arith.constant 1 : i32
          %add3A_194 = arith.addi %while3A_143, %add3A_193 : i32
          %select_n3A_195 = arith.select %and3A_192, %add3A_194, %while3A_143 : i32
          %ne3A_196 = arith.cmpi ne, %add3A_155, %add3A_173 : i32
          %or3A_197 = arith.constant false
          %or3A_198 = arith.ori %or3A_197, %ne3A_196 : i1
          %or3A_199 = arith.constant false
          %or3A_200 = arith.ori %or3A_198, %or3A_199 : i1
          %sub3A_201 = arith.constant 2 : i32
          %sub3A_202 = arith.subi %mul3A_149, %sub3A_201 : i32
          %add3A_203 = arith.constant 1 : i32
          %add3A_204 = arith.addi %sub3A_202, %add3A_203 : i32
          %ge3A_205 = arith.cmpi sge, %while3A_142, %add3A_204 : i32
          %not3A_206 = arith.constant true
          %not3A_207 = arith.xori %ge3A_205, %not3A_206 : i1
          %and3A_208 = arith.andi %or3A_200, %not3A_207 : i1
          %ne3A_209 = arith.cmpi ne, %add3A_155, %add3A_165 : i32
          %or3A_210 = arith.constant false
          %or3A_211 = arith.ori %or3A_210, %ne3A_209 : i1
          %or3A_212 = arith.ori %or3A_211, %eq3A_151 : i1
          %convert_element_type3A_213 = arith.extui %or3A_212 : i1 to i32
          %cond3A_214 = arith.constant 0 : i32
          %cond3A_215 = arith.cmpi ne, %convert_element_type3A_213, %cond3A_214 : i32
          scf.if %cond3A_215 {
            "tpu.trace_start"() <{level = 10 : i32, message = "ep_wait_in"}> : () -> ()
            %mul3A_294 = arith.constant 128 : i32
            %mul3A_295 = arith.muli %mul3A_294, %add3A_155 : i32
            %rem3A_296 = arith.constant 2 : i32
            %rem3A_297 = arith.remui %while3A_144, %rem3A_296 : i32
            %dma_wait3A = arith.constant 0 : i32
            %dma_wait3A_298 = arith.constant 0 : i32
            %dma_wait3A_299 = tpu.memref_slice %run_scoped3A[%rem3A_297, %dma_wait3A, %dma_wait3A_298] : memref<2x1x128xi32, #tpu.memory_space<vmem>> -> memref<1x1x128xi32, #tpu.memory_space<vmem>>
            %dma_wait3A_300 = tpu.memref_squeeze %dma_wait3A_299 : memref<1x1x128xi32, #tpu.memory_space<vmem>> -> memref<1x128xi32, #tpu.memory_space<vmem>>
            %dma_wait3A_301 = arith.constant 0 : i32
            %dma_wait3A_302 = tpu.memref_slice %arg3[%dma_wait3A_301, %mul3A_295] : memref<1x1024xi32, #tpu.memory_space<hbm>> -> memref<1x128xi32, #tpu.memory_space<hbm>>
            %dma_wait3A_303 = tpu.memref_slice %run_scoped3A_17[%rem3A_297] : memref<2x!tpu.dma_semaphore, #tpu.memory_space<semaphore_mem>> -> memref<1x!tpu.dma_semaphore, #tpu.memory_space<semaphore_mem>>
            %dma_wait3A_304 = tpu.memref_squeeze %dma_wait3A_303 : memref<1x!tpu.dma_semaphore, #tpu.memory_space<semaphore_mem>> -> memref<!tpu.dma_semaphore, #tpu.memory_space<semaphore_mem>>
            %dma_wait3A_305 = arith.constant 0 : i32
            %dma_wait3A_306 = arith.constant 0 : i32
            %dma_wait3A_307 = tpu.memref_slice %run_scoped3A[%rem3A_297, %dma_wait3A_305, %dma_wait3A_306] : memref<2x1x128xi32, #tpu.memory_space<vmem>> -> memref<1x1x128xi32, #tpu.memory_space<vmem>>
            %dma_wait3A_308 = tpu.memref_squeeze %dma_wait3A_307 : memref<1x1x128xi32, #tpu.memory_space<vmem>> -> memref<1x128xi32, #tpu.memory_space<vmem>>
            %dma_wait3A_309 = arith.constant 0 : i32
            %dma_wait3A_310 = tpu.memref_slice %arg3[%dma_wait3A_309, %mul3A_295] : memref<1x1024xi32, #tpu.memory_space<hbm>> -> memref<1x128xi32, #tpu.memory_space<hbm>>
            tpu.wait_dma2 semaphore(%dma_wait3A_304 : memref<!tpu.dma_semaphore, #tpu.memory_space<semaphore_mem>>) src(%dma_wait3A_310 : memref<1x128xi32, #tpu.memory_space<hbm>>) dst(%dma_wait3A_308 : memref<1x128xi32, #tpu.memory_space<vmem>>)
            "tpu.trace_stop"() : () -> ()
          } else {
          }
          %ne3A_216 = arith.cmpi ne, %add3A_155, %add3A_165 : i32
          %or3A_217 = arith.constant false
          %or3A_218 = arith.ori %or3A_217, %ne3A_216 : i1
          %or3A_219 = arith.constant false
          %or3A_220 = arith.ori %or3A_218, %or3A_219 : i1
          %or3A_221 = arith.ori %or3A_220, %eq3A_151 : i1
          %convert_element_type3A_222 = arith.extui %or3A_221 : i1 to i32
          %cond3A_223 = arith.constant 0 : i32
          %cond3A_224 = arith.cmpi ne, %convert_element_type3A_222, %cond3A_223 : i32
          scf.if %cond3A_224 {
          } else {
          }
          %rem3A_225 = arith.constant 2 : i32
          %rem3A_226 = arith.remui %while3A_144, %rem3A_225 : i32
          %rem3A_227 = arith.constant 2 : i32
          %rem3A_228 = arith.remui %while3A_145, %rem3A_227 : i32
          %run_scoped3A_229 = arith.constant 0 : i32
          "tpu.trace_start"() <{level = 10 : i32, message = "ep_run_kernel"}> : () -> ()
          "tpu.region"() ({
            %run_scoped3A_294 = tpu.sem_alloc : memref<!tpu.dma_semaphore, #tpu.memory_space<semaphore_mem>>
            %dma_start3A_295 = arith.constant 0 : i32
            %dma_start3A_296 = arith.constant 0 : i32
            %dma_start3A_297 = tpu.memref_slice %run_scoped3A_18[%rem3A_228, %dma_start3A_295, %dma_start3A_296] : memref<2x128x256xf32, #tpu.memory_space<vmem>> -> memref<1x128x256xf32, #tpu.memory_space<vmem>>
            %dma_start3A_298 = tpu.memref_squeeze %dma_start3A_297 : memref<1x128x256xf32, #tpu.memory_space<vmem>> -> memref<128x256xf32, #tpu.memory_space<vmem>>
            %dma_start3A_299 = arith.constant 0 : i32
            %dma_start3A_300 = arith.constant 0 : i32
            %dma_start3A_301 = tpu.memref_slice %run_scoped3A[%rem3A_226, %dma_start3A_299, %dma_start3A_300] : memref<2x1x128xi32, #tpu.memory_space<vmem>> -> memref<1x1x128xi32, #tpu.memory_space<vmem>>
            %dma_start3A_302 = tpu.memref_squeeze %dma_start3A_301 : memref<1x1x128xi32, #tpu.memory_space<vmem>> -> memref<1x128xi32, #tpu.memory_space<vmem>>
            %dma_start3A_303 = arith.constant 0 : i32
            %dma_start3A_304 = tpu.memref_slice %dma_start3A_302[%run_scoped3A_229, %dma_start3A_303] : memref<1x128xi32, #tpu.memory_space<vmem>> -> memref<1x128xi32, #tpu.memory_space<vmem>>
            %dma_start3A_305 = tpu.memref_squeeze %dma_start3A_304 : memref<1x128xi32, #tpu.memory_space<vmem>> -> memref<128xi32, #tpu.memory_space<vmem>>
            %dma_start3A_306 = arith.constant 0 : i32
            %dma_start3A_307 = arith.constant 0 : i32
            %dma_start3A_308 = tpu.memref_slice %arg2[%dma_start3A_306, %dma_start3A_307] : memref<3072x256xf32, #tpu.memory_space<hbm>> -> memref<3072x256xf32, #tpu.memory_space<hbm>>
            tpu.enqueue_indirect_dma source(%dma_start3A_308 : memref<3072x256xf32, #tpu.memory_space<hbm>>) target(%dma_start3A_298 : memref<128x256xf32, #tpu.memory_space<vmem>>) offsets(%dma_start3A_305 : memref<128xi32, #tpu.memory_space<vmem>>) semaphore(%run_scoped3A_294 : memref<!tpu.dma_semaphore, #tpu.memory_space<semaphore_mem>>)
            %dma_wait3A = arith.constant 0 : i32
            %dma_wait3A_309 = arith.constant 0 : i32
            %dma_wait3A_310 = tpu.memref_slice %run_scoped3A_18[%rem3A_228, %dma_wait3A, %dma_wait3A_309] : memref<2x128x256xf32, #tpu.memory_space<vmem>> -> memref<1x128x256xf32, #tpu.memory_space<vmem>>
            %dma_wait3A_311 = tpu.memref_squeeze %dma_wait3A_310 : memref<1x128x256xf32, #tpu.memory_space<vmem>> -> memref<128x256xf32, #tpu.memory_space<vmem>>
            %dma_wait3A_312 = arith.constant 0 : i32
            %dma_wait3A_313 = arith.constant 0 : i32
            %dma_wait3A_314 = tpu.memref_slice %run_scoped3A[%rem3A_226, %dma_wait3A_312, %dma_wait3A_313] : memref<2x1x128xi32, #tpu.memory_space<vmem>> -> memref<1x1x128xi32, #tpu.memory_space<vmem>>
            %dma_wait3A_315 = tpu.memref_squeeze %dma_wait3A_314 : memref<1x1x128xi32, #tpu.memory_space<vmem>> -> memref<1x128xi32, #tpu.memory_space<vmem>>
            %dma_wait3A_316 = arith.constant 0 : i32
            %dma_wait3A_317 = tpu.memref_slice %dma_wait3A_315[%run_scoped3A_229, %dma_wait3A_316] : memref<1x128xi32, #tpu.memory_space<vmem>> -> memref<1x128xi32, #tpu.memory_space<vmem>>
            %dma_wait3A_318 = tpu.memref_squeeze %dma_wait3A_317 : memref<1x128xi32, #tpu.memory_space<vmem>> -> memref<128xi32, #tpu.memory_space<vmem>>
            %dma_wait3A_319 = arith.constant 0 : i32
            %dma_wait3A_320 = arith.constant 0 : i32
            %dma_wait3A_321 = tpu.memref_slice %arg2[%dma_wait3A_319, %dma_wait3A_320] : memref<3072x256xf32, #tpu.memory_space<hbm>> -> memref<3072x256xf32, #tpu.memory_space<hbm>>
            tpu.wait_indirect_dma semaphore(%run_scoped3A_294 : memref<!tpu.dma_semaphore, #tpu.memory_space<semaphore_mem>>) src(%dma_wait3A_321 : memref<3072x256xf32, #tpu.memory_space<hbm>>) dst(%dma_wait3A_311 : memref<128x256xf32, #tpu.memory_space<vmem>>)
            tpu.yield
          }) : () -> ()
          "tpu.trace_stop"() : () -> ()
          %ne3A_230 = arith.cmpi ne, %add3A_155, %add3A_173 : i32
          %or3A_231 = arith.constant false
          %or3A_232 = arith.ori %or3A_231, %ne3A_230 : i1
          %or3A_233 = arith.ori %or3A_232, %eq3A_154 : i1
          %convert_element_type3A_234 = arith.extui %or3A_233 : i1 to i32
          %cond3A_235 = arith.constant 0 : i32
          %cond3A_236 = arith.cmpi ne, %convert_element_type3A_234, %cond3A_235 : i32
          scf.if %cond3A_236 {
          } else {
          }
          %and3A_237 = arith.constant false
          %and3A_238 = arith.andi %or3A_233, %and3A_237 : i1
          %ne3A_239 = arith.cmpi ne, %add3A_155, %add3A_173 : i32
          %or3A_240 = arith.constant false
          %or3A_241 = arith.ori %or3A_240, %ne3A_239 : i1
          %or3A_242 = arith.constant false
          %or3A_243 = arith.ori %or3A_241, %or3A_242 : i1
          %or3A_244 = arith.ori %or3A_243, %eq3A_154 : i1
          %convert_element_type3A_245 = arith.extui %or3A_244 : i1 to i32
          %cond3A_246 = arith.constant 0 : i32
          %cond3A_247 = arith.cmpi ne, %convert_element_type3A_245, %cond3A_246 : i32
          scf.if %cond3A_247 {
            "tpu.trace_start"() <{level = 10 : i32, message = "ep_copy_out"}> : () -> ()
            %rem3A_294 = arith.constant 2 : i32
            %rem3A_295 = arith.remui %while3A_145, %rem3A_294 : i32
            %mul3A_296 = arith.constant 128 : i32
            %mul3A_297 = arith.muli %mul3A_296, %add3A_155 : i32
            %dma_start3A_298 = arith.constant 0 : i32
            %dma_start3A_299 = arith.constant 0 : i32
            %dma_start3A_300 = tpu.memref_slice %run_scoped3A_18[%rem3A_295, %dma_start3A_298, %dma_start3A_299] : memref<2x128x256xf32, #tpu.memory_space<vmem>> -> memref<1x128x256xf32, #tpu.memory_space<vmem>>
            %dma_start3A_301 = tpu.memref_squeeze %dma_start3A_300 : memref<1x128x256xf32, #tpu.memory_space<vmem>> -> memref<128x256xf32, #tpu.memory_space<vmem>>
            %dma_start3A_302 = arith.constant 0 : i32
            %dma_start3A_303 = tpu.memref_slice %arg4[%mul3A_297, %dma_start3A_302] : memref<1024x256xf32, #tpu.memory_space<hbm>> -> memref<128x256xf32, #tpu.memory_space<hbm>>
            %dma_start3A_304 = tpu.memref_slice %run_scoped3A_19[%rem3A_295] : memref<2x!tpu.dma_semaphore, #tpu.memory_space<semaphore_mem>> -> memref<1x!tpu.dma_semaphore, #tpu.memory_space<semaphore_mem>>
            %dma_start3A_305 = tpu.memref_squeeze %dma_start3A_304 : memref<1x!tpu.dma_semaphore, #tpu.memory_space<semaphore_mem>> -> memref<!tpu.dma_semaphore, #tpu.memory_space<semaphore_mem>>
            %dma_start3A_306 = arith.constant 0 : i32
            %dma_start3A_307 = tpu.memref_slice %arg4[%mul3A_297, %dma_start3A_306] : memref<1024x256xf32, #tpu.memory_space<hbm>> -> memref<128x256xf32, #tpu.memory_space<hbm>>
            %dma_start3A_308 = arith.constant 0 : i32
            %dma_start3A_309 = arith.constant 0 : i32
            %dma_start3A_310 = tpu.memref_slice %run_scoped3A_18[%rem3A_295, %dma_start3A_308, %dma_start3A_309] : memref<2x128x256xf32, #tpu.memory_space<vmem>> -> memref<1x128x256xf32, #tpu.memory_space<vmem>>
            %dma_start3A_311 = tpu.memref_squeeze %dma_start3A_310 : memref<1x128x256xf32, #tpu.memory_space<vmem>> -> memref<128x256xf32, #tpu.memory_space<vmem>>
            tpu.enqueue_dma source(%dma_start3A_311 : memref<128x256xf32, #tpu.memory_space<vmem>>) target(%dma_start3A_307 : memref<128x256xf32, #tpu.memory_space<hbm>>) target_semaphore(%dma_start3A_305 : memref<!tpu.dma_semaphore, #tpu.memory_space<semaphore_mem>>)
            "tpu.trace_stop"() : () -> ()
          } else {
          }
          %and3A_248 = arith.constant true
          %and3A_249 = arith.andi %or3A_244, %and3A_248 : i1
          %add3A_250 = arith.constant 1 : i32
          %add3A_251 = arith.addi %while3A_145, %add3A_250 : i32
          %select_n3A_252 = arith.select %and3A_249, %add3A_251, %while3A_145 : i32
          %ne3A_253 = arith.cmpi ne, %add3A_155, %add3A_165 : i32
          %or3A_254 = arith.constant false
          %or3A_255 = arith.ori %or3A_254, %ne3A_253 : i1
          %not3A_256 = arith.constant true
          %not3A_257 = arith.xori %eq3A_151, %not3A_256 : i1
          %and3A_258 = arith.andi %or3A_255, %not3A_257 : i1
          %convert_element_type3A_259 = arith.extui %and3A_258 : i1 to i32
          %cond3A_260 = arith.constant 0 : i32
          %cond3A_261 = arith.cmpi ne, %convert_element_type3A_259, %cond3A_260 : i32
          scf.if %cond3A_261 {
          } else {
          }
          %and3A_262 = arith.constant false
          %and3A_263 = arith.andi %and3A_258, %and3A_262 : i1
          %ne3A_264 = arith.cmpi ne, %add3A_155, %add3A_165 : i32
          %or3A_265 = arith.constant false
          %or3A_266 = arith.ori %or3A_265, %ne3A_264 : i1
          %or3A_267 = arith.constant false
          %or3A_268 = arith.ori %or3A_266, %or3A_267 : i1
          %not3A_269 = arith.constant true
          %not3A_270 = arith.xori %eq3A_151, %not3A_269 : i1
          %and3A_271 = arith.andi %or3A_268, %not3A_270 : i1
          %convert_element_type3A_272 = arith.extui %and3A_271 : i1 to i32
          %cond3A_273 = arith.constant 0 : i32
          %cond3A_274 = arith.cmpi ne, %convert_element_type3A_272, %cond3A_273 : i32
          scf.if %cond3A_274 {
            "tpu.trace_start"() <{level = 10 : i32, message = "ep_wait_out"}> : () -> ()
            %rem3A_294 = arith.constant 2 : i32
            %rem3A_295 = arith.remui %while3A_146, %rem3A_294 : i32
            %mul3A_296 = arith.constant 128 : i32
            %mul3A_297 = arith.muli %mul3A_296, %add3A_165 : i32
            %dma_wait3A = arith.constant 0 : i32
            %dma_wait3A_298 = arith.constant 0 : i32
            %dma_wait3A_299 = tpu.memref_slice %run_scoped3A_18[%rem3A_295, %dma_wait3A, %dma_wait3A_298] : memref<2x128x256xf32, #tpu.memory_space<vmem>> -> memref<1x128x256xf32, #tpu.memory_space<vmem>>
            %dma_wait3A_300 = tpu.memref_squeeze %dma_wait3A_299 : memref<1x128x256xf32, #tpu.memory_space<vmem>> -> memref<128x256xf32, #tpu.memory_space<vmem>>
            %dma_wait3A_301 = arith.constant 0 : i32
            %dma_wait3A_302 = tpu.memref_slice %arg4[%mul3A_297, %dma_wait3A_301] : memref<1024x256xf32, #tpu.memory_space<hbm>> -> memref<128x256xf32, #tpu.memory_space<hbm>>
            %dma_wait3A_303 = tpu.memref_slice %run_scoped3A_19[%rem3A_295] : memref<2x!tpu.dma_semaphore, #tpu.memory_space<semaphore_mem>> -> memref<1x!tpu.dma_semaphore, #tpu.memory_space<semaphore_mem>>
            %dma_wait3A_304 = tpu.memref_squeeze %dma_wait3A_303 : memref<1x!tpu.dma_semaphore, #tpu.memory_space<semaphore_mem>> -> memref<!tpu.dma_semaphore, #tpu.memory_space<semaphore_mem>>
            %dma_wait3A_305 = arith.constant 0 : i32
            %dma_wait3A_306 = tpu.memref_slice %arg4[%mul3A_297, %dma_wait3A_305] : memref<1024x256xf32, #tpu.memory_space<hbm>> -> memref<128x256xf32, #tpu.memory_space<hbm>>
            %dma_wait3A_307 = arith.constant 0 : i32
            %dma_wait3A_308 = arith.constant 0 : i32
            %dma_wait3A_309 = tpu.memref_slice %run_scoped3A_18[%rem3A_295, %dma_wait3A_307, %dma_wait3A_308] : memref<2x128x256xf32, #tpu.memory_space<vmem>> -> memref<1x128x256xf32, #tpu.memory_space<vmem>>
            %dma_wait3A_310 = tpu.memref_squeeze %dma_wait3A_309 : memref<1x128x256xf32, #tpu.memory_space<vmem>> -> memref<128x256xf32, #tpu.memory_space<vmem>>
            tpu.wait_dma2 semaphore(%dma_wait3A_304 : memref<!tpu.dma_semaphore, #tpu.memory_space<semaphore_mem>>) src(%dma_wait3A_310 : memref<128x256xf32, #tpu.memory_space<vmem>>) dst(%dma_wait3A_306 : memref<128x256xf32, #tpu.memory_space<hbm>>)
            "tpu.trace_stop"() : () -> ()
          } else {
          }
          %and3A_275 = arith.constant true
          %and3A_276 = arith.andi %and3A_271, %and3A_275 : i1
          %add3A_277 = arith.constant 1 : i32
          %add3A_278 = arith.addi %while3A_146, %add3A_277 : i32
          %select_n3A_279 = arith.select %and3A_276, %add3A_278, %while3A_146 : i32
          %ne3A_280 = arith.cmpi ne, %add3A_155, %add3A_173 : i32
          %or3A_281 = arith.constant false
          %or3A_282 = arith.ori %or3A_281, %ne3A_280 : i1
          %or3A_283 = arith.ori %or3A_282, %eq3A_154 : i1
          %add3A_284 = arith.constant 1 : i32
          %add3A_285 = arith.addi %while3A_144, %add3A_284 : i32
          %select_n3A_286 = arith.select %or3A_283, %add3A_285, %while3A_144 : i32
          %add3A_287 = arith.constant 1 : i32
          %add3A_288 = arith.addi %while3A_147, %add3A_287 : i32
          %select_n3A_289 = arith.constant true
          %select_n3A_290 = arith.select %select_n3A_289, %add3A_288, %while3A_147 : i32
          %eq3A_291 = arith.cmpi eq, %select_n3A_290, %select_n3A : i32
          %select_n3A_292 = arith.constant 0 : i32
          %select_n3A_293 = arith.select %eq3A_291, %select_n3A_292, %select_n3A_290 : i32
          scf.yield %select_n3A_195, %select_n3A_286, %select_n3A_252, %select_n3A_279, %select_n3A_293 : i32, i32, i32, i32, i32
        }
        %while3A_89 = arith.constant 1 : i32
        %while3A_90:5 = scf.for %while3A_142 = %while3A_86 to %while3A_82 step %while3A_89 iter_args(%while3A_143 = %while3A_88#0, %while3A_144 = %while3A_88#1, %while3A_145 = %while3A_88#2, %while3A_146 = %while3A_88#3, %while3A_147 = %while3A_88#4) -> (i32, i32, i32, i32, i32)  : i32 {
          %mul3A_148 = arith.constant 1 : i32
          %mul3A_149 = arith.muli %mul3A_148, %select_n3A : i32
          %eq3A_150 = arith.constant 0 : i32
          %eq3A_151 = arith.cmpi eq, %while3A_142, %eq3A_150 : i32
          %sub3A_152 = arith.constant 1 : i32
          %sub3A_153 = arith.subi %mul3A_149, %sub3A_152 : i32
          %eq3A_154 = arith.cmpi eq, %while3A_142, %sub3A_153 : i32
          %add3A_155 = arith.addi %while3A_147, %select_n3A_14 : i32
          %sub3A_156 = arith.constant 1 : i32
          %sub3A_157 = arith.subi %while3A_147, %sub3A_156 : i32
          %select_n3A_158 = arith.constant true
          %select_n3A_159 = arith.select %select_n3A_158, %sub3A_157, %while3A_147 : i32
          %eq3A_160 = arith.constant -1 : i32
          %eq3A_161 = arith.cmpi eq, %select_n3A_159, %eq3A_160 : i32
          %sub3A_162 = arith.constant 1 : i32
          %sub3A_163 = arith.subi %select_n3A, %sub3A_162 : i32
          %select_n3A_164 = arith.select %eq3A_161, %sub3A_163, %select_n3A_159 : i32
          %add3A_165 = arith.addi %select_n3A_164, %select_n3A_14 : i32
          %add3A_166 = arith.constant 1 : i32
          %add3A_167 = arith.addi %while3A_147, %add3A_166 : i32
          %select_n3A_168 = arith.constant true
          %select_n3A_169 = arith.select %select_n3A_168, %add3A_167, %while3A_147 : i32
          %eq3A_170 = arith.cmpi eq, %select_n3A_169, %select_n3A : i32
          %select_n3A_171 = arith.constant 0 : i32
          %select_n3A_172 = arith.select %eq3A_170, %select_n3A_171, %select_n3A_169 : i32
          %add3A_173 = arith.addi %select_n3A_172, %select_n3A_14 : i32
          %add3A_174 = arith.constant 1 : i32
          %add3A_175 = arith.addi %select_n3A_172, %add3A_174 : i32
          %select_n3A_176 = arith.constant true
          %select_n3A_177 = arith.select %select_n3A_176, %add3A_175, %select_n3A_172 : i32
          %eq3A_178 = arith.cmpi eq, %select_n3A_177, %select_n3A : i32
          %select_n3A_179 = arith.constant 0 : i32
          %select_n3A_180 = arith.select %eq3A_178, %select_n3A_179, %select_n3A_177 : i32
          %add3A_181 = arith.addi %select_n3A_180, %select_n3A_14 : i32
          %ne3A = arith.cmpi ne, %add3A_155, %add3A_173 : i32
          %or3A = arith.constant false
          %or3A_182 = arith.ori %or3A, %ne3A : i1
          %sub3A_183 = arith.constant 2 : i32
          %sub3A_184 = arith.subi %mul3A_149, %sub3A_183 : i32
          %add3A_185 = arith.constant 1 : i32
          %add3A_186 = arith.addi %sub3A_184, %add3A_185 : i32
          %ge3A = arith.cmpi sge, %while3A_142, %add3A_186 : i32
          %not3A = arith.constant true
          %not3A_187 = arith.xori %ge3A, %not3A : i1
          %and3A = arith.andi %or3A_182, %not3A_187 : i1
          %convert_element_type3A_188 = arith.extui %and3A : i1 to i32
          %cond3A_189 = arith.constant 0 : i32
          %cond3A_190 = arith.cmpi ne, %convert_element_type3A_188, %cond3A_189 : i32
          scf.if %cond3A_190 {
            "tpu.trace_start"() <{level = 10 : i32, message = "ep_copy_in"}> : () -> ()
            %rem3A_294 = arith.constant 2 : i32
            %rem3A_295 = arith.remui %while3A_143, %rem3A_294 : i32
            %mul3A_296 = arith.constant 128 : i32
            %mul3A_297 = arith.muli %mul3A_296, %add3A_173 : i32
            %dma_start3A_298 = arith.constant 0 : i32
            %dma_start3A_299 = arith.constant 0 : i32
            %dma_start3A_300 = tpu.memref_slice %run_scoped3A[%rem3A_295, %dma_start3A_298, %dma_start3A_299] : memref<2x1x128xi32, #tpu.memory_space<vmem>> -> memref<1x1x128xi32, #tpu.memory_space<vmem>>
            %dma_start3A_301 = tpu.memref_squeeze %dma_start3A_300 : memref<1x1x128xi32, #tpu.memory_space<vmem>> -> memref<1x128xi32, #tpu.memory_space<vmem>>
            %dma_start3A_302 = arith.constant 0 : i32
            %dma_start3A_303 = tpu.memref_slice %arg3[%dma_start3A_302, %mul3A_297] : memref<1x1024xi32, #tpu.memory_space<hbm>> -> memref<1x128xi32, #tpu.memory_space<hbm>>
            %dma_start3A_304 = tpu.memref_slice %run_scoped3A_17[%rem3A_295] : memref<2x!tpu.dma_semaphore, #tpu.memory_space<semaphore_mem>> -> memref<1x!tpu.dma_semaphore, #tpu.memory_space<semaphore_mem>>
            %dma_start3A_305 = tpu.memref_squeeze %dma_start3A_304 : memref<1x!tpu.dma_semaphore, #tpu.memory_space<semaphore_mem>> -> memref<!tpu.dma_semaphore, #tpu.memory_space<semaphore_mem>>
            %dma_start3A_306 = arith.constant 0 : i32
            %dma_start3A_307 = arith.constant 0 : i32
            %dma_start3A_308 = tpu.memref_slice %run_scoped3A[%rem3A_295, %dma_start3A_306, %dma_start3A_307] : memref<2x1x128xi32, #tpu.memory_space<vmem>> -> memref<1x1x128xi32, #tpu.memory_space<vmem>>
            %dma_start3A_309 = tpu.memref_squeeze %dma_start3A_308 : memref<1x1x128xi32, #tpu.memory_space<vmem>> -> memref<1x128xi32, #tpu.memory_space<vmem>>
            %dma_start3A_310 = arith.constant 0 : i32
            %dma_start3A_311 = tpu.memref_slice %arg3[%dma_start3A_310, %mul3A_297] : memref<1x1024xi32, #tpu.memory_space<hbm>> -> memref<1x128xi32, #tpu.memory_space<hbm>>
            tpu.enqueue_dma source(%dma_start3A_311 : memref<1x128xi32, #tpu.memory_space<hbm>>) target(%dma_start3A_309 : memref<1x128xi32, #tpu.memory_space<vmem>>) target_semaphore(%dma_start3A_305 : memref<!tpu.dma_semaphore, #tpu.memory_space<semaphore_mem>>)
            "tpu.trace_stop"() : () -> ()
          } else {
          }
          %and3A_191 = arith.constant true
          %and3A_192 = arith.andi %and3A, %and3A_191 : i1
          %add3A_193 = arith.constant 1 : i32
          %add3A_194 = arith.addi %while3A_143, %add3A_193 : i32
          %select_n3A_195 = arith.select %and3A_192, %add3A_194, %while3A_143 : i32
          %ne3A_196 = arith.cmpi ne, %add3A_155, %add3A_173 : i32
          %or3A_197 = arith.constant false
          %or3A_198 = arith.ori %or3A_197, %ne3A_196 : i1
          %or3A_199 = arith.constant false
          %or3A_200 = arith.ori %or3A_198, %or3A_199 : i1
          %sub3A_201 = arith.constant 2 : i32
          %sub3A_202 = arith.subi %mul3A_149, %sub3A_201 : i32
          %add3A_203 = arith.constant 1 : i32
          %add3A_204 = arith.addi %sub3A_202, %add3A_203 : i32
          %ge3A_205 = arith.cmpi sge, %while3A_142, %add3A_204 : i32
          %not3A_206 = arith.constant true
          %not3A_207 = arith.xori %ge3A_205, %not3A_206 : i1
          %and3A_208 = arith.andi %or3A_200, %not3A_207 : i1
          %ne3A_209 = arith.cmpi ne, %add3A_155, %add3A_165 : i32
          %or3A_210 = arith.constant false
          %or3A_211 = arith.ori %or3A_210, %ne3A_209 : i1
          %or3A_212 = arith.ori %or3A_211, %eq3A_151 : i1
          %convert_element_type3A_213 = arith.extui %or3A_212 : i1 to i32
          %cond3A_214 = arith.constant 0 : i32
          %cond3A_215 = arith.cmpi ne, %convert_element_type3A_213, %cond3A_214 : i32
          scf.if %cond3A_215 {
            "tpu.trace_start"() <{level = 10 : i32, message = "ep_wait_in"}> : () -> ()
            %mul3A_294 = arith.constant 128 : i32
            %mul3A_295 = arith.muli %mul3A_294, %add3A_155 : i32
            %rem3A_296 = arith.constant 2 : i32
            %rem3A_297 = arith.remui %while3A_144, %rem3A_296 : i32
            %dma_wait3A = arith.constant 0 : i32
            %dma_wait3A_298 = arith.constant 0 : i32
            %dma_wait3A_299 = tpu.memref_slice %run_scoped3A[%rem3A_297, %dma_wait3A, %dma_wait3A_298] : memref<2x1x128xi32, #tpu.memory_space<vmem>> -> memref<1x1x128xi32, #tpu.memory_space<vmem>>
            %dma_wait3A_300 = tpu.memref_squeeze %dma_wait3A_299 : memref<1x1x128xi32, #tpu.memory_space<vmem>> -> memref<1x128xi32, #tpu.memory_space<vmem>>
            %dma_wait3A_301 = arith.constant 0 : i32
            %dma_wait3A_302 = tpu.memref_slice %arg3[%dma_wait3A_301, %mul3A_295] : memref<1x1024xi32, #tpu.memory_space<hbm>> -> memref<1x128xi32, #tpu.memory_space<hbm>>
            %dma_wait3A_303 = tpu.memref_slice %run_scoped3A_17[%rem3A_297] : memref<2x!tpu.dma_semaphore, #tpu.memory_space<semaphore_mem>> -> memref<1x!tpu.dma_semaphore, #tpu.memory_space<semaphore_mem>>
            %dma_wait3A_304 = tpu.memref_squeeze %dma_wait3A_303 : memref<1x!tpu.dma_semaphore, #tpu.memory_space<semaphore_mem>> -> memref<!tpu.dma_semaphore, #tpu.memory_space<semaphore_mem>>
            %dma_wait3A_305 = arith.constant 0 : i32
            %dma_wait3A_306 = arith.constant 0 : i32
            %dma_wait3A_307 = tpu.memref_slice %run_scoped3A[%rem3A_297, %dma_wait3A_305, %dma_wait3A_306] : memref<2x1x128xi32, #tpu.memory_space<vmem>> -> memref<1x1x128xi32, #tpu.memory_space<vmem>>
            %dma_wait3A_308 = tpu.memref_squeeze %dma_wait3A_307 : memref<1x1x128xi32, #tpu.memory_space<vmem>> -> memref<1x128xi32, #tpu.memory_space<vmem>>
            %dma_wait3A_309 = arith.constant 0 : i32
            %dma_wait3A_310 = tpu.memref_slice %arg3[%dma_wait3A_309, %mul3A_295] : memref<1x1024xi32, #tpu.memory_space<hbm>> -> memref<1x128xi32, #tpu.memory_space<hbm>>
            tpu.wait_dma2 semaphore(%dma_wait3A_304 : memref<!tpu.dma_semaphore, #tpu.memory_space<semaphore_mem>>) src(%dma_wait3A_310 : memref<1x128xi32, #tpu.memory_space<hbm>>) dst(%dma_wait3A_308 : memref<1x128xi32, #tpu.memory_space<vmem>>)
            "tpu.trace_stop"() : () -> ()
          } else {
          }
          %ne3A_216 = arith.cmpi ne, %add3A_155, %add3A_165 : i32
          %or3A_217 = arith.constant false
          %or3A_218 = arith.ori %or3A_217, %ne3A_216 : i1
          %or3A_219 = arith.constant false
          %or3A_220 = arith.ori %or3A_218, %or3A_219 : i1
          %or3A_221 = arith.ori %or3A_220, %eq3A_151 : i1
          %convert_element_type3A_222 = arith.extui %or3A_221 : i1 to i32
          %cond3A_223 = arith.constant 0 : i32
          %cond3A_224 = arith.cmpi ne, %convert_element_type3A_222, %cond3A_223 : i32
          scf.if %cond3A_224 {
          } else {
          }
          %rem3A_225 = arith.constant 2 : i32
          %rem3A_226 = arith.remui %while3A_144, %rem3A_225 : i32
          %rem3A_227 = arith.constant 2 : i32
          %rem3A_228 = arith.remui %while3A_145, %rem3A_227 : i32
          %run_scoped3A_229 = arith.constant 0 : i32
          "tpu.trace_start"() <{level = 10 : i32, message = "ep_run_kernel"}> : () -> ()
          "tpu.region"() ({
            %run_scoped3A_294 = tpu.sem_alloc : memref<!tpu.dma_semaphore, #tpu.memory_space<semaphore_mem>>
            %dma_start3A_295 = arith.constant 0 : i32
            %dma_start3A_296 = arith.constant 0 : i32
            %dma_start3A_297 = tpu.memref_slice %run_scoped3A_18[%rem3A_228, %dma_start3A_295, %dma_start3A_296] : memref<2x128x256xf32, #tpu.memory_space<vmem>> -> memref<1x128x256xf32, #tpu.memory_space<vmem>>
            %dma_start3A_298 = tpu.memref_squeeze %dma_start3A_297 : memref<1x128x256xf32, #tpu.memory_space<vmem>> -> memref<128x256xf32, #tpu.memory_space<vmem>>
            %dma_start3A_299 = arith.constant 0 : i32
            %dma_start3A_300 = arith.constant 0 : i32
            %dma_start3A_301 = tpu.memref_slice %run_scoped3A[%rem3A_226, %dma_start3A_299, %dma_start3A_300] : memref<2x1x128xi32, #tpu.memory_space<vmem>> -> memref<1x1x128xi32, #tpu.memory_space<vmem>>
            %dma_start3A_302 = tpu.memref_squeeze %dma_start3A_301 : memref<1x1x128xi32, #tpu.memory_space<vmem>> -> memref<1x128xi32, #tpu.memory_space<vmem>>
            %dma_start3A_303 = arith.constant 0 : i32
            %dma_start3A_304 = tpu.memref_slice %dma_start3A_302[%run_scoped3A_229, %dma_start3A_303] : memref<1x128xi32, #tpu.memory_space<vmem>> -> memref<1x128xi32, #tpu.memory_space<vmem>>
            %dma_start3A_305 = tpu.memref_squeeze %dma_start3A_304 : memref<1x128xi32, #tpu.memory_space<vmem>> -> memref<128xi32, #tpu.memory_space<vmem>>
            %dma_start3A_306 = arith.constant 0 : i32
            %dma_start3A_307 = arith.constant 0 : i32
            %dma_start3A_308 = tpu.memref_slice %arg2[%dma_start3A_306, %dma_start3A_307] : memref<3072x256xf32, #tpu.memory_space<hbm>> -> memref<3072x256xf32, #tpu.memory_space<hbm>>
            tpu.enqueue_indirect_dma source(%dma_start3A_308 : memref<3072x256xf32, #tpu.memory_space<hbm>>) target(%dma_start3A_298 : memref<128x256xf32, #tpu.memory_space<vmem>>) offsets(%dma_start3A_305 : memref<128xi32, #tpu.memory_space<vmem>>) semaphore(%run_scoped3A_294 : memref<!tpu.dma_semaphore, #tpu.memory_space<semaphore_mem>>)
            %dma_wait3A = arith.constant 0 : i32
            %dma_wait3A_309 = arith.constant 0 : i32
            %dma_wait3A_310 = tpu.memref_slice %run_scoped3A_18[%rem3A_228, %dma_wait3A, %dma_wait3A_309] : memref<2x128x256xf32, #tpu.memory_space<vmem>> -> memref<1x128x256xf32, #tpu.memory_space<vmem>>
            %dma_wait3A_311 = tpu.memref_squeeze %dma_wait3A_310 : memref<1x128x256xf32, #tpu.memory_space<vmem>> -> memref<128x256xf32, #tpu.memory_space<vmem>>
            %dma_wait3A_312 = arith.constant 0 : i32
            %dma_wait3A_313 = arith.constant 0 : i32
            %dma_wait3A_314 = tpu.memref_slice %run_scoped3A[%rem3A_226, %dma_wait3A_312, %dma_wait3A_313] : memref<2x1x128xi32, #tpu.memory_space<vmem>> -> memref<1x1x128xi32, #tpu.memory_space<vmem>>
            %dma_wait3A_315 = tpu.memref_squeeze %dma_wait3A_314 : memref<1x1x128xi32, #tpu.memory_space<vmem>> -> memref<1x128xi32, #tpu.memory_space<vmem>>
            %dma_wait3A_316 = arith.constant 0 : i32
            %dma_wait3A_317 = tpu.memref_slice %dma_wait3A_315[%run_scoped3A_229, %dma_wait3A_316] : memref<1x128xi32, #tpu.memory_space<vmem>> -> memref<1x128xi32, #tpu.memory_space<vmem>>
            %dma_wait3A_318 = tpu.memref_squeeze %dma_wait3A_317 : memref<1x128xi32, #tpu.memory_space<vmem>> -> memref<128xi32, #tpu.memory_space<vmem>>
            %dma_wait3A_319 = arith.constant 0 : i32
            %dma_wait3A_320 = arith.constant 0 : i32
            %dma_wait3A_321 = tpu.memref_slice %arg2[%dma_wait3A_319, %dma_wait3A_320] : memref<3072x256xf32, #tpu.memory_space<hbm>> -> memref<3072x256xf32, #tpu.memory_space<hbm>>
            tpu.wait_indirect_dma semaphore(%run_scoped3A_294 : memref<!tpu.dma_semaphore, #tpu.memory_space<semaphore_mem>>) src(%dma_wait3A_321 : memref<3072x256xf32, #tpu.memory_space<hbm>>) dst(%dma_wait3A_311 : memref<128x256xf32, #tpu.memory_space<vmem>>)
            tpu.yield
          }) : () -> ()
          "tpu.trace_stop"() : () -> ()
          %ne3A_230 = arith.cmpi ne, %add3A_155, %add3A_173 : i32
          %or3A_231 = arith.constant false
          %or3A_232 = arith.ori %or3A_231, %ne3A_230 : i1
          %or3A_233 = arith.ori %or3A_232, %eq3A_154 : i1
          %convert_element_type3A_234 = arith.extui %or3A_233 : i1 to i32
          %cond3A_235 = arith.constant 0 : i32
          %cond3A_236 = arith.cmpi ne, %convert_element_type3A_234, %cond3A_235 : i32
          scf.if %cond3A_236 {
          } else {
          }
          %and3A_237 = arith.constant false
          %and3A_238 = arith.andi %or3A_233, %and3A_237 : i1
          %ne3A_239 = arith.cmpi ne, %add3A_155, %add3A_173 : i32
          %or3A_240 = arith.constant false
          %or3A_241 = arith.ori %or3A_240, %ne3A_239 : i1
          %or3A_242 = arith.constant false
          %or3A_243 = arith.ori %or3A_241, %or3A_242 : i1
          %or3A_244 = arith.ori %or3A_243, %eq3A_154 : i1
          %convert_element_type3A_245 = arith.extui %or3A_244 : i1 to i32
          %cond3A_246 = arith.constant 0 : i32
          %cond3A_247 = arith.cmpi ne, %convert_element_type3A_245, %cond3A_246 : i32
          scf.if %cond3A_247 {
            "tpu.trace_start"() <{level = 10 : i32, message = "ep_copy_out"}> : () -> ()
            %rem3A_294 = arith.constant 2 : i32
            %rem3A_295 = arith.remui %while3A_145, %rem3A_294 : i32
            %mul3A_296 = arith.constant 128 : i32
            %mul3A_297 = arith.muli %mul3A_296, %add3A_155 : i32
            %dma_start3A_298 = arith.constant 0 : i32
            %dma_start3A_299 = arith.constant 0 : i32
            %dma_start3A_300 = tpu.memref_slice %run_scoped3A_18[%rem3A_295, %dma_start3A_298, %dma_start3A_299] : memref<2x128x256xf32, #tpu.memory_space<vmem>> -> memref<1x128x256xf32, #tpu.memory_space<vmem>>
            %dma_start3A_301 = tpu.memref_squeeze %dma_start3A_300 : memref<1x128x256xf32, #tpu.memory_space<vmem>> -> memref<128x256xf32, #tpu.memory_space<vmem>>
            %dma_start3A_302 = arith.constant 0 : i32
            %dma_start3A_303 = tpu.memref_slice %arg4[%mul3A_297, %dma_start3A_302] : memref<1024x256xf32, #tpu.memory_space<hbm>> -> memref<128x256xf32, #tpu.memory_space<hbm>>
            %dma_start3A_304 = tpu.memref_slice %run_scoped3A_19[%rem3A_295] : memref<2x!tpu.dma_semaphore, #tpu.memory_space<semaphore_mem>> -> memref<1x!tpu.dma_semaphore, #tpu.memory_space<semaphore_mem>>
            %dma_start3A_305 = tpu.memref_squeeze %dma_start3A_304 : memref<1x!tpu.dma_semaphore, #tpu.memory_space<semaphore_mem>> -> memref<!tpu.dma_semaphore, #tpu.memory_space<semaphore_mem>>
            %dma_start3A_306 = arith.constant 0 : i32
            %dma_start3A_307 = tpu.memref_slice %arg4[%mul3A_297, %dma_start3A_306] : memref<1024x256xf32, #tpu.memory_space<hbm>> -> memref<128x256xf32, #tpu.memory_space<hbm>>
            %dma_start3A_308 = arith.constant 0 : i32
            %dma_start3A_309 = arith.constant 0 : i32
            %dma_start3A_310 = tpu.memref_slice %run_scoped3A_18[%rem3A_295, %dma_start3A_308, %dma_start3A_309] : memref<2x128x256xf32, #tpu.memory_space<vmem>> -> memref<1x128x256xf32, #tpu.memory_space<vmem>>
            %dma_start3A_311 = tpu.memref_squeeze %dma_start3A_310 : memref<1x128x256xf32, #tpu.memory_space<vmem>> -> memref<128x256xf32, #tpu.memory_space<vmem>>
            tpu.enqueue_dma source(%dma_start3A_311 : memref<128x256xf32, #tpu.memory_space<vmem>>) target(%dma_start3A_307 : memref<128x256xf32, #tpu.memory_space<hbm>>) target_semaphore(%dma_start3A_305 : memref<!tpu.dma_semaphore, #tpu.memory_space<semaphore_mem>>)
            "tpu.trace_stop"() : () -> ()
          } else {
          }
          %and3A_248 = arith.constant true
          %and3A_249 = arith.andi %or3A_244, %and3A_248 : i1
          %add3A_250 = arith.constant 1 : i32
          %add3A_251 = arith.addi %while3A_145, %add3A_250 : i32
          %select_n3A_252 = arith.select %and3A_249, %add3A_251, %while3A_145 : i32
          %ne3A_253 = arith.cmpi ne, %add3A_155, %add3A_165 : i32
          %or3A_254 = arith.constant false
          %or3A_255 = arith.ori %or3A_254, %ne3A_253 : i1
          %not3A_256 = arith.constant true
          %not3A_257 = arith.xori %eq3A_151, %not3A_256 : i1
          %and3A_258 = arith.andi %or3A_255, %not3A_257 : i1
          %convert_element_type3A_259 = arith.extui %and3A_258 : i1 to i32
          %cond3A_260 = arith.constant 0 : i32
          %cond3A_261 = arith.cmpi ne, %convert_element_type3A_259, %cond3A_260 : i32
          scf.if %cond3A_261 {
          } else {
          }
          %and3A_262 = arith.constant false
          %and3A_263 = arith.andi %and3A_258, %and3A_262 : i1
          %ne3A_264 = arith.cmpi ne, %add3A_155, %add3A_165 : i32
          %or3A_265 = arith.constant false
          %or3A_266 = arith.ori %or3A_265, %ne3A_264 : i1
          %or3A_267 = arith.constant false
          %or3A_268 = arith.ori %or3A_266, %or3A_267 : i1
          %not3A_269 = arith.constant true
          %not3A_270 = arith.xori %eq3A_151, %not3A_269 : i1
          %and3A_271 = arith.andi %or3A_268, %not3A_270 : i1
          %convert_element_type3A_272 = arith.extui %and3A_271 : i1 to i32
          %cond3A_273 = arith.constant 0 : i32
          %cond3A_274 = arith.cmpi ne, %convert_element_type3A_272, %cond3A_273 : i32
          scf.if %cond3A_274 {
            "tpu.trace_start"() <{level = 10 : i32, message = "ep_wait_out"}> : () -> ()
            %rem3A_294 = arith.constant 2 : i32
            %rem3A_295 = arith.remui %while3A_146, %rem3A_294 : i32
            %mul3A_296 = arith.constant 128 : i32
            %mul3A_297 = arith.muli %mul3A_296, %add3A_165 : i32
            %dma_wait3A = arith.constant 0 : i32
            %dma_wait3A_298 = arith.constant 0 : i32
            %dma_wait3A_299 = tpu.memref_slice %run_scoped3A_18[%rem3A_295, %dma_wait3A, %dma_wait3A_298] : memref<2x128x256xf32, #tpu.memory_space<vmem>> -> memref<1x128x256xf32, #tpu.memory_space<vmem>>
            %dma_wait3A_300 = tpu.memref_squeeze %dma_wait3A_299 : memref<1x128x256xf32, #tpu.memory_space<vmem>> -> memref<128x256xf32, #tpu.memory_space<vmem>>
            %dma_wait3A_301 = arith.constant 0 : i32
            %dma_wait3A_302 = tpu.memref_slice %arg4[%mul3A_297, %dma_wait3A_301] : memref<1024x256xf32, #tpu.memory_space<hbm>> -> memref<128x256xf32, #tpu.memory_space<hbm>>
            %dma_wait3A_303 = tpu.memref_slice %run_scoped3A_19[%rem3A_295] : memref<2x!tpu.dma_semaphore, #tpu.memory_space<semaphore_mem>> -> memref<1x!tpu.dma_semaphore, #tpu.memory_space<semaphore_mem>>
            %dma_wait3A_304 = tpu.memref_squeeze %dma_wait3A_303 : memref<1x!tpu.dma_semaphore, #tpu.memory_space<semaphore_mem>> -> memref<!tpu.dma_semaphore, #tpu.memory_space<semaphore_mem>>
            %dma_wait3A_305 = arith.constant 0 : i32
            %dma_wait3A_306 = tpu.memref_slice %arg4[%mul3A_297, %dma_wait3A_305] : memref<1024x256xf32, #tpu.memory_space<hbm>> -> memref<128x256xf32, #tpu.memory_space<hbm>>
            %dma_wait3A_307 = arith.constant 0 : i32
            %dma_wait3A_308 = arith.constant 0 : i32
            %dma_wait3A_309 = tpu.memref_slice %run_scoped3A_18[%rem3A_295, %dma_wait3A_307, %dma_wait3A_308] : memref<2x128x256xf32, #tpu.memory_space<vmem>> -> memref<1x128x256xf32, #tpu.memory_space<vmem>>
            %dma_wait3A_310 = tpu.memref_squeeze %dma_wait3A_309 : memref<1x128x256xf32, #tpu.memory_space<vmem>> -> memref<128x256xf32, #tpu.memory_space<vmem>>
            tpu.wait_dma2 semaphore(%dma_wait3A_304 : memref<!tpu.dma_semaphore, #tpu.memory_space<semaphore_mem>>) src(%dma_wait3A_310 : memref<128x256xf32, #tpu.memory_space<vmem>>) dst(%dma_wait3A_306 : memref<128x256xf32, #tpu.memory_space<hbm>>)
            "tpu.trace_stop"() : () -> ()
          } else {
          }
          %and3A_275 = arith.constant true
          %and3A_276 = arith.andi %and3A_271, %and3A_275 : i1
          %add3A_277 = arith.constant 1 : i32
          %add3A_278 = arith.addi %while3A_146, %add3A_277 : i32
          %select_n3A_279 = arith.select %and3A_276, %add3A_278, %while3A_146 : i32
          %ne3A_280 = arith.cmpi ne, %add3A_155, %add3A_173 : i32
          %or3A_281 = arith.constant false
          %or3A_282 = arith.ori %or3A_281, %ne3A_280 : i1
          %or3A_283 = arith.ori %or3A_282, %eq3A_154 : i1
          %add3A_284 = arith.constant 1 : i32
          %add3A_285 = arith.addi %while3A_144, %add3A_284 : i32
          %select_n3A_286 = arith.select %or3A_283, %add3A_285, %while3A_144 : i32
          %add3A_287 = arith.constant 1 : i32
          %add3A_288 = arith.addi %while3A_147, %add3A_287 : i32
          %select_n3A_289 = arith.constant true
          %select_n3A_290 = arith.select %select_n3A_289, %add3A_288, %while3A_147 : i32
          %eq3A_291 = arith.cmpi eq, %select_n3A_290, %select_n3A : i32
          %select_n3A_292 = arith.constant 0 : i32
          %select_n3A_293 = arith.select %eq3A_291, %select_n3A_292, %select_n3A_290 : i32
          scf.yield %select_n3A_195, %select_n3A_286, %select_n3A_252, %select_n3A_279, %select_n3A_293 : i32, i32, i32, i32, i32
        }
        %sub3A_91 = arith.constant 1 : i32
        %sub3A_92 = arith.subi %while3A_90#4, %sub3A_91 : i32
        %select_n3A_93 = arith.constant true
        %select_n3A_94 = arith.select %select_n3A_93, %sub3A_92, %while3A_90#4 : i32
        %eq3A_95 = arith.constant -1 : i32
        %eq3A_96 = arith.cmpi eq, %select_n3A_94, %eq3A_95 : i32
        %sub3A_97 = arith.constant 1 : i32
        %sub3A_98 = arith.subi %select_n3A, %sub3A_97 : i32
        %select_n3A_99 = arith.select %eq3A_96, %sub3A_98, %select_n3A_94 : i32
        %sub3A_100 = arith.constant 1 : i32
        %sub3A_101 = arith.subi %mul3A_16, %sub3A_100 : i32
        %mul3A_102 = arith.constant 1 : i32
        %mul3A_103 = arith.muli %mul3A_102, %select_n3A : i32
        %eq3A_104 = arith.constant 0 : i32
        %eq3A_105 = arith.cmpi eq, %sub3A_101, %eq3A_104 : i32
        %sub3A_106 = arith.constant 1 : i32
        %sub3A_107 = arith.subi %mul3A_103, %sub3A_106 : i32
        %eq3A_108 = arith.cmpi eq, %sub3A_101, %sub3A_107 : i32
        %add3A_109 = arith.addi %select_n3A_99, %select_n3A_14 : i32
        %sub3A_110 = arith.constant 1 : i32
        %sub3A_111 = arith.subi %select_n3A_99, %sub3A_110 : i32
        %select_n3A_112 = arith.constant true
        %select_n3A_113 = arith.select %select_n3A_112, %sub3A_111, %select_n3A_99 : i32
        %eq3A_114 = arith.constant -1 : i32
        %eq3A_115 = arith.cmpi eq, %select_n3A_113, %eq3A_114 : i32
        %sub3A_116 = arith.constant 1 : i32
        %sub3A_117 = arith.subi %select_n3A, %sub3A_116 : i32
        %select_n3A_118 = arith.select %eq3A_115, %sub3A_117, %select_n3A_113 : i32
        %add3A_119 = arith.addi %select_n3A_118, %select_n3A_14 : i32
        %add3A_120 = arith.constant 1 : i32
        %add3A_121 = arith.addi %select_n3A_99, %add3A_120 : i32
        %select_n3A_122 = arith.constant true
        %select_n3A_123 = arith.select %select_n3A_122, %add3A_121, %select_n3A_99 : i32
        %eq3A_124 = arith.cmpi eq, %select_n3A_123, %select_n3A : i32
        %select_n3A_125 = arith.constant 0 : i32
        %select_n3A_126 = arith.select %eq3A_124, %select_n3A_125, %select_n3A_123 : i32
        %add3A_127 = arith.addi %select_n3A_126, %select_n3A_14 : i32
        %add3A_128 = arith.constant 1 : i32
        %add3A_129 = arith.addi %select_n3A_126, %add3A_128 : i32
        %select_n3A_130 = arith.constant true
        %select_n3A_131 = arith.select %select_n3A_130, %add3A_129, %select_n3A_126 : i32
        %eq3A_132 = arith.cmpi eq, %select_n3A_131, %select_n3A : i32
        %select_n3A_133 = arith.constant 0 : i32
        %select_n3A_134 = arith.select %eq3A_132, %select_n3A_133, %select_n3A_131 : i32
        %add3A_135 = arith.addi %select_n3A_134, %select_n3A_14 : i32
        %convert_element_type3A_136 = arith.extui %eq3A_108 : i1 to i32
        %cond3A_137 = arith.constant 0 : i32
        %cond3A_138 = arith.cmpi ne, %convert_element_type3A_136, %cond3A_137 : i32
        scf.if %cond3A_138 {
        } else {
        }
        %convert_element_type3A_139 = arith.extui %eq3A_108 : i1 to i32
        %cond3A_140 = arith.constant 0 : i32
        %cond3A_141 = arith.cmpi ne, %convert_element_type3A_139, %cond3A_140 : i32
        scf.if %cond3A_141 {
          "tpu.trace_start"() <{level = 10 : i32, message = "ep_finalize"}> : () -> ()
          %rem3A_142 = arith.constant 2 : i32
          %rem3A_143 = arith.remui %while3A_90#3, %rem3A_142 : i32
          %mul3A_144 = arith.constant 128 : i32
          %mul3A_145 = arith.muli %mul3A_144, %add3A_109 : i32
          %dma_wait3A = arith.constant 0 : i32
          %dma_wait3A_146 = arith.constant 0 : i32
          %dma_wait3A_147 = tpu.memref_slice %run_scoped3A_18[%rem3A_143, %dma_wait3A, %dma_wait3A_146] : memref<2x128x256xf32, #tpu.memory_space<vmem>> -> memref<1x128x256xf32, #tpu.memory_space<vmem>>
          %dma_wait3A_148 = tpu.memref_squeeze %dma_wait3A_147 : memref<1x128x256xf32, #tpu.memory_space<vmem>> -> memref<128x256xf32, #tpu.memory_space<vmem>>
          %dma_wait3A_149 = arith.constant 0 : i32
          %dma_wait3A_150 = tpu.memref_slice %arg4[%mul3A_145, %dma_wait3A_149] : memref<1024x256xf32, #tpu.memory_space<hbm>> -> memref<128x256xf32, #tpu.memory_space<hbm>>
          %dma_wait3A_151 = tpu.memref_slice %run_scoped3A_19[%rem3A_143] : memref<2x!tpu.dma_semaphore, #tpu.memory_space<semaphore_mem>> -> memref<1x!tpu.dma_semaphore, #tpu.memory_space<semaphore_mem>>
          %dma_wait3A_152 = tpu.memref_squeeze %dma_wait3A_151 : memref<1x!tpu.dma_semaphore, #tpu.memory_space<semaphore_mem>> -> memref<!tpu.dma_semaphore, #tpu.memory_space<semaphore_mem>>
          %dma_wait3A_153 = arith.constant 0 : i32
          %dma_wait3A_154 = tpu.memref_slice %arg4[%mul3A_145, %dma_wait3A_153] : memref<1024x256xf32, #tpu.memory_space<hbm>> -> memref<128x256xf32, #tpu.memory_space<hbm>>
          %dma_wait3A_155 = arith.constant 0 : i32
          %dma_wait3A_156 = arith.constant 0 : i32
          %dma_wait3A_157 = tpu.memref_slice %run_scoped3A_18[%rem3A_143, %dma_wait3A_155, %dma_wait3A_156] : memref<2x128x256xf32, #tpu.memory_space<vmem>> -> memref<1x128x256xf32, #tpu.memory_space<vmem>>
          %dma_wait3A_158 = tpu.memref_squeeze %dma_wait3A_157 : memref<1x128x256xf32, #tpu.memory_space<vmem>> -> memref<128x256xf32, #tpu.memory_space<vmem>>
          tpu.wait_dma2 semaphore(%dma_wait3A_152 : memref<!tpu.dma_semaphore, #tpu.memory_space<semaphore_mem>>) src(%dma_wait3A_158 : memref<128x256xf32, #tpu.memory_space<vmem>>) dst(%dma_wait3A_154 : memref<128x256xf32, #tpu.memory_space<hbm>>)
          "tpu.trace_stop"() : () -> ()
        } else {
        }
      } else {
      }
      tpu.yield
    }) : () -> ()
    return
  }
}

#map = affine_map<(d0, d1) -> (0, 0)>
module attributes {stable_mosaic.version = 14 : i64} {
  func.func @k(%arg0: i32, %arg1: i32, %arg2: memref<1024x256xf32, #tpu.memory_space<hbm>>, %arg3: memref<1x1024xi32, #tpu.memory_space<hbm>>, %arg4: memref<3072x256xf32, #tpu.memory_space<hbm>>) attributes {dimension_semantics = [#tpu.dimension_semantics<core_parallel>, #tpu.dimension_semantics<subcore_parallel>], iteration_bounds = array<i64: 2, 16>, scalar_prefetch = 0 : i64, scratch_operands = 0 : i64, tpu.core_type = #tpu.core_type<sc_vector_subcore>, window_params = [{transform_indices = #map}, {transform_indices = #map}, {transform_indices = #map}]} {
    %mul3A = arith.constant 1 : i32
    %mul3A_0 = arith.muli %arg1, %mul3A : i32
    %add3A = arith.constant 0 : i32
    %add3A_1 = arith.addi %add3A, %mul3A_0 : i32
    %mul3A_2 = arith.constant 16 : i32
    %mul3A_3 = arith.muli %arg0, %mul3A_2 : i32
    %add3A_4 = arith.addi %add3A_1, %mul3A_3 : i32
    %lt3A = arith.constant 8 : i32
    %lt3A_5 = arith.cmpi slt, %add3A_4, %lt3A : i32
    %jit3A = arith.constant 1 : i32
    %jit3A_6 = arith.constant 0 : i32
    %select_n3A = arith.select %lt3A_5, %jit3A, %jit3A_6 : i32
    %lt3A_7 = arith.constant 8 : i32
    %lt3A_8 = arith.cmpi slt, %add3A_4, %lt3A_7 : i32
    %mul3A_9 = arith.muli %add3A_4, %select_n3A : i32
    %mul3A_10 = arith.constant 0 : i32
    %mul3A_11 = arith.muli %add3A_4, %mul3A_10 : i32
    %add3A_12 = arith.constant 8 : i32
    %add3A_13 = arith.addi %mul3A_11, %add3A_12 : i32
    %select_n3A_14 = arith.select %lt3A_8, %mul3A_9, %add3A_13 : i32
    %mul3A_15 = arith.constant 1 : i32
    %mul3A_16 = arith.muli %mul3A_15, %select_n3A : i32
    "tpu.region"() ({
      %run_scoped3A = memref.alloca() : memref<2x128x256xf32, #tpu.memory_space<vmem>>
      %run_scoped3A_17 = tpu.sem_alloc : memref<2x!tpu.dma_semaphore, #tpu.memory_space<semaphore_mem>>
      %run_scoped3A_18 = memref.alloca() : memref<2x1x128xi32, #tpu.memory_space<vmem>>
      %run_scoped3A_19 = tpu.sem_alloc : memref<2x!tpu.dma_semaphore, #tpu.memory_space<semaphore_mem>>
      %gt3A = arith.constant 0 : i32
      %gt3A_20 = arith.cmpi sgt, %mul3A_16, %gt3A : i32
      %convert_element_type3A = arith.extui %gt3A_20 : i1 to i32
      %cond3A = arith.constant 0 : i32
      %cond3A_21 = arith.cmpi ne, %convert_element_type3A, %cond3A : i32
      scf.if %cond3A_21 {
        %mul3A_22 = arith.constant 1 : i32
        %mul3A_23 = arith.muli %mul3A_22, %select_n3A : i32
        %sub3A = arith.constant 1 : i32
        %sub3A_24 = arith.subi %mul3A_23, %sub3A : i32
        %eq3A = arith.constant 0 : i32
        %eq3A_25 = arith.cmpi eq, %sub3A_24, %eq3A : i32
        %add3A_26 = arith.constant 0 : i32
        %add3A_27 = arith.addi %add3A_26, %select_n3A_14 : i32
        %select_n3A_28 = arith.constant true
        %select_n3A_29 = arith.constant 0 : i32
        %select_n3A_30 = arith.constant -1 : i32
        %select_n3A_31 = arith.select %select_n3A_28, %select_n3A_30, %select_n3A_29 : i32
        %eq3A_32 = arith.constant -1 : i32
        %eq3A_33 = arith.cmpi eq, %select_n3A_31, %eq3A_32 : i32
        %sub3A_34 = arith.constant 1 : i32
        %sub3A_35 = arith.subi %select_n3A, %sub3A_34 : i32
        %select_n3A_36 = arith.select %eq3A_33, %sub3A_35, %select_n3A_31 : i32
        %add3A_37 = arith.addi %select_n3A_36, %select_n3A_14 : i32
        %select_n3A_38 = arith.constant true
        %select_n3A_39 = arith.constant 0 : i32
        %select_n3A_40 = arith.constant 1 : i32
        %select_n3A_41 = arith.select %select_n3A_38, %select_n3A_40, %select_n3A_39 : i32
        %eq3A_42 = arith.cmpi eq, %select_n3A_41, %select_n3A : i32
        %select_n3A_43 = arith.constant 0 : i32
        %select_n3A_44 = arith.select %eq3A_42, %select_n3A_43, %select_n3A_41 : i32
        %add3A_45 = arith.addi %select_n3A_44, %select_n3A_14 : i32
        %add3A_46 = arith.constant 1 : i32
        %add3A_47 = arith.addi %select_n3A_44, %add3A_46 : i32
        %select_n3A_48 = arith.constant true
        %select_n3A_49 = arith.select %select_n3A_48, %add3A_47, %select_n3A_44 : i32
        %eq3A_50 = arith.cmpi eq, %select_n3A_49, %select_n3A : i32
        %select_n3A_51 = arith.constant 0 : i32
        %select_n3A_52 = arith.select %eq3A_50, %select_n3A_51, %select_n3A_49 : i32
        %add3A_53 = arith.addi %select_n3A_52, %select_n3A_14 : i32
        "tpu.trace_start"() <{level = 10 : i32, message = "ep_initialize_0"}> : () -> ()
        %rem3A = arith.constant 0 : i32
        %rem3A_54 = arith.constant 2 : i32
        %rem3A_55 = arith.remui %rem3A, %rem3A_54 : i32
        %mul3A_56 = arith.constant 128 : i32
        %mul3A_57 = arith.muli %mul3A_56, %add3A_27 : i32
        %dma_start3A = arith.constant 0 : i32
        %dma_start3A_58 = arith.constant 0 : i32
        %dma_start3A_59 = tpu.memref_slice %run_scoped3A[%rem3A_55, %dma_start3A, %dma_start3A_58] : memref<2x128x256xf32, #tpu.memory_space<vmem>> -> memref<1x128x256xf32, #tpu.memory_space<vmem>>
        %dma_start3A_60 = tpu.memref_squeeze %dma_start3A_59 : memref<1x128x256xf32, #tpu.memory_space<vmem>> -> memref<128x256xf32, #tpu.memory_space<vmem>>
        %dma_start3A_61 = arith.constant 0 : i32
        %dma_start3A_62 = tpu.memref_slice %arg2[%mul3A_57, %dma_start3A_61] : memref<1024x256xf32, #tpu.memory_space<hbm>> -> memref<128x256xf32, #tpu.memory_space<hbm>>
        %dma_start3A_63 = tpu.memref_slice %run_scoped3A_17[%rem3A_55] : memref<2x!tpu.dma_semaphore, #tpu.memory_space<semaphore_mem>> -> memref<1x!tpu.dma_semaphore, #tpu.memory_space<semaphore_mem>>
        %dma_start3A_64 = tpu.memref_squeeze %dma_start3A_63 : memref<1x!tpu.dma_semaphore, #tpu.memory_space<semaphore_mem>> -> memref<!tpu.dma_semaphore, #tpu.memory_space<semaphore_mem>>
        %dma_start3A_65 = arith.constant 0 : i32
        %dma_start3A_66 = arith.constant 0 : i32
        %dma_start3A_67 = tpu.memref_slice %run_scoped3A[%rem3A_55, %dma_start3A_65, %dma_start3A_66] : memref<2x128x256xf32, #tpu.memory_space<vmem>> -> memref<1x128x256xf32, #tpu.memory_space<vmem>>
        %dma_start3A_68 = tpu.memref_squeeze %dma_start3A_67 : memref<1x128x256xf32, #tpu.memory_space<vmem>> -> memref<128x256xf32, #tpu.memory_space<vmem>>
        %dma_start3A_69 = arith.constant 0 : i32
        %dma_start3A_70 = tpu.memref_slice %arg2[%mul3A_57, %dma_start3A_69] : memref<1024x256xf32, #tpu.memory_space<hbm>> -> memref<128x256xf32, #tpu.memory_space<hbm>>
        tpu.enqueue_dma source(%dma_start3A_70 : memref<128x256xf32, #tpu.memory_space<hbm>>) target(%dma_start3A_68 : memref<128x256xf32, #tpu.memory_space<vmem>>) target_semaphore(%dma_start3A_64 : memref<!tpu.dma_semaphore, #tpu.memory_space<semaphore_mem>>)
        %add3A_71 = arith.constant 0 : i32
        %add3A_72 = arith.constant 1 : i32
        %add3A_73 = arith.addi %add3A_71, %add3A_72 : i32
        %select_n3A_74 = arith.constant true
        %select_n3A_75 = arith.constant 0 : i32
        %select_n3A_76 = arith.select %select_n3A_74, %add3A_73, %select_n3A_75 : i32
        %rem3A_77 = arith.constant 0 : i32
        %rem3A_78 = arith.constant 2 : i32
        %rem3A_79 = arith.remui %rem3A_77, %rem3A_78 : i32
        %mul3A_80 = arith.constant 128 : i32
        %mul3A_81 = arith.muli %mul3A_80, %add3A_27 : i32
        %dma_start3A_82 = arith.constant 0 : i32
        %dma_start3A_83 = arith.constant 0 : i32
        %dma_start3A_84 = tpu.memref_slice %run_scoped3A_18[%rem3A_79, %dma_start3A_82, %dma_start3A_83] : memref<2x1x128xi32, #tpu.memory_space<vmem>> -> memref<1x1x128xi32, #tpu.memory_space<vmem>>
        %dma_start3A_85 = tpu.memref_squeeze %dma_start3A_84 : memref<1x1x128xi32, #tpu.memory_space<vmem>> -> memref<1x128xi32, #tpu.memory_space<vmem>>
        %dma_start3A_86 = arith.constant 0 : i32
        %dma_start3A_87 = tpu.memref_slice %arg3[%dma_start3A_86, %mul3A_81] : memref<1x1024xi32, #tpu.memory_space<hbm>> -> memref<1x128xi32, #tpu.memory_space<hbm>>
        %dma_start3A_88 = tpu.memref_slice %run_scoped3A_19[%rem3A_79] : memref<2x!tpu.dma_semaphore, #tpu.memory_space<semaphore_mem>> -> memref<1x!tpu.dma_semaphore, #tpu.memory_space<semaphore_mem>>
        %dma_start3A_89 = tpu.memref_squeeze %dma_start3A_88 : memref<1x!tpu.dma_semaphore, #tpu.memory_space<semaphore_mem>> -> memref<!tpu.dma_semaphore, #tpu.memory_space<semaphore_mem>>
        %dma_start3A_90 = arith.constant 0 : i32
        %dma_start3A_91 = arith.constant 0 : i32
        %dma_start3A_92 = tpu.memref_slice %run_scoped3A_18[%rem3A_79, %dma_start3A_90, %dma_start3A_91] : memref<2x1x128xi32, #tpu.memory_space<vmem>> -> memref<1x1x128xi32, #tpu.memory_space<vmem>>
        %dma_start3A_93 = tpu.memref_squeeze %dma_start3A_92 : memref<1x1x128xi32, #tpu.memory_space<vmem>> -> memref<1x128xi32, #tpu.memory_space<vmem>>
        %dma_start3A_94 = arith.constant 0 : i32
        %dma_start3A_95 = tpu.memref_slice %arg3[%dma_start3A_94, %mul3A_81] : memref<1x1024xi32, #tpu.memory_space<hbm>> -> memref<1x128xi32, #tpu.memory_space<hbm>>
        tpu.enqueue_dma source(%dma_start3A_95 : memref<1x128xi32, #tpu.memory_space<hbm>>) target(%dma_start3A_93 : memref<1x128xi32, #tpu.memory_space<vmem>>) target_semaphore(%dma_start3A_89 : memref<!tpu.dma_semaphore, #tpu.memory_space<semaphore_mem>>)
        %add3A_96 = arith.constant 0 : i32
        %add3A_97 = arith.constant 1 : i32
        %add3A_98 = arith.addi %add3A_96, %add3A_97 : i32
        %select_n3A_99 = arith.constant true
        %select_n3A_100 = arith.constant 0 : i32
        %select_n3A_101 = arith.select %select_n3A_99, %add3A_98, %select_n3A_100 : i32
        %while3A = arith.constant 0 : i32
        %while3A_102 = arith.constant 0 : i32
        %while3A_103 = arith.constant 0 : i32
        %while3A_104 = arith.constant 0 : i32
        "tpu.trace_stop"() : () -> ()
        %while3A_105 = arith.subi %mul3A_16, %while3A : i32
        %while3A_106 = arith.addi %while3A, %while3A_105 : i32
        %while3A_107 = arith.constant 1 : i32
        %while3A_108 = arith.divsi %while3A_105, %while3A_107 : i32
        %while3A_109 = arith.muli %while3A_108, %while3A_107 : i32
        %while3A_110 = arith.addi %while3A, %while3A_109 : i32
        %while3A_111 = arith.constant 1 : i32
        %while3A_112:5 = scf.for %while3A_166 = %while3A to %while3A_110 step %while3A_111 iter_args(%while3A_167 = %select_n3A_76, %while3A_168 = %while3A_102, %while3A_169 = %select_n3A_101, %while3A_170 = %while3A_103, %while3A_171 = %while3A_104) -> (i32, i32, i32, i32, i32)  : i32 {
          %mul3A_172 = arith.constant 1 : i32
          %mul3A_173 = arith.muli %mul3A_172, %select_n3A : i32
          %eq3A_174 = arith.constant 0 : i32
          %eq3A_175 = arith.cmpi eq, %while3A_166, %eq3A_174 : i32
          %sub3A_176 = arith.constant 1 : i32
          %sub3A_177 = arith.subi %mul3A_173, %sub3A_176 : i32
          %eq3A_178 = arith.cmpi eq, %while3A_166, %sub3A_177 : i32
          %add3A_179 = arith.addi %while3A_171, %select_n3A_14 : i32
          %sub3A_180 = arith.constant 1 : i32
          %sub3A_181 = arith.subi %while3A_171, %sub3A_180 : i32
          %select_n3A_182 = arith.constant true
          %select_n3A_183 = arith.select %select_n3A_182, %sub3A_181, %while3A_171 : i32
          %eq3A_184 = arith.constant -1 : i32
          %eq3A_185 = arith.cmpi eq, %select_n3A_183, %eq3A_184 : i32
          %sub3A_186 = arith.constant 1 : i32
          %sub3A_187 = arith.subi %select_n3A, %sub3A_186 : i32
          %select_n3A_188 = arith.select %eq3A_185, %sub3A_187, %select_n3A_183 : i32
          %add3A_189 = arith.addi %select_n3A_188, %select_n3A_14 : i32
          %add3A_190 = arith.constant 1 : i32
          %add3A_191 = arith.addi %while3A_171, %add3A_190 : i32
          %select_n3A_192 = arith.constant true
          %select_n3A_193 = arith.select %select_n3A_192, %add3A_191, %while3A_171 : i32
          %eq3A_194 = arith.cmpi eq, %select_n3A_193, %select_n3A : i32
          %select_n3A_195 = arith.constant 0 : i32
          %select_n3A_196 = arith.select %eq3A_194, %select_n3A_195, %select_n3A_193 : i32
          %add3A_197 = arith.addi %select_n3A_196, %select_n3A_14 : i32
          %add3A_198 = arith.constant 1 : i32
          %add3A_199 = arith.addi %select_n3A_196, %add3A_198 : i32
          %select_n3A_200 = arith.constant true
          %select_n3A_201 = arith.select %select_n3A_200, %add3A_199, %select_n3A_196 : i32
          %eq3A_202 = arith.cmpi eq, %select_n3A_201, %select_n3A : i32
          %select_n3A_203 = arith.constant 0 : i32
          %select_n3A_204 = arith.select %eq3A_202, %select_n3A_203, %select_n3A_201 : i32
          %add3A_205 = arith.addi %select_n3A_204, %select_n3A_14 : i32
          %ne3A = arith.cmpi ne, %add3A_179, %add3A_197 : i32
          %or3A = arith.constant false
          %or3A_206 = arith.ori %or3A, %ne3A : i1
          %or3A_207 = arith.constant false
          %or3A_208 = arith.ori %or3A_206, %or3A_207 : i1
          %sub3A_209 = arith.constant 2 : i32
          %sub3A_210 = arith.subi %mul3A_173, %sub3A_209 : i32
          %add3A_211 = arith.constant 1 : i32
          %add3A_212 = arith.addi %sub3A_210, %add3A_211 : i32
          %ge3A = arith.cmpi sge, %while3A_166, %add3A_212 : i32
          %not3A = arith.constant true
          %not3A_213 = arith.xori %ge3A, %not3A : i1
          %and3A = arith.andi %or3A_208, %not3A_213 : i1
          %convert_element_type3A_214 = arith.extui %and3A : i1 to i32
          %cond3A_215 = arith.constant 0 : i32
          %cond3A_216 = arith.cmpi ne, %convert_element_type3A_214, %cond3A_215 : i32
          scf.if %cond3A_216 {
            "tpu.trace_start"() <{level = 10 : i32, message = "ep_copy_in"}> : () -> ()
            %rem3A_329 = arith.constant 2 : i32
            %rem3A_330 = arith.remui %while3A_167, %rem3A_329 : i32
            %mul3A_331 = arith.constant 128 : i32
            %mul3A_332 = arith.muli %mul3A_331, %add3A_197 : i32
            %dma_start3A_333 = arith.constant 0 : i32
            %dma_start3A_334 = arith.constant 0 : i32
            %dma_start3A_335 = tpu.memref_slice %run_scoped3A[%rem3A_330, %dma_start3A_333, %dma_start3A_334] : memref<2x128x256xf32, #tpu.memory_space<vmem>> -> memref<1x128x256xf32, #tpu.memory_space<vmem>>
            %dma_start3A_336 = tpu.memref_squeeze %dma_start3A_335 : memref<1x128x256xf32, #tpu.memory_space<vmem>> -> memref<128x256xf32, #tpu.memory_space<vmem>>
            %dma_start3A_337 = arith.constant 0 : i32
            %dma_start3A_338 = tpu.memref_slice %arg2[%mul3A_332, %dma_start3A_337] : memref<1024x256xf32, #tpu.memory_space<hbm>> -> memref<128x256xf32, #tpu.memory_space<hbm>>
            %dma_start3A_339 = tpu.memref_slice %run_scoped3A_17[%rem3A_330] : memref<2x!tpu.dma_semaphore, #tpu.memory_space<semaphore_mem>> -> memref<1x!tpu.dma_semaphore, #tpu.memory_space<semaphore_mem>>
            %dma_start3A_340 = tpu.memref_squeeze %dma_start3A_339 : memref<1x!tpu.dma_semaphore, #tpu.memory_space<semaphore_mem>> -> memref<!tpu.dma_semaphore, #tpu.memory_space<semaphore_mem>>
            %dma_start3A_341 = arith.constant 0 : i32
            %dma_start3A_342 = arith.constant 0 : i32
            %dma_start3A_343 = tpu.memref_slice %run_scoped3A[%rem3A_330, %dma_start3A_341, %dma_start3A_342] : memref<2x128x256xf32, #tpu.memory_space<vmem>> -> memref<1x128x256xf32, #tpu.memory_space<vmem>>
            %dma_start3A_344 = tpu.memref_squeeze %dma_start3A_343 : memref<1x128x256xf32, #tpu.memory_space<vmem>> -> memref<128x256xf32, #tpu.memory_space<vmem>>
            %dma_start3A_345 = arith.constant 0 : i32
            %dma_start3A_346 = tpu.memref_slice %arg2[%mul3A_332, %dma_start3A_345] : memref<1024x256xf32, #tpu.memory_space<hbm>> -> memref<128x256xf32, #tpu.memory_space<hbm>>
            tpu.enqueue_dma source(%dma_start3A_346 : memref<128x256xf32, #tpu.memory_space<hbm>>) target(%dma_start3A_344 : memref<128x256xf32, #tpu.memory_space<vmem>>) target_semaphore(%dma_start3A_340 : memref<!tpu.dma_semaphore, #tpu.memory_space<semaphore_mem>>)
            "tpu.trace_stop"() : () -> ()
          } else {
          }
          %and3A_217 = arith.constant true
          %and3A_218 = arith.andi %and3A, %and3A_217 : i1
          %add3A_219 = arith.constant 1 : i32
          %add3A_220 = arith.addi %while3A_167, %add3A_219 : i32
          %select_n3A_221 = arith.select %and3A_218, %add3A_220, %while3A_167 : i32
          %ne3A_222 = arith.cmpi ne, %add3A_179, %add3A_197 : i32
          %or3A_223 = arith.constant false
          %or3A_224 = arith.ori %or3A_223, %ne3A_222 : i1
          %sub3A_225 = arith.constant 2 : i32
          %sub3A_226 = arith.subi %mul3A_173, %sub3A_225 : i32
          %add3A_227 = arith.constant 1 : i32
          %add3A_228 = arith.addi %sub3A_226, %add3A_227 : i32
          %ge3A_229 = arith.cmpi sge, %while3A_166, %add3A_228 : i32
          %not3A_230 = arith.constant true
          %not3A_231 = arith.xori %ge3A_229, %not3A_230 : i1
          %and3A_232 = arith.andi %or3A_224, %not3A_231 : i1
          %convert_element_type3A_233 = arith.extui %and3A_232 : i1 to i32
          %cond3A_234 = arith.constant 0 : i32
          %cond3A_235 = arith.cmpi ne, %convert_element_type3A_233, %cond3A_234 : i32
          scf.if %cond3A_235 {
            "tpu.trace_start"() <{level = 10 : i32, message = "ep_copy_in"}> : () -> ()
            %rem3A_329 = arith.constant 2 : i32
            %rem3A_330 = arith.remui %while3A_169, %rem3A_329 : i32
            %mul3A_331 = arith.constant 128 : i32
            %mul3A_332 = arith.muli %mul3A_331, %add3A_197 : i32
            %dma_start3A_333 = arith.constant 0 : i32
            %dma_start3A_334 = arith.constant 0 : i32
            %dma_start3A_335 = tpu.memref_slice %run_scoped3A_18[%rem3A_330, %dma_start3A_333, %dma_start3A_334] : memref<2x1x128xi32, #tpu.memory_space<vmem>> -> memref<1x1x128xi32, #tpu.memory_space<vmem>>
            %dma_start3A_336 = tpu.memref_squeeze %dma_start3A_335 : memref<1x1x128xi32, #tpu.memory_space<vmem>> -> memref<1x128xi32, #tpu.memory_space<vmem>>
            %dma_start3A_337 = arith.constant 0 : i32
            %dma_start3A_338 = tpu.memref_slice %arg3[%dma_start3A_337, %mul3A_332] : memref<1x1024xi32, #tpu.memory_space<hbm>> -> memref<1x128xi32, #tpu.memory_space<hbm>>
            %dma_start3A_339 = tpu.memref_slice %run_scoped3A_19[%rem3A_330] : memref<2x!tpu.dma_semaphore, #tpu.memory_space<semaphore_mem>> -> memref<1x!tpu.dma_semaphore, #tpu.memory_space<semaphore_mem>>
            %dma_start3A_340 = tpu.memref_squeeze %dma_start3A_339 : memref<1x!tpu.dma_semaphore, #tpu.memory_space<semaphore_mem>> -> memref<!tpu.dma_semaphore, #tpu.memory_space<semaphore_mem>>
            %dma_start3A_341 = arith.constant 0 : i32
            %dma_start3A_342 = arith.constant 0 : i32
            %dma_start3A_343 = tpu.memref_slice %run_scoped3A_18[%rem3A_330, %dma_start3A_341, %dma_start3A_342] : memref<2x1x128xi32, #tpu.memory_space<vmem>> -> memref<1x1x128xi32, #tpu.memory_space<vmem>>
            %dma_start3A_344 = tpu.memref_squeeze %dma_start3A_343 : memref<1x1x128xi32, #tpu.memory_space<vmem>> -> memref<1x128xi32, #tpu.memory_space<vmem>>
            %dma_start3A_345 = arith.constant 0 : i32
            %dma_start3A_346 = tpu.memref_slice %arg3[%dma_start3A_345, %mul3A_332] : memref<1x1024xi32, #tpu.memory_space<hbm>> -> memref<1x128xi32, #tpu.memory_space<hbm>>
            tpu.enqueue_dma source(%dma_start3A_346 : memref<1x128xi32, #tpu.memory_space<hbm>>) target(%dma_start3A_344 : memref<1x128xi32, #tpu.memory_space<vmem>>) target_semaphore(%dma_start3A_340 : memref<!tpu.dma_semaphore, #tpu.memory_space<semaphore_mem>>)
            "tpu.trace_stop"() : () -> ()
          } else {
          }
          %and3A_236 = arith.constant true
          %and3A_237 = arith.andi %and3A_232, %and3A_236 : i1
          %add3A_238 = arith.constant 1 : i32
          %add3A_239 = arith.addi %while3A_169, %add3A_238 : i32
          %select_n3A_240 = arith.select %and3A_237, %add3A_239, %while3A_169 : i32
          %ne3A_241 = arith.cmpi ne, %add3A_179, %add3A_189 : i32
          %or3A_242 = arith.constant false
          %or3A_243 = arith.ori %or3A_242, %ne3A_241 : i1
          %or3A_244 = arith.constant false
          %or3A_245 = arith.ori %or3A_243, %or3A_244 : i1
          %or3A_246 = arith.ori %or3A_245, %eq3A_175 : i1
          %convert_element_type3A_247 = arith.extui %or3A_246 : i1 to i32
          %cond3A_248 = arith.constant 0 : i32
          %cond3A_249 = arith.cmpi ne, %convert_element_type3A_247, %cond3A_248 : i32
          scf.if %cond3A_249 {
            "tpu.trace_start"() <{level = 10 : i32, message = "ep_wait_in"}> : () -> ()
            %mul3A_329 = arith.constant 128 : i32
            %mul3A_330 = arith.muli %mul3A_329, %add3A_179 : i32
            %rem3A_331 = arith.constant 2 : i32
            %rem3A_332 = arith.remui %while3A_168, %rem3A_331 : i32
            %dma_wait3A = arith.constant 0 : i32
            %dma_wait3A_333 = arith.constant 0 : i32
            %dma_wait3A_334 = tpu.memref_slice %run_scoped3A[%rem3A_332, %dma_wait3A, %dma_wait3A_333] : memref<2x128x256xf32, #tpu.memory_space<vmem>> -> memref<1x128x256xf32, #tpu.memory_space<vmem>>
            %dma_wait3A_335 = tpu.memref_squeeze %dma_wait3A_334 : memref<1x128x256xf32, #tpu.memory_space<vmem>> -> memref<128x256xf32, #tpu.memory_space<vmem>>
            %dma_wait3A_336 = arith.constant 0 : i32
            %dma_wait3A_337 = tpu.memref_slice %arg2[%mul3A_330, %dma_wait3A_336] : memref<1024x256xf32, #tpu.memory_space<hbm>> -> memref<128x256xf32, #tpu.memory_space<hbm>>
            %dma_wait3A_338 = tpu.memref_slice %run_scoped3A_17[%rem3A_332] : memref<2x!tpu.dma_semaphore, #tpu.memory_space<semaphore_mem>> -> memref<1x!tpu.dma_semaphore, #tpu.memory_space<semaphore_mem>>
            %dma_wait3A_339 = tpu.memref_squeeze %dma_wait3A_338 : memref<1x!tpu.dma_semaphore, #tpu.memory_space<semaphore_mem>> -> memref<!tpu.dma_semaphore, #tpu.memory_space<semaphore_mem>>
            %dma_wait3A_340 = arith.constant 0 : i32
            %dma_wait3A_341 = arith.constant 0 : i32
            %dma_wait3A_342 = tpu.memref_slice %run_scoped3A[%rem3A_332, %dma_wait3A_340, %dma_wait3A_341] : memref<2x128x256xf32, #tpu.memory_space<vmem>> -> memref<1x128x256xf32, #tpu.memory_space<vmem>>
            %dma_wait3A_343 = tpu.memref_squeeze %dma_wait3A_342 : memref<1x128x256xf32, #tpu.memory_space<vmem>> -> memref<128x256xf32, #tpu.memory_space<vmem>>
            %dma_wait3A_344 = arith.constant 0 : i32
            %dma_wait3A_345 = tpu.memref_slice %arg2[%mul3A_330, %dma_wait3A_344] : memref<1024x256xf32, #tpu.memory_space<hbm>> -> memref<128x256xf32, #tpu.memory_space<hbm>>
            tpu.wait_dma2 semaphore(%dma_wait3A_339 : memref<!tpu.dma_semaphore, #tpu.memory_space<semaphore_mem>>) src(%dma_wait3A_345 : memref<128x256xf32, #tpu.memory_space<hbm>>) dst(%dma_wait3A_343 : memref<128x256xf32, #tpu.memory_space<vmem>>)
            "tpu.trace_stop"() : () -> ()
          } else {
          }
          %ne3A_250 = arith.cmpi ne, %add3A_179, %add3A_189 : i32
          %or3A_251 = arith.constant false
          %or3A_252 = arith.ori %or3A_251, %ne3A_250 : i1
          %or3A_253 = arith.ori %or3A_252, %eq3A_175 : i1
          %convert_element_type3A_254 = arith.extui %or3A_253 : i1 to i32
          %cond3A_255 = arith.constant 0 : i32
          %cond3A_256 = arith.cmpi ne, %convert_element_type3A_254, %cond3A_255 : i32
          scf.if %cond3A_256 {
            "tpu.trace_start"() <{level = 10 : i32, message = "ep_wait_in"}> : () -> ()
            %mul3A_329 = arith.constant 128 : i32
            %mul3A_330 = arith.muli %mul3A_329, %add3A_179 : i32
            %rem3A_331 = arith.constant 2 : i32
            %rem3A_332 = arith.remui %while3A_170, %rem3A_331 : i32
            %dma_wait3A = arith.constant 0 : i32
            %dma_wait3A_333 = arith.constant 0 : i32
            %dma_wait3A_334 = tpu.memref_slice %run_scoped3A_18[%rem3A_332, %dma_wait3A, %dma_wait3A_333] : memref<2x1x128xi32, #tpu.memory_space<vmem>> -> memref<1x1x128xi32, #tpu.memory_space<vmem>>
            %dma_wait3A_335 = tpu.memref_squeeze %dma_wait3A_334 : memref<1x1x128xi32, #tpu.memory_space<vmem>> -> memref<1x128xi32, #tpu.memory_space<vmem>>
            %dma_wait3A_336 = arith.constant 0 : i32
            %dma_wait3A_337 = tpu.memref_slice %arg3[%dma_wait3A_336, %mul3A_330] : memref<1x1024xi32, #tpu.memory_space<hbm>> -> memref<1x128xi32, #tpu.memory_space<hbm>>
            %dma_wait3A_338 = tpu.memref_slice %run_scoped3A_19[%rem3A_332] : memref<2x!tpu.dma_semaphore, #tpu.memory_space<semaphore_mem>> -> memref<1x!tpu.dma_semaphore, #tpu.memory_space<semaphore_mem>>
            %dma_wait3A_339 = tpu.memref_squeeze %dma_wait3A_338 : memref<1x!tpu.dma_semaphore, #tpu.memory_space<semaphore_mem>> -> memref<!tpu.dma_semaphore, #tpu.memory_space<semaphore_mem>>
            %dma_wait3A_340 = arith.constant 0 : i32
            %dma_wait3A_341 = arith.constant 0 : i32
            %dma_wait3A_342 = tpu.memref_slice %run_scoped3A_18[%rem3A_332, %dma_wait3A_340, %dma_wait3A_341] : memref<2x1x128xi32, #tpu.memory_space<vmem>> -> memref<1x1x128xi32, #tpu.memory_space<vmem>>
            %dma_wait3A_343 = tpu.memref_squeeze %dma_wait3A_342 : memref<1x1x128xi32, #tpu.memory_space<vmem>> -> memref<1x128xi32, #tpu.memory_space<vmem>>
            %dma_wait3A_344 = arith.constant 0 : i32
            %dma_wait3A_345 = tpu.memref_slice %arg3[%dma_wait3A_344, %mul3A_330] : memref<1x1024xi32, #tpu.memory_space<hbm>> -> memref<1x128xi32, #tpu.memory_space<hbm>>
            tpu.wait_dma2 semaphore(%dma_wait3A_339 : memref<!tpu.dma_semaphore, #tpu.memory_space<semaphore_mem>>) src(%dma_wait3A_345 : memref<1x128xi32, #tpu.memory_space<hbm>>) dst(%dma_wait3A_343 : memref<1x128xi32, #tpu.memory_space<vmem>>)
            "tpu.trace_stop"() : () -> ()
          } else {
          }
          %rem3A_257 = arith.constant 2 : i32
          %rem3A_258 = arith.remui %while3A_168, %rem3A_257 : i32
          %rem3A_259 = arith.constant 2 : i32
          %rem3A_260 = arith.remui %while3A_170, %rem3A_259 : i32
          %run_scoped3A_261 = arith.constant 0 : i32
          "tpu.trace_start"() <{level = 10 : i32, message = "ep_run_kernel"}> : () -> ()
          "tpu.region"() ({
            %run_scoped3A_329 = tpu.sem_alloc : memref<!tpu.dma_semaphore, #tpu.memory_space<semaphore_mem>>
            %dma_start3A_330 = arith.constant 0 : i32
            %dma_start3A_331 = arith.constant 0 : i32
            %dma_start3A_332 = tpu.memref_slice %run_scoped3A[%rem3A_258, %dma_start3A_330, %dma_start3A_331] : memref<2x128x256xf32, #tpu.memory_space<vmem>> -> memref<1x128x256xf32, #tpu.memory_space<vmem>>
            %dma_start3A_333 = tpu.memref_squeeze %dma_start3A_332 : memref<1x128x256xf32, #tpu.memory_space<vmem>> -> memref<128x256xf32, #tpu.memory_space<vmem>>
            %dma_start3A_334 = arith.constant 0 : i32
            %dma_start3A_335 = arith.constant 0 : i32
            %dma_start3A_336 = tpu.memref_slice %run_scoped3A_18[%rem3A_260, %dma_start3A_334, %dma_start3A_335] : memref<2x1x128xi32, #tpu.memory_space<vmem>> -> memref<1x1x128xi32, #tpu.memory_space<vmem>>
            %dma_start3A_337 = tpu.memref_squeeze %dma_start3A_336 : memref<1x1x128xi32, #tpu.memory_space<vmem>> -> memref<1x128xi32, #tpu.memory_space<vmem>>
            %dma_start3A_338 = arith.constant 0 : i32
            %dma_start3A_339 = tpu.memref_slice %dma_start3A_337[%run_scoped3A_261, %dma_start3A_338] : memref<1x128xi32, #tpu.memory_space<vmem>> -> memref<1x128xi32, #tpu.memory_space<vmem>>
            %dma_start3A_340 = tpu.memref_squeeze %dma_start3A_339 : memref<1x128xi32, #tpu.memory_space<vmem>> -> memref<128xi32, #tpu.memory_space<vmem>>
            %dma_start3A_341 = arith.constant 0 : i32
            %dma_start3A_342 = arith.constant 0 : i32
            %dma_start3A_343 = tpu.memref_slice %arg4[%dma_start3A_341, %dma_start3A_342] : memref<3072x256xf32, #tpu.memory_space<hbm>> -> memref<3072x256xf32, #tpu.memory_space<hbm>>
            tpu.enqueue_indirect_dma source(%dma_start3A_333 : memref<128x256xf32, #tpu.memory_space<vmem>>) target(%dma_start3A_343 : memref<3072x256xf32, #tpu.memory_space<hbm>>) offsets(%dma_start3A_340 : memref<128xi32, #tpu.memory_space<vmem>>) semaphore(%run_scoped3A_329 : memref<!tpu.dma_semaphore, #tpu.memory_space<semaphore_mem>>)
            %dma_wait3A = arith.constant 0 : i32
            %dma_wait3A_344 = arith.constant 0 : i32
            %dma_wait3A_345 = tpu.memref_slice %run_scoped3A[%rem3A_258, %dma_wait3A, %dma_wait3A_344] : memref<2x128x256xf32, #tpu.memory_space<vmem>> -> memref<1x128x256xf32, #tpu.memory_space<vmem>>
            %dma_wait3A_346 = tpu.memref_squeeze %dma_wait3A_345 : memref<1x128x256xf32, #tpu.memory_space<vmem>> -> memref<128x256xf32, #tpu.memory_space<vmem>>
            %dma_wait3A_347 = arith.constant 0 : i32
            %dma_wait3A_348 = arith.constant 0 : i32
            %dma_wait3A_349 = tpu.memref_slice %run_scoped3A_18[%rem3A_260, %dma_wait3A_347, %dma_wait3A_348] : memref<2x1x128xi32, #tpu.memory_space<vmem>> -> memref<1x1x128xi32, #tpu.memory_space<vmem>>
            %dma_wait3A_350 = tpu.memref_squeeze %dma_wait3A_349 : memref<1x1x128xi32, #tpu.memory_space<vmem>> -> memref<1x128xi32, #tpu.memory_space<vmem>>
            %dma_wait3A_351 = arith.constant 0 : i32
            %dma_wait3A_352 = tpu.memref_slice %dma_wait3A_350[%run_scoped3A_261, %dma_wait3A_351] : memref<1x128xi32, #tpu.memory_space<vmem>> -> memref<1x128xi32, #tpu.memory_space<vmem>>
            %dma_wait3A_353 = tpu.memref_squeeze %dma_wait3A_352 : memref<1x128xi32, #tpu.memory_space<vmem>> -> memref<128xi32, #tpu.memory_space<vmem>>
            %dma_wait3A_354 = arith.constant 0 : i32
            %dma_wait3A_355 = arith.constant 0 : i32
            %dma_wait3A_356 = tpu.memref_slice %arg4[%dma_wait3A_354, %dma_wait3A_355] : memref<3072x256xf32, #tpu.memory_space<hbm>> -> memref<3072x256xf32, #tpu.memory_space<hbm>>
            tpu.wait_indirect_dma semaphore(%run_scoped3A_329 : memref<!tpu.dma_semaphore, #tpu.memory_space<semaphore_mem>>) src(%dma_wait3A_346 : memref<128x256xf32, #tpu.memory_space<vmem>>) dst(%dma_wait3A_356 : memref<3072x256xf32, #tpu.memory_space<hbm>>)
            tpu.yield
          }) : () -> ()
          "tpu.trace_stop"() : () -> ()
          %ne3A_262 = arith.cmpi ne, %add3A_179, %add3A_197 : i32
          %or3A_263 = arith.constant false
          %or3A_264 = arith.ori %or3A_263, %ne3A_262 : i1
          %or3A_265 = arith.constant false
          %or3A_266 = arith.ori %or3A_264, %or3A_265 : i1
          %or3A_267 = arith.ori %or3A_266, %eq3A_178 : i1
          %convert_element_type3A_268 = arith.extui %or3A_267 : i1 to i32
          %cond3A_269 = arith.constant 0 : i32
          %cond3A_270 = arith.cmpi ne, %convert_element_type3A_268, %cond3A_269 : i32
          scf.if %cond3A_270 {
          } else {
          }
          %and3A_271 = arith.constant false
          %and3A_272 = arith.andi %or3A_267, %and3A_271 : i1
          %ne3A_273 = arith.cmpi ne, %add3A_179, %add3A_197 : i32
          %or3A_274 = arith.constant false
          %or3A_275 = arith.ori %or3A_274, %ne3A_273 : i1
          %or3A_276 = arith.ori %or3A_275, %eq3A_178 : i1
          %convert_element_type3A_277 = arith.extui %or3A_276 : i1 to i32
          %cond3A_278 = arith.constant 0 : i32
          %cond3A_279 = arith.cmpi ne, %convert_element_type3A_277, %cond3A_278 : i32
          scf.if %cond3A_279 {
          } else {
          }
          %and3A_280 = arith.constant false
          %and3A_281 = arith.andi %or3A_276, %and3A_280 : i1
          %ne3A_282 = arith.cmpi ne, %add3A_179, %add3A_189 : i32
          %or3A_283 = arith.constant false
          %or3A_284 = arith.ori %or3A_283, %ne3A_282 : i1
          %or3A_285 = arith.constant false
          %or3A_286 = arith.ori %or3A_284, %or3A_285 : i1
          %not3A_287 = arith.constant true
          %not3A_288 = arith.xori %eq3A_175, %not3A_287 : i1
          %and3A_289 = arith.andi %or3A_286, %not3A_288 : i1
          %convert_element_type3A_290 = arith.extui %and3A_289 : i1 to i32
          %cond3A_291 = arith.constant 0 : i32
          %cond3A_292 = arith.cmpi ne, %convert_element_type3A_290, %cond3A_291 : i32
          scf.if %cond3A_292 {
          } else {
          }
          %and3A_293 = arith.constant false
          %and3A_294 = arith.andi %and3A_289, %and3A_293 : i1
          %ne3A_295 = arith.cmpi ne, %add3A_179, %add3A_189 : i32
          %or3A_296 = arith.constant false
          %or3A_297 = arith.ori %or3A_296, %ne3A_295 : i1
          %not3A_298 = arith.constant true
          %not3A_299 = arith.xori %eq3A_175, %not3A_298 : i1
          %and3A_300 = arith.andi %or3A_297, %not3A_299 : i1
          %convert_element_type3A_301 = arith.extui %and3A_300 : i1 to i32
          %cond3A_302 = arith.constant 0 : i32
          %cond3A_303 = arith.cmpi ne, %convert_element_type3A_301, %cond3A_302 : i32
          scf.if %cond3A_303 {
          } else {
          }
          %and3A_304 = arith.constant false
          %and3A_305 = arith.andi %and3A_300, %and3A_304 : i1
          %ne3A_306 = arith.cmpi ne, %add3A_179, %add3A_197 : i32
          %or3A_307 = arith.constant false
          %or3A_308 = arith.ori %or3A_307, %ne3A_306 : i1
          %or3A_309 = arith.constant false
          %or3A_310 = arith.ori %or3A_308, %or3A_309 : i1
          %or3A_311 = arith.ori %or3A_310, %eq3A_178 : i1
          %add3A_312 = arith.constant 1 : i32
          %add3A_313 = arith.addi %while3A_168, %add3A_312 : i32
          %select_n3A_314 = arith.select %or3A_311, %add3A_313, %while3A_168 : i32
          %ne3A_315 = arith.cmpi ne, %add3A_179, %add3A_197 : i32
          %or3A_316 = arith.constant false
          %or3A_317 = arith.ori %or3A_316, %ne3A_315 : i1
          %or3A_318 = arith.ori %or3A_317, %eq3A_178 : i1
          %add3A_319 = arith.constant 1 : i32
          %add3A_320 = arith.addi %while3A_170, %add3A_319 : i32
          %select_n3A_321 = arith.select %or3A_318, %add3A_320, %while3A_170 : i32
          %add3A_322 = arith.constant 1 : i32
          %add3A_323 = arith.addi %while3A_171, %add3A_322 : i32
          %select_n3A_324 = arith.constant true
          %select_n3A_325 = arith.select %select_n3A_324, %add3A_323, %while3A_171 : i32
          %eq3A_326 = arith.cmpi eq, %select_n3A_325, %select_n3A : i32
          %select_n3A_327 = arith.constant 0 : i32
          %select_n3A_328 = arith.select %eq3A_326, %select_n3A_327, %select_n3A_325 : i32
          scf.yield %select_n3A_221, %select_n3A_314, %select_n3A_240, %select_n3A_321, %select_n3A_328 : i32, i32, i32, i32, i32
        }
        %while3A_113 = arith.constant 1 : i32
        %while3A_114:5 = scf.for %while3A_166 = %while3A_110 to %while3A_106 step %while3A_113 iter_args(%while3A_167 = %while3A_112#0, %while3A_168 = %while3A_112#1, %while3A_169 = %while3A_112#2, %while3A_170 = %while3A_112#3, %while3A_171 = %while3A_112#4) -> (i32, i32, i32, i32, i32)  : i32 {
          %mul3A_172 = arith.constant 1 : i32
          %mul3A_173 = arith.muli %mul3A_172, %select_n3A : i32
          %eq3A_174 = arith.constant 0 : i32
          %eq3A_175 = arith.cmpi eq, %while3A_166, %eq3A_174 : i32
          %sub3A_176 = arith.constant 1 : i32
          %sub3A_177 = arith.subi %mul3A_173, %sub3A_176 : i32
          %eq3A_178 = arith.cmpi eq, %while3A_166, %sub3A_177 : i32
          %add3A_179 = arith.addi %while3A_171, %select_n3A_14 : i32
          %sub3A_180 = arith.constant 1 : i32
          %sub3A_181 = arith.subi %while3A_171, %sub3A_180 : i32
          %select_n3A_182 = arith.constant true
          %select_n3A_183 = arith.select %select_n3A_182, %sub3A_181, %while3A_171 : i32
          %eq3A_184 = arith.constant -1 : i32
          %eq3A_185 = arith.cmpi eq, %select_n3A_183, %eq3A_184 : i32
          %sub3A_186 = arith.constant 1 : i32
          %sub3A_187 = arith.subi %select_n3A, %sub3A_186 : i32
          %select_n3A_188 = arith.select %eq3A_185, %sub3A_187, %select_n3A_183 : i32
          %add3A_189 = arith.addi %select_n3A_188, %select_n3A_14 : i32
          %add3A_190 = arith.constant 1 : i32
          %add3A_191 = arith.addi %while3A_171, %add3A_190 : i32
          %select_n3A_192 = arith.constant true
          %select_n3A_193 = arith.select %select_n3A_192, %add3A_191, %while3A_171 : i32
          %eq3A_194 = arith.cmpi eq, %select_n3A_193, %select_n3A : i32
          %select_n3A_195 = arith.constant 0 : i32
          %select_n3A_196 = arith.select %eq3A_194, %select_n3A_195, %select_n3A_193 : i32
          %add3A_197 = arith.addi %select_n3A_196, %select_n3A_14 : i32
          %add3A_198 = arith.constant 1 : i32
          %add3A_199 = arith.addi %select_n3A_196, %add3A_198 : i32
          %select_n3A_200 = arith.constant true
          %select_n3A_201 = arith.select %select_n3A_200, %add3A_199, %select_n3A_196 : i32
          %eq3A_202 = arith.cmpi eq, %select_n3A_201, %select_n3A : i32
          %select_n3A_203 = arith.constant 0 : i32
          %select_n3A_204 = arith.select %eq3A_202, %select_n3A_203, %select_n3A_201 : i32
          %add3A_205 = arith.addi %select_n3A_204, %select_n3A_14 : i32
          %ne3A = arith.cmpi ne, %add3A_179, %add3A_197 : i32
          %or3A = arith.constant false
          %or3A_206 = arith.ori %or3A, %ne3A : i1
          %or3A_207 = arith.constant false
          %or3A_208 = arith.ori %or3A_206, %or3A_207 : i1
          %sub3A_209 = arith.constant 2 : i32
          %sub3A_210 = arith.subi %mul3A_173, %sub3A_209 : i32
          %add3A_211 = arith.constant 1 : i32
          %add3A_212 = arith.addi %sub3A_210, %add3A_211 : i32
          %ge3A = arith.cmpi sge, %while3A_166, %add3A_212 : i32
          %not3A = arith.constant true
          %not3A_213 = arith.xori %ge3A, %not3A : i1
          %and3A = arith.andi %or3A_208, %not3A_213 : i1
          %convert_element_type3A_214 = arith.extui %and3A : i1 to i32
          %cond3A_215 = arith.constant 0 : i32
          %cond3A_216 = arith.cmpi ne, %convert_element_type3A_214, %cond3A_215 : i32
          scf.if %cond3A_216 {
            "tpu.trace_start"() <{level = 10 : i32, message = "ep_copy_in"}> : () -> ()
            %rem3A_329 = arith.constant 2 : i32
            %rem3A_330 = arith.remui %while3A_167, %rem3A_329 : i32
            %mul3A_331 = arith.constant 128 : i32
            %mul3A_332 = arith.muli %mul3A_331, %add3A_197 : i32
            %dma_start3A_333 = arith.constant 0 : i32
            %dma_start3A_334 = arith.constant 0 : i32
            %dma_start3A_335 = tpu.memref_slice %run_scoped3A[%rem3A_330, %dma_start3A_333, %dma_start3A_334] : memref<2x128x256xf32, #tpu.memory_space<vmem>> -> memref<1x128x256xf32, #tpu.memory_space<vmem>>
            %dma_start3A_336 = tpu.memref_squeeze %dma_start3A_335 : memref<1x128x256xf32, #tpu.memory_space<vmem>> -> memref<128x256xf32, #tpu.memory_space<vmem>>
            %dma_start3A_337 = arith.constant 0 : i32
            %dma_start3A_338 = tpu.memref_slice %arg2[%mul3A_332, %dma_start3A_337] : memref<1024x256xf32, #tpu.memory_space<hbm>> -> memref<128x256xf32, #tpu.memory_space<hbm>>
            %dma_start3A_339 = tpu.memref_slice %run_scoped3A_17[%rem3A_330] : memref<2x!tpu.dma_semaphore, #tpu.memory_space<semaphore_mem>> -> memref<1x!tpu.dma_semaphore, #tpu.memory_space<semaphore_mem>>
            %dma_start3A_340 = tpu.memref_squeeze %dma_start3A_339 : memref<1x!tpu.dma_semaphore, #tpu.memory_space<semaphore_mem>> -> memref<!tpu.dma_semaphore, #tpu.memory_space<semaphore_mem>>
            %dma_start3A_341 = arith.constant 0 : i32
            %dma_start3A_342 = arith.constant 0 : i32
            %dma_start3A_343 = tpu.memref_slice %run_scoped3A[%rem3A_330, %dma_start3A_341, %dma_start3A_342] : memref<2x128x256xf32, #tpu.memory_space<vmem>> -> memref<1x128x256xf32, #tpu.memory_space<vmem>>
            %dma_start3A_344 = tpu.memref_squeeze %dma_start3A_343 : memref<1x128x256xf32, #tpu.memory_space<vmem>> -> memref<128x256xf32, #tpu.memory_space<vmem>>
            %dma_start3A_345 = arith.constant 0 : i32
            %dma_start3A_346 = tpu.memref_slice %arg2[%mul3A_332, %dma_start3A_345] : memref<1024x256xf32, #tpu.memory_space<hbm>> -> memref<128x256xf32, #tpu.memory_space<hbm>>
            tpu.enqueue_dma source(%dma_start3A_346 : memref<128x256xf32, #tpu.memory_space<hbm>>) target(%dma_start3A_344 : memref<128x256xf32, #tpu.memory_space<vmem>>) target_semaphore(%dma_start3A_340 : memref<!tpu.dma_semaphore, #tpu.memory_space<semaphore_mem>>)
            "tpu.trace_stop"() : () -> ()
          } else {
          }
          %and3A_217 = arith.constant true
          %and3A_218 = arith.andi %and3A, %and3A_217 : i1
          %add3A_219 = arith.constant 1 : i32
          %add3A_220 = arith.addi %while3A_167, %add3A_219 : i32
          %select_n3A_221 = arith.select %and3A_218, %add3A_220, %while3A_167 : i32
          %ne3A_222 = arith.cmpi ne, %add3A_179, %add3A_197 : i32
          %or3A_223 = arith.constant false
          %or3A_224 = arith.ori %or3A_223, %ne3A_222 : i1
          %sub3A_225 = arith.constant 2 : i32
          %sub3A_226 = arith.subi %mul3A_173, %sub3A_225 : i32
          %add3A_227 = arith.constant 1 : i32
          %add3A_228 = arith.addi %sub3A_226, %add3A_227 : i32
          %ge3A_229 = arith.cmpi sge, %while3A_166, %add3A_228 : i32
          %not3A_230 = arith.constant true
          %not3A_231 = arith.xori %ge3A_229, %not3A_230 : i1
          %and3A_232 = arith.andi %or3A_224, %not3A_231 : i1
          %convert_element_type3A_233 = arith.extui %and3A_232 : i1 to i32
          %cond3A_234 = arith.constant 0 : i32
          %cond3A_235 = arith.cmpi ne, %convert_element_type3A_233, %cond3A_234 : i32
          scf.if %cond3A_235 {
            "tpu.trace_start"() <{level = 10 : i32, message = "ep_copy_in"}> : () -> ()
            %rem3A_329 = arith.constant 2 : i32
            %rem3A_330 = arith.remui %while3A_169, %rem3A_329 : i32
            %mul3A_331 = arith.constant 128 : i32
            %mul3A_332 = arith.muli %mul3A_331, %add3A_197 : i32
            %dma_start3A_333 = arith.constant 0 : i32
            %dma_start3A_334 = arith.constant 0 : i32
            %dma_start3A_335 = tpu.memref_slice %run_scoped3A_18[%rem3A_330, %dma_start3A_333, %dma_start3A_334] : memref<2x1x128xi32, #tpu.memory_space<vmem>> -> memref<1x1x128xi32, #tpu.memory_space<vmem>>
            %dma_start3A_336 = tpu.memref_squeeze %dma_start3A_335 : memref<1x1x128xi32, #tpu.memory_space<vmem>> -> memref<1x128xi32, #tpu.memory_space<vmem>>
            %dma_start3A_337 = arith.constant 0 : i32
            %dma_start3A_338 = tpu.memref_slice %arg3[%dma_start3A_337, %mul3A_332] : memref<1x1024xi32, #tpu.memory_space<hbm>> -> memref<1x128xi32, #tpu.memory_space<hbm>>
            %dma_start3A_339 = tpu.memref_slice %run_scoped3A_19[%rem3A_330] : memref<2x!tpu.dma_semaphore, #tpu.memory_space<semaphore_mem>> -> memref<1x!tpu.dma_semaphore, #tpu.memory_space<semaphore_mem>>
            %dma_start3A_340 = tpu.memref_squeeze %dma_start3A_339 : memref<1x!tpu.dma_semaphore, #tpu.memory_space<semaphore_mem>> -> memref<!tpu.dma_semaphore, #tpu.memory_space<semaphore_mem>>
            %dma_start3A_341 = arith.constant 0 : i32
            %dma_start3A_342 = arith.constant 0 : i32
            %dma_start3A_343 = tpu.memref_slice %run_scoped3A_18[%rem3A_330, %dma_start3A_341, %dma_start3A_342] : memref<2x1x128xi32, #tpu.memory_space<vmem>> -> memref<1x1x128xi32, #tpu.memory_space<vmem>>
            %dma_start3A_344 = tpu.memref_squeeze %dma_start3A_343 : memref<1x1x128xi32, #tpu.memory_space<vmem>> -> memref<1x128xi32, #tpu.memory_space<vmem>>
            %dma_start3A_345 = arith.constant 0 : i32
            %dma_start3A_346 = tpu.memref_slice %arg3[%dma_start3A_345, %mul3A_332] : memref<1x1024xi32, #tpu.memory_space<hbm>> -> memref<1x128xi32, #tpu.memory_space<hbm>>
            tpu.enqueue_dma source(%dma_start3A_346 : memref<1x128xi32, #tpu.memory_space<hbm>>) target(%dma_start3A_344 : memref<1x128xi32, #tpu.memory_space<vmem>>) target_semaphore(%dma_start3A_340 : memref<!tpu.dma_semaphore, #tpu.memory_space<semaphore_mem>>)
            "tpu.trace_stop"() : () -> ()
          } else {
          }
          %and3A_236 = arith.constant true
          %and3A_237 = arith.andi %and3A_232, %and3A_236 : i1
          %add3A_238 = arith.constant 1 : i32
          %add3A_239 = arith.addi %while3A_169, %add3A_238 : i32
          %select_n3A_240 = arith.select %and3A_237, %add3A_239, %while3A_169 : i32
          %ne3A_241 = arith.cmpi ne, %add3A_179, %add3A_189 : i32
          %or3A_242 = arith.constant false
          %or3A_243 = arith.ori %or3A_242, %ne3A_241 : i1
          %or3A_244 = arith.constant false
          %or3A_245 = arith.ori %or3A_243, %or3A_244 : i1
          %or3A_246 = arith.ori %or3A_245, %eq3A_175 : i1
          %convert_element_type3A_247 = arith.extui %or3A_246 : i1 to i32
          %cond3A_248 = arith.constant 0 : i32
          %cond3A_249 = arith.cmpi ne, %convert_element_type3A_247, %cond3A_248 : i32
          scf.if %cond3A_249 {
            "tpu.trace_start"() <{level = 10 : i32, message = "ep_wait_in"}> : () -> ()
            %mul3A_329 = arith.constant 128 : i32
            %mul3A_330 = arith.muli %mul3A_329, %add3A_179 : i32
            %rem3A_331 = arith.constant 2 : i32
            %rem3A_332 = arith.remui %while3A_168, %rem3A_331 : i32
            %dma_wait3A = arith.constant 0 : i32
            %dma_wait3A_333 = arith.constant 0 : i32
            %dma_wait3A_334 = tpu.memref_slice %run_scoped3A[%rem3A_332, %dma_wait3A, %dma_wait3A_333] : memref<2x128x256xf32, #tpu.memory_space<vmem>> -> memref<1x128x256xf32, #tpu.memory_space<vmem>>
            %dma_wait3A_335 = tpu.memref_squeeze %dma_wait3A_334 : memref<1x128x256xf32, #tpu.memory_space<vmem>> -> memref<128x256xf32, #tpu.memory_space<vmem>>
            %dma_wait3A_336 = arith.constant 0 : i32
            %dma_wait3A_337 = tpu.memref_slice %arg2[%mul3A_330, %dma_wait3A_336] : memref<1024x256xf32, #tpu.memory_space<hbm>> -> memref<128x256xf32, #tpu.memory_space<hbm>>
            %dma_wait3A_338 = tpu.memref_slice %run_scoped3A_17[%rem3A_332] : memref<2x!tpu.dma_semaphore, #tpu.memory_space<semaphore_mem>> -> memref<1x!tpu.dma_semaphore, #tpu.memory_space<semaphore_mem>>
            %dma_wait3A_339 = tpu.memref_squeeze %dma_wait3A_338 : memref<1x!tpu.dma_semaphore, #tpu.memory_space<semaphore_mem>> -> memref<!tpu.dma_semaphore, #tpu.memory_space<semaphore_mem>>
            %dma_wait3A_340 = arith.constant 0 : i32
            %dma_wait3A_341 = arith.constant 0 : i32
            %dma_wait3A_342 = tpu.memref_slice %run_scoped3A[%rem3A_332, %dma_wait3A_340, %dma_wait3A_341] : memref<2x128x256xf32, #tpu.memory_space<vmem>> -> memref<1x128x256xf32, #tpu.memory_space<vmem>>
            %dma_wait3A_343 = tpu.memref_squeeze %dma_wait3A_342 : memref<1x128x256xf32, #tpu.memory_space<vmem>> -> memref<128x256xf32, #tpu.memory_space<vmem>>
            %dma_wait3A_344 = arith.constant 0 : i32
            %dma_wait3A_345 = tpu.memref_slice %arg2[%mul3A_330, %dma_wait3A_344] : memref<1024x256xf32, #tpu.memory_space<hbm>> -> memref<128x256xf32, #tpu.memory_space<hbm>>
            tpu.wait_dma2 semaphore(%dma_wait3A_339 : memref<!tpu.dma_semaphore, #tpu.memory_space<semaphore_mem>>) src(%dma_wait3A_345 : memref<128x256xf32, #tpu.memory_space<hbm>>) dst(%dma_wait3A_343 : memref<128x256xf32, #tpu.memory_space<vmem>>)
            "tpu.trace_stop"() : () -> ()
          } else {
          }
          %ne3A_250 = arith.cmpi ne, %add3A_179, %add3A_189 : i32
          %or3A_251 = arith.constant false
          %or3A_252 = arith.ori %or3A_251, %ne3A_250 : i1
          %or3A_253 = arith.ori %or3A_252, %eq3A_175 : i1
          %convert_element_type3A_254 = arith.extui %or3A_253 : i1 to i32
          %cond3A_255 = arith.constant 0 : i32
          %cond3A_256 = arith.cmpi ne, %convert_element_type3A_254, %cond3A_255 : i32
          scf.if %cond3A_256 {
            "tpu.trace_start"() <{level = 10 : i32, message = "ep_wait_in"}> : () -> ()
            %mul3A_329 = arith.constant 128 : i32
            %mul3A_330 = arith.muli %mul3A_329, %add3A_179 : i32
            %rem3A_331 = arith.constant 2 : i32
            %rem3A_332 = arith.remui %while3A_170, %rem3A_331 : i32
            %dma_wait3A = arith.constant 0 : i32
            %dma_wait3A_333 = arith.constant 0 : i32
            %dma_wait3A_334 = tpu.memref_slice %run_scoped3A_18[%rem3A_332, %dma_wait3A, %dma_wait3A_333] : memref<2x1x128xi32, #tpu.memory_space<vmem>> -> memref<1x1x128xi32, #tpu.memory_space<vmem>>
            %dma_wait3A_335 = tpu.memref_squeeze %dma_wait3A_334 : memref<1x1x128xi32, #tpu.memory_space<vmem>> -> memref<1x128xi32, #tpu.memory_space<vmem>>
            %dma_wait3A_336 = arith.constant 0 : i32
            %dma_wait3A_337 = tpu.memref_slice %arg3[%dma_wait3A_336, %mul3A_330] : memref<1x1024xi32, #tpu.memory_space<hbm>> -> memref<1x128xi32, #tpu.memory_space<hbm>>
            %dma_wait3A_338 = tpu.memref_slice %run_scoped3A_19[%rem3A_332] : memref<2x!tpu.dma_semaphore, #tpu.memory_space<semaphore_mem>> -> memref<1x!tpu.dma_semaphore, #tpu.memory_space<semaphore_mem>>
            %dma_wait3A_339 = tpu.memref_squeeze %dma_wait3A_338 : memref<1x!tpu.dma_semaphore, #tpu.memory_space<semaphore_mem>> -> memref<!tpu.dma_semaphore, #tpu.memory_space<semaphore_mem>>
            %dma_wait3A_340 = arith.constant 0 : i32
            %dma_wait3A_341 = arith.constant 0 : i32
            %dma_wait3A_342 = tpu.memref_slice %run_scoped3A_18[%rem3A_332, %dma_wait3A_340, %dma_wait3A_341] : memref<2x1x128xi32, #tpu.memory_space<vmem>> -> memref<1x1x128xi32, #tpu.memory_space<vmem>>
            %dma_wait3A_343 = tpu.memref_squeeze %dma_wait3A_342 : memref<1x1x128xi32, #tpu.memory_space<vmem>> -> memref<1x128xi32, #tpu.memory_space<vmem>>
            %dma_wait3A_344 = arith.constant 0 : i32
            %dma_wait3A_345 = tpu.memref_slice %arg3[%dma_wait3A_344, %mul3A_330] : memref<1x1024xi32, #tpu.memory_space<hbm>> -> memref<1x128xi32, #tpu.memory_space<hbm>>
            tpu.wait_dma2 semaphore(%dma_wait3A_339 : memref<!tpu.dma_semaphore, #tpu.memory_space<semaphore_mem>>) src(%dma_wait3A_345 : memref<1x128xi32, #tpu.memory_space<hbm>>) dst(%dma_wait3A_343 : memref<1x128xi32, #tpu.memory_space<vmem>>)
            "tpu.trace_stop"() : () -> ()
          } else {
          }
          %rem3A_257 = arith.constant 2 : i32
          %rem3A_258 = arith.remui %while3A_168, %rem3A_257 : i32
          %rem3A_259 = arith.constant 2 : i32
          %rem3A_260 = arith.remui %while3A_170, %rem3A_259 : i32
          %run_scoped3A_261 = arith.constant 0 : i32
          "tpu.trace_start"() <{level = 10 : i32, message = "ep_run_kernel"}> : () -> ()
          "tpu.region"() ({
            %run_scoped3A_329 = tpu.sem_alloc : memref<!tpu.dma_semaphore, #tpu.memory_space<semaphore_mem>>
            %dma_start3A_330 = arith.constant 0 : i32
            %dma_start3A_331 = arith.constant 0 : i32
            %dma_start3A_332 = tpu.memref_slice %run_scoped3A[%rem3A_258, %dma_start3A_330, %dma_start3A_331] : memref<2x128x256xf32, #tpu.memory_space<vmem>> -> memref<1x128x256xf32, #tpu.memory_space<vmem>>
            %dma_start3A_333 = tpu.memref_squeeze %dma_start3A_332 : memref<1x128x256xf32, #tpu.memory_space<vmem>> -> memref<128x256xf32, #tpu.memory_space<vmem>>
            %dma_start3A_334 = arith.constant 0 : i32
            %dma_start3A_335 = arith.constant 0 : i32
            %dma_start3A_336 = tpu.memref_slice %run_scoped3A_18[%rem3A_260, %dma_start3A_334, %dma_start3A_335] : memref<2x1x128xi32, #tpu.memory_space<vmem>> -> memref<1x1x128xi32, #tpu.memory_space<vmem>>
            %dma_start3A_337 = tpu.memref_squeeze %dma_start3A_336 : memref<1x1x128xi32, #tpu.memory_space<vmem>> -> memref<1x128xi32, #tpu.memory_space<vmem>>
            %dma_start3A_338 = arith.constant 0 : i32
            %dma_start3A_339 = tpu.memref_slice %dma_start3A_337[%run_scoped3A_261, %dma_start3A_338] : memref<1x128xi32, #tpu.memory_space<vmem>> -> memref<1x128xi32, #tpu.memory_space<vmem>>
            %dma_start3A_340 = tpu.memref_squeeze %dma_start3A_339 : memref<1x128xi32, #tpu.memory_space<vmem>> -> memref<128xi32, #tpu.memory_space<vmem>>
            %dma_start3A_341 = arith.constant 0 : i32
            %dma_start3A_342 = arith.constant 0 : i32
            %dma_start3A_343 = tpu.memref_slice %arg4[%dma_start3A_341, %dma_start3A_342] : memref<3072x256xf32, #tpu.memory_space<hbm>> -> memref<3072x256xf32, #tpu.memory_space<hbm>>
            tpu.enqueue_indirect_dma source(%dma_start3A_333 : memref<128x256xf32, #tpu.memory_space<vmem>>) target(%dma_start3A_343 : memref<3072x256xf32, #tpu.memory_space<hbm>>) offsets(%dma_start3A_340 : memref<128xi32, #tpu.memory_space<vmem>>) semaphore(%run_scoped3A_329 : memref<!tpu.dma_semaphore, #tpu.memory_space<semaphore_mem>>)
            %dma_wait3A = arith.constant 0 : i32
            %dma_wait3A_344 = arith.constant 0 : i32
            %dma_wait3A_345 = tpu.memref_slice %run_scoped3A[%rem3A_258, %dma_wait3A, %dma_wait3A_344] : memref<2x128x256xf32, #tpu.memory_space<vmem>> -> memref<1x128x256xf32, #tpu.memory_space<vmem>>
            %dma_wait3A_346 = tpu.memref_squeeze %dma_wait3A_345 : memref<1x128x256xf32, #tpu.memory_space<vmem>> -> memref<128x256xf32, #tpu.memory_space<vmem>>
            %dma_wait3A_347 = arith.constant 0 : i32
            %dma_wait3A_348 = arith.constant 0 : i32
            %dma_wait3A_349 = tpu.memref_slice %run_scoped3A_18[%rem3A_260, %dma_wait3A_347, %dma_wait3A_348] : memref<2x1x128xi32, #tpu.memory_space<vmem>> -> memref<1x1x128xi32, #tpu.memory_space<vmem>>
            %dma_wait3A_350 = tpu.memref_squeeze %dma_wait3A_349 : memref<1x1x128xi32, #tpu.memory_space<vmem>> -> memref<1x128xi32, #tpu.memory_space<vmem>>
            %dma_wait3A_351 = arith.constant 0 : i32
            %dma_wait3A_352 = tpu.memref_slice %dma_wait3A_350[%run_scoped3A_261, %dma_wait3A_351] : memref<1x128xi32, #tpu.memory_space<vmem>> -> memref<1x128xi32, #tpu.memory_space<vmem>>
            %dma_wait3A_353 = tpu.memref_squeeze %dma_wait3A_352 : memref<1x128xi32, #tpu.memory_space<vmem>> -> memref<128xi32, #tpu.memory_space<vmem>>
            %dma_wait3A_354 = arith.constant 0 : i32
            %dma_wait3A_355 = arith.constant 0 : i32
            %dma_wait3A_356 = tpu.memref_slice %arg4[%dma_wait3A_354, %dma_wait3A_355] : memref<3072x256xf32, #tpu.memory_space<hbm>> -> memref<3072x256xf32, #tpu.memory_space<hbm>>
            tpu.wait_indirect_dma semaphore(%run_scoped3A_329 : memref<!tpu.dma_semaphore, #tpu.memory_space<semaphore_mem>>) src(%dma_wait3A_346 : memref<128x256xf32, #tpu.memory_space<vmem>>) dst(%dma_wait3A_356 : memref<3072x256xf32, #tpu.memory_space<hbm>>)
            tpu.yield
          }) : () -> ()
          "tpu.trace_stop"() : () -> ()
          %ne3A_262 = arith.cmpi ne, %add3A_179, %add3A_197 : i32
          %or3A_263 = arith.constant false
          %or3A_264 = arith.ori %or3A_263, %ne3A_262 : i1
          %or3A_265 = arith.constant false
          %or3A_266 = arith.ori %or3A_264, %or3A_265 : i1
          %or3A_267 = arith.ori %or3A_266, %eq3A_178 : i1
          %convert_element_type3A_268 = arith.extui %or3A_267 : i1 to i32
          %cond3A_269 = arith.constant 0 : i32
          %cond3A_270 = arith.cmpi ne, %convert_element_type3A_268, %cond3A_269 : i32
          scf.if %cond3A_270 {
          } else {
          }
          %and3A_271 = arith.constant false
          %and3A_272 = arith.andi %or3A_267, %and3A_271 : i1
          %ne3A_273 = arith.cmpi ne, %add3A_179, %add3A_197 : i32
          %or3A_274 = arith.constant false
          %or3A_275 = arith.ori %or3A_274, %ne3A_273 : i1
          %or3A_276 = arith.ori %or3A_275, %eq3A_178 : i1
          %convert_element_type3A_277 = arith.extui %or3A_276 : i1 to i32
          %cond3A_278 = arith.constant 0 : i32
          %cond3A_279 = arith.cmpi ne, %convert_element_type3A_277, %cond3A_278 : i32
          scf.if %cond3A_279 {
          } else {
          }
          %and3A_280 = arith.constant false
          %and3A_281 = arith.andi %or3A_276, %and3A_280 : i1
          %ne3A_282 = arith.cmpi ne, %add3A_179, %add3A_189 : i32
          %or3A_283 = arith.constant false
          %or3A_284 = arith.ori %or3A_283, %ne3A_282 : i1
          %or3A_285 = arith.constant false
          %or3A_286 = arith.ori %or3A_284, %or3A_285 : i1
          %not3A_287 = arith.constant true
          %not3A_288 = arith.xori %eq3A_175, %not3A_287 : i1
          %and3A_289 = arith.andi %or3A_286, %not3A_288 : i1
          %convert_element_type3A_290 = arith.extui %and3A_289 : i1 to i32
          %cond3A_291 = arith.constant 0 : i32
          %cond3A_292 = arith.cmpi ne, %convert_element_type3A_290, %cond3A_291 : i32
          scf.if %cond3A_292 {
          } else {
          }
          %and3A_293 = arith.constant false
          %and3A_294 = arith.andi %and3A_289, %and3A_293 : i1
          %ne3A_295 = arith.cmpi ne, %add3A_179, %add3A_189 : i32
          %or3A_296 = arith.constant false
          %or3A_297 = arith.ori %or3A_296, %ne3A_295 : i1
          %not3A_298 = arith.constant true
          %not3A_299 = arith.xori %eq3A_175, %not3A_298 : i1
          %and3A_300 = arith.andi %or3A_297, %not3A_299 : i1
          %convert_element_type3A_301 = arith.extui %and3A_300 : i1 to i32
          %cond3A_302 = arith.constant 0 : i32
          %cond3A_303 = arith.cmpi ne, %convert_element_type3A_301, %cond3A_302 : i32
          scf.if %cond3A_303 {
          } else {
          }
          %and3A_304 = arith.constant false
          %and3A_305 = arith.andi %and3A_300, %and3A_304 : i1
          %ne3A_306 = arith.cmpi ne, %add3A_179, %add3A_197 : i32
          %or3A_307 = arith.constant false
          %or3A_308 = arith.ori %or3A_307, %ne3A_306 : i1
          %or3A_309 = arith.constant false
          %or3A_310 = arith.ori %or3A_308, %or3A_309 : i1
          %or3A_311 = arith.ori %or3A_310, %eq3A_178 : i1
          %add3A_312 = arith.constant 1 : i32
          %add3A_313 = arith.addi %while3A_168, %add3A_312 : i32
          %select_n3A_314 = arith.select %or3A_311, %add3A_313, %while3A_168 : i32
          %ne3A_315 = arith.cmpi ne, %add3A_179, %add3A_197 : i32
          %or3A_316 = arith.constant false
          %or3A_317 = arith.ori %or3A_316, %ne3A_315 : i1
          %or3A_318 = arith.ori %or3A_317, %eq3A_178 : i1
          %add3A_319 = arith.constant 1 : i32
          %add3A_320 = arith.addi %while3A_170, %add3A_319 : i32
          %select_n3A_321 = arith.select %or3A_318, %add3A_320, %while3A_170 : i32
          %add3A_322 = arith.constant 1 : i32
          %add3A_323 = arith.addi %while3A_171, %add3A_322 : i32
          %select_n3A_324 = arith.constant true
          %select_n3A_325 = arith.select %select_n3A_324, %add3A_323, %while3A_171 : i32
          %eq3A_326 = arith.cmpi eq, %select_n3A_325, %select_n3A : i32
          %select_n3A_327 = arith.constant 0 : i32
          %select_n3A_328 = arith.select %eq3A_326, %select_n3A_327, %select_n3A_325 : i32
          scf.yield %select_n3A_221, %select_n3A_314, %select_n3A_240, %select_n3A_321, %select_n3A_328 : i32, i32, i32, i32, i32
        }
        %sub3A_115 = arith.constant 1 : i32
        %sub3A_116 = arith.subi %while3A_114#4, %sub3A_115 : i32
        %select_n3A_117 = arith.constant true
        %select_n3A_118 = arith.select %select_n3A_117, %sub3A_116, %while3A_114#4 : i32
        %eq3A_119 = arith.constant -1 : i32
        %eq3A_120 = arith.cmpi eq, %select_n3A_118, %eq3A_119 : i32
        %sub3A_121 = arith.constant 1 : i32
        %sub3A_122 = arith.subi %select_n3A, %sub3A_121 : i32
        %select_n3A_123 = arith.select %eq3A_120, %sub3A_122, %select_n3A_118 : i32
        %sub3A_124 = arith.constant 1 : i32
        %sub3A_125 = arith.subi %mul3A_16, %sub3A_124 : i32
        %mul3A_126 = arith.constant 1 : i32
        %mul3A_127 = arith.muli %mul3A_126, %select_n3A : i32
        %eq3A_128 = arith.constant 0 : i32
        %eq3A_129 = arith.cmpi eq, %sub3A_125, %eq3A_128 : i32
        %sub3A_130 = arith.constant 1 : i32
        %sub3A_131 = arith.subi %mul3A_127, %sub3A_130 : i32
        %eq3A_132 = arith.cmpi eq, %sub3A_125, %sub3A_131 : i32
        %add3A_133 = arith.addi %select_n3A_123, %select_n3A_14 : i32
        %sub3A_134 = arith.constant 1 : i32
        %sub3A_135 = arith.subi %select_n3A_123, %sub3A_134 : i32
        %select_n3A_136 = arith.constant true
        %select_n3A_137 = arith.select %select_n3A_136, %sub3A_135, %select_n3A_123 : i32
        %eq3A_138 = arith.constant -1 : i32
        %eq3A_139 = arith.cmpi eq, %select_n3A_137, %eq3A_138 : i32
        %sub3A_140 = arith.constant 1 : i32
        %sub3A_141 = arith.subi %select_n3A, %sub3A_140 : i32
        %select_n3A_142 = arith.select %eq3A_139, %sub3A_141, %select_n3A_137 : i32
        %add3A_143 = arith.addi %select_n3A_142, %select_n3A_14 : i32
        %add3A_144 = arith.constant 1 : i32
        %add3A_145 = arith.addi %select_n3A_123, %add3A_144 : i32
        %select_n3A_146 = arith.constant true
        %select_n3A_147 = arith.select %select_n3A_146, %add3A_145, %select_n3A_123 : i32
        %eq3A_148 = arith.cmpi eq, %select_n3A_147, %select_n3A : i32
        %select_n3A_149 = arith.constant 0 : i32
        %select_n3A_150 = arith.select %eq3A_148, %select_n3A_149, %select_n3A_147 : i32
        %add3A_151 = arith.addi %select_n3A_150, %select_n3A_14 : i32
        %add3A_152 = arith.constant 1 : i32
        %add3A_153 = arith.addi %select_n3A_150, %add3A_152 : i32
        %select_n3A_154 = arith.constant true
        %select_n3A_155 = arith.select %select_n3A_154, %add3A_153, %select_n3A_150 : i32
        %eq3A_156 = arith.cmpi eq, %select_n3A_155, %select_n3A : i32
        %select_n3A_157 = arith.constant 0 : i32
        %select_n3A_158 = arith.select %eq3A_156, %select_n3A_157, %select_n3A_155 : i32
        %add3A_159 = arith.addi %select_n3A_158, %select_n3A_14 : i32
        %convert_element_type3A_160 = arith.extui %eq3A_132 : i1 to i32
        %cond3A_161 = arith.constant 0 : i32
        %cond3A_162 = arith.cmpi ne, %convert_element_type3A_160, %cond3A_161 : i32
        scf.if %cond3A_162 {
        } else {
        }
        %convert_element_type3A_163 = arith.extui %eq3A_132 : i1 to i32
        %cond3A_164 = arith.constant 0 : i32
        %cond3A_165 = arith.cmpi ne, %convert_element_type3A_163, %cond3A_164 : i32
        scf.if %cond3A_165 {
        } else {
        }
      } else {
      }
      tpu.yield
    }) : () -> ()
    return
  }
}

module attributes {stable_mosaic.version = 14 : i64} {
  func.func @_route_kernel(%arg0: memref<1x1024xi32, #tpu.memory_space<vmem>>, %arg1: memref<1x1024xi32, #tpu.memory_space<vmem>>, %arg2: memref<64x1xi32, #tpu.memory_space<vmem>>, %arg3: memref<64x1xi32, #tpu.memory_space<vmem>>) attributes {dimension_semantics = [], scalar_prefetch = 0 : i64, scratch_operands = 0 : i64, tpu.core_type = #tpu.core_type<tc>} {
    %get3A = arith.constant 0 : index
    %get3A_0 = arith.constant 0 : index
    %get3A_1 = vector.load %arg0[%get3A, %get3A_0] : memref<1x1024xi32, #tpu.memory_space<vmem>>, vector<1x1024xi32>
    %iota3A = tpu.iota {dimensions = array<i32: 0>} : vector<64x1024xi32>
    %eq3A = vector.broadcast %get3A_1 : vector<1x1024xi32> to vector<64x1024xi32>
    %eq3A_2 = arith.cmpi eq, %eq3A, %iota3A : vector<64x1024xi32>
    %convert_element_type3A = arith.extui %eq3A_2 : vector<64x1024xi1> to vector<64x1024xi32>
    %broadcast_in_dim3A = arith.constant 0 : i32
    %broadcast_in_dim3A_3 = vector.broadcast %broadcast_in_dim3A : i32 to vector<64x1xi32>
    %slice3A = vector.extract_strided_slice %convert_element_type3A {offsets = [0, 0], sizes = [64, 1023], strides = [1, 1]} : vector<64x1024xi32> to vector<64x1023xi32>
    %concatenate3A = tpu.concatenate %broadcast_in_dim3A_3, %slice3A in 1 : vector<64x1xi32>, vector<64x1023xi32> -> vector<64x1024xi32>
    %add3A = arith.addi %convert_element_type3A, %concatenate3A : vector<64x1024xi32>
    %broadcast_in_dim3A_4 = arith.constant 0 : i32
    %broadcast_in_dim3A_5 = vector.broadcast %broadcast_in_dim3A_4 : i32 to vector<64x2xi32>
    %slice3A_6 = vector.extract_strided_slice %add3A {offsets = [0, 0], sizes = [64, 1022], strides = [1, 1]} : vector<64x1024xi32> to vector<64x1022xi32>
    %concatenate3A_7 = tpu.concatenate %broadcast_in_dim3A_5, %slice3A_6 in 1 : vector<64x2xi32>, vector<64x1022xi32> -> vector<64x1024xi32>
    %add3A_8 = arith.addi %add3A, %concatenate3A_7 : vector<64x1024xi32>
    %broadcast_in_dim3A_9 = arith.constant 0 : i32
    %broadcast_in_dim3A_10 = vector.broadcast %broadcast_in_dim3A_9 : i32 to vector<64x4xi32>
    %slice3A_11 = vector.extract_strided_slice %add3A_8 {offsets = [0, 0], sizes = [64, 1020], strides = [1, 1]} : vector<64x1024xi32> to vector<64x1020xi32>
    %concatenate3A_12 = tpu.concatenate %broadcast_in_dim3A_10, %slice3A_11 in 1 : vector<64x4xi32>, vector<64x1020xi32> -> vector<64x1024xi32>
    %add3A_13 = arith.addi %add3A_8, %concatenate3A_12 : vector<64x1024xi32>
    %broadcast_in_dim3A_14 = arith.constant 0 : i32
    %broadcast_in_dim3A_15 = vector.broadcast %broadcast_in_dim3A_14 : i32 to vector<64x8xi32>
    %slice3A_16 = vector.extract_strided_slice %add3A_13 {offsets = [0, 0], sizes = [64, 1016], strides = [1, 1]} : vector<64x1024xi32> to vector<64x1016xi32>
    %concatenate3A_17 = tpu.concatenate %broadcast_in_dim3A_15, %slice3A_16 in 1 : vector<64x8xi32>, vector<64x1016xi32> -> vector<64x1024xi32>
    %add3A_18 = arith.addi %add3A_13, %concatenate3A_17 : vector<64x1024xi32>
    %broadcast_in_dim3A_19 = arith.constant 0 : i32
    %broadcast_in_dim3A_20 = vector.broadcast %broadcast_in_dim3A_19 : i32 to vector<64x16xi32>
    %slice3A_21 = vector.extract_strided_slice %add3A_18 {offsets = [0, 0], sizes = [64, 1008], strides = [1, 1]} : vector<64x1024xi32> to vector<64x1008xi32>
    %concatenate3A_22 = tpu.concatenate %broadcast_in_dim3A_20, %slice3A_21 in 1 : vector<64x16xi32>, vector<64x1008xi32> -> vector<64x1024xi32>
    %add3A_23 = arith.addi %add3A_18, %concatenate3A_22 : vector<64x1024xi32>
    %broadcast_in_dim3A_24 = arith.constant 0 : i32
    %broadcast_in_dim3A_25 = vector.broadcast %broadcast_in_dim3A_24 : i32 to vector<64x32xi32>
    %slice3A_26 = vector.extract_strided_slice %add3A_23 {offsets = [0, 0], sizes = [64, 992], strides = [1, 1]} : vector<64x1024xi32> to vector<64x992xi32>
    %concatenate3A_27 = tpu.concatenate %broadcast_in_dim3A_25, %slice3A_26 in 1 : vector<64x32xi32>, vector<64x992xi32> -> vector<64x1024xi32>
    %add3A_28 = arith.addi %add3A_23, %concatenate3A_27 : vector<64x1024xi32>
    %broadcast_in_dim3A_29 = arith.constant 0 : i32
    %broadcast_in_dim3A_30 = vector.broadcast %broadcast_in_dim3A_29 : i32 to vector<64x64xi32>
    %slice3A_31 = vector.extract_strided_slice %add3A_28 {offsets = [0, 0], sizes = [64, 960], strides = [1, 1]} : vector<64x1024xi32> to vector<64x960xi32>
    %concatenate3A_32 = tpu.concatenate %broadcast_in_dim3A_30, %slice3A_31 in 1 : vector<64x64xi32>, vector<64x960xi32> -> vector<64x1024xi32>
    %add3A_33 = arith.addi %add3A_28, %concatenate3A_32 : vector<64x1024xi32>
    %broadcast_in_dim3A_34 = arith.constant 0 : i32
    %broadcast_in_dim3A_35 = vector.broadcast %broadcast_in_dim3A_34 : i32 to vector<64x128xi32>
    %slice3A_36 = vector.extract_strided_slice %add3A_33 {offsets = [0, 0], sizes = [64, 896], strides = [1, 1]} : vector<64x1024xi32> to vector<64x896xi32>
    %concatenate3A_37 = tpu.concatenate %broadcast_in_dim3A_35, %slice3A_36 in 1 : vector<64x128xi32>, vector<64x896xi32> -> vector<64x1024xi32>
    %add3A_38 = arith.addi %add3A_33, %concatenate3A_37 : vector<64x1024xi32>
    %broadcast_in_dim3A_39 = arith.constant 0 : i32
    %broadcast_in_dim3A_40 = vector.broadcast %broadcast_in_dim3A_39 : i32 to vector<64x256xi32>
    %slice3A_41 = vector.extract_strided_slice %add3A_38 {offsets = [0, 0], sizes = [64, 768], strides = [1, 1]} : vector<64x1024xi32> to vector<64x768xi32>
    %concatenate3A_42 = tpu.concatenate %broadcast_in_dim3A_40, %slice3A_41 in 1 : vector<64x256xi32>, vector<64x768xi32> -> vector<64x1024xi32>
    %add3A_43 = arith.addi %add3A_38, %concatenate3A_42 : vector<64x1024xi32>
    %broadcast_in_dim3A_44 = arith.constant 0 : i32
    %broadcast_in_dim3A_45 = vector.broadcast %broadcast_in_dim3A_44 : i32 to vector<64x512xi32>
    %slice3A_46 = vector.extract_strided_slice %add3A_43 {offsets = [0, 0], sizes = [64, 512], strides = [1, 1]} : vector<64x1024xi32> to vector<64x512xi32>
    %concatenate3A_47 = tpu.concatenate %broadcast_in_dim3A_45, %slice3A_46 in 1 : vector<64x512xi32>, vector<64x512xi32> -> vector<64x1024xi32>
    %add3A_48 = arith.addi %add3A_43, %concatenate3A_47 : vector<64x1024xi32>
    %slice3A_49 = vector.extract_strided_slice %add3A_48 {offsets = [0, 1023], sizes = [64, 1], strides = [1, 1]} : vector<64x1024xi32> to vector<64x1xi32>
    %sub3A = arith.constant 32 : i32
    %sub3A_50 = vector.broadcast %sub3A : i32 to vector<64x1xi32>
    %sub3A_51 = arith.subi %slice3A_49, %sub3A_50 : vector<64x1xi32>
    %max3A = arith.constant 0 : i32
    %max3A_52 = vector.broadcast %max3A : i32 to vector<64x1xi32>
    %max3A_53 = arith.maxsi %sub3A_51, %max3A_52 : vector<64x1xi32>
    %add3A_54 = arith.constant 31 : i32
    %add3A_55 = vector.broadcast %add3A_54 : i32 to vector<64x1xi32>
    %add3A_56 = arith.addi %max3A_53, %add3A_55 : vector<64x1xi32>
    %shift_right_arithmetic3A = arith.constant 5 : i32
    %shift_right_arithmetic3A_57 = vector.broadcast %shift_right_arithmetic3A : i32 to vector<64x1xi32>
    %shift_right_arithmetic3A_58 = arith.shrsi %add3A_56, %shift_right_arithmetic3A_57 : vector<64x1xi32>
    %shift_left3A = arith.constant 5 : i32
    %shift_left3A_59 = vector.broadcast %shift_left3A : i32 to vector<64x1xi32>
    %shift_left3A_60 = arith.shli %shift_right_arithmetic3A_58, %shift_left3A_59 : vector<64x1xi32>
    %broadcast_in_dim3A_61 = arith.constant 0 : i32
    %broadcast_in_dim3A_62 = vector.broadcast %broadcast_in_dim3A_61 : i32 to vector<1x1xi32>
    %slice3A_63 = vector.extract_strided_slice %shift_left3A_60 {offsets = [0, 0], sizes = [63, 1], strides = [1, 1]} : vector<64x1xi32> to vector<63x1xi32>
    %concatenate3A_64 = tpu.concatenate %broadcast_in_dim3A_62, %slice3A_63 in 0 : vector<1x1xi32>, vector<63x1xi32> -> vector<64x1xi32>
    %broadcast_in_dim3A_65 = arith.constant 0 : i32
    %broadcast_in_dim3A_66 = vector.broadcast %broadcast_in_dim3A_65 : i32 to vector<1x1xi32>
    %slice3A_67 = vector.extract_strided_slice %concatenate3A_64 {offsets = [0, 0], sizes = [63, 1], strides = [1, 1]} : vector<64x1xi32> to vector<63x1xi32>
    %concatenate3A_68 = tpu.concatenate %broadcast_in_dim3A_66, %slice3A_67 in 0 : vector<1x1xi32>, vector<63x1xi32> -> vector<64x1xi32>
    %add3A_69 = arith.addi %concatenate3A_64, %concatenate3A_68 : vector<64x1xi32>
    %broadcast_in_dim3A_70 = arith.constant 0 : i32
    %broadcast_in_dim3A_71 = vector.broadcast %broadcast_in_dim3A_70 : i32 to vector<2x1xi32>
    %slice3A_72 = vector.extract_strided_slice %add3A_69 {offsets = [0, 0], sizes = [62, 1], strides = [1, 1]} : vector<64x1xi32> to vector<62x1xi32>
    %concatenate3A_73 = tpu.concatenate %broadcast_in_dim3A_71, %slice3A_72 in 0 : vector<2x1xi32>, vector<62x1xi32> -> vector<64x1xi32>
    %add3A_74 = arith.addi %add3A_69, %concatenate3A_73 : vector<64x1xi32>
    %broadcast_in_dim3A_75 = arith.constant 0 : i32
    %broadcast_in_dim3A_76 = vector.broadcast %broadcast_in_dim3A_75 : i32 to vector<4x1xi32>
    %slice3A_77 = vector.extract_strided_slice %add3A_74 {offsets = [0, 0], sizes = [60, 1], strides = [1, 1]} : vector<64x1xi32> to vector<60x1xi32>
    %concatenate3A_78 = tpu.concatenate %broadcast_in_dim3A_76, %slice3A_77 in 0 : vector<4x1xi32>, vector<60x1xi32> -> vector<64x1xi32>
    %add3A_79 = arith.addi %add3A_74, %concatenate3A_78 : vector<64x1xi32>
    %broadcast_in_dim3A_80 = arith.constant 0 : i32
    %broadcast_in_dim3A_81 = vector.broadcast %broadcast_in_dim3A_80 : i32 to vector<8x1xi32>
    %slice3A_82 = vector.extract_strided_slice %add3A_79 {offsets = [0, 0], sizes = [56, 1], strides = [1, 1]} : vector<64x1xi32> to vector<56x1xi32>
    %concatenate3A_83 = tpu.concatenate %broadcast_in_dim3A_81, %slice3A_82 in 0 : vector<8x1xi32>, vector<56x1xi32> -> vector<64x1xi32>
    %add3A_84 = arith.addi %add3A_79, %concatenate3A_83 : vector<64x1xi32>
    %broadcast_in_dim3A_85 = arith.constant 0 : i32
    %broadcast_in_dim3A_86 = vector.broadcast %broadcast_in_dim3A_85 : i32 to vector<16x1xi32>
    %slice3A_87 = vector.extract_strided_slice %add3A_84 {offsets = [0, 0], sizes = [48, 1], strides = [1, 1]} : vector<64x1xi32> to vector<48x1xi32>
    %concatenate3A_88 = tpu.concatenate %broadcast_in_dim3A_86, %slice3A_87 in 0 : vector<16x1xi32>, vector<48x1xi32> -> vector<64x1xi32>
    %add3A_89 = arith.addi %add3A_84, %concatenate3A_88 : vector<64x1xi32>
    %broadcast_in_dim3A_90 = arith.constant 0 : i32
    %broadcast_in_dim3A_91 = vector.broadcast %broadcast_in_dim3A_90 : i32 to vector<32x1xi32>
    %slice3A_92 = vector.extract_strided_slice %add3A_89 {offsets = [0, 0], sizes = [32, 1], strides = [1, 1]} : vector<64x1xi32> to vector<32x1xi32>
    %concatenate3A_93 = tpu.concatenate %broadcast_in_dim3A_91, %slice3A_92 in 0 : vector<32x1xi32>, vector<32x1xi32> -> vector<64x1xi32>
    %add3A_94 = arith.addi %add3A_89, %concatenate3A_93 : vector<64x1xi32>
    %add3A_95 = arith.constant 2048 : i32
    %add3A_96 = vector.broadcast %add3A_95 : i32 to vector<64x1xi32>
    %add3A_97 = arith.addi %add3A_94, %add3A_96 : vector<64x1xi32>
    %sub3A_98 = arith.constant 1 : i32
    %sub3A_99 = vector.broadcast %sub3A_98 : i32 to vector<64x1024xi32>
    %sub3A_100 = arith.subi %add3A_48, %sub3A_99 : vector<64x1024xi32>
    %lt3A = arith.constant 32 : i32
    %lt3A_101 = vector.broadcast %lt3A : i32 to vector<64x1024xi32>
    %lt3A_102 = arith.cmpi slt, %sub3A_100, %lt3A_101 : vector<64x1024xi32>
    %mul3A = arith.constant 32 : i32
    %mul3A_103 = vector.broadcast %mul3A : i32 to vector<64x1024xi32>
    %mul3A_104 = arith.muli %mul3A_103, %iota3A : vector<64x1024xi32>
    %add3A_105 = arith.addi %mul3A_104, %sub3A_100 : vector<64x1024xi32>
    %add3A_106 = vector.broadcast %add3A_97 : vector<64x1xi32> to vector<64x1024xi32>
    %add3A_107 = arith.addi %add3A_106, %sub3A_100 : vector<64x1024xi32>
    %sub3A_108 = arith.constant 32 : i32
    %sub3A_109 = vector.broadcast %sub3A_108 : i32 to vector<64x1024xi32>
    %sub3A_110 = arith.subi %add3A_107, %sub3A_109 : vector<64x1024xi32>
    %select_n3A = arith.select %lt3A_102, %add3A_105, %sub3A_110 : vector<64x1024xi1>, vector<64x1024xi32>
    %mul3A_111 = arith.muli %convert_element_type3A, %select_n3A : vector<64x1024xi32>
    %reduce_sum3A = arith.constant dense<0> : vector<1024xi32>
    %reduce_sum3A_112 = vector.multi_reduction <add>, %mul3A_111, %reduce_sum3A [0] : vector<64x1024xi32> to vector<1024xi32>
    %broadcast_in_dim3A_113 = vector.shape_cast %reduce_sum3A_112 : vector<1024xi32> to vector<1x1024xi32>
    %swap3A = arith.constant 0 : index
    %swap3A_114 = arith.constant 0 : index
    %swap3A_115 = vector.load %arg1[%swap3A, %swap3A_114] : memref<1x1024xi32, #tpu.memory_space<vmem>>, vector<1x1024xi32>
    tpu.vector_store %arg1[%swap3A, %swap3A_114], %broadcast_in_dim3A_113 {strides = array<i32>} : memref<1x1024xi32, #tpu.memory_space<vmem>>, vector<1x1024xi32>,
    %swap3A_116 = arith.constant 0 : index
    %swap3A_117 = arith.constant 0 : index
    %swap3A_118 = vector.load %arg2[%swap3A_116, %swap3A_117] : memref<64x1xi32, #tpu.memory_space<vmem>>, vector<64x1xi32>
    tpu.vector_store %arg2[%swap3A_116, %swap3A_117], %slice3A_49 {strides = array<i32>} : memref<64x1xi32, #tpu.memory_space<vmem>>, vector<64x1xi32>,
    %swap3A_119 = arith.constant 0 : index
    %swap3A_120 = arith.constant 0 : index
    %swap3A_121 = vector.load %arg3[%swap3A_119, %swap3A_120] : memref<64x1xi32, #tpu.memory_space<vmem>>, vector<64x1xi32>
    tpu.vector_store %arg3[%swap3A_119, %swap3A_120], %add3A_97 {strides = array<i32>} : memref<64x1xi32, #tpu.memory_space<vmem>>, vector<64x1xi32>,
    return
  }
}

module attributes {stable_mosaic.version = 14 : i64} {
  func.func @_loss_kernel(%arg0: i32, %arg1: memref<64xi32, #tpu.memory_space<smem>>, %arg2: memref<8x256x256xf32, #tpu.memory_space<vmem>>, %arg3: memref<8x256xf32, #tpu.memory_space<vmem>>, %arg4: memref<1x256x256xf32, #tpu.memory_space<vmem>>, %arg5: memref<1x256xf32, #tpu.memory_space<vmem>>, %arg6: memref<1x1xf32, #tpu.memory_space<vmem>>) attributes {dimension_semantics = [#tpu.dimension_semantics<arbitrary>], iteration_bounds = array<i64: 8>, scalar_prefetch = 1 : i64, scratch_operands = 0 : i64, tpu.core_type = #tpu.core_type<tc>, window_params = [{transform_indices = @transform_0, window_bounds = array<i64: 8, 256, 256>}, {transform_indices = @transform_1, window_bounds = array<i64: 8, 256>}, {pipeline_mode = #tpu.pipeline_mode<synchronous>, transform_indices = @transform_2, window_bounds = array<i64: 1, 256, 256>}, {pipeline_mode = #tpu.pipeline_mode<synchronous>, transform_indices = @transform_3, window_bounds = array<i64: 1, 256>}, {pipeline_mode = #tpu.pipeline_mode<synchronous>, transform_indices = @transform_4, window_bounds = array<i64: 1, 1>}]} {
    %get3A = arith.constant 0 : index
    %get3A_0 = arith.constant 0 : index
    %get3A_1 = arith.constant 0 : index
    %get3A_2 = vector.load %arg4[%get3A, %get3A_0, %get3A_1] : memref<1x256x256xf32, #tpu.memory_space<vmem>>, vector<1x256x256xf32>
    %get3A_3 = vector.shape_cast %get3A_2 : vector<1x256x256xf32> to vector<256x256xf32>
    %get3A_4 = arith.constant 0 : index
    %get3A_5 = arith.constant 0 : index
    %get3A_6 = vector.load %arg5[%get3A_4, %get3A_5] : memref<1x256xf32, #tpu.memory_space<vmem>>, vector<1x256xf32>
    %broadcast_in_dim3A = arith.constant 0.000000e+00 : f32
    %broadcast_in_dim3A_7 = vector.broadcast %broadcast_in_dim3A : f32 to vector<1x256xf32>
    %broadcast_in_dim3A_8 = arith.constant 0.000000e+00 : f32
    %broadcast_in_dim3A_9 = vector.broadcast %broadcast_in_dim3A_8 : f32 to vector<1x256xf32>
    %mul3A = arith.constant 8 : i32
    %mul3A_10 = arith.muli %arg0, %mul3A : i32
    %add3A = arith.constant 0 : i32
    %add3A_11 = arith.addi %mul3A_10, %add3A : i32
    %get3A_12 = arith.index_cast %add3A_11 : i32 to index
    %get3A_13 = memref.load %arg1[%get3A_12] : memref<64xi32, #tpu.memory_space<smem>>
    %convert_element_type3A = arith.sitofp %get3A_13 : i32 to f32
    %get3A_14 = arith.constant 0 : index
    %get3A_15 = arith.constant 0 : index
    %get3A_16 = arith.constant 0 : index
    %get3A_17 = vector.load %arg2[%get3A_14, %get3A_15, %get3A_16] : memref<8x256x256xf32, #tpu.memory_space<vmem>>, vector<1x256x256xf32>
    %get3A_18 = vector.shape_cast %get3A_17 : vector<1x256x256xf32> to vector<256x256xf32>
    %sub3A = arith.subf %get3A_18, %get3A_3 : vector<256x256xf32>
    %mul3A_19 = arith.mulf %sub3A, %sub3A : vector<256x256xf32>
    %reduce_sum3A = arith.constant dense<0.000000e+00> : vector<256xf32>
    %reduce_sum3A_20 = vector.multi_reduction <add>, %mul3A_19, %reduce_sum3A [0] : vector<256x256xf32> to vector<256xf32>
    %broadcast_in_dim3A_21 = vector.shape_cast %reduce_sum3A_20 : vector<256xf32> to vector<1x256xf32>
    %mul3A_22 = vector.broadcast %convert_element_type3A : f32 to vector<1x256xf32>
    %mul3A_23 = arith.mulf %mul3A_22, %broadcast_in_dim3A_21 : vector<1x256xf32>
    %add3A_24 = arith.addf %broadcast_in_dim3A_7, %mul3A_23 : vector<1x256xf32>
    %get3A_25 = arith.constant 0 : index
    %get3A_26 = arith.constant 0 : index
    %get3A_27 = vector.load %arg3[%get3A_25, %get3A_26] : memref<8x256xf32, #tpu.memory_space<vmem>>, vector<1x256xf32>
    %get3A_28 = vector.shape_cast %get3A_27 : vector<1x256xf32> to vector<256xf32>
    %broadcast_in_dim3A_29 = vector.shape_cast %get3A_28 : vector<256xf32> to vector<1x256xf32>
    %sub3A_30 = arith.subf %broadcast_in_dim3A_29, %get3A_6 : vector<1x256xf32>
    %mul3A_31 = arith.mulf %sub3A_30, %sub3A_30 : vector<1x256xf32>
    %mul3A_32 = vector.broadcast %convert_element_type3A : f32 to vector<1x256xf32>
    %mul3A_33 = arith.mulf %mul3A_32, %mul3A_31 : vector<1x256xf32>
    %add3A_34 = arith.addf %broadcast_in_dim3A_9, %mul3A_33 : vector<1x256xf32>
    %mul3A_35 = arith.constant 8 : i32
    %mul3A_36 = arith.muli %arg0, %mul3A_35 : i32
    %add3A_37 = arith.constant 1 : i32
    %add3A_38 = arith.addi %mul3A_36, %add3A_37 : i32
    %get3A_39 = arith.index_cast %add3A_38 : i32 to index
    %get3A_40 = memref.load %arg1[%get3A_39] : memref<64xi32, #tpu.memory_space<smem>>
    %convert_element_type3A_41 = arith.sitofp %get3A_40 : i32 to f32
    %get3A_42 = arith.constant 1 : index
    %get3A_43 = arith.constant 0 : index
    %get3A_44 = arith.constant 0 : index
    %get3A_45 = vector.load %arg2[%get3A_42, %get3A_43, %get3A_44] : memref<8x256x256xf32, #tpu.memory_space<vmem>>, vector<1x256x256xf32>
    %get3A_46 = vector.shape_cast %get3A_45 : vector<1x256x256xf32> to vector<256x256xf32>
    %sub3A_47 = arith.subf %get3A_46, %get3A_3 : vector<256x256xf32>
    %mul3A_48 = arith.mulf %sub3A_47, %sub3A_47 : vector<256x256xf32>
    %reduce_sum3A_49 = arith.constant dense<0.000000e+00> : vector<256xf32>
    %reduce_sum3A_50 = vector.multi_reduction <add>, %mul3A_48, %reduce_sum3A_49 [0] : vector<256x256xf32> to vector<256xf32>
    %broadcast_in_dim3A_51 = vector.shape_cast %reduce_sum3A_50 : vector<256xf32> to vector<1x256xf32>
    %mul3A_52 = vector.broadcast %convert_element_type3A_41 : f32 to vector<1x256xf32>
    %mul3A_53 = arith.mulf %mul3A_52, %broadcast_in_dim3A_51 : vector<1x256xf32>
    %add3A_54 = arith.addf %add3A_24, %mul3A_53 : vector<1x256xf32>
    %get3A_55 = arith.constant 1 : index
    %get3A_56 = arith.constant 0 : index
    %get3A_57 = vector.load %arg3[%get3A_55, %get3A_56] : memref<8x256xf32, #tpu.memory_space<vmem>>, vector<1x256xf32>
    %get3A_58 = vector.shape_cast %get3A_57 : vector<1x256xf32> to vector<256xf32>
    %broadcast_in_dim3A_59 = vector.shape_cast %get3A_58 : vector<256xf32> to vector<1x256xf32>
    %sub3A_60 = arith.subf %broadcast_in_dim3A_59, %get3A_6 : vector<1x256xf32>
    %mul3A_61 = arith.mulf %sub3A_60, %sub3A_60 : vector<1x256xf32>
    %mul3A_62 = vector.broadcast %convert_element_type3A_41 : f32 to vector<1x256xf32>
    %mul3A_63 = arith.mulf %mul3A_62, %mul3A_61 : vector<1x256xf32>
    %add3A_64 = arith.addf %add3A_34, %mul3A_63 : vector<1x256xf32>
    %mul3A_65 = arith.constant 8 : i32
    %mul3A_66 = arith.muli %arg0, %mul3A_65 : i32
    %add3A_67 = arith.constant 2 : i32
    %add3A_68 = arith.addi %mul3A_66, %add3A_67 : i32
    %get3A_69 = arith.index_cast %add3A_68 : i32 to index
    %get3A_70 = memref.load %arg1[%get3A_69] : memref<64xi32, #tpu.memory_space<smem>>
    %convert_element_type3A_71 = arith.sitofp %get3A_70 : i32 to f32
    %get3A_72 = arith.constant 2 : index
    %get3A_73 = arith.constant 0 : index
    %get3A_74 = arith.constant 0 : index
    %get3A_75 = vector.load %arg2[%get3A_72, %get3A_73, %get3A_74] : memref<8x256x256xf32, #tpu.memory_space<vmem>>, vector<1x256x256xf32>
    %get3A_76 = vector.shape_cast %get3A_75 : vector<1x256x256xf32> to vector<256x256xf32>
    %sub3A_77 = arith.subf %get3A_76, %get3A_3 : vector<256x256xf32>
    %mul3A_78 = arith.mulf %sub3A_77, %sub3A_77 : vector<256x256xf32>
    %reduce_sum3A_79 = arith.constant dense<0.000000e+00> : vector<256xf32>
    %reduce_sum3A_80 = vector.multi_reduction <add>, %mul3A_78, %reduce_sum3A_79 [0] : vector<256x256xf32> to vector<256xf32>
    %broadcast_in_dim3A_81 = vector.shape_cast %reduce_sum3A_80 : vector<256xf32> to vector<1x256xf32>
    %mul3A_82 = vector.broadcast %convert_element_type3A_71 : f32 to vector<1x256xf32>
    %mul3A_83 = arith.mulf %mul3A_82, %broadcast_in_dim3A_81 : vector<1x256xf32>
    %add3A_84 = arith.addf %add3A_54, %mul3A_83 : vector<1x256xf32>
    %get3A_85 = arith.constant 2 : index
    %get3A_86 = arith.constant 0 : index
    %get3A_87 = vector.load %arg3[%get3A_85, %get3A_86] : memref<8x256xf32, #tpu.memory_space<vmem>>, vector<1x256xf32>
    %get3A_88 = vector.shape_cast %get3A_87 : vector<1x256xf32> to vector<256xf32>
    %broadcast_in_dim3A_89 = vector.shape_cast %get3A_88 : vector<256xf32> to vector<1x256xf32>
    %sub3A_90 = arith.subf %broadcast_in_dim3A_89, %get3A_6 : vector<1x256xf32>
    %mul3A_91 = arith.mulf %sub3A_90, %sub3A_90 : vector<1x256xf32>
    %mul3A_92 = vector.broadcast %convert_element_type3A_71 : f32 to vector<1x256xf32>
    %mul3A_93 = arith.mulf %mul3A_92, %mul3A_91 : vector<1x256xf32>
    %add3A_94 = arith.addf %add3A_64, %mul3A_93 : vector<1x256xf32>
    %mul3A_95 = arith.constant 8 : i32
    %mul3A_96 = arith.muli %arg0, %mul3A_95 : i32
    %add3A_97 = arith.constant 3 : i32
    %add3A_98 = arith.addi %mul3A_96, %add3A_97 : i32
    %get3A_99 = arith.index_cast %add3A_98 : i32 to index
    %get3A_100 = memref.load %arg1[%get3A_99] : memref<64xi32, #tpu.memory_space<smem>>
    %convert_element_type3A_101 = arith.sitofp %get3A_100 : i32 to f32
    %get3A_102 = arith.constant 3 : index
    %get3A_103 = arith.constant 0 : index
    %get3A_104 = arith.constant 0 : index
    %get3A_105 = vector.load %arg2[%get3A_102, %get3A_103, %get3A_104] : memref<8x256x256xf32, #tpu.memory_space<vmem>>, vector<1x256x256xf32>
    %get3A_106 = vector.shape_cast %get3A_105 : vector<1x256x256xf32> to vector<256x256xf32>
    %sub3A_107 = arith.subf %get3A_106, %get3A_3 : vector<256x256xf32>
    %mul3A_108 = arith.mulf %sub3A_107, %sub3A_107 : vector<256x256xf32>
    %reduce_sum3A_109 = arith.constant dense<0.000000e+00> : vector<256xf32>
    %reduce_sum3A_110 = vector.multi_reduction <add>, %mul3A_108, %reduce_sum3A_109 [0] : vector<256x256xf32> to vector<256xf32>
    %broadcast_in_dim3A_111 = vector.shape_cast %reduce_sum3A_110 : vector<256xf32> to vector<1x256xf32>
    %mul3A_112 = vector.broadcast %convert_element_type3A_101 : f32 to vector<1x256xf32>
    %mul3A_113 = arith.mulf %mul3A_112, %broadcast_in_dim3A_111 : vector<1x256xf32>
    %add3A_114 = arith.addf %add3A_84, %mul3A_113 : vector<1x256xf32>
    %get3A_115 = arith.constant 3 : index
    %get3A_116 = arith.constant 0 : index
    %get3A_117 = vector.load %arg3[%get3A_115, %get3A_116] : memref<8x256xf32, #tpu.memory_space<vmem>>, vector<1x256xf32>
    %get3A_118 = vector.shape_cast %get3A_117 : vector<1x256xf32> to vector<256xf32>
    %broadcast_in_dim3A_119 = vector.shape_cast %get3A_118 : vector<256xf32> to vector<1x256xf32>
    %sub3A_120 = arith.subf %broadcast_in_dim3A_119, %get3A_6 : vector<1x256xf32>
    %mul3A_121 = arith.mulf %sub3A_120, %sub3A_120 : vector<1x256xf32>
    %mul3A_122 = vector.broadcast %convert_element_type3A_101 : f32 to vector<1x256xf32>
    %mul3A_123 = arith.mulf %mul3A_122, %mul3A_121 : vector<1x256xf32>
    %add3A_124 = arith.addf %add3A_94, %mul3A_123 : vector<1x256xf32>
    %mul3A_125 = arith.constant 8 : i32
    %mul3A_126 = arith.muli %arg0, %mul3A_125 : i32
    %add3A_127 = arith.constant 4 : i32
    %add3A_128 = arith.addi %mul3A_126, %add3A_127 : i32
    %get3A_129 = arith.index_cast %add3A_128 : i32 to index
    %get3A_130 = memref.load %arg1[%get3A_129] : memref<64xi32, #tpu.memory_space<smem>>
    %convert_element_type3A_131 = arith.sitofp %get3A_130 : i32 to f32
    %get3A_132 = arith.constant 4 : index
    %get3A_133 = arith.constant 0 : index
    %get3A_134 = arith.constant 0 : index
    %get3A_135 = vector.load %arg2[%get3A_132, %get3A_133, %get3A_134] : memref<8x256x256xf32, #tpu.memory_space<vmem>>, vector<1x256x256xf32>
    %get3A_136 = vector.shape_cast %get3A_135 : vector<1x256x256xf32> to vector<256x256xf32>
    %sub3A_137 = arith.subf %get3A_136, %get3A_3 : vector<256x256xf32>
    %mul3A_138 = arith.mulf %sub3A_137, %sub3A_137 : vector<256x256xf32>
    %reduce_sum3A_139 = arith.constant dense<0.000000e+00> : vector<256xf32>
    %reduce_sum3A_140 = vector.multi_reduction <add>, %mul3A_138, %reduce_sum3A_139 [0] : vector<256x256xf32> to vector<256xf32>
    %broadcast_in_dim3A_141 = vector.shape_cast %reduce_sum3A_140 : vector<256xf32> to vector<1x256xf32>
    %mul3A_142 = vector.broadcast %convert_element_type3A_131 : f32 to vector<1x256xf32>
    %mul3A_143 = arith.mulf %mul3A_142, %broadcast_in_dim3A_141 : vector<1x256xf32>
    %add3A_144 = arith.addf %add3A_114, %mul3A_143 : vector<1x256xf32>
    %get3A_145 = arith.constant 4 : index
    %get3A_146 = arith.constant 0 : index
    %get3A_147 = vector.load %arg3[%get3A_145, %get3A_146] : memref<8x256xf32, #tpu.memory_space<vmem>>, vector<1x256xf32>
    %get3A_148 = vector.shape_cast %get3A_147 : vector<1x256xf32> to vector<256xf32>
    %broadcast_in_dim3A_149 = vector.shape_cast %get3A_148 : vector<256xf32> to vector<1x256xf32>
    %sub3A_150 = arith.subf %broadcast_in_dim3A_149, %get3A_6 : vector<1x256xf32>
    %mul3A_151 = arith.mulf %sub3A_150, %sub3A_150 : vector<1x256xf32>
    %mul3A_152 = vector.broadcast %convert_element_type3A_131 : f32 to vector<1x256xf32>
    %mul3A_153 = arith.mulf %mul3A_152, %mul3A_151 : vector<1x256xf32>
    %add3A_154 = arith.addf %add3A_124, %mul3A_153 : vector<1x256xf32>
    %mul3A_155 = arith.constant 8 : i32
    %mul3A_156 = arith.muli %arg0, %mul3A_155 : i32
    %add3A_157 = arith.constant 5 : i32
    %add3A_158 = arith.addi %mul3A_156, %add3A_157 : i32
    %get3A_159 = arith.index_cast %add3A_158 : i32 to index
    %get3A_160 = memref.load %arg1[%get3A_159] : memref<64xi32, #tpu.memory_space<smem>>
    %convert_element_type3A_161 = arith.sitofp %get3A_160 : i32 to f32
    %get3A_162 = arith.constant 5 : index
    %get3A_163 = arith.constant 0 : index
    %get3A_164 = arith.constant 0 : index
    %get3A_165 = vector.load %arg2[%get3A_162, %get3A_163, %get3A_164] : memref<8x256x256xf32, #tpu.memory_space<vmem>>, vector<1x256x256xf32>
    %get3A_166 = vector.shape_cast %get3A_165 : vector<1x256x256xf32> to vector<256x256xf32>
    %sub3A_167 = arith.subf %get3A_166, %get3A_3 : vector<256x256xf32>
    %mul3A_168 = arith.mulf %sub3A_167, %sub3A_167 : vector<256x256xf32>
    %reduce_sum3A_169 = arith.constant dense<0.000000e+00> : vector<256xf32>
    %reduce_sum3A_170 = vector.multi_reduction <add>, %mul3A_168, %reduce_sum3A_169 [0] : vector<256x256xf32> to vector<256xf32>
    %broadcast_in_dim3A_171 = vector.shape_cast %reduce_sum3A_170 : vector<256xf32> to vector<1x256xf32>
    %mul3A_172 = vector.broadcast %convert_element_type3A_161 : f32 to vector<1x256xf32>
    %mul3A_173 = arith.mulf %mul3A_172, %broadcast_in_dim3A_171 : vector<1x256xf32>
    %add3A_174 = arith.addf %add3A_144, %mul3A_173 : vector<1x256xf32>
    %get3A_175 = arith.constant 5 : index
    %get3A_176 = arith.constant 0 : index
    %get3A_177 = vector.load %arg3[%get3A_175, %get3A_176] : memref<8x256xf32, #tpu.memory_space<vmem>>, vector<1x256xf32>
    %get3A_178 = vector.shape_cast %get3A_177 : vector<1x256xf32> to vector<256xf32>
    %broadcast_in_dim3A_179 = vector.shape_cast %get3A_178 : vector<256xf32> to vector<1x256xf32>
    %sub3A_180 = arith.subf %broadcast_in_dim3A_179, %get3A_6 : vector<1x256xf32>
    %mul3A_181 = arith.mulf %sub3A_180, %sub3A_180 : vector<1x256xf32>
    %mul3A_182 = vector.broadcast %convert_element_type3A_161 : f32 to vector<1x256xf32>
    %mul3A_183 = arith.mulf %mul3A_182, %mul3A_181 : vector<1x256xf32>
    %add3A_184 = arith.addf %add3A_154, %mul3A_183 : vector<1x256xf32>
    %mul3A_185 = arith.constant 8 : i32
    %mul3A_186 = arith.muli %arg0, %mul3A_185 : i32
    %add3A_187 = arith.constant 6 : i32
    %add3A_188 = arith.addi %mul3A_186, %add3A_187 : i32
    %get3A_189 = arith.index_cast %add3A_188 : i32 to index
    %get3A_190 = memref.load %arg1[%get3A_189] : memref<64xi32, #tpu.memory_space<smem>>
    %convert_element_type3A_191 = arith.sitofp %get3A_190 : i32 to f32
    %get3A_192 = arith.constant 6 : index
    %get3A_193 = arith.constant 0 : index
    %get3A_194 = arith.constant 0 : index
    %get3A_195 = vector.load %arg2[%get3A_192, %get3A_193, %get3A_194] : memref<8x256x256xf32, #tpu.memory_space<vmem>>, vector<1x256x256xf32>
    %get3A_196 = vector.shape_cast %get3A_195 : vector<1x256x256xf32> to vector<256x256xf32>
    %sub3A_197 = arith.subf %get3A_196, %get3A_3 : vector<256x256xf32>
    %mul3A_198 = arith.mulf %sub3A_197, %sub3A_197 : vector<256x256xf32>
    %reduce_sum3A_199 = arith.constant dense<0.000000e+00> : vector<256xf32>
    %reduce_sum3A_200 = vector.multi_reduction <add>, %mul3A_198, %reduce_sum3A_199 [0] : vector<256x256xf32> to vector<256xf32>
    %broadcast_in_dim3A_201 = vector.shape_cast %reduce_sum3A_200 : vector<256xf32> to vector<1x256xf32>
    %mul3A_202 = vector.broadcast %convert_element_type3A_191 : f32 to vector<1x256xf32>
    %mul3A_203 = arith.mulf %mul3A_202, %broadcast_in_dim3A_201 : vector<1x256xf32>
    %add3A_204 = arith.addf %add3A_174, %mul3A_203 : vector<1x256xf32>
    %get3A_205 = arith.constant 6 : index
    %get3A_206 = arith.constant 0 : index
    %get3A_207 = vector.load %arg3[%get3A_205, %get3A_206] : memref<8x256xf32, #tpu.memory_space<vmem>>, vector<1x256xf32>
    %get3A_208 = vector.shape_cast %get3A_207 : vector<1x256xf32> to vector<256xf32>
    %broadcast_in_dim3A_209 = vector.shape_cast %get3A_208 : vector<256xf32> to vector<1x256xf32>
    %sub3A_210 = arith.subf %broadcast_in_dim3A_209, %get3A_6 : vector<1x256xf32>
    %mul3A_211 = arith.mulf %sub3A_210, %sub3A_210 : vector<1x256xf32>
    %mul3A_212 = vector.broadcast %convert_element_type3A_191 : f32 to vector<1x256xf32>
    %mul3A_213 = arith.mulf %mul3A_212, %mul3A_211 : vector<1x256xf32>
    %add3A_214 = arith.addf %add3A_184, %mul3A_213 : vector<1x256xf32>
    %mul3A_215 = arith.constant 8 : i32
    %mul3A_216 = arith.muli %arg0, %mul3A_215 : i32
    %add3A_217 = arith.constant 7 : i32
    %add3A_218 = arith.addi %mul3A_216, %add3A_217 : i32
    %get3A_219 = arith.index_cast %add3A_218 : i32 to index
    %get3A_220 = memref.load %arg1[%get3A_219] : memref<64xi32, #tpu.memory_space<smem>>
    %convert_element_type3A_221 = arith.sitofp %get3A_220 : i32 to f32
    %get3A_222 = arith.constant 7 : index
    %get3A_223 = arith.constant 0 : index
    %get3A_224 = arith.constant 0 : index
    %get3A_225 = vector.load %arg2[%get3A_222, %get3A_223, %get3A_224] : memref<8x256x256xf32, #tpu.memory_space<vmem>>, vector<1x256x256xf32>
    %get3A_226 = vector.shape_cast %get3A_225 : vector<1x256x256xf32> to vector<256x256xf32>
    %sub3A_227 = arith.subf %get3A_226, %get3A_3 : vector<256x256xf32>
    %mul3A_228 = arith.mulf %sub3A_227, %sub3A_227 : vector<256x256xf32>
    %reduce_sum3A_229 = arith.constant dense<0.000000e+00> : vector<256xf32>
    %reduce_sum3A_230 = vector.multi_reduction <add>, %mul3A_228, %reduce_sum3A_229 [0] : vector<256x256xf32> to vector<256xf32>
    %broadcast_in_dim3A_231 = vector.shape_cast %reduce_sum3A_230 : vector<256xf32> to vector<1x256xf32>
    %mul3A_232 = vector.broadcast %convert_element_type3A_221 : f32 to vector<1x256xf32>
    %mul3A_233 = arith.mulf %mul3A_232, %broadcast_in_dim3A_231 : vector<1x256xf32>
    %add3A_234 = arith.addf %add3A_204, %mul3A_233 : vector<1x256xf32>
    %get3A_235 = arith.constant 7 : index
    %get3A_236 = arith.constant 0 : index
    %get3A_237 = vector.load %arg3[%get3A_235, %get3A_236] : memref<8x256xf32, #tpu.memory_space<vmem>>, vector<1x256xf32>
    %get3A_238 = vector.shape_cast %get3A_237 : vector<1x256xf32> to vector<256xf32>
    %broadcast_in_dim3A_239 = vector.shape_cast %get3A_238 : vector<256xf32> to vector<1x256xf32>
    %sub3A_240 = arith.subf %broadcast_in_dim3A_239, %get3A_6 : vector<1x256xf32>
    %mul3A_241 = arith.mulf %sub3A_240, %sub3A_240 : vector<1x256xf32>
    %mul3A_242 = vector.broadcast %convert_element_type3A_221 : f32 to vector<1x256xf32>
    %mul3A_243 = arith.mulf %mul3A_242, %mul3A_241 : vector<1x256xf32>
    %add3A_244 = arith.addf %add3A_214, %mul3A_243 : vector<1x256xf32>
    %reduce_sum3A_245 = vector.shape_cast %add3A_234 : vector<1x256xf32> to vector<1x1x256xf32>
    %reduce_sum3A_246 = arith.constant dense<0.000000e+00> : vector<1xf32>
    %reduce_sum3A_247 = vector.multi_reduction <add>, %reduce_sum3A_245, %reduce_sum3A_246 [1, 2] : vector<1x1x256xf32> to vector<1xf32>
    %reduce_sum3A_248 = vector.shape_cast %reduce_sum3A_247 : vector<1xf32> to vector<1x1x1xf32>
    %reduce_sum3A_249 = vector.extract %reduce_sum3A_248[0, 0, 0] : f32 from vector<1x1x1xf32>
    %reduce_sum3A_250 = vector.shape_cast %add3A_244 : vector<1x256xf32> to vector<1x1x256xf32>
    %reduce_sum3A_251 = arith.constant dense<0.000000e+00> : vector<1xf32>
    %reduce_sum3A_252 = vector.multi_reduction <add>, %reduce_sum3A_250, %reduce_sum3A_251 [1, 2] : vector<1x1x256xf32> to vector<1xf32>
    %reduce_sum3A_253 = vector.shape_cast %reduce_sum3A_252 : vector<1xf32> to vector<1x1x1xf32>
    %reduce_sum3A_254 = vector.extract %reduce_sum3A_253[0, 0, 0] : f32 from vector<1x1x1xf32>
    %add3A_255 = arith.addf %reduce_sum3A_249, %reduce_sum3A_254 : f32
    %broadcast_in_dim3A_256 = vector.broadcast %add3A_255 : f32 to vector<1x1xf32>
    %eq3A = arith.constant 0 : i32
    %eq3A_257 = arith.cmpi eq, %arg0, %eq3A : i32
    %convert_element_type3A_258 = arith.extui %eq3A_257 : i1 to i32
    %cond3A = arith.constant 0 : i32
    %cond3A_259 = arith.cmpi ne, %convert_element_type3A_258, %cond3A : i32
    scf.if %cond3A_259 {
      %swap3A = arith.constant 0 : index
      %swap3A_264 = arith.constant 0 : index
      %swap3A_265 = vector.load %arg6[%swap3A, %swap3A_264] : memref<1x1xf32, #tpu.memory_space<vmem>>, vector<1x1xf32>
      tpu.vector_store %arg6[%swap3A, %swap3A_264], %broadcast_in_dim3A_256 {strides = array<i32>} : memref<1x1xf32, #tpu.memory_space<vmem>>, vector<1x1xf32>,
    } else {
    }
    %ne3A = arith.constant 0 : i32
    %ne3A_260 = arith.cmpi ne, %arg0, %ne3A : i32
    %convert_element_type3A_261 = arith.extui %ne3A_260 : i1 to i32
    %cond3A_262 = arith.constant 0 : i32
    %cond3A_263 = arith.cmpi ne, %convert_element_type3A_261, %cond3A_262 : i32
    scf.if %cond3A_263 {
      %get3A_264 = arith.constant 0 : index
      %get3A_265 = arith.constant 0 : index
      %get3A_266 = vector.load %arg6[%get3A_264, %get3A_265] : memref<1x1xf32, #tpu.memory_space<vmem>>, vector<1x1xf32>
      %add3A_267 = arith.addf %get3A_266, %broadcast_in_dim3A_256 : vector<1x1xf32>
      %swap3A = arith.constant 0 : index
      %swap3A_268 = arith.constant 0 : index
      %swap3A_269 = vector.load %arg6[%swap3A, %swap3A_268] : memref<1x1xf32, #tpu.memory_space<vmem>>, vector<1x1xf32>
      tpu.vector_store %arg6[%swap3A, %swap3A_268], %add3A_267 {strides = array<i32>} : memref<1x1xf32, #tpu.memory_space<vmem>>, vector<1x1xf32>,
    } else {
    }
    return
  }
  func.func @transform_0(%arg0: i32, %arg1: memref<64xi32, #tpu.memory_space<smem>>) -> (i32, i32, i32) {
    %c0_i32 = arith.constant 0 : i32
    %c0_i32_0 = arith.constant 0 : i32
    %c0_i32_1 = arith.constant 0 : i32
    return %arg0, %c0_i32, %c0_i32_0 : i32, i32, i32
  }
  func.func @transform_1(%arg0: i32, %arg1: memref<64xi32, #tpu.memory_space<smem>>) -> (i32, i32) {
    %c0_i32 = arith.constant 0 : i32
    %c0_i32_0 = arith.constant 0 : i32
    return %arg0, %c0_i32 : i32, i32
  }
  func.func @transform_2(%arg0: i32, %arg1: memref<64xi32, #tpu.memory_space<smem>>) -> (i32, i32, i32) {
    %c0_i32 = arith.constant 0 : i32
    %c0_i32_0 = arith.constant 0 : i32
    %c0_i32_1 = arith.constant 0 : i32
    %c0_i32_2 = arith.constant 0 : i32
    return %c0_i32, %c0_i32_0, %c0_i32_1 : i32, i32, i32
  }
  func.func @transform_3(%arg0: i32, %arg1: memref<64xi32, #tpu.memory_space<smem>>) -> (i32, i32) {
    %c0_i32 = arith.constant 0 : i32
    %c0_i32_0 = arith.constant 0 : i32
    %c0_i32_1 = arith.constant 0 : i32
    return %c0_i32, %c0_i32_0 : i32, i32
  }
  func.func @transform_4(%arg0: i32, %arg1: memref<64xi32, #tpu.memory_space<smem>>) -> (i32, i32) {
    %c0_i32 = arith.constant 0 : i32
    %c0_i32_0 = arith.constant 0 : i32
    %c0_i32_1 = arith.constant 0 : i32
    return %c0_i32, %c0_i32_0 : i32, i32
  }
}

module attributes {stable_mosaic.version = 14 : i64} {
  func.func @_mm_kernel(%arg0: i32, %arg1: memref<64xi32, #tpu.memory_space<smem>>, %arg2: memref<64xi32, #tpu.memory_space<smem>>, %arg3: memref<512x256xf32, #tpu.memory_space<vmem>>, %arg4: memref<1024x256xf32, #tpu.memory_space<vmem>>, %arg5: memref<16x256x256xf32, #tpu.memory_space<vmem>>, %arg6: memref<16x256xf32, #tpu.memory_space<vmem>>, %arg7: memref<3072x256xf32, #tpu.memory_space<vmem>>) attributes {dimension_semantics = [#tpu.dimension_semantics<arbitrary>], iteration_bounds = array<i64: 4>, scalar_prefetch = 2 : i64, scratch_operands = 0 : i64, tpu.core_type = #tpu.core_type<tc>, window_params = [{transform_indices = @transform_0, window_bounds = array<i64: 512, 256>}, {transform_indices = @transform_1, window_bounds = array<i64: 1024, 256>}, {transform_indices = @transform_2, window_bounds = array<i64: 16, 256, 256>}, {transform_indices = @transform_3, window_bounds = array<i64: 16, 256>}, {pipeline_mode = #tpu.pipeline_mode<synchronous>, transform_indices = @transform_4, window_bounds = array<i64: 3072, 256>}]} {
    %mul3A = arith.constant 512 : i32
    %mul3A_0 = arith.muli %arg0, %mul3A : i32
    %multiple_of3A = tpu.assume_multiple %mul3A_0, 512 : i32
    %get3A = arith.constant 0 : index
    %get3A_1 = arith.constant 0 : index
    %get3A_2 = vector.load %arg3[%get3A, %get3A_1] : memref<512x256xf32, #tpu.memory_space<vmem>>, vector<32x256xf32>
    %convert_element_type3A = arith.truncf %get3A_2 : vector<32x256xf32> to vector<32x256xbf16>
    %get3A_3 = arith.constant 0 : index
    %get3A_4 = arith.constant 0 : index
    %get3A_5 = arith.constant 0 : index
    %get3A_6 = vector.load %arg5[%get3A_3, %get3A_4, %get3A_5] : memref<16x256x256xf32, #tpu.memory_space<vmem>>, vector<1x256x256xf32>
    %get3A_7 = vector.shape_cast %get3A_6 : vector<1x256x256xf32> to vector<256x256xf32>
    %convert_element_type3A_8 = arith.truncf %get3A_7 : vector<256x256xf32> to vector<256x256xbf16>
    %dot_general3A = arith.constant dense<0.000000e+00> : vector<32x256xf32>
    %dot_general3A_9 = tpu.matmul %convert_element_type3A, %convert_element_type3A_8, %dot_general3A {dimension_numbers = #tpu.dot_dimension_numbers<[1], [1], [0], [0], [0, 0, 1, 0], [], []>, transpose_lhs_hint = false} : vector<32x256xbf16>, vector<256x256xbf16>, vector<32x256xf32> -> vector<32x256xf32>
    %get3A_10 = arith.constant 0 : index
    %get3A_11 = arith.constant 0 : index
    %get3A_12 = vector.load %arg6[%get3A_10, %get3A_11] : memref<16x256xf32, #tpu.memory_space<vmem>>, vector<1x256xf32>
    %get3A_13 = vector.shape_cast %get3A_12 : vector<1x256xf32> to vector<256xf32>
    %broadcast_in_dim3A = vector.shape_cast %get3A_13 : vector<256xf32> to vector<1x256xf32>
    %add3A = vector.broadcast %broadcast_in_dim3A : vector<1x256xf32> to vector<32x256xf32>
    %add3A_14 = arith.addf %dot_general3A_9, %add3A : vector<32x256xf32>
    %max3A = arith.constant 0.000000e+00 : f32
    %max3A_15 = vector.broadcast %max3A : f32 to vector<32x256xf32>
    %max3A_16 = arith.maximumf %add3A_14, %max3A_15 : vector<32x256xf32>
    %add3A_17 = arith.constant 0 : i32
    %add3A_18 = arith.addi %multiple_of3A, %add3A_17 : i32
    %swap3A = arith.index_cast %add3A_18 : i32 to index
    %swap3A_19 = arith.constant 0 : index
    %swap3A_20 = vector.load %arg7[%swap3A, %swap3A_19] : memref<3072x256xf32, #tpu.memory_space<vmem>>, vector<32x256xf32>
    tpu.vector_store %arg7[%swap3A, %swap3A_19], %max3A_16 {strides = array<i32>} : memref<3072x256xf32, #tpu.memory_space<vmem>>, vector<32x256xf32>,
    %get3A_21 = arith.constant 32 : index
    %get3A_22 = arith.constant 0 : index
    %get3A_23 = vector.load %arg3[%get3A_21, %get3A_22] : memref<512x256xf32, #tpu.memory_space<vmem>>, vector<32x256xf32>
    %convert_element_type3A_24 = arith.truncf %get3A_23 : vector<32x256xf32> to vector<32x256xbf16>
    %get3A_25 = arith.constant 1 : index
    %get3A_26 = arith.constant 0 : index
    %get3A_27 = arith.constant 0 : index
    %get3A_28 = vector.load %arg5[%get3A_25, %get3A_26, %get3A_27] : memref<16x256x256xf32, #tpu.memory_space<vmem>>, vector<1x256x256xf32>
    %get3A_29 = vector.shape_cast %get3A_28 : vector<1x256x256xf32> to vector<256x256xf32>
    %convert_element_type3A_30 = arith.truncf %get3A_29 : vector<256x256xf32> to vector<256x256xbf16>
    %dot_general3A_31 = arith.constant dense<0.000000e+00> : vector<32x256xf32>
    %dot_general3A_32 = tpu.matmul %convert_element_type3A_24, %convert_element_type3A_30, %dot_general3A_31 {dimension_numbers = #tpu.dot_dimension_numbers<[1], [1], [0], [0], [0, 0, 1, 0], [], []>, transpose_lhs_hint = false} : vector<32x256xbf16>, vector<256x256xbf16>, vector<32x256xf32> -> vector<32x256xf32>
    %get3A_33 = arith.constant 1 : index
    %get3A_34 = arith.constant 0 : index
    %get3A_35 = vector.load %arg6[%get3A_33, %get3A_34] : memref<16x256xf32, #tpu.memory_space<vmem>>, vector<1x256xf32>
    %get3A_36 = vector.shape_cast %get3A_35 : vector<1x256xf32> to vector<256xf32>
    %broadcast_in_dim3A_37 = vector.shape_cast %get3A_36 : vector<256xf32> to vector<1x256xf32>
    %add3A_38 = vector.broadcast %broadcast_in_dim3A_37 : vector<1x256xf32> to vector<32x256xf32>
    %add3A_39 = arith.addf %dot_general3A_32, %add3A_38 : vector<32x256xf32>
    %max3A_40 = arith.constant 0.000000e+00 : f32
    %max3A_41 = vector.broadcast %max3A_40 : f32 to vector<32x256xf32>
    %max3A_42 = arith.maximumf %add3A_39, %max3A_41 : vector<32x256xf32>
    %add3A_43 = arith.constant 32 : i32
    %add3A_44 = arith.addi %multiple_of3A, %add3A_43 : i32
    %swap3A_45 = arith.index_cast %add3A_44 : i32 to index
    %swap3A_46 = arith.constant 0 : index
    %swap3A_47 = vector.load %arg7[%swap3A_45, %swap3A_46] : memref<3072x256xf32, #tpu.memory_space<vmem>>, vector<32x256xf32>
    tpu.vector_store %arg7[%swap3A_45, %swap3A_46], %max3A_42 {strides = array<i32>} : memref<3072x256xf32, #tpu.memory_space<vmem>>, vector<32x256xf32>,
    %get3A_48 = arith.constant 64 : index
    %get3A_49 = arith.constant 0 : index
    %get3A_50 = vector.load %arg3[%get3A_48, %get3A_49] : memref<512x256xf32, #tpu.memory_space<vmem>>, vector<32x256xf32>
    %convert_element_type3A_51 = arith.truncf %get3A_50 : vector<32x256xf32> to vector<32x256xbf16>
    %get3A_52 = arith.constant 2 : index
    %get3A_53 = arith.constant 0 : index
    %get3A_54 = arith.constant 0 : index
    %get3A_55 = vector.load %arg5[%get3A_52, %get3A_53, %get3A_54] : memref<16x256x256xf32, #tpu.memory_space<vmem>>, vector<1x256x256xf32>
    %get3A_56 = vector.shape_cast %get3A_55 : vector<1x256x256xf32> to vector<256x256xf32>
    %convert_element_type3A_57 = arith.truncf %get3A_56 : vector<256x256xf32> to vector<256x256xbf16>
    %dot_general3A_58 = arith.constant dense<0.000000e+00> : vector<32x256xf32>
    %dot_general3A_59 = tpu.matmul %convert_element_type3A_51, %convert_element_type3A_57, %dot_general3A_58 {dimension_numbers = #tpu.dot_dimension_numbers<[1], [1], [0], [0], [0, 0, 1, 0], [], []>, transpose_lhs_hint = false} : vector<32x256xbf16>, vector<256x256xbf16>, vector<32x256xf32> -> vector<32x256xf32>
    %get3A_60 = arith.constant 2 : index
    %get3A_61 = arith.constant 0 : index
    %get3A_62 = vector.load %arg6[%get3A_60, %get3A_61] : memref<16x256xf32, #tpu.memory_space<vmem>>, vector<1x256xf32>
    %get3A_63 = vector.shape_cast %get3A_62 : vector<1x256xf32> to vector<256xf32>
    %broadcast_in_dim3A_64 = vector.shape_cast %get3A_63 : vector<256xf32> to vector<1x256xf32>
    %add3A_65 = vector.broadcast %broadcast_in_dim3A_64 : vector<1x256xf32> to vector<32x256xf32>
    %add3A_66 = arith.addf %dot_general3A_59, %add3A_65 : vector<32x256xf32>
    %max3A_67 = arith.constant 0.000000e+00 : f32
    %max3A_68 = vector.broadcast %max3A_67 : f32 to vector<32x256xf32>
    %max3A_69 = arith.maximumf %add3A_66, %max3A_68 : vector<32x256xf32>
    %add3A_70 = arith.constant 64 : i32
    %add3A_71 = arith.addi %multiple_of3A, %add3A_70 : i32
    %swap3A_72 = arith.index_cast %add3A_71 : i32 to index
    %swap3A_73 = arith.constant 0 : index
    %swap3A_74 = vector.load %arg7[%swap3A_72, %swap3A_73] : memref<3072x256xf32, #tpu.memory_space<vmem>>, vector<32x256xf32>
    tpu.vector_store %arg7[%swap3A_72, %swap3A_73], %max3A_69 {strides = array<i32>} : memref<3072x256xf32, #tpu.memory_space<vmem>>, vector<32x256xf32>,
    %get3A_75 = arith.constant 96 : index
    %get3A_76 = arith.constant 0 : index
    %get3A_77 = vector.load %arg3[%get3A_75, %get3A_76] : memref<512x256xf32, #tpu.memory_space<vmem>>, vector<32x256xf32>
    %convert_element_type3A_78 = arith.truncf %get3A_77 : vector<32x256xf32> to vector<32x256xbf16>
    %get3A_79 = arith.constant 3 : index
    %get3A_80 = arith.constant 0 : index
    %get3A_81 = arith.constant 0 : index
    %get3A_82 = vector.load %arg5[%get3A_79, %get3A_80, %get3A_81] : memref<16x256x256xf32, #tpu.memory_space<vmem>>, vector<1x256x256xf32>
    %get3A_83 = vector.shape_cast %get3A_82 : vector<1x256x256xf32> to vector<256x256xf32>
    %convert_element_type3A_84 = arith.truncf %get3A_83 : vector<256x256xf32> to vector<256x256xbf16>
    %dot_general3A_85 = arith.constant dense<0.000000e+00> : vector<32x256xf32>
    %dot_general3A_86 = tpu.matmul %convert_element_type3A_78, %convert_element_type3A_84, %dot_general3A_85 {dimension_numbers = #tpu.dot_dimension_numbers<[1], [1], [0], [0], [0, 0, 1, 0], [], []>, transpose_lhs_hint = false} : vector<32x256xbf16>, vector<256x256xbf16>, vector<32x256xf32> -> vector<32x256xf32>
    %get3A_87 = arith.constant 3 : index
    %get3A_88 = arith.constant 0 : index
    %get3A_89 = vector.load %arg6[%get3A_87, %get3A_88] : memref<16x256xf32, #tpu.memory_space<vmem>>, vector<1x256xf32>
    %get3A_90 = vector.shape_cast %get3A_89 : vector<1x256xf32> to vector<256xf32>
    %broadcast_in_dim3A_91 = vector.shape_cast %get3A_90 : vector<256xf32> to vector<1x256xf32>
    %add3A_92 = vector.broadcast %broadcast_in_dim3A_91 : vector<1x256xf32> to vector<32x256xf32>
    %add3A_93 = arith.addf %dot_general3A_86, %add3A_92 : vector<32x256xf32>
    %max3A_94 = arith.constant 0.000000e+00 : f32
    %max3A_95 = vector.broadcast %max3A_94 : f32 to vector<32x256xf32>
    %max3A_96 = arith.maximumf %add3A_93, %max3A_95 : vector<32x256xf32>
    %add3A_97 = arith.constant 96 : i32
    %add3A_98 = arith.addi %multiple_of3A, %add3A_97 : i32
    %swap3A_99 = arith.index_cast %add3A_98 : i32 to index
    %swap3A_100 = arith.constant 0 : index
    %swap3A_101 = vector.load %arg7[%swap3A_99, %swap3A_100] : memref<3072x256xf32, #tpu.memory_space<vmem>>, vector<32x256xf32>
    tpu.vector_store %arg7[%swap3A_99, %swap3A_100], %max3A_96 {strides = array<i32>} : memref<3072x256xf32, #tpu.memory_space<vmem>>, vector<32x256xf32>,
    %get3A_102 = arith.constant 128 : index
    %get3A_103 = arith.constant 0 : index
    %get3A_104 = vector.load %arg3[%get3A_102, %get3A_103] : memref<512x256xf32, #tpu.memory_space<vmem>>, vector<32x256xf32>
    %convert_element_type3A_105 = arith.truncf %get3A_104 : vector<32x256xf32> to vector<32x256xbf16>
    %get3A_106 = arith.constant 4 : index
    %get3A_107 = arith.constant 0 : index
    %get3A_108 = arith.constant 0 : index
    %get3A_109 = vector.load %arg5[%get3A_106, %get3A_107, %get3A_108] : memref<16x256x256xf32, #tpu.memory_space<vmem>>, vector<1x256x256xf32>
    %get3A_110 = vector.shape_cast %get3A_109 : vector<1x256x256xf32> to vector<256x256xf32>
    %convert_element_type3A_111 = arith.truncf %get3A_110 : vector<256x256xf32> to vector<256x256xbf16>
    %dot_general3A_112 = arith.constant dense<0.000000e+00> : vector<32x256xf32>
    %dot_general3A_113 = tpu.matmul %convert_element_type3A_105, %convert_element_type3A_111, %dot_general3A_112 {dimension_numbers = #tpu.dot_dimension_numbers<[1], [1], [0], [0], [0, 0, 1, 0], [], []>, transpose_lhs_hint = false} : vector<32x256xbf16>, vector<256x256xbf16>, vector<32x256xf32> -> vector<32x256xf32>
    %get3A_114 = arith.constant 4 : index
    %get3A_115 = arith.constant 0 : index
    %get3A_116 = vector.load %arg6[%get3A_114, %get3A_115] : memref<16x256xf32, #tpu.memory_space<vmem>>, vector<1x256xf32>
    %get3A_117 = vector.shape_cast %get3A_116 : vector<1x256xf32> to vector<256xf32>
    %broadcast_in_dim3A_118 = vector.shape_cast %get3A_117 : vector<256xf32> to vector<1x256xf32>
    %add3A_119 = vector.broadcast %broadcast_in_dim3A_118 : vector<1x256xf32> to vector<32x256xf32>
    %add3A_120 = arith.addf %dot_general3A_113, %add3A_119 : vector<32x256xf32>
    %max3A_121 = arith.constant 0.000000e+00 : f32
    %max3A_122 = vector.broadcast %max3A_121 : f32 to vector<32x256xf32>
    %max3A_123 = arith.maximumf %add3A_120, %max3A_122 : vector<32x256xf32>
    %add3A_124 = arith.constant 128 : i32
    %add3A_125 = arith.addi %multiple_of3A, %add3A_124 : i32
    %swap3A_126 = arith.index_cast %add3A_125 : i32 to index
    %swap3A_127 = arith.constant 0 : index
    %swap3A_128 = vector.load %arg7[%swap3A_126, %swap3A_127] : memref<3072x256xf32, #tpu.memory_space<vmem>>, vector<32x256xf32>
    tpu.vector_store %arg7[%swap3A_126, %swap3A_127], %max3A_123 {strides = array<i32>} : memref<3072x256xf32, #tpu.memory_space<vmem>>, vector<32x256xf32>,
    %get3A_129 = arith.constant 160 : index
    %get3A_130 = arith.constant 0 : index
    %get3A_131 = vector.load %arg3[%get3A_129, %get3A_130] : memref<512x256xf32, #tpu.memory_space<vmem>>, vector<32x256xf32>
    %convert_element_type3A_132 = arith.truncf %get3A_131 : vector<32x256xf32> to vector<32x256xbf16>
    %get3A_133 = arith.constant 5 : index
    %get3A_134 = arith.constant 0 : index
    %get3A_135 = arith.constant 0 : index
    %get3A_136 = vector.load %arg5[%get3A_133, %get3A_134, %get3A_135] : memref<16x256x256xf32, #tpu.memory_space<vmem>>, vector<1x256x256xf32>
    %get3A_137 = vector.shape_cast %get3A_136 : vector<1x256x256xf32> to vector<256x256xf32>
    %convert_element_type3A_138 = arith.truncf %get3A_137 : vector<256x256xf32> to vector<256x256xbf16>
    %dot_general3A_139 = arith.constant dense<0.000000e+00> : vector<32x256xf32>
    %dot_general3A_140 = tpu.matmul %convert_element_type3A_132, %convert_element_type3A_138, %dot_general3A_139 {dimension_numbers = #tpu.dot_dimension_numbers<[1], [1], [0], [0], [0, 0, 1, 0], [], []>, transpose_lhs_hint = false} : vector<32x256xbf16>, vector<256x256xbf16>, vector<32x256xf32> -> vector<32x256xf32>
    %get3A_141 = arith.constant 5 : index
    %get3A_142 = arith.constant 0 : index
    %get3A_143 = vector.load %arg6[%get3A_141, %get3A_142] : memref<16x256xf32, #tpu.memory_space<vmem>>, vector<1x256xf32>
    %get3A_144 = vector.shape_cast %get3A_143 : vector<1x256xf32> to vector<256xf32>
    %broadcast_in_dim3A_145 = vector.shape_cast %get3A_144 : vector<256xf32> to vector<1x256xf32>
    %add3A_146 = vector.broadcast %broadcast_in_dim3A_145 : vector<1x256xf32> to vector<32x256xf32>
    %add3A_147 = arith.addf %dot_general3A_140, %add3A_146 : vector<32x256xf32>
    %max3A_148 = arith.constant 0.000000e+00 : f32
    %max3A_149 = vector.broadcast %max3A_148 : f32 to vector<32x256xf32>
    %max3A_150 = arith.maximumf %add3A_147, %max3A_149 : vector<32x256xf32>
    %add3A_151 = arith.constant 160 : i32
    %add3A_152 = arith.addi %multiple_of3A, %add3A_151 : i32
    %swap3A_153 = arith.index_cast %add3A_152 : i32 to index
    %swap3A_154 = arith.constant 0 : index
    %swap3A_155 = vector.load %arg7[%swap3A_153, %swap3A_154] : memref<3072x256xf32, #tpu.memory_space<vmem>>, vector<32x256xf32>
    tpu.vector_store %arg7[%swap3A_153, %swap3A_154], %max3A_150 {strides = array<i32>} : memref<3072x256xf32, #tpu.memory_space<vmem>>, vector<32x256xf32>,
    %get3A_156 = arith.constant 192 : index
    %get3A_157 = arith.constant 0 : index
    %get3A_158 = vector.load %arg3[%get3A_156, %get3A_157] : memref<512x256xf32, #tpu.memory_space<vmem>>, vector<32x256xf32>
    %convert_element_type3A_159 = arith.truncf %get3A_158 : vector<32x256xf32> to vector<32x256xbf16>
    %get3A_160 = arith.constant 6 : index
    %get3A_161 = arith.constant 0 : index
    %get3A_162 = arith.constant 0 : index
    %get3A_163 = vector.load %arg5[%get3A_160, %get3A_161, %get3A_162] : memref<16x256x256xf32, #tpu.memory_space<vmem>>, vector<1x256x256xf32>
    %get3A_164 = vector.shape_cast %get3A_163 : vector<1x256x256xf32> to vector<256x256xf32>
    %convert_element_type3A_165 = arith.truncf %get3A_164 : vector<256x256xf32> to vector<256x256xbf16>
    %dot_general3A_166 = arith.constant dense<0.000000e+00> : vector<32x256xf32>
    %dot_general3A_167 = tpu.matmul %convert_element_type3A_159, %convert_element_type3A_165, %dot_general3A_166 {dimension_numbers = #tpu.dot_dimension_numbers<[1], [1], [0], [0], [0, 0, 1, 0], [], []>, transpose_lhs_hint = false} : vector<32x256xbf16>, vector<256x256xbf16>, vector<32x256xf32> -> vector<32x256xf32>
    %get3A_168 = arith.constant 6 : index
    %get3A_169 = arith.constant 0 : index
    %get3A_170 = vector.load %arg6[%get3A_168, %get3A_169] : memref<16x256xf32, #tpu.memory_space<vmem>>, vector<1x256xf32>
    %get3A_171 = vector.shape_cast %get3A_170 : vector<1x256xf32> to vector<256xf32>
    %broadcast_in_dim3A_172 = vector.shape_cast %get3A_171 : vector<256xf32> to vector<1x256xf32>
    %add3A_173 = vector.broadcast %broadcast_in_dim3A_172 : vector<1x256xf32> to vector<32x256xf32>
    %add3A_174 = arith.addf %dot_general3A_167, %add3A_173 : vector<32x256xf32>
    %max3A_175 = arith.constant 0.000000e+00 : f32
    %max3A_176 = vector.broadcast %max3A_175 : f32 to vector<32x256xf32>
    %max3A_177 = arith.maximumf %add3A_174, %max3A_176 : vector<32x256xf32>
    %add3A_178 = arith.constant 192 : i32
    %add3A_179 = arith.addi %multiple_of3A, %add3A_178 : i32
    %swap3A_180 = arith.index_cast %add3A_179 : i32 to index
    %swap3A_181 = arith.constant 0 : index
    %swap3A_182 = vector.load %arg7[%swap3A_180, %swap3A_181] : memref<3072x256xf32, #tpu.memory_space<vmem>>, vector<32x256xf32>
    tpu.vector_store %arg7[%swap3A_180, %swap3A_181], %max3A_177 {strides = array<i32>} : memref<3072x256xf32, #tpu.memory_space<vmem>>, vector<32x256xf32>,
    %get3A_183 = arith.constant 224 : index
    %get3A_184 = arith.constant 0 : index
    %get3A_185 = vector.load %arg3[%get3A_183, %get3A_184] : memref<512x256xf32, #tpu.memory_space<vmem>>, vector<32x256xf32>
    %convert_element_type3A_186 = arith.truncf %get3A_185 : vector<32x256xf32> to vector<32x256xbf16>
    %get3A_187 = arith.constant 7 : index
    %get3A_188 = arith.constant 0 : index
    %get3A_189 = arith.constant 0 : index
    %get3A_190 = vector.load %arg5[%get3A_187, %get3A_188, %get3A_189] : memref<16x256x256xf32, #tpu.memory_space<vmem>>, vector<1x256x256xf32>
    %get3A_191 = vector.shape_cast %get3A_190 : vector<1x256x256xf32> to vector<256x256xf32>
    %convert_element_type3A_192 = arith.truncf %get3A_191 : vector<256x256xf32> to vector<256x256xbf16>
    %dot_general3A_193 = arith.constant dense<0.000000e+00> : vector<32x256xf32>
    %dot_general3A_194 = tpu.matmul %convert_element_type3A_186, %convert_element_type3A_192, %dot_general3A_193 {dimension_numbers = #tpu.dot_dimension_numbers<[1], [1], [0], [0], [0, 0, 1, 0], [], []>, transpose_lhs_hint = false} : vector<32x256xbf16>, vector<256x256xbf16>, vector<32x256xf32> -> vector<32x256xf32>
    %get3A_195 = arith.constant 7 : index
    %get3A_196 = arith.constant 0 : index
    %get3A_197 = vector.load %arg6[%get3A_195, %get3A_196] : memref<16x256xf32, #tpu.memory_space<vmem>>, vector<1x256xf32>
    %get3A_198 = vector.shape_cast %get3A_197 : vector<1x256xf32> to vector<256xf32>
    %broadcast_in_dim3A_199 = vector.shape_cast %get3A_198 : vector<256xf32> to vector<1x256xf32>
    %add3A_200 = vector.broadcast %broadcast_in_dim3A_199 : vector<1x256xf32> to vector<32x256xf32>
    %add3A_201 = arith.addf %dot_general3A_194, %add3A_200 : vector<32x256xf32>
    %max3A_202 = arith.constant 0.000000e+00 : f32
    %max3A_203 = vector.broadcast %max3A_202 : f32 to vector<32x256xf32>
    %max3A_204 = arith.maximumf %add3A_201, %max3A_203 : vector<32x256xf32>
    %add3A_205 = arith.constant 224 : i32
    %add3A_206 = arith.addi %multiple_of3A, %add3A_205 : i32
    %swap3A_207 = arith.index_cast %add3A_206 : i32 to index
    %swap3A_208 = arith.constant 0 : index
    %swap3A_209 = vector.load %arg7[%swap3A_207, %swap3A_208] : memref<3072x256xf32, #tpu.memory_space<vmem>>, vector<32x256xf32>
    tpu.vector_store %arg7[%swap3A_207, %swap3A_208], %max3A_204 {strides = array<i32>} : memref<3072x256xf32, #tpu.memory_space<vmem>>, vector<32x256xf32>,
    %get3A_210 = arith.constant 256 : index
    %get3A_211 = arith.constant 0 : index
    %get3A_212 = vector.load %arg3[%get3A_210, %get3A_211] : memref<512x256xf32, #tpu.memory_space<vmem>>, vector<32x256xf32>
    %convert_element_type3A_213 = arith.truncf %get3A_212 : vector<32x256xf32> to vector<32x256xbf16>
    %get3A_214 = arith.constant 8 : index
    %get3A_215 = arith.constant 0 : index
    %get3A_216 = arith.constant 0 : index
    %get3A_217 = vector.load %arg5[%get3A_214, %get3A_215, %get3A_216] : memref<16x256x256xf32, #tpu.memory_space<vmem>>, vector<1x256x256xf32>
    %get3A_218 = vector.shape_cast %get3A_217 : vector<1x256x256xf32> to vector<256x256xf32>
    %convert_element_type3A_219 = arith.truncf %get3A_218 : vector<256x256xf32> to vector<256x256xbf16>
    %dot_general3A_220 = arith.constant dense<0.000000e+00> : vector<32x256xf32>
    %dot_general3A_221 = tpu.matmul %convert_element_type3A_213, %convert_element_type3A_219, %dot_general3A_220 {dimension_numbers = #tpu.dot_dimension_numbers<[1], [1], [0], [0], [0, 0, 1, 0], [], []>, transpose_lhs_hint = false} : vector<32x256xbf16>, vector<256x256xbf16>, vector<32x256xf32> -> vector<32x256xf32>
    %get3A_222 = arith.constant 8 : index
    %get3A_223 = arith.constant 0 : index
    %get3A_224 = vector.load %arg6[%get3A_222, %get3A_223] : memref<16x256xf32, #tpu.memory_space<vmem>>, vector<1x256xf32>
    %get3A_225 = vector.shape_cast %get3A_224 : vector<1x256xf32> to vector<256xf32>
    %broadcast_in_dim3A_226 = vector.shape_cast %get3A_225 : vector<256xf32> to vector<1x256xf32>
    %add3A_227 = vector.broadcast %broadcast_in_dim3A_226 : vector<1x256xf32> to vector<32x256xf32>
    %add3A_228 = arith.addf %dot_general3A_221, %add3A_227 : vector<32x256xf32>
    %max3A_229 = arith.constant 0.000000e+00 : f32
    %max3A_230 = vector.broadcast %max3A_229 : f32 to vector<32x256xf32>
    %max3A_231 = arith.maximumf %add3A_228, %max3A_230 : vector<32x256xf32>
    %add3A_232 = arith.constant 256 : i32
    %add3A_233 = arith.addi %multiple_of3A, %add3A_232 : i32
    %swap3A_234 = arith.index_cast %add3A_233 : i32 to index
    %swap3A_235 = arith.constant 0 : index
    %swap3A_236 = vector.load %arg7[%swap3A_234, %swap3A_235] : memref<3072x256xf32, #tpu.memory_space<vmem>>, vector<32x256xf32>
    tpu.vector_store %arg7[%swap3A_234, %swap3A_235], %max3A_231 {strides = array<i32>} : memref<3072x256xf32, #tpu.memory_space<vmem>>, vector<32x256xf32>,
    %get3A_237 = arith.constant 288 : index
    %get3A_238 = arith.constant 0 : index
    %get3A_239 = vector.load %arg3[%get3A_237, %get3A_238] : memref<512x256xf32, #tpu.memory_space<vmem>>, vector<32x256xf32>
    %convert_element_type3A_240 = arith.truncf %get3A_239 : vector<32x256xf32> to vector<32x256xbf16>
    %get3A_241 = arith.constant 9 : index
    %get3A_242 = arith.constant 0 : index
    %get3A_243 = arith.constant 0 : index
    %get3A_244 = vector.load %arg5[%get3A_241, %get3A_242, %get3A_243] : memref<16x256x256xf32, #tpu.memory_space<vmem>>, vector<1x256x256xf32>
    %get3A_245 = vector.shape_cast %get3A_244 : vector<1x256x256xf32> to vector<256x256xf32>
    %convert_element_type3A_246 = arith.truncf %get3A_245 : vector<256x256xf32> to vector<256x256xbf16>
    %dot_general3A_247 = arith.constant dense<0.000000e+00> : vector<32x256xf32>
    %dot_general3A_248 = tpu.matmul %convert_element_type3A_240, %convert_element_type3A_246, %dot_general3A_247 {dimension_numbers = #tpu.dot_dimension_numbers<[1], [1], [0], [0], [0, 0, 1, 0], [], []>, transpose_lhs_hint = false} : vector<32x256xbf16>, vector<256x256xbf16>, vector<32x256xf32> -> vector<32x256xf32>
    %get3A_249 = arith.constant 9 : index
    %get3A_250 = arith.constant 0 : index
    %get3A_251 = vector.load %arg6[%get3A_249, %get3A_250] : memref<16x256xf32, #tpu.memory_space<vmem>>, vector<1x256xf32>
    %get3A_252 = vector.shape_cast %get3A_251 : vector<1x256xf32> to vector<256xf32>
    %broadcast_in_dim3A_253 = vector.shape_cast %get3A_252 : vector<256xf32> to vector<1x256xf32>
    %add3A_254 = vector.broadcast %broadcast_in_dim3A_253 : vector<1x256xf32> to vector<32x256xf32>
    %add3A_255 = arith.addf %dot_general3A_248, %add3A_254 : vector<32x256xf32>
    %max3A_256 = arith.constant 0.000000e+00 : f32
    %max3A_257 = vector.broadcast %max3A_256 : f32 to vector<32x256xf32>
    %max3A_258 = arith.maximumf %add3A_255, %max3A_257 : vector<32x256xf32>
    %add3A_259 = arith.constant 288 : i32
    %add3A_260 = arith.addi %multiple_of3A, %add3A_259 : i32
    %swap3A_261 = arith.index_cast %add3A_260 : i32 to index
    %swap3A_262 = arith.constant 0 : index
    %swap3A_263 = vector.load %arg7[%swap3A_261, %swap3A_262] : memref<3072x256xf32, #tpu.memory_space<vmem>>, vector<32x256xf32>
    tpu.vector_store %arg7[%swap3A_261, %swap3A_262], %max3A_258 {strides = array<i32>} : memref<3072x256xf32, #tpu.memory_space<vmem>>, vector<32x256xf32>,
    %get3A_264 = arith.constant 320 : index
    %get3A_265 = arith.constant 0 : index
    %get3A_266 = vector.load %arg3[%get3A_264, %get3A_265] : memref<512x256xf32, #tpu.memory_space<vmem>>, vector<32x256xf32>
    %convert_element_type3A_267 = arith.truncf %get3A_266 : vector<32x256xf32> to vector<32x256xbf16>
    %get3A_268 = arith.constant 10 : index
    %get3A_269 = arith.constant 0 : index
    %get3A_270 = arith.constant 0 : index
    %get3A_271 = vector.load %arg5[%get3A_268, %get3A_269, %get3A_270] : memref<16x256x256xf32, #tpu.memory_space<vmem>>, vector<1x256x256xf32>
    %get3A_272 = vector.shape_cast %get3A_271 : vector<1x256x256xf32> to vector<256x256xf32>
    %convert_element_type3A_273 = arith.truncf %get3A_272 : vector<256x256xf32> to vector<256x256xbf16>
    %dot_general3A_274 = arith.constant dense<0.000000e+00> : vector<32x256xf32>
    %dot_general3A_275 = tpu.matmul %convert_element_type3A_267, %convert_element_type3A_273, %dot_general3A_274 {dimension_numbers = #tpu.dot_dimension_numbers<[1], [1], [0], [0], [0, 0, 1, 0], [], []>, transpose_lhs_hint = false} : vector<32x256xbf16>, vector<256x256xbf16>, vector<32x256xf32> -> vector<32x256xf32>
    %get3A_276 = arith.constant 10 : index
    %get3A_277 = arith.constant 0 : index
    %get3A_278 = vector.load %arg6[%get3A_276, %get3A_277] : memref<16x256xf32, #tpu.memory_space<vmem>>, vector<1x256xf32>
    %get3A_279 = vector.shape_cast %get3A_278 : vector<1x256xf32> to vector<256xf32>
    %broadcast_in_dim3A_280 = vector.shape_cast %get3A_279 : vector<256xf32> to vector<1x256xf32>
    %add3A_281 = vector.broadcast %broadcast_in_dim3A_280 : vector<1x256xf32> to vector<32x256xf32>
    %add3A_282 = arith.addf %dot_general3A_275, %add3A_281 : vector<32x256xf32>
    %max3A_283 = arith.constant 0.000000e+00 : f32
    %max3A_284 = vector.broadcast %max3A_283 : f32 to vector<32x256xf32>
    %max3A_285 = arith.maximumf %add3A_282, %max3A_284 : vector<32x256xf32>
    %add3A_286 = arith.constant 320 : i32
    %add3A_287 = arith.addi %multiple_of3A, %add3A_286 : i32
    %swap3A_288 = arith.index_cast %add3A_287 : i32 to index
    %swap3A_289 = arith.constant 0 : index
    %swap3A_290 = vector.load %arg7[%swap3A_288, %swap3A_289] : memref<3072x256xf32, #tpu.memory_space<vmem>>, vector<32x256xf32>
    tpu.vector_store %arg7[%swap3A_288, %swap3A_289], %max3A_285 {strides = array<i32>} : memref<3072x256xf32, #tpu.memory_space<vmem>>, vector<32x256xf32>,
    %get3A_291 = arith.constant 352 : index
    %get3A_292 = arith.constant 0 : index
    %get3A_293 = vector.load %arg3[%get3A_291, %get3A_292] : memref<512x256xf32, #tpu.memory_space<vmem>>, vector<32x256xf32>
    %convert_element_type3A_294 = arith.truncf %get3A_293 : vector<32x256xf32> to vector<32x256xbf16>
    %get3A_295 = arith.constant 11 : index
    %get3A_296 = arith.constant 0 : index
    %get3A_297 = arith.constant 0 : index
    %get3A_298 = vector.load %arg5[%get3A_295, %get3A_296, %get3A_297] : memref<16x256x256xf32, #tpu.memory_space<vmem>>, vector<1x256x256xf32>
    %get3A_299 = vector.shape_cast %get3A_298 : vector<1x256x256xf32> to vector<256x256xf32>
    %convert_element_type3A_300 = arith.truncf %get3A_299 : vector<256x256xf32> to vector<256x256xbf16>
    %dot_general3A_301 = arith.constant dense<0.000000e+00> : vector<32x256xf32>
    %dot_general3A_302 = tpu.matmul %convert_element_type3A_294, %convert_element_type3A_300, %dot_general3A_301 {dimension_numbers = #tpu.dot_dimension_numbers<[1], [1], [0], [0], [0, 0, 1, 0], [], []>, transpose_lhs_hint = false} : vector<32x256xbf16>, vector<256x256xbf16>, vector<32x256xf32> -> vector<32x256xf32>
    %get3A_303 = arith.constant 11 : index
    %get3A_304 = arith.constant 0 : index
    %get3A_305 = vector.load %arg6[%get3A_303, %get3A_304] : memref<16x256xf32, #tpu.memory_space<vmem>>, vector<1x256xf32>
    %get3A_306 = vector.shape_cast %get3A_305 : vector<1x256xf32> to vector<256xf32>
    %broadcast_in_dim3A_307 = vector.shape_cast %get3A_306 : vector<256xf32> to vector<1x256xf32>
    %add3A_308 = vector.broadcast %broadcast_in_dim3A_307 : vector<1x256xf32> to vector<32x256xf32>
    %add3A_309 = arith.addf %dot_general3A_302, %add3A_308 : vector<32x256xf32>
    %max3A_310 = arith.constant 0.000000e+00 : f32
    %max3A_311 = vector.broadcast %max3A_310 : f32 to vector<32x256xf32>
    %max3A_312 = arith.maximumf %add3A_309, %max3A_311 : vector<32x256xf32>
    %add3A_313 = arith.constant 352 : i32
    %add3A_314 = arith.addi %multiple_of3A, %add3A_313 : i32
    %swap3A_315 = arith.index_cast %add3A_314 : i32 to index
    %swap3A_316 = arith.constant 0 : index
    %swap3A_317 = vector.load %arg7[%swap3A_315, %swap3A_316] : memref<3072x256xf32, #tpu.memory_space<vmem>>, vector<32x256xf32>
    tpu.vector_store %arg7[%swap3A_315, %swap3A_316], %max3A_312 {strides = array<i32>} : memref<3072x256xf32, #tpu.memory_space<vmem>>, vector<32x256xf32>,
    %get3A_318 = arith.constant 384 : index
    %get3A_319 = arith.constant 0 : index
    %get3A_320 = vector.load %arg3[%get3A_318, %get3A_319] : memref<512x256xf32, #tpu.memory_space<vmem>>, vector<32x256xf32>
    %convert_element_type3A_321 = arith.truncf %get3A_320 : vector<32x256xf32> to vector<32x256xbf16>
    %get3A_322 = arith.constant 12 : index
    %get3A_323 = arith.constant 0 : index
    %get3A_324 = arith.constant 0 : index
    %get3A_325 = vector.load %arg5[%get3A_322, %get3A_323, %get3A_324] : memref<16x256x256xf32, #tpu.memory_space<vmem>>, vector<1x256x256xf32>
    %get3A_326 = vector.shape_cast %get3A_325 : vector<1x256x256xf32> to vector<256x256xf32>
    %convert_element_type3A_327 = arith.truncf %get3A_326 : vector<256x256xf32> to vector<256x256xbf16>
    %dot_general3A_328 = arith.constant dense<0.000000e+00> : vector<32x256xf32>
    %dot_general3A_329 = tpu.matmul %convert_element_type3A_321, %convert_element_type3A_327, %dot_general3A_328 {dimension_numbers = #tpu.dot_dimension_numbers<[1], [1], [0], [0], [0, 0, 1, 0], [], []>, transpose_lhs_hint = false} : vector<32x256xbf16>, vector<256x256xbf16>, vector<32x256xf32> -> vector<32x256xf32>
    %get3A_330 = arith.constant 12 : index
    %get3A_331 = arith.constant 0 : index
    %get3A_332 = vector.load %arg6[%get3A_330, %get3A_331] : memref<16x256xf32, #tpu.memory_space<vmem>>, vector<1x256xf32>
    %get3A_333 = vector.shape_cast %get3A_332 : vector<1x256xf32> to vector<256xf32>
    %broadcast_in_dim3A_334 = vector.shape_cast %get3A_333 : vector<256xf32> to vector<1x256xf32>
    %add3A_335 = vector.broadcast %broadcast_in_dim3A_334 : vector<1x256xf32> to vector<32x256xf32>
    %add3A_336 = arith.addf %dot_general3A_329, %add3A_335 : vector<32x256xf32>
    %max3A_337 = arith.constant 0.000000e+00 : f32
    %max3A_338 = vector.broadcast %max3A_337 : f32 to vector<32x256xf32>
    %max3A_339 = arith.maximumf %add3A_336, %max3A_338 : vector<32x256xf32>
    %add3A_340 = arith.constant 384 : i32
    %add3A_341 = arith.addi %multiple_of3A, %add3A_340 : i32
    %swap3A_342 = arith.index_cast %add3A_341 : i32 to index
    %swap3A_343 = arith.constant 0 : index
    %swap3A_344 = vector.load %arg7[%swap3A_342, %swap3A_343] : memref<3072x256xf32, #tpu.memory_space<vmem>>, vector<32x256xf32>
    tpu.vector_store %arg7[%swap3A_342, %swap3A_343], %max3A_339 {strides = array<i32>} : memref<3072x256xf32, #tpu.memory_space<vmem>>, vector<32x256xf32>,
    %get3A_345 = arith.constant 416 : index
    %get3A_346 = arith.constant 0 : index
    %get3A_347 = vector.load %arg3[%get3A_345, %get3A_346] : memref<512x256xf32, #tpu.memory_space<vmem>>, vector<32x256xf32>
    %convert_element_type3A_348 = arith.truncf %get3A_347 : vector<32x256xf32> to vector<32x256xbf16>
    %get3A_349 = arith.constant 13 : index
    %get3A_350 = arith.constant 0 : index
    %get3A_351 = arith.constant 0 : index
    %get3A_352 = vector.load %arg5[%get3A_349, %get3A_350, %get3A_351] : memref<16x256x256xf32, #tpu.memory_space<vmem>>, vector<1x256x256xf32>
    %get3A_353 = vector.shape_cast %get3A_352 : vector<1x256x256xf32> to vector<256x256xf32>
    %convert_element_type3A_354 = arith.truncf %get3A_353 : vector<256x256xf32> to vector<256x256xbf16>
    %dot_general3A_355 = arith.constant dense<0.000000e+00> : vector<32x256xf32>
    %dot_general3A_356 = tpu.matmul %convert_element_type3A_348, %convert_element_type3A_354, %dot_general3A_355 {dimension_numbers = #tpu.dot_dimension_numbers<[1], [1], [0], [0], [0, 0, 1, 0], [], []>, transpose_lhs_hint = false} : vector<32x256xbf16>, vector<256x256xbf16>, vector<32x256xf32> -> vector<32x256xf32>
    %get3A_357 = arith.constant 13 : index
    %get3A_358 = arith.constant 0 : index
    %get3A_359 = vector.load %arg6[%get3A_357, %get3A_358] : memref<16x256xf32, #tpu.memory_space<vmem>>, vector<1x256xf32>
    %get3A_360 = vector.shape_cast %get3A_359 : vector<1x256xf32> to vector<256xf32>
    %broadcast_in_dim3A_361 = vector.shape_cast %get3A_360 : vector<256xf32> to vector<1x256xf32>
    %add3A_362 = vector.broadcast %broadcast_in_dim3A_361 : vector<1x256xf32> to vector<32x256xf32>
    %add3A_363 = arith.addf %dot_general3A_356, %add3A_362 : vector<32x256xf32>
    %max3A_364 = arith.constant 0.000000e+00 : f32
    %max3A_365 = vector.broadcast %max3A_364 : f32 to vector<32x256xf32>
    %max3A_366 = arith.maximumf %add3A_363, %max3A_365 : vector<32x256xf32>
    %add3A_367 = arith.constant 416 : i32
    %add3A_368 = arith.addi %multiple_of3A, %add3A_367 : i32
    %swap3A_369 = arith.index_cast %add3A_368 : i32 to index
    %swap3A_370 = arith.constant 0 : index
    %swap3A_371 = vector.load %arg7[%swap3A_369, %swap3A_370] : memref<3072x256xf32, #tpu.memory_space<vmem>>, vector<32x256xf32>
    tpu.vector_store %arg7[%swap3A_369, %swap3A_370], %max3A_366 {strides = array<i32>} : memref<3072x256xf32, #tpu.memory_space<vmem>>, vector<32x256xf32>,
    %get3A_372 = arith.constant 448 : index
    %get3A_373 = arith.constant 0 : index
    %get3A_374 = vector.load %arg3[%get3A_372, %get3A_373] : memref<512x256xf32, #tpu.memory_space<vmem>>, vector<32x256xf32>
    %convert_element_type3A_375 = arith.truncf %get3A_374 : vector<32x256xf32> to vector<32x256xbf16>
    %get3A_376 = arith.constant 14 : index
    %get3A_377 = arith.constant 0 : index
    %get3A_378 = arith.constant 0 : index
    %get3A_379 = vector.load %arg5[%get3A_376, %get3A_377, %get3A_378] : memref<16x256x256xf32, #tpu.memory_space<vmem>>, vector<1x256x256xf32>
    %get3A_380 = vector.shape_cast %get3A_379 : vector<1x256x256xf32> to vector<256x256xf32>
    %convert_element_type3A_381 = arith.truncf %get3A_380 : vector<256x256xf32> to vector<256x256xbf16>
    %dot_general3A_382 = arith.constant dense<0.000000e+00> : vector<32x256xf32>
    %dot_general3A_383 = tpu.matmul %convert_element_type3A_375, %convert_element_type3A_381, %dot_general3A_382 {dimension_numbers = #tpu.dot_dimension_numbers<[1], [1], [0], [0], [0, 0, 1, 0], [], []>, transpose_lhs_hint = false} : vector<32x256xbf16>, vector<256x256xbf16>, vector<32x256xf32> -> vector<32x256xf32>
    %get3A_384 = arith.constant 14 : index
    %get3A_385 = arith.constant 0 : index
    %get3A_386 = vector.load %arg6[%get3A_384, %get3A_385] : memref<16x256xf32, #tpu.memory_space<vmem>>, vector<1x256xf32>
    %get3A_387 = vector.shape_cast %get3A_386 : vector<1x256xf32> to vector<256xf32>
    %broadcast_in_dim3A_388 = vector.shape_cast %get3A_387 : vector<256xf32> to vector<1x256xf32>
    %add3A_389 = vector.broadcast %broadcast_in_dim3A_388 : vector<1x256xf32> to vector<32x256xf32>
    %add3A_390 = arith.addf %dot_general3A_383, %add3A_389 : vector<32x256xf32>
    %max3A_391 = arith.constant 0.000000e+00 : f32
    %max3A_392 = vector.broadcast %max3A_391 : f32 to vector<32x256xf32>
    %max3A_393 = arith.maximumf %add3A_390, %max3A_392 : vector<32x256xf32>
    %add3A_394 = arith.constant 448 : i32
    %add3A_395 = arith.addi %multiple_of3A, %add3A_394 : i32
    %swap3A_396 = arith.index_cast %add3A_395 : i32 to index
    %swap3A_397 = arith.constant 0 : index
    %swap3A_398 = vector.load %arg7[%swap3A_396, %swap3A_397] : memref<3072x256xf32, #tpu.memory_space<vmem>>, vector<32x256xf32>
    tpu.vector_store %arg7[%swap3A_396, %swap3A_397], %max3A_393 {strides = array<i32>} : memref<3072x256xf32, #tpu.memory_space<vmem>>, vector<32x256xf32>,
    %get3A_399 = arith.constant 480 : index
    %get3A_400 = arith.constant 0 : index
    %get3A_401 = vector.load %arg3[%get3A_399, %get3A_400] : memref<512x256xf32, #tpu.memory_space<vmem>>, vector<32x256xf32>
    %convert_element_type3A_402 = arith.truncf %get3A_401 : vector<32x256xf32> to vector<32x256xbf16>
    %get3A_403 = arith.constant 15 : index
    %get3A_404 = arith.constant 0 : index
    %get3A_405 = arith.constant 0 : index
    %get3A_406 = vector.load %arg5[%get3A_403, %get3A_404, %get3A_405] : memref<16x256x256xf32, #tpu.memory_space<vmem>>, vector<1x256x256xf32>
    %get3A_407 = vector.shape_cast %get3A_406 : vector<1x256x256xf32> to vector<256x256xf32>
    %convert_element_type3A_408 = arith.truncf %get3A_407 : vector<256x256xf32> to vector<256x256xbf16>
    %dot_general3A_409 = arith.constant dense<0.000000e+00> : vector<32x256xf32>
    %dot_general3A_410 = tpu.matmul %convert_element_type3A_402, %convert_element_type3A_408, %dot_general3A_409 {dimension_numbers = #tpu.dot_dimension_numbers<[1], [1], [0], [0], [0, 0, 1, 0], [], []>, transpose_lhs_hint = false} : vector<32x256xbf16>, vector<256x256xbf16>, vector<32x256xf32> -> vector<32x256xf32>
    %get3A_411 = arith.constant 15 : index
    %get3A_412 = arith.constant 0 : index
    %get3A_413 = vector.load %arg6[%get3A_411, %get3A_412] : memref<16x256xf32, #tpu.memory_space<vmem>>, vector<1x256xf32>
    %get3A_414 = vector.shape_cast %get3A_413 : vector<1x256xf32> to vector<256xf32>
    %broadcast_in_dim3A_415 = vector.shape_cast %get3A_414 : vector<256xf32> to vector<1x256xf32>
    %add3A_416 = vector.broadcast %broadcast_in_dim3A_415 : vector<1x256xf32> to vector<32x256xf32>
    %add3A_417 = arith.addf %dot_general3A_410, %add3A_416 : vector<32x256xf32>
    %max3A_418 = arith.constant 0.000000e+00 : f32
    %max3A_419 = vector.broadcast %max3A_418 : f32 to vector<32x256xf32>
    %max3A_420 = arith.maximumf %add3A_417, %max3A_419 : vector<32x256xf32>
    %add3A_421 = arith.constant 480 : i32
    %add3A_422 = arith.addi %multiple_of3A, %add3A_421 : i32
    %swap3A_423 = arith.index_cast %add3A_422 : i32 to index
    %swap3A_424 = arith.constant 0 : index
    %swap3A_425 = vector.load %arg7[%swap3A_423, %swap3A_424] : memref<3072x256xf32, #tpu.memory_space<vmem>>, vector<32x256xf32>
    tpu.vector_store %arg7[%swap3A_423, %swap3A_424], %max3A_420 {strides = array<i32>} : memref<3072x256xf32, #tpu.memory_space<vmem>>, vector<32x256xf32>,
    %mul3A_426 = arith.constant 16 : i32
    %mul3A_427 = arith.muli %arg0, %mul3A_426 : i32
    %add3A_428 = arith.constant 0 : i32
    %add3A_429 = arith.addi %mul3A_427, %add3A_428 : i32
    %get3A_430 = arith.index_cast %add3A_429 : i32 to index
    %get3A_431 = memref.load %arg1[%get3A_430] : memref<64xi32, #tpu.memory_space<smem>>
    %sub3A = arith.constant 32 : i32
    %sub3A_432 = arith.subi %get3A_431, %sub3A : i32
    %max3A_433 = arith.constant 0 : i32
    %max3A_434 = arith.maxsi %sub3A_432, %max3A_433 : i32
    %add3A_435 = arith.constant 32 : i32
    %add3A_436 = arith.addi %max3A_434, %add3A_435 : i32
    %sub3A_437 = arith.constant 1 : i32
    %sub3A_438 = arith.subi %add3A_436, %sub3A_437 : i32
    %jit3A = arith.constant 32 : i32
    %div3A = arith.divsi %sub3A_438, %jit3A : i32
    %sign3A = arith.constant 0 : i32
    %sign3A_439 = arith.cmpi sgt, %sub3A_438, %sign3A : i32
    %sign3A_440 = arith.extui %sign3A_439 : i1 to i32
    %sign3A_441 = arith.constant 0 : i32
    %sign3A_442 = arith.cmpi slt, %sub3A_438, %sign3A_441 : i32
    %sign3A_443 = arith.extui %sign3A_442 : i1 to i32
    %sign3A_444 = arith.subi %sign3A_440, %sign3A_443 : i32
    %sign3A_445 = arith.constant 0 : i32
    %sign3A_446 = arith.cmpi sgt, %jit3A, %sign3A_445 : i32
    %sign3A_447 = arith.extui %sign3A_446 : i1 to i32
    %sign3A_448 = arith.constant 0 : i32
    %sign3A_449 = arith.cmpi slt, %jit3A, %sign3A_448 : i32
    %sign3A_450 = arith.extui %sign3A_449 : i1 to i32
    %sign3A_451 = arith.subi %sign3A_447, %sign3A_450 : i32
    %ne3A = arith.cmpi ne, %sign3A_444, %sign3A_451 : i32
    %rem3A = arith.remsi %sub3A_438, %jit3A : i32
    %ne3A_452 = arith.constant 0 : i32
    %ne3A_453 = arith.cmpi ne, %rem3A, %ne3A_452 : i32
    %and3A = arith.andi %ne3A, %ne3A_453 : i1
    %sub3A_454 = arith.constant 1 : i32
    %sub3A_455 = arith.subi %div3A, %sub3A_454 : i32
    %select_n3A = arith.select %and3A, %sub3A_455, %div3A : i32
    %mul3A_456 = arith.constant 16 : i32
    %mul3A_457 = arith.muli %arg0, %mul3A_456 : i32
    %add3A_458 = arith.constant 0 : i32
    %add3A_459 = arith.addi %mul3A_457, %add3A_458 : i32
    %get3A_460 = arith.index_cast %add3A_459 : i32 to index
    %get3A_461 = memref.load %arg2[%get3A_460] : memref<64xi32, #tpu.memory_space<smem>>
    %while3A = arith.constant 0 : i32
    %while3A_462 = arith.constant 0 : i32
    %while3A_463 = arith.subi %select_n3A, %while3A_462 : i32
    %while3A_464 = arith.addi %while3A_462, %while3A_463 : i32
    %while3A_465 = arith.constant 1 : i32
    %while3A_466 = arith.divsi %while3A_463, %while3A_465 : i32
    %while3A_467 = arith.muli %while3A_466, %while3A_465 : i32
    %while3A_468 = arith.addi %while3A_462, %while3A_467 : i32
    %while3A_469 = arith.constant 1 : i32
    scf.for %while3A_1281 = %while3A_462 to %while3A_468 step %while3A_469  : i32 {
      %sub3A_1282 = arith.constant 2048 : i32
      %sub3A_1283 = arith.subi %get3A_461, %sub3A_1282 : i32
      %mul3A_1284 = arith.constant 32 : i32
      %mul3A_1285 = arith.muli %mul3A_1284, %while3A_1281 : i32
      %add3A_1286 = arith.addi %sub3A_1283, %mul3A_1285 : i32
      %multiple_of3A_1287 = tpu.assume_multiple %add3A_1286, 32 : i32
      %mul3A_1288 = arith.constant 32 : i32
      %mul3A_1289 = arith.muli %mul3A_1288, %while3A_1281 : i32
      %add3A_1290 = arith.addi %get3A_461, %mul3A_1289 : i32
      %multiple_of3A_1291 = tpu.assume_multiple %add3A_1290, 32 : i32
      %get3A_1292 = arith.index_cast %multiple_of3A_1287 : i32 to index
      %get3A_1293 = arith.constant 0 : index
      %get3A_1294 = vector.load %arg4[%get3A_1292, %get3A_1293] : memref<1024x256xf32, #tpu.memory_space<vmem>>, vector<32x256xf32>
      %convert_element_type3A_1295 = arith.truncf %get3A_1294 : vector<32x256xf32> to vector<32x256xbf16>
      %get3A_1296 = arith.constant 0 : index
      %get3A_1297 = arith.constant 0 : index
      %get3A_1298 = arith.constant 0 : index
      %get3A_1299 = vector.load %arg5[%get3A_1296, %get3A_1297, %get3A_1298] : memref<16x256x256xf32, #tpu.memory_space<vmem>>, vector<1x256x256xf32>
      %get3A_1300 = vector.shape_cast %get3A_1299 : vector<1x256x256xf32> to vector<256x256xf32>
      %convert_element_type3A_1301 = arith.truncf %get3A_1300 : vector<256x256xf32> to vector<256x256xbf16>
      %dot_general3A_1302 = arith.constant dense<0.000000e+00> : vector<32x256xf32>
      %dot_general3A_1303 = tpu.matmul %convert_element_type3A_1295, %convert_element_type3A_1301, %dot_general3A_1302 {dimension_numbers = #tpu.dot_dimension_numbers<[1], [1], [0], [0], [0, 0, 1, 0], [], []>, transpose_lhs_hint = false} : vector<32x256xbf16>, vector<256x256xbf16>, vector<32x256xf32> -> vector<32x256xf32>
      %get3A_1304 = arith.constant 0 : index
      %get3A_1305 = arith.constant 0 : index
      %get3A_1306 = vector.load %arg6[%get3A_1304, %get3A_1305] : memref<16x256xf32, #tpu.memory_space<vmem>>, vector<1x256xf32>
      %get3A_1307 = vector.shape_cast %get3A_1306 : vector<1x256xf32> to vector<256xf32>
      %broadcast_in_dim3A_1308 = vector.shape_cast %get3A_1307 : vector<256xf32> to vector<1x256xf32>
      %add3A_1309 = vector.broadcast %broadcast_in_dim3A_1308 : vector<1x256xf32> to vector<32x256xf32>
      %add3A_1310 = arith.addf %dot_general3A_1303, %add3A_1309 : vector<32x256xf32>
      %max3A_1311 = arith.constant 0.000000e+00 : f32
      %max3A_1312 = vector.broadcast %max3A_1311 : f32 to vector<32x256xf32>
      %max3A_1313 = arith.maximumf %add3A_1310, %max3A_1312 : vector<32x256xf32>
      %swap3A_1314 = arith.index_cast %multiple_of3A_1291 : i32 to index
      %swap3A_1315 = arith.constant 0 : index
      %swap3A_1316 = vector.load %arg7[%swap3A_1314, %swap3A_1315] : memref<3072x256xf32, #tpu.memory_space<vmem>>, vector<32x256xf32>
      tpu.vector_store %arg7[%swap3A_1314, %swap3A_1315], %max3A_1313 {strides = array<i32>} : memref<3072x256xf32, #tpu.memory_space<vmem>>, vector<32x256xf32>,
    }
    %while3A_470 = arith.constant 1 : i32
    scf.for %while3A_1281 = %while3A_468 to %while3A_464 step %while3A_470  : i32 {
      %sub3A_1282 = arith.constant 2048 : i32
      %sub3A_1283 = arith.subi %get3A_461, %sub3A_1282 : i32
      %mul3A_1284 = arith.constant 32 : i32
      %mul3A_1285 = arith.muli %mul3A_1284, %while3A_1281 : i32
      %add3A_1286 = arith.addi %sub3A_1283, %mul3A_1285 : i32
      %multiple_of3A_1287 = tpu.assume_multiple %add3A_1286, 32 : i32
      %mul3A_1288 = arith.constant 32 : i32
      %mul3A_1289 = arith.muli %mul3A_1288, %while3A_1281 : i32
      %add3A_1290 = arith.addi %get3A_461, %mul3A_1289 : i32
      %multiple_of3A_1291 = tpu.assume_multiple %add3A_1290, 32 : i32
      %get3A_1292 = arith.index_cast %multiple_of3A_1287 : i32 to index
      %get3A_1293 = arith.constant 0 : index
      %get3A_1294 = vector.load %arg4[%get3A_1292, %get3A_1293] : memref<1024x256xf32, #tpu.memory_space<vmem>>, vector<32x256xf32>
      %convert_element_type3A_1295 = arith.truncf %get3A_1294 : vector<32x256xf32> to vector<32x256xbf16>
      %get3A_1296 = arith.constant 0 : index
      %get3A_1297 = arith.constant 0 : index
      %get3A_1298 = arith.constant 0 : index
      %get3A_1299 = vector.load %arg5[%get3A_1296, %get3A_1297, %get3A_1298] : memref<16x256x256xf32, #tpu.memory_space<vmem>>, vector<1x256x256xf32>
      %get3A_1300 = vector.shape_cast %get3A_1299 : vector<1x256x256xf32> to vector<256x256xf32>
      %convert_element_type3A_1301 = arith.truncf %get3A_1300 : vector<256x256xf32> to vector<256x256xbf16>
      %dot_general3A_1302 = arith.constant dense<0.000000e+00> : vector<32x256xf32>
      %dot_general3A_1303 = tpu.matmul %convert_element_type3A_1295, %convert_element_type3A_1301, %dot_general3A_1302 {dimension_numbers = #tpu.dot_dimension_numbers<[1], [1], [0], [0], [0, 0, 1, 0], [], []>, transpose_lhs_hint = false} : vector<32x256xbf16>, vector<256x256xbf16>, vector<32x256xf32> -> vector<32x256xf32>
      %get3A_1304 = arith.constant 0 : index
      %get3A_1305 = arith.constant 0 : index
      %get3A_1306 = vector.load %arg6[%get3A_1304, %get3A_1305] : memref<16x256xf32, #tpu.memory_space<vmem>>, vector<1x256xf32>
      %get3A_1307 = vector.shape_cast %get3A_1306 : vector<1x256xf32> to vector<256xf32>
      %broadcast_in_dim3A_1308 = vector.shape_cast %get3A_1307 : vector<256xf32> to vector<1x256xf32>
      %add3A_1309 = vector.broadcast %broadcast_in_dim3A_1308 : vector<1x256xf32> to vector<32x256xf32>
      %add3A_1310 = arith.addf %dot_general3A_1303, %add3A_1309 : vector<32x256xf32>
      %max3A_1311 = arith.constant 0.000000e+00 : f32
      %max3A_1312 = vector.broadcast %max3A_1311 : f32 to vector<32x256xf32>
      %max3A_1313 = arith.maximumf %add3A_1310, %max3A_1312 : vector<32x256xf32>
      %swap3A_1314 = arith.index_cast %multiple_of3A_1291 : i32 to index
      %swap3A_1315 = arith.constant 0 : index
      %swap3A_1316 = vector.load %arg7[%swap3A_1314, %swap3A_1315] : memref<3072x256xf32, #tpu.memory_space<vmem>>, vector<32x256xf32>
      tpu.vector_store %arg7[%swap3A_1314, %swap3A_1315], %max3A_1313 {strides = array<i32>} : memref<3072x256xf32, #tpu.memory_space<vmem>>, vector<32x256xf32>,
    }
    %mul3A_471 = arith.constant 16 : i32
    %mul3A_472 = arith.muli %arg0, %mul3A_471 : i32
    %add3A_473 = arith.constant 1 : i32
    %add3A_474 = arith.addi %mul3A_472, %add3A_473 : i32
    %get3A_475 = arith.index_cast %add3A_474 : i32 to index
    %get3A_476 = memref.load %arg1[%get3A_475] : memref<64xi32, #tpu.memory_space<smem>>
    %sub3A_477 = arith.constant 32 : i32
    %sub3A_478 = arith.subi %get3A_476, %sub3A_477 : i32
    %max3A_479 = arith.constant 0 : i32
    %max3A_480 = arith.maxsi %sub3A_478, %max3A_479 : i32
    %add3A_481 = arith.constant 32 : i32
    %add3A_482 = arith.addi %max3A_480, %add3A_481 : i32
    %sub3A_483 = arith.constant 1 : i32
    %sub3A_484 = arith.subi %add3A_482, %sub3A_483 : i32
    %jit3A_485 = arith.constant 32 : i32
    %div3A_486 = arith.divsi %sub3A_484, %jit3A_485 : i32
    %sign3A_487 = arith.constant 0 : i32
    %sign3A_488 = arith.cmpi sgt, %sub3A_484, %sign3A_487 : i32
    %sign3A_489 = arith.extui %sign3A_488 : i1 to i32
    %sign3A_490 = arith.constant 0 : i32
    %sign3A_491 = arith.cmpi slt, %sub3A_484, %sign3A_490 : i32
    %sign3A_492 = arith.extui %sign3A_491 : i1 to i32
    %sign3A_493 = arith.subi %sign3A_489, %sign3A_492 : i32
    %sign3A_494 = arith.constant 0 : i32
    %sign3A_495 = arith.cmpi sgt, %jit3A_485, %sign3A_494 : i32
    %sign3A_496 = arith.extui %sign3A_495 : i1 to i32
    %sign3A_497 = arith.constant 0 : i32
    %sign3A_498 = arith.cmpi slt, %jit3A_485, %sign3A_497 : i32
    %sign3A_499 = arith.extui %sign3A_498 : i1 to i32
    %sign3A_500 = arith.subi %sign3A_496, %sign3A_499 : i32
    %ne3A_501 = arith.cmpi ne, %sign3A_493, %sign3A_500 : i32
    %rem3A_502 = arith.remsi %sub3A_484, %jit3A_485 : i32
    %ne3A_503 = arith.constant 0 : i32
    %ne3A_504 = arith.cmpi ne, %rem3A_502, %ne3A_503 : i32
    %and3A_505 = arith.andi %ne3A_501, %ne3A_504 : i1
    %sub3A_506 = arith.constant 1 : i32
    %sub3A_507 = arith.subi %div3A_486, %sub3A_506 : i32
    %select_n3A_508 = arith.select %and3A_505, %sub3A_507, %div3A_486 : i32
    %mul3A_509 = arith.constant 16 : i32
    %mul3A_510 = arith.muli %arg0, %mul3A_509 : i32
    %add3A_511 = arith.constant 1 : i32
    %add3A_512 = arith.addi %mul3A_510, %add3A_511 : i32
    %get3A_513 = arith.index_cast %add3A_512 : i32 to index
    %get3A_514 = memref.load %arg2[%get3A_513] : memref<64xi32, #tpu.memory_space<smem>>
    %while3A_515 = arith.constant 0 : i32
    %while3A_516 = arith.constant 0 : i32
    %while3A_517 = arith.subi %select_n3A_508, %while3A_516 : i32
    %while3A_518 = arith.addi %while3A_516, %while3A_517 : i32
    %while3A_519 = arith.constant 1 : i32
    %while3A_520 = arith.divsi %while3A_517, %while3A_519 : i32
    %while3A_521 = arith.muli %while3A_520, %while3A_519 : i32
    %while3A_522 = arith.addi %while3A_516, %while3A_521 : i32
    %while3A_523 = arith.constant 1 : i32
    scf.for %while3A_1281 = %while3A_516 to %while3A_522 step %while3A_523  : i32 {
      %sub3A_1282 = arith.constant 2048 : i32
      %sub3A_1283 = arith.subi %get3A_514, %sub3A_1282 : i32
      %mul3A_1284 = arith.constant 32 : i32
      %mul3A_1285 = arith.muli %mul3A_1284, %while3A_1281 : i32
      %add3A_1286 = arith.addi %sub3A_1283, %mul3A_1285 : i32
      %multiple_of3A_1287 = tpu.assume_multiple %add3A_1286, 32 : i32
      %mul3A_1288 = arith.constant 32 : i32
      %mul3A_1289 = arith.muli %mul3A_1288, %while3A_1281 : i32
      %add3A_1290 = arith.addi %get3A_514, %mul3A_1289 : i32
      %multiple_of3A_1291 = tpu.assume_multiple %add3A_1290, 32 : i32
      %get3A_1292 = arith.index_cast %multiple_of3A_1287 : i32 to index
      %get3A_1293 = arith.constant 0 : index
      %get3A_1294 = vector.load %arg4[%get3A_1292, %get3A_1293] : memref<1024x256xf32, #tpu.memory_space<vmem>>, vector<32x256xf32>
      %convert_element_type3A_1295 = arith.truncf %get3A_1294 : vector<32x256xf32> to vector<32x256xbf16>
      %get3A_1296 = arith.constant 1 : index
      %get3A_1297 = arith.constant 0 : index
      %get3A_1298 = arith.constant 0 : index
      %get3A_1299 = vector.load %arg5[%get3A_1296, %get3A_1297, %get3A_1298] : memref<16x256x256xf32, #tpu.memory_space<vmem>>, vector<1x256x256xf32>
      %get3A_1300 = vector.shape_cast %get3A_1299 : vector<1x256x256xf32> to vector<256x256xf32>
      %convert_element_type3A_1301 = arith.truncf %get3A_1300 : vector<256x256xf32> to vector<256x256xbf16>
      %dot_general3A_1302 = arith.constant dense<0.000000e+00> : vector<32x256xf32>
      %dot_general3A_1303 = tpu.matmul %convert_element_type3A_1295, %convert_element_type3A_1301, %dot_general3A_1302 {dimension_numbers = #tpu.dot_dimension_numbers<[1], [1], [0], [0], [0, 0, 1, 0], [], []>, transpose_lhs_hint = false} : vector<32x256xbf16>, vector<256x256xbf16>, vector<32x256xf32> -> vector<32x256xf32>
      %get3A_1304 = arith.constant 1 : index
      %get3A_1305 = arith.constant 0 : index
      %get3A_1306 = vector.load %arg6[%get3A_1304, %get3A_1305] : memref<16x256xf32, #tpu.memory_space<vmem>>, vector<1x256xf32>
      %get3A_1307 = vector.shape_cast %get3A_1306 : vector<1x256xf32> to vector<256xf32>
      %broadcast_in_dim3A_1308 = vector.shape_cast %get3A_1307 : vector<256xf32> to vector<1x256xf32>
      %add3A_1309 = vector.broadcast %broadcast_in_dim3A_1308 : vector<1x256xf32> to vector<32x256xf32>
      %add3A_1310 = arith.addf %dot_general3A_1303, %add3A_1309 : vector<32x256xf32>
      %max3A_1311 = arith.constant 0.000000e+00 : f32
      %max3A_1312 = vector.broadcast %max3A_1311 : f32 to vector<32x256xf32>
      %max3A_1313 = arith.maximumf %add3A_1310, %max3A_1312 : vector<32x256xf32>
      %swap3A_1314 = arith.index_cast %multiple_of3A_1291 : i32 to index
      %swap3A_1315 = arith.constant 0 : index
      %swap3A_1316 = vector.load %arg7[%swap3A_1314, %swap3A_1315] : memref<3072x256xf32, #tpu.memory_space<vmem>>, vector<32x256xf32>
      tpu.vector_store %arg7[%swap3A_1314, %swap3A_1315], %max3A_1313 {strides = array<i32>} : memref<3072x256xf32, #tpu.memory_space<vmem>>, vector<32x256xf32>,
    }
    %while3A_524 = arith.constant 1 : i32
    scf.for %while3A_1281 = %while3A_522 to %while3A_518 step %while3A_524  : i32 {
      %sub3A_1282 = arith.constant 2048 : i32
      %sub3A_1283 = arith.subi %get3A_514, %sub3A_1282 : i32
      %mul3A_1284 = arith.constant 32 : i32
      %mul3A_1285 = arith.muli %mul3A_1284, %while3A_1281 : i32
      %add3A_1286 = arith.addi %sub3A_1283, %mul3A_1285 : i32
      %multiple_of3A_1287 = tpu.assume_multiple %add3A_1286, 32 : i32
      %mul3A_1288 = arith.constant 32 : i32
      %mul3A_1289 = arith.muli %mul3A_1288, %while3A_1281 : i32
      %add3A_1290 = arith.addi %get3A_514, %mul3A_1289 : i32
      %multiple_of3A_1291 = tpu.assume_multiple %add3A_1290, 32 : i32
      %get3A_1292 = arith.index_cast %multiple_of3A_1287 : i32 to index
      %get3A_1293 = arith.constant 0 : index
      %get3A_1294 = vector.load %arg4[%get3A_1292, %get3A_1293] : memref<1024x256xf32, #tpu.memory_space<vmem>>, vector<32x256xf32>
      %convert_element_type3A_1295 = arith.truncf %get3A_1294 : vector<32x256xf32> to vector<32x256xbf16>
      %get3A_1296 = arith.constant 1 : index
      %get3A_1297 = arith.constant 0 : index
      %get3A_1298 = arith.constant 0 : index
      %get3A_1299 = vector.load %arg5[%get3A_1296, %get3A_1297, %get3A_1298] : memref<16x256x256xf32, #tpu.memory_space<vmem>>, vector<1x256x256xf32>
      %get3A_1300 = vector.shape_cast %get3A_1299 : vector<1x256x256xf32> to vector<256x256xf32>
      %convert_element_type3A_1301 = arith.truncf %get3A_1300 : vector<256x256xf32> to vector<256x256xbf16>
      %dot_general3A_1302 = arith.constant dense<0.000000e+00> : vector<32x256xf32>
      %dot_general3A_1303 = tpu.matmul %convert_element_type3A_1295, %convert_element_type3A_1301, %dot_general3A_1302 {dimension_numbers = #tpu.dot_dimension_numbers<[1], [1], [0], [0], [0, 0, 1, 0], [], []>, transpose_lhs_hint = false} : vector<32x256xbf16>, vector<256x256xbf16>, vector<32x256xf32> -> vector<32x256xf32>
      %get3A_1304 = arith.constant 1 : index
      %get3A_1305 = arith.constant 0 : index
      %get3A_1306 = vector.load %arg6[%get3A_1304, %get3A_1305] : memref<16x256xf32, #tpu.memory_space<vmem>>, vector<1x256xf32>
      %get3A_1307 = vector.shape_cast %get3A_1306 : vector<1x256xf32> to vector<256xf32>
      %broadcast_in_dim3A_1308 = vector.shape_cast %get3A_1307 : vector<256xf32> to vector<1x256xf32>
      %add3A_1309 = vector.broadcast %broadcast_in_dim3A_1308 : vector<1x256xf32> to vector<32x256xf32>
      %add3A_1310 = arith.addf %dot_general3A_1303, %add3A_1309 : vector<32x256xf32>
      %max3A_1311 = arith.constant 0.000000e+00 : f32
      %max3A_1312 = vector.broadcast %max3A_1311 : f32 to vector<32x256xf32>
      %max3A_1313 = arith.maximumf %add3A_1310, %max3A_1312 : vector<32x256xf32>
      %swap3A_1314 = arith.index_cast %multiple_of3A_1291 : i32 to index
      %swap3A_1315 = arith.constant 0 : index
      %swap3A_1316 = vector.load %arg7[%swap3A_1314, %swap3A_1315] : memref<3072x256xf32, #tpu.memory_space<vmem>>, vector<32x256xf32>
      tpu.vector_store %arg7[%swap3A_1314, %swap3A_1315], %max3A_1313 {strides = array<i32>} : memref<3072x256xf32, #tpu.memory_space<vmem>>, vector<32x256xf32>,
    }
    %mul3A_525 = arith.constant 16 : i32
    %mul3A_526 = arith.muli %arg0, %mul3A_525 : i32
    %add3A_527 = arith.constant 2 : i32
    %add3A_528 = arith.addi %mul3A_526, %add3A_527 : i32
    %get3A_529 = arith.index_cast %add3A_528 : i32 to index
    %get3A_530 = memref.load %arg1[%get3A_529] : memref<64xi32, #tpu.memory_space<smem>>
    %sub3A_531 = arith.constant 32 : i32
    %sub3A_532 = arith.subi %get3A_530, %sub3A_531 : i32
    %max3A_533 = arith.constant 0 : i32
    %max3A_534 = arith.maxsi %sub3A_532, %max3A_533 : i32
    %add3A_535 = arith.constant 32 : i32
    %add3A_536 = arith.addi %max3A_534, %add3A_535 : i32
    %sub3A_537 = arith.constant 1 : i32
    %sub3A_538 = arith.subi %add3A_536, %sub3A_537 : i32
    %jit3A_539 = arith.constant 32 : i32
    %div3A_540 = arith.divsi %sub3A_538, %jit3A_539 : i32
    %sign3A_541 = arith.constant 0 : i32
    %sign3A_542 = arith.cmpi sgt, %sub3A_538, %sign3A_541 : i32
    %sign3A_543 = arith.extui %sign3A_542 : i1 to i32
    %sign3A_544 = arith.constant 0 : i32
    %sign3A_545 = arith.cmpi slt, %sub3A_538, %sign3A_544 : i32
    %sign3A_546 = arith.extui %sign3A_545 : i1 to i32
    %sign3A_547 = arith.subi %sign3A_543, %sign3A_546 : i32
    %sign3A_548 = arith.constant 0 : i32
    %sign3A_549 = arith.cmpi sgt, %jit3A_539, %sign3A_548 : i32
    %sign3A_550 = arith.extui %sign3A_549 : i1 to i32
    %sign3A_551 = arith.constant 0 : i32
    %sign3A_552 = arith.cmpi slt, %jit3A_539, %sign3A_551 : i32
    %sign3A_553 = arith.extui %sign3A_552 : i1 to i32
    %sign3A_554 = arith.subi %sign3A_550, %sign3A_553 : i32
    %ne3A_555 = arith.cmpi ne, %sign3A_547, %sign3A_554 : i32
    %rem3A_556 = arith.remsi %sub3A_538, %jit3A_539 : i32
    %ne3A_557 = arith.constant 0 : i32
    %ne3A_558 = arith.cmpi ne, %rem3A_556, %ne3A_557 : i32
    %and3A_559 = arith.andi %ne3A_555, %ne3A_558 : i1
    %sub3A_560 = arith.constant 1 : i32
    %sub3A_561 = arith.subi %div3A_540, %sub3A_560 : i32
    %select_n3A_562 = arith.select %and3A_559, %sub3A_561, %div3A_540 : i32
    %mul3A_563 = arith.constant 16 : i32
    %mul3A_564 = arith.muli %arg0, %mul3A_563 : i32
    %add3A_565 = arith.constant 2 : i32
    %add3A_566 = arith.addi %mul3A_564, %add3A_565 : i32
    %get3A_567 = arith.index_cast %add3A_566 : i32 to index
    %get3A_568 = memref.load %arg2[%get3A_567] : memref<64xi32, #tpu.memory_space<smem>>
    %while3A_569 = arith.constant 0 : i32
    %while3A_570 = arith.constant 0 : i32
    %while3A_571 = arith.subi %select_n3A_562, %while3A_570 : i32
    %while3A_572 = arith.addi %while3A_570, %while3A_571 : i32
    %while3A_573 = arith.constant 1 : i32
    %while3A_574 = arith.divsi %while3A_571, %while3A_573 : i32
    %while3A_575 = arith.muli %while3A_574, %while3A_573 : i32
    %while3A_576 = arith.addi %while3A_570, %while3A_575 : i32
    %while3A_577 = arith.constant 1 : i32
    scf.for %while3A_1281 = %while3A_570 to %while3A_576 step %while3A_577  : i32 {
      %sub3A_1282 = arith.constant 2048 : i32
      %sub3A_1283 = arith.subi %get3A_568, %sub3A_1282 : i32
      %mul3A_1284 = arith.constant 32 : i32
      %mul3A_1285 = arith.muli %mul3A_1284, %while3A_1281 : i32
      %add3A_1286 = arith.addi %sub3A_1283, %mul3A_1285 : i32
      %multiple_of3A_1287 = tpu.assume_multiple %add3A_1286, 32 : i32
      %mul3A_1288 = arith.constant 32 : i32
      %mul3A_1289 = arith.muli %mul3A_1288, %while3A_1281 : i32
      %add3A_1290 = arith.addi %get3A_568, %mul3A_1289 : i32
      %multiple_of3A_1291 = tpu.assume_multiple %add3A_1290, 32 : i32
      %get3A_1292 = arith.index_cast %multiple_of3A_1287 : i32 to index
      %get3A_1293 = arith.constant 0 : index
      %get3A_1294 = vector.load %arg4[%get3A_1292, %get3A_1293] : memref<1024x256xf32, #tpu.memory_space<vmem>>, vector<32x256xf32>
      %convert_element_type3A_1295 = arith.truncf %get3A_1294 : vector<32x256xf32> to vector<32x256xbf16>
      %get3A_1296 = arith.constant 2 : index
      %get3A_1297 = arith.constant 0 : index
      %get3A_1298 = arith.constant 0 : index
      %get3A_1299 = vector.load %arg5[%get3A_1296, %get3A_1297, %get3A_1298] : memref<16x256x256xf32, #tpu.memory_space<vmem>>, vector<1x256x256xf32>
      %get3A_1300 = vector.shape_cast %get3A_1299 : vector<1x256x256xf32> to vector<256x256xf32>
      %convert_element_type3A_1301 = arith.truncf %get3A_1300 : vector<256x256xf32> to vector<256x256xbf16>
      %dot_general3A_1302 = arith.constant dense<0.000000e+00> : vector<32x256xf32>
      %dot_general3A_1303 = tpu.matmul %convert_element_type3A_1295, %convert_element_type3A_1301, %dot_general3A_1302 {dimension_numbers = #tpu.dot_dimension_numbers<[1], [1], [0], [0], [0, 0, 1, 0], [], []>, transpose_lhs_hint = false} : vector<32x256xbf16>, vector<256x256xbf16>, vector<32x256xf32> -> vector<32x256xf32>
      %get3A_1304 = arith.constant 2 : index
      %get3A_1305 = arith.constant 0 : index
      %get3A_1306 = vector.load %arg6[%get3A_1304, %get3A_1305] : memref<16x256xf32, #tpu.memory_space<vmem>>, vector<1x256xf32>
      %get3A_1307 = vector.shape_cast %get3A_1306 : vector<1x256xf32> to vector<256xf32>
      %broadcast_in_dim3A_1308 = vector.shape_cast %get3A_1307 : vector<256xf32> to vector<1x256xf32>
      %add3A_1309 = vector.broadcast %broadcast_in_dim3A_1308 : vector<1x256xf32> to vector<32x256xf32>
      %add3A_1310 = arith.addf %dot_general3A_1303, %add3A_1309 : vector<32x256xf32>
      %max3A_1311 = arith.constant 0.000000e+00 : f32
      %max3A_1312 = vector.broadcast %max3A_1311 : f32 to vector<32x256xf32>
      %max3A_1313 = arith.maximumf %add3A_1310, %max3A_1312 : vector<32x256xf32>
      %swap3A_1314 = arith.index_cast %multiple_of3A_1291 : i32 to index
      %swap3A_1315 = arith.constant 0 : index
      %swap3A_1316 = vector.load %arg7[%swap3A_1314, %swap3A_1315] : memref<3072x256xf32, #tpu.memory_space<vmem>>, vector<32x256xf32>
      tpu.vector_store %arg7[%swap3A_1314, %swap3A_1315], %max3A_1313 {strides = array<i32>} : memref<3072x256xf32, #tpu.memory_space<vmem>>, vector<32x256xf32>,
    }
    %while3A_578 = arith.constant 1 : i32
    scf.for %while3A_1281 = %while3A_576 to %while3A_572 step %while3A_578  : i32 {
      %sub3A_1282 = arith.constant 2048 : i32
      %sub3A_1283 = arith.subi %get3A_568, %sub3A_1282 : i32
      %mul3A_1284 = arith.constant 32 : i32
      %mul3A_1285 = arith.muli %mul3A_1284, %while3A_1281 : i32
      %add3A_1286 = arith.addi %sub3A_1283, %mul3A_1285 : i32
      %multiple_of3A_1287 = tpu.assume_multiple %add3A_1286, 32 : i32
      %mul3A_1288 = arith.constant 32 : i32
      %mul3A_1289 = arith.muli %mul3A_1288, %while3A_1281 : i32
      %add3A_1290 = arith.addi %get3A_568, %mul3A_1289 : i32
      %multiple_of3A_1291 = tpu.assume_multiple %add3A_1290, 32 : i32
      %get3A_1292 = arith.index_cast %multiple_of3A_1287 : i32 to index
      %get3A_1293 = arith.constant 0 : index
      %get3A_1294 = vector.load %arg4[%get3A_1292, %get3A_1293] : memref<1024x256xf32, #tpu.memory_space<vmem>>, vector<32x256xf32>
      %convert_element_type3A_1295 = arith.truncf %get3A_1294 : vector<32x256xf32> to vector<32x256xbf16>
      %get3A_1296 = arith.constant 2 : index
      %get3A_1297 = arith.constant 0 : index
      %get3A_1298 = arith.constant 0 : index
      %get3A_1299 = vector.load %arg5[%get3A_1296, %get3A_1297, %get3A_1298] : memref<16x256x256xf32, #tpu.memory_space<vmem>>, vector<1x256x256xf32>
      %get3A_1300 = vector.shape_cast %get3A_1299 : vector<1x256x256xf32> to vector<256x256xf32>
      %convert_element_type3A_1301 = arith.truncf %get3A_1300 : vector<256x256xf32> to vector<256x256xbf16>
      %dot_general3A_1302 = arith.constant dense<0.000000e+00> : vector<32x256xf32>
      %dot_general3A_1303 = tpu.matmul %convert_element_type3A_1295, %convert_element_type3A_1301, %dot_general3A_1302 {dimension_numbers = #tpu.dot_dimension_numbers<[1], [1], [0], [0], [0, 0, 1, 0], [], []>, transpose_lhs_hint = false} : vector<32x256xbf16>, vector<256x256xbf16>, vector<32x256xf32> -> vector<32x256xf32>
      %get3A_1304 = arith.constant 2 : index
      %get3A_1305 = arith.constant 0 : index
      %get3A_1306 = vector.load %arg6[%get3A_1304, %get3A_1305] : memref<16x256xf32, #tpu.memory_space<vmem>>, vector<1x256xf32>
      %get3A_1307 = vector.shape_cast %get3A_1306 : vector<1x256xf32> to vector<256xf32>
      %broadcast_in_dim3A_1308 = vector.shape_cast %get3A_1307 : vector<256xf32> to vector<1x256xf32>
      %add3A_1309 = vector.broadcast %broadcast_in_dim3A_1308 : vector<1x256xf32> to vector<32x256xf32>
      %add3A_1310 = arith.addf %dot_general3A_1303, %add3A_1309 : vector<32x256xf32>
      %max3A_1311 = arith.constant 0.000000e+00 : f32
      %max3A_1312 = vector.broadcast %max3A_1311 : f32 to vector<32x256xf32>
      %max3A_1313 = arith.maximumf %add3A_1310, %max3A_1312 : vector<32x256xf32>
      %swap3A_1314 = arith.index_cast %multiple_of3A_1291 : i32 to index
      %swap3A_1315 = arith.constant 0 : index
      %swap3A_1316 = vector.load %arg7[%swap3A_1314, %swap3A_1315] : memref<3072x256xf32, #tpu.memory_space<vmem>>, vector<32x256xf32>
      tpu.vector_store %arg7[%swap3A_1314, %swap3A_1315], %max3A_1313 {strides = array<i32>} : memref<3072x256xf32, #tpu.memory_space<vmem>>, vector<32x256xf32>,
    }
    %mul3A_579 = arith.constant 16 : i32
    %mul3A_580 = arith.muli %arg0, %mul3A_579 : i32
    %add3A_581 = arith.constant 3 : i32
    %add3A_582 = arith.addi %mul3A_580, %add3A_581 : i32
    %get3A_583 = arith.index_cast %add3A_582 : i32 to index
    %get3A_584 = memref.load %arg1[%get3A_583] : memref<64xi32, #tpu.memory_space<smem>>
    %sub3A_585 = arith.constant 32 : i32
    %sub3A_586 = arith.subi %get3A_584, %sub3A_585 : i32
    %max3A_587 = arith.constant 0 : i32
    %max3A_588 = arith.maxsi %sub3A_586, %max3A_587 : i32
    %add3A_589 = arith.constant 32 : i32
    %add3A_590 = arith.addi %max3A_588, %add3A_589 : i32
    %sub3A_591 = arith.constant 1 : i32
    %sub3A_592 = arith.subi %add3A_590, %sub3A_591 : i32
    %jit3A_593 = arith.constant 32 : i32
    %div3A_594 = arith.divsi %sub3A_592, %jit3A_593 : i32
    %sign3A_595 = arith.constant 0 : i32
    %sign3A_596 = arith.cmpi sgt, %sub3A_592, %sign3A_595 : i32
    %sign3A_597 = arith.extui %sign3A_596 : i1 to i32
    %sign3A_598 = arith.constant 0 : i32
    %sign3A_599 = arith.cmpi slt, %sub3A_592, %sign3A_598 : i32
    %sign3A_600 = arith.extui %sign3A_599 : i1 to i32
    %sign3A_601 = arith.subi %sign3A_597, %sign3A_600 : i32
    %sign3A_602 = arith.constant 0 : i32
    %sign3A_603 = arith.cmpi sgt, %jit3A_593, %sign3A_602 : i32
    %sign3A_604 = arith.extui %sign3A_603 : i1 to i32
    %sign3A_605 = arith.constant 0 : i32
    %sign3A_606 = arith.cmpi slt, %jit3A_593, %sign3A_605 : i32
    %sign3A_607 = arith.extui %sign3A_606 : i1 to i32
    %sign3A_608 = arith.subi %sign3A_604, %sign3A_607 : i32
    %ne3A_609 = arith.cmpi ne, %sign3A_601, %sign3A_608 : i32
    %rem3A_610 = arith.remsi %sub3A_592, %jit3A_593 : i32
    %ne3A_611 = arith.constant 0 : i32
    %ne3A_612 = arith.cmpi ne, %rem3A_610, %ne3A_611 : i32
    %and3A_613 = arith.andi %ne3A_609, %ne3A_612 : i1
    %sub3A_614 = arith.constant 1 : i32
    %sub3A_615 = arith.subi %div3A_594, %sub3A_614 : i32
    %select_n3A_616 = arith.select %and3A_613, %sub3A_615, %div3A_594 : i32
    %mul3A_617 = arith.constant 16 : i32
    %mul3A_618 = arith.muli %arg0, %mul3A_617 : i32
    %add3A_619 = arith.constant 3 : i32
    %add3A_620 = arith.addi %mul3A_618, %add3A_619 : i32
    %get3A_621 = arith.index_cast %add3A_620 : i32 to index
    %get3A_622 = memref.load %arg2[%get3A_621] : memref<64xi32, #tpu.memory_space<smem>>
    %while3A_623 = arith.constant 0 : i32
    %while3A_624 = arith.constant 0 : i32
    %while3A_625 = arith.subi %select_n3A_616, %while3A_624 : i32
    %while3A_626 = arith.addi %while3A_624, %while3A_625 : i32
    %while3A_627 = arith.constant 1 : i32
    %while3A_628 = arith.divsi %while3A_625, %while3A_627 : i32
    %while3A_629 = arith.muli %while3A_628, %while3A_627 : i32
    %while3A_630 = arith.addi %while3A_624, %while3A_629 : i32
    %while3A_631 = arith.constant 1 : i32
    scf.for %while3A_1281 = %while3A_624 to %while3A_630 step %while3A_631  : i32 {
      %sub3A_1282 = arith.constant 2048 : i32
      %sub3A_1283 = arith.subi %get3A_622, %sub3A_1282 : i32
      %mul3A_1284 = arith.constant 32 : i32
      %mul3A_1285 = arith.muli %mul3A_1284, %while3A_1281 : i32
      %add3A_1286 = arith.addi %sub3A_1283, %mul3A_1285 : i32
      %multiple_of3A_1287 = tpu.assume_multiple %add3A_1286, 32 : i32
      %mul3A_1288 = arith.constant 32 : i32
      %mul3A_1289 = arith.muli %mul3A_1288, %while3A_1281 : i32
      %add3A_1290 = arith.addi %get3A_622, %mul3A_1289 : i32
      %multiple_of3A_1291 = tpu.assume_multiple %add3A_1290, 32 : i32
      %get3A_1292 = arith.index_cast %multiple_of3A_1287 : i32 to index
      %get3A_1293 = arith.constant 0 : index
      %get3A_1294 = vector.load %arg4[%get3A_1292, %get3A_1293] : memref<1024x256xf32, #tpu.memory_space<vmem>>, vector<32x256xf32>
      %convert_element_type3A_1295 = arith.truncf %get3A_1294 : vector<32x256xf32> to vector<32x256xbf16>
      %get3A_1296 = arith.constant 3 : index
      %get3A_1297 = arith.constant 0 : index
      %get3A_1298 = arith.constant 0 : index
      %get3A_1299 = vector.load %arg5[%get3A_1296, %get3A_1297, %get3A_1298] : memref<16x256x256xf32, #tpu.memory_space<vmem>>, vector<1x256x256xf32>
      %get3A_1300 = vector.shape_cast %get3A_1299 : vector<1x256x256xf32> to vector<256x256xf32>
      %convert_element_type3A_1301 = arith.truncf %get3A_1300 : vector<256x256xf32> to vector<256x256xbf16>
      %dot_general3A_1302 = arith.constant dense<0.000000e+00> : vector<32x256xf32>
      %dot_general3A_1303 = tpu.matmul %convert_element_type3A_1295, %convert_element_type3A_1301, %dot_general3A_1302 {dimension_numbers = #tpu.dot_dimension_numbers<[1], [1], [0], [0], [0, 0, 1, 0], [], []>, transpose_lhs_hint = false} : vector<32x256xbf16>, vector<256x256xbf16>, vector<32x256xf32> -> vector<32x256xf32>
      %get3A_1304 = arith.constant 3 : index
      %get3A_1305 = arith.constant 0 : index
      %get3A_1306 = vector.load %arg6[%get3A_1304, %get3A_1305] : memref<16x256xf32, #tpu.memory_space<vmem>>, vector<1x256xf32>
      %get3A_1307 = vector.shape_cast %get3A_1306 : vector<1x256xf32> to vector<256xf32>
      %broadcast_in_dim3A_1308 = vector.shape_cast %get3A_1307 : vector<256xf32> to vector<1x256xf32>
      %add3A_1309 = vector.broadcast %broadcast_in_dim3A_1308 : vector<1x256xf32> to vector<32x256xf32>
      %add3A_1310 = arith.addf %dot_general3A_1303, %add3A_1309 : vector<32x256xf32>
      %max3A_1311 = arith.constant 0.000000e+00 : f32
      %max3A_1312 = vector.broadcast %max3A_1311 : f32 to vector<32x256xf32>
      %max3A_1313 = arith.maximumf %add3A_1310, %max3A_1312 : vector<32x256xf32>
      %swap3A_1314 = arith.index_cast %multiple_of3A_1291 : i32 to index
      %swap3A_1315 = arith.constant 0 : index
      %swap3A_1316 = vector.load %arg7[%swap3A_1314, %swap3A_1315] : memref<3072x256xf32, #tpu.memory_space<vmem>>, vector<32x256xf32>
      tpu.vector_store %arg7[%swap3A_1314, %swap3A_1315], %max3A_1313 {strides = array<i32>} : memref<3072x256xf32, #tpu.memory_space<vmem>>, vector<32x256xf32>,
    }
    %while3A_632 = arith.constant 1 : i32
    scf.for %while3A_1281 = %while3A_630 to %while3A_626 step %while3A_632  : i32 {
      %sub3A_1282 = arith.constant 2048 : i32
      %sub3A_1283 = arith.subi %get3A_622, %sub3A_1282 : i32
      %mul3A_1284 = arith.constant 32 : i32
      %mul3A_1285 = arith.muli %mul3A_1284, %while3A_1281 : i32
      %add3A_1286 = arith.addi %sub3A_1283, %mul3A_1285 : i32
      %multiple_of3A_1287 = tpu.assume_multiple %add3A_1286, 32 : i32
      %mul3A_1288 = arith.constant 32 : i32
      %mul3A_1289 = arith.muli %mul3A_1288, %while3A_1281 : i32
      %add3A_1290 = arith.addi %get3A_622, %mul3A_1289 : i32
      %multiple_of3A_1291 = tpu.assume_multiple %add3A_1290, 32 : i32
      %get3A_1292 = arith.index_cast %multiple_of3A_1287 : i32 to index
      %get3A_1293 = arith.constant 0 : index
      %get3A_1294 = vector.load %arg4[%get3A_1292, %get3A_1293] : memref<1024x256xf32, #tpu.memory_space<vmem>>, vector<32x256xf32>
      %convert_element_type3A_1295 = arith.truncf %get3A_1294 : vector<32x256xf32> to vector<32x256xbf16>
      %get3A_1296 = arith.constant 3 : index
      %get3A_1297 = arith.constant 0 : index
      %get3A_1298 = arith.constant 0 : index
      %get3A_1299 = vector.load %arg5[%get3A_1296, %get3A_1297, %get3A_1298] : memref<16x256x256xf32, #tpu.memory_space<vmem>>, vector<1x256x256xf32>
      %get3A_1300 = vector.shape_cast %get3A_1299 : vector<1x256x256xf32> to vector<256x256xf32>
      %convert_element_type3A_1301 = arith.truncf %get3A_1300 : vector<256x256xf32> to vector<256x256xbf16>
      %dot_general3A_1302 = arith.constant dense<0.000000e+00> : vector<32x256xf32>
      %dot_general3A_1303 = tpu.matmul %convert_element_type3A_1295, %convert_element_type3A_1301, %dot_general3A_1302 {dimension_numbers = #tpu.dot_dimension_numbers<[1], [1], [0], [0], [0, 0, 1, 0], [], []>, transpose_lhs_hint = false} : vector<32x256xbf16>, vector<256x256xbf16>, vector<32x256xf32> -> vector<32x256xf32>
      %get3A_1304 = arith.constant 3 : index
      %get3A_1305 = arith.constant 0 : index
      %get3A_1306 = vector.load %arg6[%get3A_1304, %get3A_1305] : memref<16x256xf32, #tpu.memory_space<vmem>>, vector<1x256xf32>
      %get3A_1307 = vector.shape_cast %get3A_1306 : vector<1x256xf32> to vector<256xf32>
      %broadcast_in_dim3A_1308 = vector.shape_cast %get3A_1307 : vector<256xf32> to vector<1x256xf32>
      %add3A_1309 = vector.broadcast %broadcast_in_dim3A_1308 : vector<1x256xf32> to vector<32x256xf32>
      %add3A_1310 = arith.addf %dot_general3A_1303, %add3A_1309 : vector<32x256xf32>
      %max3A_1311 = arith.constant 0.000000e+00 : f32
      %max3A_1312 = vector.broadcast %max3A_1311 : f32 to vector<32x256xf32>
      %max3A_1313 = arith.maximumf %add3A_1310, %max3A_1312 : vector<32x256xf32>
      %swap3A_1314 = arith.index_cast %multiple_of3A_1291 : i32 to index
      %swap3A_1315 = arith.constant 0 : index
      %swap3A_1316 = vector.load %arg7[%swap3A_1314, %swap3A_1315] : memref<3072x256xf32, #tpu.memory_space<vmem>>, vector<32x256xf32>
      tpu.vector_store %arg7[%swap3A_1314, %swap3A_1315], %max3A_1313 {strides = array<i32>} : memref<3072x256xf32, #tpu.memory_space<vmem>>, vector<32x256xf32>,
    }
    %mul3A_633 = arith.constant 16 : i32
    %mul3A_634 = arith.muli %arg0, %mul3A_633 : i32
    %add3A_635 = arith.constant 4 : i32
    %add3A_636 = arith.addi %mul3A_634, %add3A_635 : i32
    %get3A_637 = arith.index_cast %add3A_636 : i32 to index
    %get3A_638 = memref.load %arg1[%get3A_637] : memref<64xi32, #tpu.memory_space<smem>>
    %sub3A_639 = arith.constant 32 : i32
    %sub3A_640 = arith.subi %get3A_638, %sub3A_639 : i32
    %max3A_641 = arith.constant 0 : i32
    %max3A_642 = arith.maxsi %sub3A_640, %max3A_641 : i32
    %add3A_643 = arith.constant 32 : i32
    %add3A_644 = arith.addi %max3A_642, %add3A_643 : i32
    %sub3A_645 = arith.constant 1 : i32
    %sub3A_646 = arith.subi %add3A_644, %sub3A_645 : i32
    %jit3A_647 = arith.constant 32 : i32
    %div3A_648 = arith.divsi %sub3A_646, %jit3A_647 : i32
    %sign3A_649 = arith.constant 0 : i32
    %sign3A_650 = arith.cmpi sgt, %sub3A_646, %sign3A_649 : i32
    %sign3A_651 = arith.extui %sign3A_650 : i1 to i32
    %sign3A_652 = arith.constant 0 : i32
    %sign3A_653 = arith.cmpi slt, %sub3A_646, %sign3A_652 : i32
    %sign3A_654 = arith.extui %sign3A_653 : i1 to i32
    %sign3A_655 = arith.subi %sign3A_651, %sign3A_654 : i32
    %sign3A_656 = arith.constant 0 : i32
    %sign3A_657 = arith.cmpi sgt, %jit3A_647, %sign3A_656 : i32
    %sign3A_658 = arith.extui %sign3A_657 : i1 to i32
    %sign3A_659 = arith.constant 0 : i32
    %sign3A_660 = arith.cmpi slt, %jit3A_647, %sign3A_659 : i32
    %sign3A_661 = arith.extui %sign3A_660 : i1 to i32
    %sign3A_662 = arith.subi %sign3A_658, %sign3A_661 : i32
    %ne3A_663 = arith.cmpi ne, %sign3A_655, %sign3A_662 : i32
    %rem3A_664 = arith.remsi %sub3A_646, %jit3A_647 : i32
    %ne3A_665 = arith.constant 0 : i32
    %ne3A_666 = arith.cmpi ne, %rem3A_664, %ne3A_665 : i32
    %and3A_667 = arith.andi %ne3A_663, %ne3A_666 : i1
    %sub3A_668 = arith.constant 1 : i32
    %sub3A_669 = arith.subi %div3A_648, %sub3A_668 : i32
    %select_n3A_670 = arith.select %and3A_667, %sub3A_669, %div3A_648 : i32
    %mul3A_671 = arith.constant 16 : i32
    %mul3A_672 = arith.muli %arg0, %mul3A_671 : i32
    %add3A_673 = arith.constant 4 : i32
    %add3A_674 = arith.addi %mul3A_672, %add3A_673 : i32
    %get3A_675 = arith.index_cast %add3A_674 : i32 to index
    %get3A_676 = memref.load %arg2[%get3A_675] : memref<64xi32, #tpu.memory_space<smem>>
    %while3A_677 = arith.constant 0 : i32
    %while3A_678 = arith.constant 0 : i32
    %while3A_679 = arith.subi %select_n3A_670, %while3A_678 : i32
    %while3A_680 = arith.addi %while3A_678, %while3A_679 : i32
    %while3A_681 = arith.constant 1 : i32
    %while3A_682 = arith.divsi %while3A_679, %while3A_681 : i32
    %while3A_683 = arith.muli %while3A_682, %while3A_681 : i32
    %while3A_684 = arith.addi %while3A_678, %while3A_683 : i32
    %while3A_685 = arith.constant 1 : i32
    scf.for %while3A_1281 = %while3A_678 to %while3A_684 step %while3A_685  : i32 {
      %sub3A_1282 = arith.constant 2048 : i32
      %sub3A_1283 = arith.subi %get3A_676, %sub3A_1282 : i32
      %mul3A_1284 = arith.constant 32 : i32
      %mul3A_1285 = arith.muli %mul3A_1284, %while3A_1281 : i32
      %add3A_1286 = arith.addi %sub3A_1283, %mul3A_1285 : i32
      %multiple_of3A_1287 = tpu.assume_multiple %add3A_1286, 32 : i32
      %mul3A_1288 = arith.constant 32 : i32
      %mul3A_1289 = arith.muli %mul3A_1288, %while3A_1281 : i32
      %add3A_1290 = arith.addi %get3A_676, %mul3A_1289 : i32
      %multiple_of3A_1291 = tpu.assume_multiple %add3A_1290, 32 : i32
      %get3A_1292 = arith.index_cast %multiple_of3A_1287 : i32 to index
      %get3A_1293 = arith.constant 0 : index
      %get3A_1294 = vector.load %arg4[%get3A_1292, %get3A_1293] : memref<1024x256xf32, #tpu.memory_space<vmem>>, vector<32x256xf32>
      %convert_element_type3A_1295 = arith.truncf %get3A_1294 : vector<32x256xf32> to vector<32x256xbf16>
      %get3A_1296 = arith.constant 4 : index
      %get3A_1297 = arith.constant 0 : index
      %get3A_1298 = arith.constant 0 : index
      %get3A_1299 = vector.load %arg5[%get3A_1296, %get3A_1297, %get3A_1298] : memref<16x256x256xf32, #tpu.memory_space<vmem>>, vector<1x256x256xf32>
      %get3A_1300 = vector.shape_cast %get3A_1299 : vector<1x256x256xf32> to vector<256x256xf32>
      %convert_element_type3A_1301 = arith.truncf %get3A_1300 : vector<256x256xf32> to vector<256x256xbf16>
      %dot_general3A_1302 = arith.constant dense<0.000000e+00> : vector<32x256xf32>
      %dot_general3A_1303 = tpu.matmul %convert_element_type3A_1295, %convert_element_type3A_1301, %dot_general3A_1302 {dimension_numbers = #tpu.dot_dimension_numbers<[1], [1], [0], [0], [0, 0, 1, 0], [], []>, transpose_lhs_hint = false} : vector<32x256xbf16>, vector<256x256xbf16>, vector<32x256xf32> -> vector<32x256xf32>
      %get3A_1304 = arith.constant 4 : index
      %get3A_1305 = arith.constant 0 : index
      %get3A_1306 = vector.load %arg6[%get3A_1304, %get3A_1305] : memref<16x256xf32, #tpu.memory_space<vmem>>, vector<1x256xf32>
      %get3A_1307 = vector.shape_cast %get3A_1306 : vector<1x256xf32> to vector<256xf32>
      %broadcast_in_dim3A_1308 = vector.shape_cast %get3A_1307 : vector<256xf32> to vector<1x256xf32>
      %add3A_1309 = vector.broadcast %broadcast_in_dim3A_1308 : vector<1x256xf32> to vector<32x256xf32>
      %add3A_1310 = arith.addf %dot_general3A_1303, %add3A_1309 : vector<32x256xf32>
      %max3A_1311 = arith.constant 0.000000e+00 : f32
      %max3A_1312 = vector.broadcast %max3A_1311 : f32 to vector<32x256xf32>
      %max3A_1313 = arith.maximumf %add3A_1310, %max3A_1312 : vector<32x256xf32>
      %swap3A_1314 = arith.index_cast %multiple_of3A_1291 : i32 to index
      %swap3A_1315 = arith.constant 0 : index
      %swap3A_1316 = vector.load %arg7[%swap3A_1314, %swap3A_1315] : memref<3072x256xf32, #tpu.memory_space<vmem>>, vector<32x256xf32>
      tpu.vector_store %arg7[%swap3A_1314, %swap3A_1315], %max3A_1313 {strides = array<i32>} : memref<3072x256xf32, #tpu.memory_space<vmem>>, vector<32x256xf32>,
    }
    %while3A_686 = arith.constant 1 : i32
    scf.for %while3A_1281 = %while3A_684 to %while3A_680 step %while3A_686  : i32 {
      %sub3A_1282 = arith.constant 2048 : i32
      %sub3A_1283 = arith.subi %get3A_676, %sub3A_1282 : i32
      %mul3A_1284 = arith.constant 32 : i32
      %mul3A_1285 = arith.muli %mul3A_1284, %while3A_1281 : i32
      %add3A_1286 = arith.addi %sub3A_1283, %mul3A_1285 : i32
      %multiple_of3A_1287 = tpu.assume_multiple %add3A_1286, 32 : i32
      %mul3A_1288 = arith.constant 32 : i32
      %mul3A_1289 = arith.muli %mul3A_1288, %while3A_1281 : i32
      %add3A_1290 = arith.addi %get3A_676, %mul3A_1289 : i32
      %multiple_of3A_1291 = tpu.assume_multiple %add3A_1290, 32 : i32
      %get3A_1292 = arith.index_cast %multiple_of3A_1287 : i32 to index
      %get3A_1293 = arith.constant 0 : index
      %get3A_1294 = vector.load %arg4[%get3A_1292, %get3A_1293] : memref<1024x256xf32, #tpu.memory_space<vmem>>, vector<32x256xf32>
      %convert_element_type3A_1295 = arith.truncf %get3A_1294 : vector<32x256xf32> to vector<32x256xbf16>
      %get3A_1296 = arith.constant 4 : index
      %get3A_1297 = arith.constant 0 : index
      %get3A_1298 = arith.constant 0 : index
      %get3A_1299 = vector.load %arg5[%get3A_1296, %get3A_1297, %get3A_1298] : memref<16x256x256xf32, #tpu.memory_space<vmem>>, vector<1x256x256xf32>
      %get3A_1300 = vector.shape_cast %get3A_1299 : vector<1x256x256xf32> to vector<256x256xf32>
      %convert_element_type3A_1301 = arith.truncf %get3A_1300 : vector<256x256xf32> to vector<256x256xbf16>
      %dot_general3A_1302 = arith.constant dense<0.000000e+00> : vector<32x256xf32>
      %dot_general3A_1303 = tpu.matmul %convert_element_type3A_1295, %convert_element_type3A_1301, %dot_general3A_1302 {dimension_numbers = #tpu.dot_dimension_numbers<[1], [1], [0], [0], [0, 0, 1, 0], [], []>, transpose_lhs_hint = false} : vector<32x256xbf16>, vector<256x256xbf16>, vector<32x256xf32> -> vector<32x256xf32>
      %get3A_1304 = arith.constant 4 : index
      %get3A_1305 = arith.constant 0 : index
      %get3A_1306 = vector.load %arg6[%get3A_1304, %get3A_1305] : memref<16x256xf32, #tpu.memory_space<vmem>>, vector<1x256xf32>
      %get3A_1307 = vector.shape_cast %get3A_1306 : vector<1x256xf32> to vector<256xf32>
      %broadcast_in_dim3A_1308 = vector.shape_cast %get3A_1307 : vector<256xf32> to vector<1x256xf32>
      %add3A_1309 = vector.broadcast %broadcast_in_dim3A_1308 : vector<1x256xf32> to vector<32x256xf32>
      %add3A_1310 = arith.addf %dot_general3A_1303, %add3A_1309 : vector<32x256xf32>
      %max3A_1311 = arith.constant 0.000000e+00 : f32
      %max3A_1312 = vector.broadcast %max3A_1311 : f32 to vector<32x256xf32>
      %max3A_1313 = arith.maximumf %add3A_1310, %max3A_1312 : vector<32x256xf32>
      %swap3A_1314 = arith.index_cast %multiple_of3A_1291 : i32 to index
      %swap3A_1315 = arith.constant 0 : index
      %swap3A_1316 = vector.load %arg7[%swap3A_1314, %swap3A_1315] : memref<3072x256xf32, #tpu.memory_space<vmem>>, vector<32x256xf32>
      tpu.vector_store %arg7[%swap3A_1314, %swap3A_1315], %max3A_1313 {strides = array<i32>} : memref<3072x256xf32, #tpu.memory_space<vmem>>, vector<32x256xf32>,
    }
    %mul3A_687 = arith.constant 16 : i32
    %mul3A_688 = arith.muli %arg0, %mul3A_687 : i32
    %add3A_689 = arith.constant 5 : i32
    %add3A_690 = arith.addi %mul3A_688, %add3A_689 : i32
    %get3A_691 = arith.index_cast %add3A_690 : i32 to index
    %get3A_692 = memref.load %arg1[%get3A_691] : memref<64xi32, #tpu.memory_space<smem>>
    %sub3A_693 = arith.constant 32 : i32
    %sub3A_694 = arith.subi %get3A_692, %sub3A_693 : i32
    %max3A_695 = arith.constant 0 : i32
    %max3A_696 = arith.maxsi %sub3A_694, %max3A_695 : i32
    %add3A_697 = arith.constant 32 : i32
    %add3A_698 = arith.addi %max3A_696, %add3A_697 : i32
    %sub3A_699 = arith.constant 1 : i32
    %sub3A_700 = arith.subi %add3A_698, %sub3A_699 : i32
    %jit3A_701 = arith.constant 32 : i32
    %div3A_702 = arith.divsi %sub3A_700, %jit3A_701 : i32
    %sign3A_703 = arith.constant 0 : i32
    %sign3A_704 = arith.cmpi sgt, %sub3A_700, %sign3A_703 : i32
    %sign3A_705 = arith.extui %sign3A_704 : i1 to i32
    %sign3A_706 = arith.constant 0 : i32
    %sign3A_707 = arith.cmpi slt, %sub3A_700, %sign3A_706 : i32
    %sign3A_708 = arith.extui %sign3A_707 : i1 to i32
    %sign3A_709 = arith.subi %sign3A_705, %sign3A_708 : i32
    %sign3A_710 = arith.constant 0 : i32
    %sign3A_711 = arith.cmpi sgt, %jit3A_701, %sign3A_710 : i32
    %sign3A_712 = arith.extui %sign3A_711 : i1 to i32
    %sign3A_713 = arith.constant 0 : i32
    %sign3A_714 = arith.cmpi slt, %jit3A_701, %sign3A_713 : i32
    %sign3A_715 = arith.extui %sign3A_714 : i1 to i32
    %sign3A_716 = arith.subi %sign3A_712, %sign3A_715 : i32
    %ne3A_717 = arith.cmpi ne, %sign3A_709, %sign3A_716 : i32
    %rem3A_718 = arith.remsi %sub3A_700, %jit3A_701 : i32
    %ne3A_719 = arith.constant 0 : i32
    %ne3A_720 = arith.cmpi ne, %rem3A_718, %ne3A_719 : i32
    %and3A_721 = arith.andi %ne3A_717, %ne3A_720 : i1
    %sub3A_722 = arith.constant 1 : i32
    %sub3A_723 = arith.subi %div3A_702, %sub3A_722 : i32
    %select_n3A_724 = arith.select %and3A_721, %sub3A_723, %div3A_702 : i32
    %mul3A_725 = arith.constant 16 : i32
    %mul3A_726 = arith.muli %arg0, %mul3A_725 : i32
    %add3A_727 = arith.constant 5 : i32
    %add3A_728 = arith.addi %mul3A_726, %add3A_727 : i32
    %get3A_729 = arith.index_cast %add3A_728 : i32 to index
    %get3A_730 = memref.load %arg2[%get3A_729] : memref<64xi32, #tpu.memory_space<smem>>
    %while3A_731 = arith.constant 0 : i32
    %while3A_732 = arith.constant 0 : i32
    %while3A_733 = arith.subi %select_n3A_724, %while3A_732 : i32
    %while3A_734 = arith.addi %while3A_732, %while3A_733 : i32
    %while3A_735 = arith.constant 1 : i32
    %while3A_736 = arith.divsi %while3A_733, %while3A_735 : i32
    %while3A_737 = arith.muli %while3A_736, %while3A_735 : i32
    %while3A_738 = arith.addi %while3A_732, %while3A_737 : i32
    %while3A_739 = arith.constant 1 : i32
    scf.for %while3A_1281 = %while3A_732 to %while3A_738 step %while3A_739  : i32 {
      %sub3A_1282 = arith.constant 2048 : i32
      %sub3A_1283 = arith.subi %get3A_730, %sub3A_1282 : i32
      %mul3A_1284 = arith.constant 32 : i32
      %mul3A_1285 = arith.muli %mul3A_1284, %while3A_1281 : i32
      %add3A_1286 = arith.addi %sub3A_1283, %mul3A_1285 : i32
      %multiple_of3A_1287 = tpu.assume_multiple %add3A_1286, 32 : i32
      %mul3A_1288 = arith.constant 32 : i32
      %mul3A_1289 = arith.muli %mul3A_1288, %while3A_1281 : i32
      %add3A_1290 = arith.addi %get3A_730, %mul3A_1289 : i32
      %multiple_of3A_1291 = tpu.assume_multiple %add3A_1290, 32 : i32
      %get3A_1292 = arith.index_cast %multiple_of3A_1287 : i32 to index
      %get3A_1293 = arith.constant 0 : index
      %get3A_1294 = vector.load %arg4[%get3A_1292, %get3A_1293] : memref<1024x256xf32, #tpu.memory_space<vmem>>, vector<32x256xf32>
      %convert_element_type3A_1295 = arith.truncf %get3A_1294 : vector<32x256xf32> to vector<32x256xbf16>
      %get3A_1296 = arith.constant 5 : index
      %get3A_1297 = arith.constant 0 : index
      %get3A_1298 = arith.constant 0 : index
      %get3A_1299 = vector.load %arg5[%get3A_1296, %get3A_1297, %get3A_1298] : memref<16x256x256xf32, #tpu.memory_space<vmem>>, vector<1x256x256xf32>
      %get3A_1300 = vector.shape_cast %get3A_1299 : vector<1x256x256xf32> to vector<256x256xf32>
      %convert_element_type3A_1301 = arith.truncf %get3A_1300 : vector<256x256xf32> to vector<256x256xbf16>
      %dot_general3A_1302 = arith.constant dense<0.000000e+00> : vector<32x256xf32>
      %dot_general3A_1303 = tpu.matmul %convert_element_type3A_1295, %convert_element_type3A_1301, %dot_general3A_1302 {dimension_numbers = #tpu.dot_dimension_numbers<[1], [1], [0], [0], [0, 0, 1, 0], [], []>, transpose_lhs_hint = false} : vector<32x256xbf16>, vector<256x256xbf16>, vector<32x256xf32> -> vector<32x256xf32>
      %get3A_1304 = arith.constant 5 : index
      %get3A_1305 = arith.constant 0 : index
      %get3A_1306 = vector.load %arg6[%get3A_1304, %get3A_1305] : memref<16x256xf32, #tpu.memory_space<vmem>>, vector<1x256xf32>
      %get3A_1307 = vector.shape_cast %get3A_1306 : vector<1x256xf32> to vector<256xf32>
      %broadcast_in_dim3A_1308 = vector.shape_cast %get3A_1307 : vector<256xf32> to vector<1x256xf32>
      %add3A_1309 = vector.broadcast %broadcast_in_dim3A_1308 : vector<1x256xf32> to vector<32x256xf32>
      %add3A_1310 = arith.addf %dot_general3A_1303, %add3A_1309 : vector<32x256xf32>
      %max3A_1311 = arith.constant 0.000000e+00 : f32
      %max3A_1312 = vector.broadcast %max3A_1311 : f32 to vector<32x256xf32>
      %max3A_1313 = arith.maximumf %add3A_1310, %max3A_1312 : vector<32x256xf32>
      %swap3A_1314 = arith.index_cast %multiple_of3A_1291 : i32 to index
      %swap3A_1315 = arith.constant 0 : index
      %swap3A_1316 = vector.load %arg7[%swap3A_1314, %swap3A_1315] : memref<3072x256xf32, #tpu.memory_space<vmem>>, vector<32x256xf32>
      tpu.vector_store %arg7[%swap3A_1314, %swap3A_1315], %max3A_1313 {strides = array<i32>} : memref<3072x256xf32, #tpu.memory_space<vmem>>, vector<32x256xf32>,
    }
    %while3A_740 = arith.constant 1 : i32
    scf.for %while3A_1281 = %while3A_738 to %while3A_734 step %while3A_740  : i32 {
      %sub3A_1282 = arith.constant 2048 : i32
      %sub3A_1283 = arith.subi %get3A_730, %sub3A_1282 : i32
      %mul3A_1284 = arith.constant 32 : i32
      %mul3A_1285 = arith.muli %mul3A_1284, %while3A_1281 : i32
      %add3A_1286 = arith.addi %sub3A_1283, %mul3A_1285 : i32
      %multiple_of3A_1287 = tpu.assume_multiple %add3A_1286, 32 : i32
      %mul3A_1288 = arith.constant 32 : i32
      %mul3A_1289 = arith.muli %mul3A_1288, %while3A_1281 : i32
      %add3A_1290 = arith.addi %get3A_730, %mul3A_1289 : i32
      %multiple_of3A_1291 = tpu.assume_multiple %add3A_1290, 32 : i32
      %get3A_1292 = arith.index_cast %multiple_of3A_1287 : i32 to index
      %get3A_1293 = arith.constant 0 : index
      %get3A_1294 = vector.load %arg4[%get3A_1292, %get3A_1293] : memref<1024x256xf32, #tpu.memory_space<vmem>>, vector<32x256xf32>
      %convert_element_type3A_1295 = arith.truncf %get3A_1294 : vector<32x256xf32> to vector<32x256xbf16>
      %get3A_1296 = arith.constant 5 : index
      %get3A_1297 = arith.constant 0 : index
      %get3A_1298 = arith.constant 0 : index
      %get3A_1299 = vector.load %arg5[%get3A_1296, %get3A_1297, %get3A_1298] : memref<16x256x256xf32, #tpu.memory_space<vmem>>, vector<1x256x256xf32>
      %get3A_1300 = vector.shape_cast %get3A_1299 : vector<1x256x256xf32> to vector<256x256xf32>
      %convert_element_type3A_1301 = arith.truncf %get3A_1300 : vector<256x256xf32> to vector<256x256xbf16>
      %dot_general3A_1302 = arith.constant dense<0.000000e+00> : vector<32x256xf32>
      %dot_general3A_1303 = tpu.matmul %convert_element_type3A_1295, %convert_element_type3A_1301, %dot_general3A_1302 {dimension_numbers = #tpu.dot_dimension_numbers<[1], [1], [0], [0], [0, 0, 1, 0], [], []>, transpose_lhs_hint = false} : vector<32x256xbf16>, vector<256x256xbf16>, vector<32x256xf32> -> vector<32x256xf32>
      %get3A_1304 = arith.constant 5 : index
      %get3A_1305 = arith.constant 0 : index
      %get3A_1306 = vector.load %arg6[%get3A_1304, %get3A_1305] : memref<16x256xf32, #tpu.memory_space<vmem>>, vector<1x256xf32>
      %get3A_1307 = vector.shape_cast %get3A_1306 : vector<1x256xf32> to vector<256xf32>
      %broadcast_in_dim3A_1308 = vector.shape_cast %get3A_1307 : vector<256xf32> to vector<1x256xf32>
      %add3A_1309 = vector.broadcast %broadcast_in_dim3A_1308 : vector<1x256xf32> to vector<32x256xf32>
      %add3A_1310 = arith.addf %dot_general3A_1303, %add3A_1309 : vector<32x256xf32>
      %max3A_1311 = arith.constant 0.000000e+00 : f32
      %max3A_1312 = vector.broadcast %max3A_1311 : f32 to vector<32x256xf32>
      %max3A_1313 = arith.maximumf %add3A_1310, %max3A_1312 : vector<32x256xf32>
      %swap3A_1314 = arith.index_cast %multiple_of3A_1291 : i32 to index
      %swap3A_1315 = arith.constant 0 : index
      %swap3A_1316 = vector.load %arg7[%swap3A_1314, %swap3A_1315] : memref<3072x256xf32, #tpu.memory_space<vmem>>, vector<32x256xf32>
      tpu.vector_store %arg7[%swap3A_1314, %swap3A_1315], %max3A_1313 {strides = array<i32>} : memref<3072x256xf32, #tpu.memory_space<vmem>>, vector<32x256xf32>,
    }
    %mul3A_741 = arith.constant 16 : i32
    %mul3A_742 = arith.muli %arg0, %mul3A_741 : i32
    %add3A_743 = arith.constant 6 : i32
    %add3A_744 = arith.addi %mul3A_742, %add3A_743 : i32
    %get3A_745 = arith.index_cast %add3A_744 : i32 to index
    %get3A_746 = memref.load %arg1[%get3A_745] : memref<64xi32, #tpu.memory_space<smem>>
    %sub3A_747 = arith.constant 32 : i32
    %sub3A_748 = arith.subi %get3A_746, %sub3A_747 : i32
    %max3A_749 = arith.constant 0 : i32
    %max3A_750 = arith.maxsi %sub3A_748, %max3A_749 : i32
    %add3A_751 = arith.constant 32 : i32
    %add3A_752 = arith.addi %max3A_750, %add3A_751 : i32
    %sub3A_753 = arith.constant 1 : i32
    %sub3A_754 = arith.subi %add3A_752, %sub3A_753 : i32
    %jit3A_755 = arith.constant 32 : i32
    %div3A_756 = arith.divsi %sub3A_754, %jit3A_755 : i32
    %sign3A_757 = arith.constant 0 : i32
    %sign3A_758 = arith.cmpi sgt, %sub3A_754, %sign3A_757 : i32
    %sign3A_759 = arith.extui %sign3A_758 : i1 to i32
    %sign3A_760 = arith.constant 0 : i32
    %sign3A_761 = arith.cmpi slt, %sub3A_754, %sign3A_760 : i32
    %sign3A_762 = arith.extui %sign3A_761 : i1 to i32
    %sign3A_763 = arith.subi %sign3A_759, %sign3A_762 : i32
    %sign3A_764 = arith.constant 0 : i32
    %sign3A_765 = arith.cmpi sgt, %jit3A_755, %sign3A_764 : i32
    %sign3A_766 = arith.extui %sign3A_765 : i1 to i32
    %sign3A_767 = arith.constant 0 : i32
    %sign3A_768 = arith.cmpi slt, %jit3A_755, %sign3A_767 : i32
    %sign3A_769 = arith.extui %sign3A_768 : i1 to i32
    %sign3A_770 = arith.subi %sign3A_766, %sign3A_769 : i32
    %ne3A_771 = arith.cmpi ne, %sign3A_763, %sign3A_770 : i32
    %rem3A_772 = arith.remsi %sub3A_754, %jit3A_755 : i32
    %ne3A_773 = arith.constant 0 : i32
    %ne3A_774 = arith.cmpi ne, %rem3A_772, %ne3A_773 : i32
    %and3A_775 = arith.andi %ne3A_771, %ne3A_774 : i1
    %sub3A_776 = arith.constant 1 : i32
    %sub3A_777 = arith.subi %div3A_756, %sub3A_776 : i32
    %select_n3A_778 = arith.select %and3A_775, %sub3A_777, %div3A_756 : i32
    %mul3A_779 = arith.constant 16 : i32
    %mul3A_780 = arith.muli %arg0, %mul3A_779 : i32
    %add3A_781 = arith.constant 6 : i32
    %add3A_782 = arith.addi %mul3A_780, %add3A_781 : i32
    %get3A_783 = arith.index_cast %add3A_782 : i32 to index
    %get3A_784 = memref.load %arg2[%get3A_783] : memref<64xi32, #tpu.memory_space<smem>>
    %while3A_785 = arith.constant 0 : i32
    %while3A_786 = arith.constant 0 : i32
    %while3A_787 = arith.subi %select_n3A_778, %while3A_786 : i32
    %while3A_788 = arith.addi %while3A_786, %while3A_787 : i32
    %while3A_789 = arith.constant 1 : i32
    %while3A_790 = arith.divsi %while3A_787, %while3A_789 : i32
    %while3A_791 = arith.muli %while3A_790, %while3A_789 : i32
    %while3A_792 = arith.addi %while3A_786, %while3A_791 : i32
    %while3A_793 = arith.constant 1 : i32
    scf.for %while3A_1281 = %while3A_786 to %while3A_792 step %while3A_793  : i32 {
      %sub3A_1282 = arith.constant 2048 : i32
      %sub3A_1283 = arith.subi %get3A_784, %sub3A_1282 : i32
      %mul3A_1284 = arith.constant 32 : i32
      %mul3A_1285 = arith.muli %mul3A_1284, %while3A_1281 : i32
      %add3A_1286 = arith.addi %sub3A_1283, %mul3A_1285 : i32
      %multiple_of3A_1287 = tpu.assume_multiple %add3A_1286, 32 : i32
      %mul3A_1288 = arith.constant 32 : i32
      %mul3A_1289 = arith.muli %mul3A_1288, %while3A_1281 : i32
      %add3A_1290 = arith.addi %get3A_784, %mul3A_1289 : i32
      %multiple_of3A_1291 = tpu.assume_multiple %add3A_1290, 32 : i32
      %get3A_1292 = arith.index_cast %multiple_of3A_1287 : i32 to index
      %get3A_1293 = arith.constant 0 : index
      %get3A_1294 = vector.load %arg4[%get3A_1292, %get3A_1293] : memref<1024x256xf32, #tpu.memory_space<vmem>>, vector<32x256xf32>
      %convert_element_type3A_1295 = arith.truncf %get3A_1294 : vector<32x256xf32> to vector<32x256xbf16>
      %get3A_1296 = arith.constant 6 : index
      %get3A_1297 = arith.constant 0 : index
      %get3A_1298 = arith.constant 0 : index
      %get3A_1299 = vector.load %arg5[%get3A_1296, %get3A_1297, %get3A_1298] : memref<16x256x256xf32, #tpu.memory_space<vmem>>, vector<1x256x256xf32>
      %get3A_1300 = vector.shape_cast %get3A_1299 : vector<1x256x256xf32> to vector<256x256xf32>
      %convert_element_type3A_1301 = arith.truncf %get3A_1300 : vector<256x256xf32> to vector<256x256xbf16>
      %dot_general3A_1302 = arith.constant dense<0.000000e+00> : vector<32x256xf32>
      %dot_general3A_1303 = tpu.matmul %convert_element_type3A_1295, %convert_element_type3A_1301, %dot_general3A_1302 {dimension_numbers = #tpu.dot_dimension_numbers<[1], [1], [0], [0], [0, 0, 1, 0], [], []>, transpose_lhs_hint = false} : vector<32x256xbf16>, vector<256x256xbf16>, vector<32x256xf32> -> vector<32x256xf32>
      %get3A_1304 = arith.constant 6 : index
      %get3A_1305 = arith.constant 0 : index
      %get3A_1306 = vector.load %arg6[%get3A_1304, %get3A_1305] : memref<16x256xf32, #tpu.memory_space<vmem>>, vector<1x256xf32>
      %get3A_1307 = vector.shape_cast %get3A_1306 : vector<1x256xf32> to vector<256xf32>
      %broadcast_in_dim3A_1308 = vector.shape_cast %get3A_1307 : vector<256xf32> to vector<1x256xf32>
      %add3A_1309 = vector.broadcast %broadcast_in_dim3A_1308 : vector<1x256xf32> to vector<32x256xf32>
      %add3A_1310 = arith.addf %dot_general3A_1303, %add3A_1309 : vector<32x256xf32>
      %max3A_1311 = arith.constant 0.000000e+00 : f32
      %max3A_1312 = vector.broadcast %max3A_1311 : f32 to vector<32x256xf32>
      %max3A_1313 = arith.maximumf %add3A_1310, %max3A_1312 : vector<32x256xf32>
      %swap3A_1314 = arith.index_cast %multiple_of3A_1291 : i32 to index
      %swap3A_1315 = arith.constant 0 : index
      %swap3A_1316 = vector.load %arg7[%swap3A_1314, %swap3A_1315] : memref<3072x256xf32, #tpu.memory_space<vmem>>, vector<32x256xf32>
      tpu.vector_store %arg7[%swap3A_1314, %swap3A_1315], %max3A_1313 {strides = array<i32>} : memref<3072x256xf32, #tpu.memory_space<vmem>>, vector<32x256xf32>,
    }
    %while3A_794 = arith.constant 1 : i32
    scf.for %while3A_1281 = %while3A_792 to %while3A_788 step %while3A_794  : i32 {
      %sub3A_1282 = arith.constant 2048 : i32
      %sub3A_1283 = arith.subi %get3A_784, %sub3A_1282 : i32
      %mul3A_1284 = arith.constant 32 : i32
      %mul3A_1285 = arith.muli %mul3A_1284, %while3A_1281 : i32
      %add3A_1286 = arith.addi %sub3A_1283, %mul3A_1285 : i32
      %multiple_of3A_1287 = tpu.assume_multiple %add3A_1286, 32 : i32
      %mul3A_1288 = arith.constant 32 : i32
      %mul3A_1289 = arith.muli %mul3A_1288, %while3A_1281 : i32
      %add3A_1290 = arith.addi %get3A_784, %mul3A_1289 : i32
      %multiple_of3A_1291 = tpu.assume_multiple %add3A_1290, 32 : i32
      %get3A_1292 = arith.index_cast %multiple_of3A_1287 : i32 to index
      %get3A_1293 = arith.constant 0 : index
      %get3A_1294 = vector.load %arg4[%get3A_1292, %get3A_1293] : memref<1024x256xf32, #tpu.memory_space<vmem>>, vector<32x256xf32>
      %convert_element_type3A_1295 = arith.truncf %get3A_1294 : vector<32x256xf32> to vector<32x256xbf16>
      %get3A_1296 = arith.constant 6 : index
      %get3A_1297 = arith.constant 0 : index
      %get3A_1298 = arith.constant 0 : index
      %get3A_1299 = vector.load %arg5[%get3A_1296, %get3A_1297, %get3A_1298] : memref<16x256x256xf32, #tpu.memory_space<vmem>>, vector<1x256x256xf32>
      %get3A_1300 = vector.shape_cast %get3A_1299 : vector<1x256x256xf32> to vector<256x256xf32>
      %convert_element_type3A_1301 = arith.truncf %get3A_1300 : vector<256x256xf32> to vector<256x256xbf16>
      %dot_general3A_1302 = arith.constant dense<0.000000e+00> : vector<32x256xf32>
      %dot_general3A_1303 = tpu.matmul %convert_element_type3A_1295, %convert_element_type3A_1301, %dot_general3A_1302 {dimension_numbers = #tpu.dot_dimension_numbers<[1], [1], [0], [0], [0, 0, 1, 0], [], []>, transpose_lhs_hint = false} : vector<32x256xbf16>, vector<256x256xbf16>, vector<32x256xf32> -> vector<32x256xf32>
      %get3A_1304 = arith.constant 6 : index
      %get3A_1305 = arith.constant 0 : index
      %get3A_1306 = vector.load %arg6[%get3A_1304, %get3A_1305] : memref<16x256xf32, #tpu.memory_space<vmem>>, vector<1x256xf32>
      %get3A_1307 = vector.shape_cast %get3A_1306 : vector<1x256xf32> to vector<256xf32>
      %broadcast_in_dim3A_1308 = vector.shape_cast %get3A_1307 : vector<256xf32> to vector<1x256xf32>
      %add3A_1309 = vector.broadcast %broadcast_in_dim3A_1308 : vector<1x256xf32> to vector<32x256xf32>
      %add3A_1310 = arith.addf %dot_general3A_1303, %add3A_1309 : vector<32x256xf32>
      %max3A_1311 = arith.constant 0.000000e+00 : f32
      %max3A_1312 = vector.broadcast %max3A_1311 : f32 to vector<32x256xf32>
      %max3A_1313 = arith.maximumf %add3A_1310, %max3A_1312 : vector<32x256xf32>
      %swap3A_1314 = arith.index_cast %multiple_of3A_1291 : i32 to index
      %swap3A_1315 = arith.constant 0 : index
      %swap3A_1316 = vector.load %arg7[%swap3A_1314, %swap3A_1315] : memref<3072x256xf32, #tpu.memory_space<vmem>>, vector<32x256xf32>
      tpu.vector_store %arg7[%swap3A_1314, %swap3A_1315], %max3A_1313 {strides = array<i32>} : memref<3072x256xf32, #tpu.memory_space<vmem>>, vector<32x256xf32>,
    }
    %mul3A_795 = arith.constant 16 : i32
    %mul3A_796 = arith.muli %arg0, %mul3A_795 : i32
    %add3A_797 = arith.constant 7 : i32
    %add3A_798 = arith.addi %mul3A_796, %add3A_797 : i32
    %get3A_799 = arith.index_cast %add3A_798 : i32 to index
    %get3A_800 = memref.load %arg1[%get3A_799] : memref<64xi32, #tpu.memory_space<smem>>
    %sub3A_801 = arith.constant 32 : i32
    %sub3A_802 = arith.subi %get3A_800, %sub3A_801 : i32
    %max3A_803 = arith.constant 0 : i32
    %max3A_804 = arith.maxsi %sub3A_802, %max3A_803 : i32
    %add3A_805 = arith.constant 32 : i32
    %add3A_806 = arith.addi %max3A_804, %add3A_805 : i32
    %sub3A_807 = arith.constant 1 : i32
    %sub3A_808 = arith.subi %add3A_806, %sub3A_807 : i32
    %jit3A_809 = arith.constant 32 : i32
    %div3A_810 = arith.divsi %sub3A_808, %jit3A_809 : i32
    %sign3A_811 = arith.constant 0 : i32
    %sign3A_812 = arith.cmpi sgt, %sub3A_808, %sign3A_811 : i32
    %sign3A_813 = arith.extui %sign3A_812 : i1 to i32
    %sign3A_814 = arith.constant 0 : i32
    %sign3A_815 = arith.cmpi slt, %sub3A_808, %sign3A_814 : i32
    %sign3A_816 = arith.extui %sign3A_815 : i1 to i32
    %sign3A_817 = arith.subi %sign3A_813, %sign3A_816 : i32
    %sign3A_818 = arith.constant 0 : i32
    %sign3A_819 = arith.cmpi sgt, %jit3A_809, %sign3A_818 : i32
    %sign3A_820 = arith.extui %sign3A_819 : i1 to i32
    %sign3A_821 = arith.constant 0 : i32
    %sign3A_822 = arith.cmpi slt, %jit3A_809, %sign3A_821 : i32
    %sign3A_823 = arith.extui %sign3A_822 : i1 to i32
    %sign3A_824 = arith.subi %sign3A_820, %sign3A_823 : i32
    %ne3A_825 = arith.cmpi ne, %sign3A_817, %sign3A_824 : i32
    %rem3A_826 = arith.remsi %sub3A_808, %jit3A_809 : i32
    %ne3A_827 = arith.constant 0 : i32
    %ne3A_828 = arith.cmpi ne, %rem3A_826, %ne3A_827 : i32
    %and3A_829 = arith.andi %ne3A_825, %ne3A_828 : i1
    %sub3A_830 = arith.constant 1 : i32
    %sub3A_831 = arith.subi %div3A_810, %sub3A_830 : i32
    %select_n3A_832 = arith.select %and3A_829, %sub3A_831, %div3A_810 : i32
    %mul3A_833 = arith.constant 16 : i32
    %mul3A_834 = arith.muli %arg0, %mul3A_833 : i32
    %add3A_835 = arith.constant 7 : i32
    %add3A_836 = arith.addi %mul3A_834, %add3A_835 : i32
    %get3A_837 = arith.index_cast %add3A_836 : i32 to index
    %get3A_838 = memref.load %arg2[%get3A_837] : memref<64xi32, #tpu.memory_space<smem>>
    %while3A_839 = arith.constant 0 : i32
    %while3A_840 = arith.constant 0 : i32
    %while3A_841 = arith.subi %select_n3A_832, %while3A_840 : i32
    %while3A_842 = arith.addi %while3A_840, %while3A_841 : i32
    %while3A_843 = arith.constant 1 : i32
    %while3A_844 = arith.divsi %while3A_841, %while3A_843 : i32
    %while3A_845 = arith.muli %while3A_844, %while3A_843 : i32
    %while3A_846 = arith.addi %while3A_840, %while3A_845 : i32
    %while3A_847 = arith.constant 1 : i32
    scf.for %while3A_1281 = %while3A_840 to %while3A_846 step %while3A_847  : i32 {
      %sub3A_1282 = arith.constant 2048 : i32
      %sub3A_1283 = arith.subi %get3A_838, %sub3A_1282 : i32
      %mul3A_1284 = arith.constant 32 : i32
      %mul3A_1285 = arith.muli %mul3A_1284, %while3A_1281 : i32
      %add3A_1286 = arith.addi %sub3A_1283, %mul3A_1285 : i32
      %multiple_of3A_1287 = tpu.assume_multiple %add3A_1286, 32 : i32
      %mul3A_1288 = arith.constant 32 : i32
      %mul3A_1289 = arith.muli %mul3A_1288, %while3A_1281 : i32
      %add3A_1290 = arith.addi %get3A_838, %mul3A_1289 : i32
      %multiple_of3A_1291 = tpu.assume_multiple %add3A_1290, 32 : i32
      %get3A_1292 = arith.index_cast %multiple_of3A_1287 : i32 to index
      %get3A_1293 = arith.constant 0 : index
      %get3A_1294 = vector.load %arg4[%get3A_1292, %get3A_1293] : memref<1024x256xf32, #tpu.memory_space<vmem>>, vector<32x256xf32>
      %convert_element_type3A_1295 = arith.truncf %get3A_1294 : vector<32x256xf32> to vector<32x256xbf16>
      %get3A_1296 = arith.constant 7 : index
      %get3A_1297 = arith.constant 0 : index
      %get3A_1298 = arith.constant 0 : index
      %get3A_1299 = vector.load %arg5[%get3A_1296, %get3A_1297, %get3A_1298] : memref<16x256x256xf32, #tpu.memory_space<vmem>>, vector<1x256x256xf32>
      %get3A_1300 = vector.shape_cast %get3A_1299 : vector<1x256x256xf32> to vector<256x256xf32>
      %convert_element_type3A_1301 = arith.truncf %get3A_1300 : vector<256x256xf32> to vector<256x256xbf16>
      %dot_general3A_1302 = arith.constant dense<0.000000e+00> : vector<32x256xf32>
      %dot_general3A_1303 = tpu.matmul %convert_element_type3A_1295, %convert_element_type3A_1301, %dot_general3A_1302 {dimension_numbers = #tpu.dot_dimension_numbers<[1], [1], [0], [0], [0, 0, 1, 0], [], []>, transpose_lhs_hint = false} : vector<32x256xbf16>, vector<256x256xbf16>, vector<32x256xf32> -> vector<32x256xf32>
      %get3A_1304 = arith.constant 7 : index
      %get3A_1305 = arith.constant 0 : index
      %get3A_1306 = vector.load %arg6[%get3A_1304, %get3A_1305] : memref<16x256xf32, #tpu.memory_space<vmem>>, vector<1x256xf32>
      %get3A_1307 = vector.shape_cast %get3A_1306 : vector<1x256xf32> to vector<256xf32>
      %broadcast_in_dim3A_1308 = vector.shape_cast %get3A_1307 : vector<256xf32> to vector<1x256xf32>
      %add3A_1309 = vector.broadcast %broadcast_in_dim3A_1308 : vector<1x256xf32> to vector<32x256xf32>
      %add3A_1310 = arith.addf %dot_general3A_1303, %add3A_1309 : vector<32x256xf32>
      %max3A_1311 = arith.constant 0.000000e+00 : f32
      %max3A_1312 = vector.broadcast %max3A_1311 : f32 to vector<32x256xf32>
      %max3A_1313 = arith.maximumf %add3A_1310, %max3A_1312 : vector<32x256xf32>
      %swap3A_1314 = arith.index_cast %multiple_of3A_1291 : i32 to index
      %swap3A_1315 = arith.constant 0 : index
      %swap3A_1316 = vector.load %arg7[%swap3A_1314, %swap3A_1315] : memref<3072x256xf32, #tpu.memory_space<vmem>>, vector<32x256xf32>
      tpu.vector_store %arg7[%swap3A_1314, %swap3A_1315], %max3A_1313 {strides = array<i32>} : memref<3072x256xf32, #tpu.memory_space<vmem>>, vector<32x256xf32>,
    }
    %while3A_848 = arith.constant 1 : i32
    scf.for %while3A_1281 = %while3A_846 to %while3A_842 step %while3A_848  : i32 {
      %sub3A_1282 = arith.constant 2048 : i32
      %sub3A_1283 = arith.subi %get3A_838, %sub3A_1282 : i32
      %mul3A_1284 = arith.constant 32 : i32
      %mul3A_1285 = arith.muli %mul3A_1284, %while3A_1281 : i32
      %add3A_1286 = arith.addi %sub3A_1283, %mul3A_1285 : i32
      %multiple_of3A_1287 = tpu.assume_multiple %add3A_1286, 32 : i32
      %mul3A_1288 = arith.constant 32 : i32
      %mul3A_1289 = arith.muli %mul3A_1288, %while3A_1281 : i32
      %add3A_1290 = arith.addi %get3A_838, %mul3A_1289 : i32
      %multiple_of3A_1291 = tpu.assume_multiple %add3A_1290, 32 : i32
      %get3A_1292 = arith.index_cast %multiple_of3A_1287 : i32 to index
      %get3A_1293 = arith.constant 0 : index
      %get3A_1294 = vector.load %arg4[%get3A_1292, %get3A_1293] : memref<1024x256xf32, #tpu.memory_space<vmem>>, vector<32x256xf32>
      %convert_element_type3A_1295 = arith.truncf %get3A_1294 : vector<32x256xf32> to vector<32x256xbf16>
      %get3A_1296 = arith.constant 7 : index
      %get3A_1297 = arith.constant 0 : index
      %get3A_1298 = arith.constant 0 : index
      %get3A_1299 = vector.load %arg5[%get3A_1296, %get3A_1297, %get3A_1298] : memref<16x256x256xf32, #tpu.memory_space<vmem>>, vector<1x256x256xf32>
      %get3A_1300 = vector.shape_cast %get3A_1299 : vector<1x256x256xf32> to vector<256x256xf32>
      %convert_element_type3A_1301 = arith.truncf %get3A_1300 : vector<256x256xf32> to vector<256x256xbf16>
      %dot_general3A_1302 = arith.constant dense<0.000000e+00> : vector<32x256xf32>
      %dot_general3A_1303 = tpu.matmul %convert_element_type3A_1295, %convert_element_type3A_1301, %dot_general3A_1302 {dimension_numbers = #tpu.dot_dimension_numbers<[1], [1], [0], [0], [0, 0, 1, 0], [], []>, transpose_lhs_hint = false} : vector<32x256xbf16>, vector<256x256xbf16>, vector<32x256xf32> -> vector<32x256xf32>
      %get3A_1304 = arith.constant 7 : index
      %get3A_1305 = arith.constant 0 : index
      %get3A_1306 = vector.load %arg6[%get3A_1304, %get3A_1305] : memref<16x256xf32, #tpu.memory_space<vmem>>, vector<1x256xf32>
      %get3A_1307 = vector.shape_cast %get3A_1306 : vector<1x256xf32> to vector<256xf32>
      %broadcast_in_dim3A_1308 = vector.shape_cast %get3A_1307 : vector<256xf32> to vector<1x256xf32>
      %add3A_1309 = vector.broadcast %broadcast_in_dim3A_1308 : vector<1x256xf32> to vector<32x256xf32>
      %add3A_1310 = arith.addf %dot_general3A_1303, %add3A_1309 : vector<32x256xf32>
      %max3A_1311 = arith.constant 0.000000e+00 : f32
      %max3A_1312 = vector.broadcast %max3A_1311 : f32 to vector<32x256xf32>
      %max3A_1313 = arith.maximumf %add3A_1310, %max3A_1312 : vector<32x256xf32>
      %swap3A_1314 = arith.index_cast %multiple_of3A_1291 : i32 to index
      %swap3A_1315 = arith.constant 0 : index
      %swap3A_1316 = vector.load %arg7[%swap3A_1314, %swap3A_1315] : memref<3072x256xf32, #tpu.memory_space<vmem>>, vector<32x256xf32>
      tpu.vector_store %arg7[%swap3A_1314, %swap3A_1315], %max3A_1313 {strides = array<i32>} : memref<3072x256xf32, #tpu.memory_space<vmem>>, vector<32x256xf32>,
    }
    %mul3A_849 = arith.constant 16 : i32
    %mul3A_850 = arith.muli %arg0, %mul3A_849 : i32
    %add3A_851 = arith.constant 8 : i32
    %add3A_852 = arith.addi %mul3A_850, %add3A_851 : i32
    %get3A_853 = arith.index_cast %add3A_852 : i32 to index
    %get3A_854 = memref.load %arg1[%get3A_853] : memref<64xi32, #tpu.memory_space<smem>>
    %sub3A_855 = arith.constant 32 : i32
    %sub3A_856 = arith.subi %get3A_854, %sub3A_855 : i32
    %max3A_857 = arith.constant 0 : i32
    %max3A_858 = arith.maxsi %sub3A_856, %max3A_857 : i32
    %add3A_859 = arith.constant 32 : i32
    %add3A_860 = arith.addi %max3A_858, %add3A_859 : i32
    %sub3A_861 = arith.constant 1 : i32
    %sub3A_862 = arith.subi %add3A_860, %sub3A_861 : i32
    %jit3A_863 = arith.constant 32 : i32
    %div3A_864 = arith.divsi %sub3A_862, %jit3A_863 : i32
    %sign3A_865 = arith.constant 0 : i32
    %sign3A_866 = arith.cmpi sgt, %sub3A_862, %sign3A_865 : i32
    %sign3A_867 = arith.extui %sign3A_866 : i1 to i32
    %sign3A_868 = arith.constant 0 : i32
    %sign3A_869 = arith.cmpi slt, %sub3A_862, %sign3A_868 : i32
    %sign3A_870 = arith.extui %sign3A_869 : i1 to i32
    %sign3A_871 = arith.subi %sign3A_867, %sign3A_870 : i32
    %sign3A_872 = arith.constant 0 : i32
    %sign3A_873 = arith.cmpi sgt, %jit3A_863, %sign3A_872 : i32
    %sign3A_874 = arith.extui %sign3A_873 : i1 to i32
    %sign3A_875 = arith.constant 0 : i32
    %sign3A_876 = arith.cmpi slt, %jit3A_863, %sign3A_875 : i32
    %sign3A_877 = arith.extui %sign3A_876 : i1 to i32
    %sign3A_878 = arith.subi %sign3A_874, %sign3A_877 : i32
    %ne3A_879 = arith.cmpi ne, %sign3A_871, %sign3A_878 : i32
    %rem3A_880 = arith.remsi %sub3A_862, %jit3A_863 : i32
    %ne3A_881 = arith.constant 0 : i32
    %ne3A_882 = arith.cmpi ne, %rem3A_880, %ne3A_881 : i32
    %and3A_883 = arith.andi %ne3A_879, %ne3A_882 : i1
    %sub3A_884 = arith.constant 1 : i32
    %sub3A_885 = arith.subi %div3A_864, %sub3A_884 : i32
    %select_n3A_886 = arith.select %and3A_883, %sub3A_885, %div3A_864 : i32
    %mul3A_887 = arith.constant 16 : i32
    %mul3A_888 = arith.muli %arg0, %mul3A_887 : i32
    %add3A_889 = arith.constant 8 : i32
    %add3A_890 = arith.addi %mul3A_888, %add3A_889 : i32
    %get3A_891 = arith.index_cast %add3A_890 : i32 to index
    %get3A_892 = memref.load %arg2[%get3A_891] : memref<64xi32, #tpu.memory_space<smem>>
    %while3A_893 = arith.constant 0 : i32
    %while3A_894 = arith.constant 0 : i32
    %while3A_895 = arith.subi %select_n3A_886, %while3A_894 : i32
    %while3A_896 = arith.addi %while3A_894, %while3A_895 : i32
    %while3A_897 = arith.constant 1 : i32
    %while3A_898 = arith.divsi %while3A_895, %while3A_897 : i32
    %while3A_899 = arith.muli %while3A_898, %while3A_897 : i32
    %while3A_900 = arith.addi %while3A_894, %while3A_899 : i32
    %while3A_901 = arith.constant 1 : i32
    scf.for %while3A_1281 = %while3A_894 to %while3A_900 step %while3A_901  : i32 {
      %sub3A_1282 = arith.constant 2048 : i32
      %sub3A_1283 = arith.subi %get3A_892, %sub3A_1282 : i32
      %mul3A_1284 = arith.constant 32 : i32
      %mul3A_1285 = arith.muli %mul3A_1284, %while3A_1281 : i32
      %add3A_1286 = arith.addi %sub3A_1283, %mul3A_1285 : i32
      %multiple_of3A_1287 = tpu.assume_multiple %add3A_1286, 32 : i32
      %mul3A_1288 = arith.constant 32 : i32
      %mul3A_1289 = arith.muli %mul3A_1288, %while3A_1281 : i32
      %add3A_1290 = arith.addi %get3A_892, %mul3A_1289 : i32
      %multiple_of3A_1291 = tpu.assume_multiple %add3A_1290, 32 : i32
      %get3A_1292 = arith.index_cast %multiple_of3A_1287 : i32 to index
      %get3A_1293 = arith.constant 0 : index
      %get3A_1294 = vector.load %arg4[%get3A_1292, %get3A_1293] : memref<1024x256xf32, #tpu.memory_space<vmem>>, vector<32x256xf32>
      %convert_element_type3A_1295 = arith.truncf %get3A_1294 : vector<32x256xf32> to vector<32x256xbf16>
      %get3A_1296 = arith.constant 8 : index
      %get3A_1297 = arith.constant 0 : index
      %get3A_1298 = arith.constant 0 : index
      %get3A_1299 = vector.load %arg5[%get3A_1296, %get3A_1297, %get3A_1298] : memref<16x256x256xf32, #tpu.memory_space<vmem>>, vector<1x256x256xf32>
      %get3A_1300 = vector.shape_cast %get3A_1299 : vector<1x256x256xf32> to vector<256x256xf32>
      %convert_element_type3A_1301 = arith.truncf %get3A_1300 : vector<256x256xf32> to vector<256x256xbf16>
      %dot_general3A_1302 = arith.constant dense<0.000000e+00> : vector<32x256xf32>
      %dot_general3A_1303 = tpu.matmul %convert_element_type3A_1295, %convert_element_type3A_1301, %dot_general3A_1302 {dimension_numbers = #tpu.dot_dimension_numbers<[1], [1], [0], [0], [0, 0, 1, 0], [], []>, transpose_lhs_hint = false} : vector<32x256xbf16>, vector<256x256xbf16>, vector<32x256xf32> -> vector<32x256xf32>
      %get3A_1304 = arith.constant 8 : index
      %get3A_1305 = arith.constant 0 : index
      %get3A_1306 = vector.load %arg6[%get3A_1304, %get3A_1305] : memref<16x256xf32, #tpu.memory_space<vmem>>, vector<1x256xf32>
      %get3A_1307 = vector.shape_cast %get3A_1306 : vector<1x256xf32> to vector<256xf32>
      %broadcast_in_dim3A_1308 = vector.shape_cast %get3A_1307 : vector<256xf32> to vector<1x256xf32>
      %add3A_1309 = vector.broadcast %broadcast_in_dim3A_1308 : vector<1x256xf32> to vector<32x256xf32>
      %add3A_1310 = arith.addf %dot_general3A_1303, %add3A_1309 : vector<32x256xf32>
      %max3A_1311 = arith.constant 0.000000e+00 : f32
      %max3A_1312 = vector.broadcast %max3A_1311 : f32 to vector<32x256xf32>
      %max3A_1313 = arith.maximumf %add3A_1310, %max3A_1312 : vector<32x256xf32>
      %swap3A_1314 = arith.index_cast %multiple_of3A_1291 : i32 to index
      %swap3A_1315 = arith.constant 0 : index
      %swap3A_1316 = vector.load %arg7[%swap3A_1314, %swap3A_1315] : memref<3072x256xf32, #tpu.memory_space<vmem>>, vector<32x256xf32>
      tpu.vector_store %arg7[%swap3A_1314, %swap3A_1315], %max3A_1313 {strides = array<i32>} : memref<3072x256xf32, #tpu.memory_space<vmem>>, vector<32x256xf32>,
    }
    %while3A_902 = arith.constant 1 : i32
    scf.for %while3A_1281 = %while3A_900 to %while3A_896 step %while3A_902  : i32 {
      %sub3A_1282 = arith.constant 2048 : i32
      %sub3A_1283 = arith.subi %get3A_892, %sub3A_1282 : i32
      %mul3A_1284 = arith.constant 32 : i32
      %mul3A_1285 = arith.muli %mul3A_1284, %while3A_1281 : i32
      %add3A_1286 = arith.addi %sub3A_1283, %mul3A_1285 : i32
      %multiple_of3A_1287 = tpu.assume_multiple %add3A_1286, 32 : i32
      %mul3A_1288 = arith.constant 32 : i32
      %mul3A_1289 = arith.muli %mul3A_1288, %while3A_1281 : i32
      %add3A_1290 = arith.addi %get3A_892, %mul3A_1289 : i32
      %multiple_of3A_1291 = tpu.assume_multiple %add3A_1290, 32 : i32
      %get3A_1292 = arith.index_cast %multiple_of3A_1287 : i32 to index
      %get3A_1293 = arith.constant 0 : index
      %get3A_1294 = vector.load %arg4[%get3A_1292, %get3A_1293] : memref<1024x256xf32, #tpu.memory_space<vmem>>, vector<32x256xf32>
      %convert_element_type3A_1295 = arith.truncf %get3A_1294 : vector<32x256xf32> to vector<32x256xbf16>
      %get3A_1296 = arith.constant 8 : index
      %get3A_1297 = arith.constant 0 : index
      %get3A_1298 = arith.constant 0 : index
      %get3A_1299 = vector.load %arg5[%get3A_1296, %get3A_1297, %get3A_1298] : memref<16x256x256xf32, #tpu.memory_space<vmem>>, vector<1x256x256xf32>
      %get3A_1300 = vector.shape_cast %get3A_1299 : vector<1x256x256xf32> to vector<256x256xf32>
      %convert_element_type3A_1301 = arith.truncf %get3A_1300 : vector<256x256xf32> to vector<256x256xbf16>
      %dot_general3A_1302 = arith.constant dense<0.000000e+00> : vector<32x256xf32>
      %dot_general3A_1303 = tpu.matmul %convert_element_type3A_1295, %convert_element_type3A_1301, %dot_general3A_1302 {dimension_numbers = #tpu.dot_dimension_numbers<[1], [1], [0], [0], [0, 0, 1, 0], [], []>, transpose_lhs_hint = false} : vector<32x256xbf16>, vector<256x256xbf16>, vector<32x256xf32> -> vector<32x256xf32>
      %get3A_1304 = arith.constant 8 : index
      %get3A_1305 = arith.constant 0 : index
      %get3A_1306 = vector.load %arg6[%get3A_1304, %get3A_1305] : memref<16x256xf32, #tpu.memory_space<vmem>>, vector<1x256xf32>
      %get3A_1307 = vector.shape_cast %get3A_1306 : vector<1x256xf32> to vector<256xf32>
      %broadcast_in_dim3A_1308 = vector.shape_cast %get3A_1307 : vector<256xf32> to vector<1x256xf32>
      %add3A_1309 = vector.broadcast %broadcast_in_dim3A_1308 : vector<1x256xf32> to vector<32x256xf32>
      %add3A_1310 = arith.addf %dot_general3A_1303, %add3A_1309 : vector<32x256xf32>
      %max3A_1311 = arith.constant 0.000000e+00 : f32
      %max3A_1312 = vector.broadcast %max3A_1311 : f32 to vector<32x256xf32>
      %max3A_1313 = arith.maximumf %add3A_1310, %max3A_1312 : vector<32x256xf32>
      %swap3A_1314 = arith.index_cast %multiple_of3A_1291 : i32 to index
      %swap3A_1315 = arith.constant 0 : index
      %swap3A_1316 = vector.load %arg7[%swap3A_1314, %swap3A_1315] : memref<3072x256xf32, #tpu.memory_space<vmem>>, vector<32x256xf32>
      tpu.vector_store %arg7[%swap3A_1314, %swap3A_1315], %max3A_1313 {strides = array<i32>} : memref<3072x256xf32, #tpu.memory_space<vmem>>, vector<32x256xf32>,
    }
    %mul3A_903 = arith.constant 16 : i32
    %mul3A_904 = arith.muli %arg0, %mul3A_903 : i32
    %add3A_905 = arith.constant 9 : i32
    %add3A_906 = arith.addi %mul3A_904, %add3A_905 : i32
    %get3A_907 = arith.index_cast %add3A_906 : i32 to index
    %get3A_908 = memref.load %arg1[%get3A_907] : memref<64xi32, #tpu.memory_space<smem>>
    %sub3A_909 = arith.constant 32 : i32
    %sub3A_910 = arith.subi %get3A_908, %sub3A_909 : i32
    %max3A_911 = arith.constant 0 : i32
    %max3A_912 = arith.maxsi %sub3A_910, %max3A_911 : i32
    %add3A_913 = arith.constant 32 : i32
    %add3A_914 = arith.addi %max3A_912, %add3A_913 : i32
    %sub3A_915 = arith.constant 1 : i32
    %sub3A_916 = arith.subi %add3A_914, %sub3A_915 : i32
    %jit3A_917 = arith.constant 32 : i32
    %div3A_918 = arith.divsi %sub3A_916, %jit3A_917 : i32
    %sign3A_919 = arith.constant 0 : i32
    %sign3A_920 = arith.cmpi sgt, %sub3A_916, %sign3A_919 : i32
    %sign3A_921 = arith.extui %sign3A_920 : i1 to i32
    %sign3A_922 = arith.constant 0 : i32
    %sign3A_923 = arith.cmpi slt, %sub3A_916, %sign3A_922 : i32
    %sign3A_924 = arith.extui %sign3A_923 : i1 to i32
    %sign3A_925 = arith.subi %sign3A_921, %sign3A_924 : i32
    %sign3A_926 = arith.constant 0 : i32
    %sign3A_927 = arith.cmpi sgt, %jit3A_917, %sign3A_926 : i32
    %sign3A_928 = arith.extui %sign3A_927 : i1 to i32
    %sign3A_929 = arith.constant 0 : i32
    %sign3A_930 = arith.cmpi slt, %jit3A_917, %sign3A_929 : i32
    %sign3A_931 = arith.extui %sign3A_930 : i1 to i32
    %sign3A_932 = arith.subi %sign3A_928, %sign3A_931 : i32
    %ne3A_933 = arith.cmpi ne, %sign3A_925, %sign3A_932 : i32
    %rem3A_934 = arith.remsi %sub3A_916, %jit3A_917 : i32
    %ne3A_935 = arith.constant 0 : i32
    %ne3A_936 = arith.cmpi ne, %rem3A_934, %ne3A_935 : i32
    %and3A_937 = arith.andi %ne3A_933, %ne3A_936 : i1
    %sub3A_938 = arith.constant 1 : i32
    %sub3A_939 = arith.subi %div3A_918, %sub3A_938 : i32
    %select_n3A_940 = arith.select %and3A_937, %sub3A_939, %div3A_918 : i32
    %mul3A_941 = arith.constant 16 : i32
    %mul3A_942 = arith.muli %arg0, %mul3A_941 : i32
    %add3A_943 = arith.constant 9 : i32
    %add3A_944 = arith.addi %mul3A_942, %add3A_943 : i32
    %get3A_945 = arith.index_cast %add3A_944 : i32 to index
    %get3A_946 = memref.load %arg2[%get3A_945] : memref<64xi32, #tpu.memory_space<smem>>
    %while3A_947 = arith.constant 0 : i32
    %while3A_948 = arith.constant 0 : i32
    %while3A_949 = arith.subi %select_n3A_940, %while3A_948 : i32
    %while3A_950 = arith.addi %while3A_948, %while3A_949 : i32
    %while3A_951 = arith.constant 1 : i32
    %while3A_952 = arith.divsi %while3A_949, %while3A_951 : i32
    %while3A_953 = arith.muli %while3A_952, %while3A_951 : i32
    %while3A_954 = arith.addi %while3A_948, %while3A_953 : i32
    %while3A_955 = arith.constant 1 : i32
    scf.for %while3A_1281 = %while3A_948 to %while3A_954 step %while3A_955  : i32 {
      %sub3A_1282 = arith.constant 2048 : i32
      %sub3A_1283 = arith.subi %get3A_946, %sub3A_1282 : i32
      %mul3A_1284 = arith.constant 32 : i32
      %mul3A_1285 = arith.muli %mul3A_1284, %while3A_1281 : i32
      %add3A_1286 = arith.addi %sub3A_1283, %mul3A_1285 : i32
      %multiple_of3A_1287 = tpu.assume_multiple %add3A_1286, 32 : i32
      %mul3A_1288 = arith.constant 32 : i32
      %mul3A_1289 = arith.muli %mul3A_1288, %while3A_1281 : i32
      %add3A_1290 = arith.addi %get3A_946, %mul3A_1289 : i32
      %multiple_of3A_1291 = tpu.assume_multiple %add3A_1290, 32 : i32
      %get3A_1292 = arith.index_cast %multiple_of3A_1287 : i32 to index
      %get3A_1293 = arith.constant 0 : index
      %get3A_1294 = vector.load %arg4[%get3A_1292, %get3A_1293] : memref<1024x256xf32, #tpu.memory_space<vmem>>, vector<32x256xf32>
      %convert_element_type3A_1295 = arith.truncf %get3A_1294 : vector<32x256xf32> to vector<32x256xbf16>
      %get3A_1296 = arith.constant 9 : index
      %get3A_1297 = arith.constant 0 : index
      %get3A_1298 = arith.constant 0 : index
      %get3A_1299 = vector.load %arg5[%get3A_1296, %get3A_1297, %get3A_1298] : memref<16x256x256xf32, #tpu.memory_space<vmem>>, vector<1x256x256xf32>
      %get3A_1300 = vector.shape_cast %get3A_1299 : vector<1x256x256xf32> to vector<256x256xf32>
      %convert_element_type3A_1301 = arith.truncf %get3A_1300 : vector<256x256xf32> to vector<256x256xbf16>
      %dot_general3A_1302 = arith.constant dense<0.000000e+00> : vector<32x256xf32>
      %dot_general3A_1303 = tpu.matmul %convert_element_type3A_1295, %convert_element_type3A_1301, %dot_general3A_1302 {dimension_numbers = #tpu.dot_dimension_numbers<[1], [1], [0], [0], [0, 0, 1, 0], [], []>, transpose_lhs_hint = false} : vector<32x256xbf16>, vector<256x256xbf16>, vector<32x256xf32> -> vector<32x256xf32>
      %get3A_1304 = arith.constant 9 : index
      %get3A_1305 = arith.constant 0 : index
      %get3A_1306 = vector.load %arg6[%get3A_1304, %get3A_1305] : memref<16x256xf32, #tpu.memory_space<vmem>>, vector<1x256xf32>
      %get3A_1307 = vector.shape_cast %get3A_1306 : vector<1x256xf32> to vector<256xf32>
      %broadcast_in_dim3A_1308 = vector.shape_cast %get3A_1307 : vector<256xf32> to vector<1x256xf32>
      %add3A_1309 = vector.broadcast %broadcast_in_dim3A_1308 : vector<1x256xf32> to vector<32x256xf32>
      %add3A_1310 = arith.addf %dot_general3A_1303, %add3A_1309 : vector<32x256xf32>
      %max3A_1311 = arith.constant 0.000000e+00 : f32
      %max3A_1312 = vector.broadcast %max3A_1311 : f32 to vector<32x256xf32>
      %max3A_1313 = arith.maximumf %add3A_1310, %max3A_1312 : vector<32x256xf32>
      %swap3A_1314 = arith.index_cast %multiple_of3A_1291 : i32 to index
      %swap3A_1315 = arith.constant 0 : index
      %swap3A_1316 = vector.load %arg7[%swap3A_1314, %swap3A_1315] : memref<3072x256xf32, #tpu.memory_space<vmem>>, vector<32x256xf32>
      tpu.vector_store %arg7[%swap3A_1314, %swap3A_1315], %max3A_1313 {strides = array<i32>} : memref<3072x256xf32, #tpu.memory_space<vmem>>, vector<32x256xf32>,
    }
    %while3A_956 = arith.constant 1 : i32
    scf.for %while3A_1281 = %while3A_954 to %while3A_950 step %while3A_956  : i32 {
      %sub3A_1282 = arith.constant 2048 : i32
      %sub3A_1283 = arith.subi %get3A_946, %sub3A_1282 : i32
      %mul3A_1284 = arith.constant 32 : i32
      %mul3A_1285 = arith.muli %mul3A_1284, %while3A_1281 : i32
      %add3A_1286 = arith.addi %sub3A_1283, %mul3A_1285 : i32
      %multiple_of3A_1287 = tpu.assume_multiple %add3A_1286, 32 : i32
      %mul3A_1288 = arith.constant 32 : i32
      %mul3A_1289 = arith.muli %mul3A_1288, %while3A_1281 : i32
      %add3A_1290 = arith.addi %get3A_946, %mul3A_1289 : i32
      %multiple_of3A_1291 = tpu.assume_multiple %add3A_1290, 32 : i32
      %get3A_1292 = arith.index_cast %multiple_of3A_1287 : i32 to index
      %get3A_1293 = arith.constant 0 : index
      %get3A_1294 = vector.load %arg4[%get3A_1292, %get3A_1293] : memref<1024x256xf32, #tpu.memory_space<vmem>>, vector<32x256xf32>
      %convert_element_type3A_1295 = arith.truncf %get3A_1294 : vector<32x256xf32> to vector<32x256xbf16>
      %get3A_1296 = arith.constant 9 : index
      %get3A_1297 = arith.constant 0 : index
      %get3A_1298 = arith.constant 0 : index
      %get3A_1299 = vector.load %arg5[%get3A_1296, %get3A_1297, %get3A_1298] : memref<16x256x256xf32, #tpu.memory_space<vmem>>, vector<1x256x256xf32>
      %get3A_1300 = vector.shape_cast %get3A_1299 : vector<1x256x256xf32> to vector<256x256xf32>
      %convert_element_type3A_1301 = arith.truncf %get3A_1300 : vector<256x256xf32> to vector<256x256xbf16>
      %dot_general3A_1302 = arith.constant dense<0.000000e+00> : vector<32x256xf32>
      %dot_general3A_1303 = tpu.matmul %convert_element_type3A_1295, %convert_element_type3A_1301, %dot_general3A_1302 {dimension_numbers = #tpu.dot_dimension_numbers<[1], [1], [0], [0], [0, 0, 1, 0], [], []>, transpose_lhs_hint = false} : vector<32x256xbf16>, vector<256x256xbf16>, vector<32x256xf32> -> vector<32x256xf32>
      %get3A_1304 = arith.constant 9 : index
      %get3A_1305 = arith.constant 0 : index
      %get3A_1306 = vector.load %arg6[%get3A_1304, %get3A_1305] : memref<16x256xf32, #tpu.memory_space<vmem>>, vector<1x256xf32>
      %get3A_1307 = vector.shape_cast %get3A_1306 : vector<1x256xf32> to vector<256xf32>
      %broadcast_in_dim3A_1308 = vector.shape_cast %get3A_1307 : vector<256xf32> to vector<1x256xf32>
      %add3A_1309 = vector.broadcast %broadcast_in_dim3A_1308 : vector<1x256xf32> to vector<32x256xf32>
      %add3A_1310 = arith.addf %dot_general3A_1303, %add3A_1309 : vector<32x256xf32>
      %max3A_1311 = arith.constant 0.000000e+00 : f32
      %max3A_1312 = vector.broadcast %max3A_1311 : f32 to vector<32x256xf32>
      %max3A_1313 = arith.maximumf %add3A_1310, %max3A_1312 : vector<32x256xf32>
      %swap3A_1314 = arith.index_cast %multiple_of3A_1291 : i32 to index
      %swap3A_1315 = arith.constant 0 : index
      %swap3A_1316 = vector.load %arg7[%swap3A_1314, %swap3A_1315] : memref<3072x256xf32, #tpu.memory_space<vmem>>, vector<32x256xf32>
      tpu.vector_store %arg7[%swap3A_1314, %swap3A_1315], %max3A_1313 {strides = array<i32>} : memref<3072x256xf32, #tpu.memory_space<vmem>>, vector<32x256xf32>,
    }
    %mul3A_957 = arith.constant 16 : i32
    %mul3A_958 = arith.muli %arg0, %mul3A_957 : i32
    %add3A_959 = arith.constant 10 : i32
    %add3A_960 = arith.addi %mul3A_958, %add3A_959 : i32
    %get3A_961 = arith.index_cast %add3A_960 : i32 to index
    %get3A_962 = memref.load %arg1[%get3A_961] : memref<64xi32, #tpu.memory_space<smem>>
    %sub3A_963 = arith.constant 32 : i32
    %sub3A_964 = arith.subi %get3A_962, %sub3A_963 : i32
    %max3A_965 = arith.constant 0 : i32
    %max3A_966 = arith.maxsi %sub3A_964, %max3A_965 : i32
    %add3A_967 = arith.constant 32 : i32
    %add3A_968 = arith.addi %max3A_966, %add3A_967 : i32
    %sub3A_969 = arith.constant 1 : i32
    %sub3A_970 = arith.subi %add3A_968, %sub3A_969 : i32
    %jit3A_971 = arith.constant 32 : i32
    %div3A_972 = arith.divsi %sub3A_970, %jit3A_971 : i32
    %sign3A_973 = arith.constant 0 : i32
    %sign3A_974 = arith.cmpi sgt, %sub3A_970, %sign3A_973 : i32
    %sign3A_975 = arith.extui %sign3A_974 : i1 to i32
    %sign3A_976 = arith.constant 0 : i32
    %sign3A_977 = arith.cmpi slt, %sub3A_970, %sign3A_976 : i32
    %sign3A_978 = arith.extui %sign3A_977 : i1 to i32
    %sign3A_979 = arith.subi %sign3A_975, %sign3A_978 : i32
    %sign3A_980 = arith.constant 0 : i32
    %sign3A_981 = arith.cmpi sgt, %jit3A_971, %sign3A_980 : i32
    %sign3A_982 = arith.extui %sign3A_981 : i1 to i32
    %sign3A_983 = arith.constant 0 : i32
    %sign3A_984 = arith.cmpi slt, %jit3A_971, %sign3A_983 : i32
    %sign3A_985 = arith.extui %sign3A_984 : i1 to i32
    %sign3A_986 = arith.subi %sign3A_982, %sign3A_985 : i32
    %ne3A_987 = arith.cmpi ne, %sign3A_979, %sign3A_986 : i32
    %rem3A_988 = arith.remsi %sub3A_970, %jit3A_971 : i32
    %ne3A_989 = arith.constant 0 : i32
    %ne3A_990 = arith.cmpi ne, %rem3A_988, %ne3A_989 : i32
    %and3A_991 = arith.andi %ne3A_987, %ne3A_990 : i1
    %sub3A_992 = arith.constant 1 : i32
    %sub3A_993 = arith.subi %div3A_972, %sub3A_992 : i32
    %select_n3A_994 = arith.select %and3A_991, %sub3A_993, %div3A_972 : i32
    %mul3A_995 = arith.constant 16 : i32
    %mul3A_996 = arith.muli %arg0, %mul3A_995 : i32
    %add3A_997 = arith.constant 10 : i32
    %add3A_998 = arith.addi %mul3A_996, %add3A_997 : i32
    %get3A_999 = arith.index_cast %add3A_998 : i32 to index
    %get3A_1000 = memref.load %arg2[%get3A_999] : memref<64xi32, #tpu.memory_space<smem>>
    %while3A_1001 = arith.constant 0 : i32
    %while3A_1002 = arith.constant 0 : i32
    %while3A_1003 = arith.subi %select_n3A_994, %while3A_1002 : i32
    %while3A_1004 = arith.addi %while3A_1002, %while3A_1003 : i32
    %while3A_1005 = arith.constant 1 : i32
    %while3A_1006 = arith.divsi %while3A_1003, %while3A_1005 : i32
    %while3A_1007 = arith.muli %while3A_1006, %while3A_1005 : i32
    %while3A_1008 = arith.addi %while3A_1002, %while3A_1007 : i32
    %while3A_1009 = arith.constant 1 : i32
    scf.for %while3A_1281 = %while3A_1002 to %while3A_1008 step %while3A_1009  : i32 {
      %sub3A_1282 = arith.constant 2048 : i32
      %sub3A_1283 = arith.subi %get3A_1000, %sub3A_1282 : i32
      %mul3A_1284 = arith.constant 32 : i32
      %mul3A_1285 = arith.muli %mul3A_1284, %while3A_1281 : i32
      %add3A_1286 = arith.addi %sub3A_1283, %mul3A_1285 : i32
      %multiple_of3A_1287 = tpu.assume_multiple %add3A_1286, 32 : i32
      %mul3A_1288 = arith.constant 32 : i32
      %mul3A_1289 = arith.muli %mul3A_1288, %while3A_1281 : i32
      %add3A_1290 = arith.addi %get3A_1000, %mul3A_1289 : i32
      %multiple_of3A_1291 = tpu.assume_multiple %add3A_1290, 32 : i32
      %get3A_1292 = arith.index_cast %multiple_of3A_1287 : i32 to index
      %get3A_1293 = arith.constant 0 : index
      %get3A_1294 = vector.load %arg4[%get3A_1292, %get3A_1293] : memref<1024x256xf32, #tpu.memory_space<vmem>>, vector<32x256xf32>
      %convert_element_type3A_1295 = arith.truncf %get3A_1294 : vector<32x256xf32> to vector<32x256xbf16>
      %get3A_1296 = arith.constant 10 : index
      %get3A_1297 = arith.constant 0 : index
      %get3A_1298 = arith.constant 0 : index
      %get3A_1299 = vector.load %arg5[%get3A_1296, %get3A_1297, %get3A_1298] : memref<16x256x256xf32, #tpu.memory_space<vmem>>, vector<1x256x256xf32>
      %get3A_1300 = vector.shape_cast %get3A_1299 : vector<1x256x256xf32> to vector<256x256xf32>
      %convert_element_type3A_1301 = arith.truncf %get3A_1300 : vector<256x256xf32> to vector<256x256xbf16>
      %dot_general3A_1302 = arith.constant dense<0.000000e+00> : vector<32x256xf32>
      %dot_general3A_1303 = tpu.matmul %convert_element_type3A_1295, %convert_element_type3A_1301, %dot_general3A_1302 {dimension_numbers = #tpu.dot_dimension_numbers<[1], [1], [0], [0], [0, 0, 1, 0], [], []>, transpose_lhs_hint = false} : vector<32x256xbf16>, vector<256x256xbf16>, vector<32x256xf32> -> vector<32x256xf32>
      %get3A_1304 = arith.constant 10 : index
      %get3A_1305 = arith.constant 0 : index
      %get3A_1306 = vector.load %arg6[%get3A_1304, %get3A_1305] : memref<16x256xf32, #tpu.memory_space<vmem>>, vector<1x256xf32>
      %get3A_1307 = vector.shape_cast %get3A_1306 : vector<1x256xf32> to vector<256xf32>
      %broadcast_in_dim3A_1308 = vector.shape_cast %get3A_1307 : vector<256xf32> to vector<1x256xf32>
      %add3A_1309 = vector.broadcast %broadcast_in_dim3A_1308 : vector<1x256xf32> to vector<32x256xf32>
      %add3A_1310 = arith.addf %dot_general3A_1303, %add3A_1309 : vector<32x256xf32>
      %max3A_1311 = arith.constant 0.000000e+00 : f32
      %max3A_1312 = vector.broadcast %max3A_1311 : f32 to vector<32x256xf32>
      %max3A_1313 = arith.maximumf %add3A_1310, %max3A_1312 : vector<32x256xf32>
      %swap3A_1314 = arith.index_cast %multiple_of3A_1291 : i32 to index
      %swap3A_1315 = arith.constant 0 : index
      %swap3A_1316 = vector.load %arg7[%swap3A_1314, %swap3A_1315] : memref<3072x256xf32, #tpu.memory_space<vmem>>, vector<32x256xf32>
      tpu.vector_store %arg7[%swap3A_1314, %swap3A_1315], %max3A_1313 {strides = array<i32>} : memref<3072x256xf32, #tpu.memory_space<vmem>>, vector<32x256xf32>,
    }
    %while3A_1010 = arith.constant 1 : i32
    scf.for %while3A_1281 = %while3A_1008 to %while3A_1004 step %while3A_1010  : i32 {
      %sub3A_1282 = arith.constant 2048 : i32
      %sub3A_1283 = arith.subi %get3A_1000, %sub3A_1282 : i32
      %mul3A_1284 = arith.constant 32 : i32
      %mul3A_1285 = arith.muli %mul3A_1284, %while3A_1281 : i32
      %add3A_1286 = arith.addi %sub3A_1283, %mul3A_1285 : i32
      %multiple_of3A_1287 = tpu.assume_multiple %add3A_1286, 32 : i32
      %mul3A_1288 = arith.constant 32 : i32
      %mul3A_1289 = arith.muli %mul3A_1288, %while3A_1281 : i32
      %add3A_1290 = arith.addi %get3A_1000, %mul3A_1289 : i32
      %multiple_of3A_1291 = tpu.assume_multiple %add3A_1290, 32 : i32
      %get3A_1292 = arith.index_cast %multiple_of3A_1287 : i32 to index
      %get3A_1293 = arith.constant 0 : index
      %get3A_1294 = vector.load %arg4[%get3A_1292, %get3A_1293] : memref<1024x256xf32, #tpu.memory_space<vmem>>, vector<32x256xf32>
      %convert_element_type3A_1295 = arith.truncf %get3A_1294 : vector<32x256xf32> to vector<32x256xbf16>
      %get3A_1296 = arith.constant 10 : index
      %get3A_1297 = arith.constant 0 : index
      %get3A_1298 = arith.constant 0 : index
      %get3A_1299 = vector.load %arg5[%get3A_1296, %get3A_1297, %get3A_1298] : memref<16x256x256xf32, #tpu.memory_space<vmem>>, vector<1x256x256xf32>
      %get3A_1300 = vector.shape_cast %get3A_1299 : vector<1x256x256xf32> to vector<256x256xf32>
      %convert_element_type3A_1301 = arith.truncf %get3A_1300 : vector<256x256xf32> to vector<256x256xbf16>
      %dot_general3A_1302 = arith.constant dense<0.000000e+00> : vector<32x256xf32>
      %dot_general3A_1303 = tpu.matmul %convert_element_type3A_1295, %convert_element_type3A_1301, %dot_general3A_1302 {dimension_numbers = #tpu.dot_dimension_numbers<[1], [1], [0], [0], [0, 0, 1, 0], [], []>, transpose_lhs_hint = false} : vector<32x256xbf16>, vector<256x256xbf16>, vector<32x256xf32> -> vector<32x256xf32>
      %get3A_1304 = arith.constant 10 : index
      %get3A_1305 = arith.constant 0 : index
      %get3A_1306 = vector.load %arg6[%get3A_1304, %get3A_1305] : memref<16x256xf32, #tpu.memory_space<vmem>>, vector<1x256xf32>
      %get3A_1307 = vector.shape_cast %get3A_1306 : vector<1x256xf32> to vector<256xf32>
      %broadcast_in_dim3A_1308 = vector.shape_cast %get3A_1307 : vector<256xf32> to vector<1x256xf32>
      %add3A_1309 = vector.broadcast %broadcast_in_dim3A_1308 : vector<1x256xf32> to vector<32x256xf32>
      %add3A_1310 = arith.addf %dot_general3A_1303, %add3A_1309 : vector<32x256xf32>
      %max3A_1311 = arith.constant 0.000000e+00 : f32
      %max3A_1312 = vector.broadcast %max3A_1311 : f32 to vector<32x256xf32>
      %max3A_1313 = arith.maximumf %add3A_1310, %max3A_1312 : vector<32x256xf32>
      %swap3A_1314 = arith.index_cast %multiple_of3A_1291 : i32 to index
      %swap3A_1315 = arith.constant 0 : index
      %swap3A_1316 = vector.load %arg7[%swap3A_1314, %swap3A_1315] : memref<3072x256xf32, #tpu.memory_space<vmem>>, vector<32x256xf32>
      tpu.vector_store %arg7[%swap3A_1314, %swap3A_1315], %max3A_1313 {strides = array<i32>} : memref<3072x256xf32, #tpu.memory_space<vmem>>, vector<32x256xf32>,
    }
    %mul3A_1011 = arith.constant 16 : i32
    %mul3A_1012 = arith.muli %arg0, %mul3A_1011 : i32
    %add3A_1013 = arith.constant 11 : i32
    %add3A_1014 = arith.addi %mul3A_1012, %add3A_1013 : i32
    %get3A_1015 = arith.index_cast %add3A_1014 : i32 to index
    %get3A_1016 = memref.load %arg1[%get3A_1015] : memref<64xi32, #tpu.memory_space<smem>>
    %sub3A_1017 = arith.constant 32 : i32
    %sub3A_1018 = arith.subi %get3A_1016, %sub3A_1017 : i32
    %max3A_1019 = arith.constant 0 : i32
    %max3A_1020 = arith.maxsi %sub3A_1018, %max3A_1019 : i32
    %add3A_1021 = arith.constant 32 : i32
    %add3A_1022 = arith.addi %max3A_1020, %add3A_1021 : i32
    %sub3A_1023 = arith.constant 1 : i32
    %sub3A_1024 = arith.subi %add3A_1022, %sub3A_1023 : i32
    %jit3A_1025 = arith.constant 32 : i32
    %div3A_1026 = arith.divsi %sub3A_1024, %jit3A_1025 : i32
    %sign3A_1027 = arith.constant 0 : i32
    %sign3A_1028 = arith.cmpi sgt, %sub3A_1024, %sign3A_1027 : i32
    %sign3A_1029 = arith.extui %sign3A_1028 : i1 to i32
    %sign3A_1030 = arith.constant 0 : i32
    %sign3A_1031 = arith.cmpi slt, %sub3A_1024, %sign3A_1030 : i32
    %sign3A_1032 = arith.extui %sign3A_1031 : i1 to i32
    %sign3A_1033 = arith.subi %sign3A_1029, %sign3A_1032 : i32
    %sign3A_1034 = arith.constant 0 : i32
    %sign3A_1035 = arith.cmpi sgt, %jit3A_1025, %sign3A_1034 : i32
    %sign3A_1036 = arith.extui %sign3A_1035 : i1 to i32
    %sign3A_1037 = arith.constant 0 : i32
    %sign3A_1038 = arith.cmpi slt, %jit3A_1025, %sign3A_1037 : i32
    %sign3A_1039 = arith.extui %sign3A_1038 : i1 to i32
    %sign3A_1040 = arith.subi %sign3A_1036, %sign3A_1039 : i32
    %ne3A_1041 = arith.cmpi ne, %sign3A_1033, %sign3A_1040 : i32
    %rem3A_1042 = arith.remsi %sub3A_1024, %jit3A_1025 : i32
    %ne3A_1043 = arith.constant 0 : i32
    %ne3A_1044 = arith.cmpi ne, %rem3A_1042, %ne3A_1043 : i32
    %and3A_1045 = arith.andi %ne3A_1041, %ne3A_1044 : i1
    %sub3A_1046 = arith.constant 1 : i32
    %sub3A_1047 = arith.subi %div3A_1026, %sub3A_1046 : i32
    %select_n3A_1048 = arith.select %and3A_1045, %sub3A_1047, %div3A_1026 : i32
    %mul3A_1049 = arith.constant 16 : i32
    %mul3A_1050 = arith.muli %arg0, %mul3A_1049 : i32
    %add3A_1051 = arith.constant 11 : i32
    %add3A_1052 = arith.addi %mul3A_1050, %add3A_1051 : i32
    %get3A_1053 = arith.index_cast %add3A_1052 : i32 to index
    %get3A_1054 = memref.load %arg2[%get3A_1053] : memref<64xi32, #tpu.memory_space<smem>>
    %while3A_1055 = arith.constant 0 : i32
    %while3A_1056 = arith.constant 0 : i32
    %while3A_1057 = arith.subi %select_n3A_1048, %while3A_1056 : i32
    %while3A_1058 = arith.addi %while3A_1056, %while3A_1057 : i32
    %while3A_1059 = arith.constant 1 : i32
    %while3A_1060 = arith.divsi %while3A_1057, %while3A_1059 : i32
    %while3A_1061 = arith.muli %while3A_1060, %while3A_1059 : i32
    %while3A_1062 = arith.addi %while3A_1056, %while3A_1061 : i32
    %while3A_1063 = arith.constant 1 : i32
    scf.for %while3A_1281 = %while3A_1056 to %while3A_1062 step %while3A_1063  : i32 {
      %sub3A_1282 = arith.constant 2048 : i32
      %sub3A_1283 = arith.subi %get3A_1054, %sub3A_1282 : i32
      %mul3A_1284 = arith.constant 32 : i32
      %mul3A_1285 = arith.muli %mul3A_1284, %while3A_1281 : i32
      %add3A_1286 = arith.addi %sub3A_1283, %mul3A_1285 : i32
      %multiple_of3A_1287 = tpu.assume_multiple %add3A_1286, 32 : i32
      %mul3A_1288 = arith.constant 32 : i32
      %mul3A_1289 = arith.muli %mul3A_1288, %while3A_1281 : i32
      %add3A_1290 = arith.addi %get3A_1054, %mul3A_1289 : i32
      %multiple_of3A_1291 = tpu.assume_multiple %add3A_1290, 32 : i32
      %get3A_1292 = arith.index_cast %multiple_of3A_1287 : i32 to index
      %get3A_1293 = arith.constant 0 : index
      %get3A_1294 = vector.load %arg4[%get3A_1292, %get3A_1293] : memref<1024x256xf32, #tpu.memory_space<vmem>>, vector<32x256xf32>
      %convert_element_type3A_1295 = arith.truncf %get3A_1294 : vector<32x256xf32> to vector<32x256xbf16>
      %get3A_1296 = arith.constant 11 : index
      %get3A_1297 = arith.constant 0 : index
      %get3A_1298 = arith.constant 0 : index
      %get3A_1299 = vector.load %arg5[%get3A_1296, %get3A_1297, %get3A_1298] : memref<16x256x256xf32, #tpu.memory_space<vmem>>, vector<1x256x256xf32>
      %get3A_1300 = vector.shape_cast %get3A_1299 : vector<1x256x256xf32> to vector<256x256xf32>
      %convert_element_type3A_1301 = arith.truncf %get3A_1300 : vector<256x256xf32> to vector<256x256xbf16>
      %dot_general3A_1302 = arith.constant dense<0.000000e+00> : vector<32x256xf32>
      %dot_general3A_1303 = tpu.matmul %convert_element_type3A_1295, %convert_element_type3A_1301, %dot_general3A_1302 {dimension_numbers = #tpu.dot_dimension_numbers<[1], [1], [0], [0], [0, 0, 1, 0], [], []>, transpose_lhs_hint = false} : vector<32x256xbf16>, vector<256x256xbf16>, vector<32x256xf32> -> vector<32x256xf32>
      %get3A_1304 = arith.constant 11 : index
      %get3A_1305 = arith.constant 0 : index
      %get3A_1306 = vector.load %arg6[%get3A_1304, %get3A_1305] : memref<16x256xf32, #tpu.memory_space<vmem>>, vector<1x256xf32>
      %get3A_1307 = vector.shape_cast %get3A_1306 : vector<1x256xf32> to vector<256xf32>
      %broadcast_in_dim3A_1308 = vector.shape_cast %get3A_1307 : vector<256xf32> to vector<1x256xf32>
      %add3A_1309 = vector.broadcast %broadcast_in_dim3A_1308 : vector<1x256xf32> to vector<32x256xf32>
      %add3A_1310 = arith.addf %dot_general3A_1303, %add3A_1309 : vector<32x256xf32>
      %max3A_1311 = arith.constant 0.000000e+00 : f32
      %max3A_1312 = vector.broadcast %max3A_1311 : f32 to vector<32x256xf32>
      %max3A_1313 = arith.maximumf %add3A_1310, %max3A_1312 : vector<32x256xf32>
      %swap3A_1314 = arith.index_cast %multiple_of3A_1291 : i32 to index
      %swap3A_1315 = arith.constant 0 : index
      %swap3A_1316 = vector.load %arg7[%swap3A_1314, %swap3A_1315] : memref<3072x256xf32, #tpu.memory_space<vmem>>, vector<32x256xf32>
      tpu.vector_store %arg7[%swap3A_1314, %swap3A_1315], %max3A_1313 {strides = array<i32>} : memref<3072x256xf32, #tpu.memory_space<vmem>>, vector<32x256xf32>,
    }
    %while3A_1064 = arith.constant 1 : i32
    scf.for %while3A_1281 = %while3A_1062 to %while3A_1058 step %while3A_1064  : i32 {
      %sub3A_1282 = arith.constant 2048 : i32
      %sub3A_1283 = arith.subi %get3A_1054, %sub3A_1282 : i32
      %mul3A_1284 = arith.constant 32 : i32
      %mul3A_1285 = arith.muli %mul3A_1284, %while3A_1281 : i32
      %add3A_1286 = arith.addi %sub3A_1283, %mul3A_1285 : i32
      %multiple_of3A_1287 = tpu.assume_multiple %add3A_1286, 32 : i32
      %mul3A_1288 = arith.constant 32 : i32
      %mul3A_1289 = arith.muli %mul3A_1288, %while3A_1281 : i32
      %add3A_1290 = arith.addi %get3A_1054, %mul3A_1289 : i32
      %multiple_of3A_1291 = tpu.assume_multiple %add3A_1290, 32 : i32
      %get3A_1292 = arith.index_cast %multiple_of3A_1287 : i32 to index
      %get3A_1293 = arith.constant 0 : index
      %get3A_1294 = vector.load %arg4[%get3A_1292, %get3A_1293] : memref<1024x256xf32, #tpu.memory_space<vmem>>, vector<32x256xf32>
      %convert_element_type3A_1295 = arith.truncf %get3A_1294 : vector<32x256xf32> to vector<32x256xbf16>
      %get3A_1296 = arith.constant 11 : index
      %get3A_1297 = arith.constant 0 : index
      %get3A_1298 = arith.constant 0 : index
      %get3A_1299 = vector.load %arg5[%get3A_1296, %get3A_1297, %get3A_1298] : memref<16x256x256xf32, #tpu.memory_space<vmem>>, vector<1x256x256xf32>
      %get3A_1300 = vector.shape_cast %get3A_1299 : vector<1x256x256xf32> to vector<256x256xf32>
      %convert_element_type3A_1301 = arith.truncf %get3A_1300 : vector<256x256xf32> to vector<256x256xbf16>
      %dot_general3A_1302 = arith.constant dense<0.000000e+00> : vector<32x256xf32>
      %dot_general3A_1303 = tpu.matmul %convert_element_type3A_1295, %convert_element_type3A_1301, %dot_general3A_1302 {dimension_numbers = #tpu.dot_dimension_numbers<[1], [1], [0], [0], [0, 0, 1, 0], [], []>, transpose_lhs_hint = false} : vector<32x256xbf16>, vector<256x256xbf16>, vector<32x256xf32> -> vector<32x256xf32>
      %get3A_1304 = arith.constant 11 : index
      %get3A_1305 = arith.constant 0 : index
      %get3A_1306 = vector.load %arg6[%get3A_1304, %get3A_1305] : memref<16x256xf32, #tpu.memory_space<vmem>>, vector<1x256xf32>
      %get3A_1307 = vector.shape_cast %get3A_1306 : vector<1x256xf32> to vector<256xf32>
      %broadcast_in_dim3A_1308 = vector.shape_cast %get3A_1307 : vector<256xf32> to vector<1x256xf32>
      %add3A_1309 = vector.broadcast %broadcast_in_dim3A_1308 : vector<1x256xf32> to vector<32x256xf32>
      %add3A_1310 = arith.addf %dot_general3A_1303, %add3A_1309 : vector<32x256xf32>
      %max3A_1311 = arith.constant 0.000000e+00 : f32
      %max3A_1312 = vector.broadcast %max3A_1311 : f32 to vector<32x256xf32>
      %max3A_1313 = arith.maximumf %add3A_1310, %max3A_1312 : vector<32x256xf32>
      %swap3A_1314 = arith.index_cast %multiple_of3A_1291 : i32 to index
      %swap3A_1315 = arith.constant 0 : index
      %swap3A_1316 = vector.load %arg7[%swap3A_1314, %swap3A_1315] : memref<3072x256xf32, #tpu.memory_space<vmem>>, vector<32x256xf32>
      tpu.vector_store %arg7[%swap3A_1314, %swap3A_1315], %max3A_1313 {strides = array<i32>} : memref<3072x256xf32, #tpu.memory_space<vmem>>, vector<32x256xf32>,
    }
    %mul3A_1065 = arith.constant 16 : i32
    %mul3A_1066 = arith.muli %arg0, %mul3A_1065 : i32
    %add3A_1067 = arith.constant 12 : i32
    %add3A_1068 = arith.addi %mul3A_1066, %add3A_1067 : i32
    %get3A_1069 = arith.index_cast %add3A_1068 : i32 to index
    %get3A_1070 = memref.load %arg1[%get3A_1069] : memref<64xi32, #tpu.memory_space<smem>>
    %sub3A_1071 = arith.constant 32 : i32
    %sub3A_1072 = arith.subi %get3A_1070, %sub3A_1071 : i32
    %max3A_1073 = arith.constant 0 : i32
    %max3A_1074 = arith.maxsi %sub3A_1072, %max3A_1073 : i32
    %add3A_1075 = arith.constant 32 : i32
    %add3A_1076 = arith.addi %max3A_1074, %add3A_1075 : i32
    %sub3A_1077 = arith.constant 1 : i32
    %sub3A_1078 = arith.subi %add3A_1076, %sub3A_1077 : i32
    %jit3A_1079 = arith.constant 32 : i32
    %div3A_1080 = arith.divsi %sub3A_1078, %jit3A_1079 : i32
    %sign3A_1081 = arith.constant 0 : i32
    %sign3A_1082 = arith.cmpi sgt, %sub3A_1078, %sign3A_1081 : i32
    %sign3A_1083 = arith.extui %sign3A_1082 : i1 to i32
    %sign3A_1084 = arith.constant 0 : i32
    %sign3A_1085 = arith.cmpi slt, %sub3A_1078, %sign3A_1084 : i32
    %sign3A_1086 = arith.extui %sign3A_1085 : i1 to i32
    %sign3A_1087 = arith.subi %sign3A_1083, %sign3A_1086 : i32
    %sign3A_1088 = arith.constant 0 : i32
    %sign3A_1089 = arith.cmpi sgt, %jit3A_1079, %sign3A_1088 : i32
    %sign3A_1090 = arith.extui %sign3A_1089 : i1 to i32
    %sign3A_1091 = arith.constant 0 : i32
    %sign3A_1092 = arith.cmpi slt, %jit3A_1079, %sign3A_1091 : i32
    %sign3A_1093 = arith.extui %sign3A_1092 : i1 to i32
    %sign3A_1094 = arith.subi %sign3A_1090, %sign3A_1093 : i32
    %ne3A_1095 = arith.cmpi ne, %sign3A_1087, %sign3A_1094 : i32
    %rem3A_1096 = arith.remsi %sub3A_1078, %jit3A_1079 : i32
    %ne3A_1097 = arith.constant 0 : i32
    %ne3A_1098 = arith.cmpi ne, %rem3A_1096, %ne3A_1097 : i32
    %and3A_1099 = arith.andi %ne3A_1095, %ne3A_1098 : i1
    %sub3A_1100 = arith.constant 1 : i32
    %sub3A_1101 = arith.subi %div3A_1080, %sub3A_1100 : i32
    %select_n3A_1102 = arith.select %and3A_1099, %sub3A_1101, %div3A_1080 : i32
    %mul3A_1103 = arith.constant 16 : i32
    %mul3A_1104 = arith.muli %arg0, %mul3A_1103 : i32
    %add3A_1105 = arith.constant 12 : i32
    %add3A_1106 = arith.addi %mul3A_1104, %add3A_1105 : i32
    %get3A_1107 = arith.index_cast %add3A_1106 : i32 to index
    %get3A_1108 = memref.load %arg2[%get3A_1107] : memref<64xi32, #tpu.memory_space<smem>>
    %while3A_1109 = arith.constant 0 : i32
    %while3A_1110 = arith.constant 0 : i32
    %while3A_1111 = arith.subi %select_n3A_1102, %while3A_1110 : i32
    %while3A_1112 = arith.addi %while3A_1110, %while3A_1111 : i32
    %while3A_1113 = arith.constant 1 : i32
    %while3A_1114 = arith.divsi %while3A_1111, %while3A_1113 : i32
    %while3A_1115 = arith.muli %while3A_1114, %while3A_1113 : i32
    %while3A_1116 = arith.addi %while3A_1110, %while3A_1115 : i32
    %while3A_1117 = arith.constant 1 : i32
    scf.for %while3A_1281 = %while3A_1110 to %while3A_1116 step %while3A_1117  : i32 {
      %sub3A_1282 = arith.constant 2048 : i32
      %sub3A_1283 = arith.subi %get3A_1108, %sub3A_1282 : i32
      %mul3A_1284 = arith.constant 32 : i32
      %mul3A_1285 = arith.muli %mul3A_1284, %while3A_1281 : i32
      %add3A_1286 = arith.addi %sub3A_1283, %mul3A_1285 : i32
      %multiple_of3A_1287 = tpu.assume_multiple %add3A_1286, 32 : i32
      %mul3A_1288 = arith.constant 32 : i32
      %mul3A_1289 = arith.muli %mul3A_1288, %while3A_1281 : i32
      %add3A_1290 = arith.addi %get3A_1108, %mul3A_1289 : i32
      %multiple_of3A_1291 = tpu.assume_multiple %add3A_1290, 32 : i32
      %get3A_1292 = arith.index_cast %multiple_of3A_1287 : i32 to index
      %get3A_1293 = arith.constant 0 : index
      %get3A_1294 = vector.load %arg4[%get3A_1292, %get3A_1293] : memref<1024x256xf32, #tpu.memory_space<vmem>>, vector<32x256xf32>
      %convert_element_type3A_1295 = arith.truncf %get3A_1294 : vector<32x256xf32> to vector<32x256xbf16>
      %get3A_1296 = arith.constant 12 : index
      %get3A_1297 = arith.constant 0 : index
      %get3A_1298 = arith.constant 0 : index
      %get3A_1299 = vector.load %arg5[%get3A_1296, %get3A_1297, %get3A_1298] : memref<16x256x256xf32, #tpu.memory_space<vmem>>, vector<1x256x256xf32>
      %get3A_1300 = vector.shape_cast %get3A_1299 : vector<1x256x256xf32> to vector<256x256xf32>
      %convert_element_type3A_1301 = arith.truncf %get3A_1300 : vector<256x256xf32> to vector<256x256xbf16>
      %dot_general3A_1302 = arith.constant dense<0.000000e+00> : vector<32x256xf32>
      %dot_general3A_1303 = tpu.matmul %convert_element_type3A_1295, %convert_element_type3A_1301, %dot_general3A_1302 {dimension_numbers = #tpu.dot_dimension_numbers<[1], [1], [0], [0], [0, 0, 1, 0], [], []>, transpose_lhs_hint = false} : vector<32x256xbf16>, vector<256x256xbf16>, vector<32x256xf32> -> vector<32x256xf32>
      %get3A_1304 = arith.constant 12 : index
      %get3A_1305 = arith.constant 0 : index
      %get3A_1306 = vector.load %arg6[%get3A_1304, %get3A_1305] : memref<16x256xf32, #tpu.memory_space<vmem>>, vector<1x256xf32>
      %get3A_1307 = vector.shape_cast %get3A_1306 : vector<1x256xf32> to vector<256xf32>
      %broadcast_in_dim3A_1308 = vector.shape_cast %get3A_1307 : vector<256xf32> to vector<1x256xf32>
      %add3A_1309 = vector.broadcast %broadcast_in_dim3A_1308 : vector<1x256xf32> to vector<32x256xf32>
      %add3A_1310 = arith.addf %dot_general3A_1303, %add3A_1309 : vector<32x256xf32>
      %max3A_1311 = arith.constant 0.000000e+00 : f32
      %max3A_1312 = vector.broadcast %max3A_1311 : f32 to vector<32x256xf32>
      %max3A_1313 = arith.maximumf %add3A_1310, %max3A_1312 : vector<32x256xf32>
      %swap3A_1314 = arith.index_cast %multiple_of3A_1291 : i32 to index
      %swap3A_1315 = arith.constant 0 : index
      %swap3A_1316 = vector.load %arg7[%swap3A_1314, %swap3A_1315] : memref<3072x256xf32, #tpu.memory_space<vmem>>, vector<32x256xf32>
      tpu.vector_store %arg7[%swap3A_1314, %swap3A_1315], %max3A_1313 {strides = array<i32>} : memref<3072x256xf32, #tpu.memory_space<vmem>>, vector<32x256xf32>,
    }
    %while3A_1118 = arith.constant 1 : i32
    scf.for %while3A_1281 = %while3A_1116 to %while3A_1112 step %while3A_1118  : i32 {
      %sub3A_1282 = arith.constant 2048 : i32
      %sub3A_1283 = arith.subi %get3A_1108, %sub3A_1282 : i32
      %mul3A_1284 = arith.constant 32 : i32
      %mul3A_1285 = arith.muli %mul3A_1284, %while3A_1281 : i32
      %add3A_1286 = arith.addi %sub3A_1283, %mul3A_1285 : i32
      %multiple_of3A_1287 = tpu.assume_multiple %add3A_1286, 32 : i32
      %mul3A_1288 = arith.constant 32 : i32
      %mul3A_1289 = arith.muli %mul3A_1288, %while3A_1281 : i32
      %add3A_1290 = arith.addi %get3A_1108, %mul3A_1289 : i32
      %multiple_of3A_1291 = tpu.assume_multiple %add3A_1290, 32 : i32
      %get3A_1292 = arith.index_cast %multiple_of3A_1287 : i32 to index
      %get3A_1293 = arith.constant 0 : index
      %get3A_1294 = vector.load %arg4[%get3A_1292, %get3A_1293] : memref<1024x256xf32, #tpu.memory_space<vmem>>, vector<32x256xf32>
      %convert_element_type3A_1295 = arith.truncf %get3A_1294 : vector<32x256xf32> to vector<32x256xbf16>
      %get3A_1296 = arith.constant 12 : index
      %get3A_1297 = arith.constant 0 : index
      %get3A_1298 = arith.constant 0 : index
      %get3A_1299 = vector.load %arg5[%get3A_1296, %get3A_1297, %get3A_1298] : memref<16x256x256xf32, #tpu.memory_space<vmem>>, vector<1x256x256xf32>
      %get3A_1300 = vector.shape_cast %get3A_1299 : vector<1x256x256xf32> to vector<256x256xf32>
      %convert_element_type3A_1301 = arith.truncf %get3A_1300 : vector<256x256xf32> to vector<256x256xbf16>
      %dot_general3A_1302 = arith.constant dense<0.000000e+00> : vector<32x256xf32>
      %dot_general3A_1303 = tpu.matmul %convert_element_type3A_1295, %convert_element_type3A_1301, %dot_general3A_1302 {dimension_numbers = #tpu.dot_dimension_numbers<[1], [1], [0], [0], [0, 0, 1, 0], [], []>, transpose_lhs_hint = false} : vector<32x256xbf16>, vector<256x256xbf16>, vector<32x256xf32> -> vector<32x256xf32>
      %get3A_1304 = arith.constant 12 : index
      %get3A_1305 = arith.constant 0 : index
      %get3A_1306 = vector.load %arg6[%get3A_1304, %get3A_1305] : memref<16x256xf32, #tpu.memory_space<vmem>>, vector<1x256xf32>
      %get3A_1307 = vector.shape_cast %get3A_1306 : vector<1x256xf32> to vector<256xf32>
      %broadcast_in_dim3A_1308 = vector.shape_cast %get3A_1307 : vector<256xf32> to vector<1x256xf32>
      %add3A_1309 = vector.broadcast %broadcast_in_dim3A_1308 : vector<1x256xf32> to vector<32x256xf32>
      %add3A_1310 = arith.addf %dot_general3A_1303, %add3A_1309 : vector<32x256xf32>
      %max3A_1311 = arith.constant 0.000000e+00 : f32
      %max3A_1312 = vector.broadcast %max3A_1311 : f32 to vector<32x256xf32>
      %max3A_1313 = arith.maximumf %add3A_1310, %max3A_1312 : vector<32x256xf32>
      %swap3A_1314 = arith.index_cast %multiple_of3A_1291 : i32 to index
      %swap3A_1315 = arith.constant 0 : index
      %swap3A_1316 = vector.load %arg7[%swap3A_1314, %swap3A_1315] : memref<3072x256xf32, #tpu.memory_space<vmem>>, vector<32x256xf32>
      tpu.vector_store %arg7[%swap3A_1314, %swap3A_1315], %max3A_1313 {strides = array<i32>} : memref<3072x256xf32, #tpu.memory_space<vmem>>, vector<32x256xf32>,
    }
    %mul3A_1119 = arith.constant 16 : i32
    %mul3A_1120 = arith.muli %arg0, %mul3A_1119 : i32
    %add3A_1121 = arith.constant 13 : i32
    %add3A_1122 = arith.addi %mul3A_1120, %add3A_1121 : i32
    %get3A_1123 = arith.index_cast %add3A_1122 : i32 to index
    %get3A_1124 = memref.load %arg1[%get3A_1123] : memref<64xi32, #tpu.memory_space<smem>>
    %sub3A_1125 = arith.constant 32 : i32
    %sub3A_1126 = arith.subi %get3A_1124, %sub3A_1125 : i32
    %max3A_1127 = arith.constant 0 : i32
    %max3A_1128 = arith.maxsi %sub3A_1126, %max3A_1127 : i32
    %add3A_1129 = arith.constant 32 : i32
    %add3A_1130 = arith.addi %max3A_1128, %add3A_1129 : i32
    %sub3A_1131 = arith.constant 1 : i32
    %sub3A_1132 = arith.subi %add3A_1130, %sub3A_1131 : i32
    %jit3A_1133 = arith.constant 32 : i32
    %div3A_1134 = arith.divsi %sub3A_1132, %jit3A_1133 : i32
    %sign3A_1135 = arith.constant 0 : i32
    %sign3A_1136 = arith.cmpi sgt, %sub3A_1132, %sign3A_1135 : i32
    %sign3A_1137 = arith.extui %sign3A_1136 : i1 to i32
    %sign3A_1138 = arith.constant 0 : i32
    %sign3A_1139 = arith.cmpi slt, %sub3A_1132, %sign3A_1138 : i32
    %sign3A_1140 = arith.extui %sign3A_1139 : i1 to i32
    %sign3A_1141 = arith.subi %sign3A_1137, %sign3A_1140 : i32
    %sign3A_1142 = arith.constant 0 : i32
    %sign3A_1143 = arith.cmpi sgt, %jit3A_1133, %sign3A_1142 : i32
    %sign3A_1144 = arith.extui %sign3A_1143 : i1 to i32
    %sign3A_1145 = arith.constant 0 : i32
    %sign3A_1146 = arith.cmpi slt, %jit3A_1133, %sign3A_1145 : i32
    %sign3A_1147 = arith.extui %sign3A_1146 : i1 to i32
    %sign3A_1148 = arith.subi %sign3A_1144, %sign3A_1147 : i32
    %ne3A_1149 = arith.cmpi ne, %sign3A_1141, %sign3A_1148 : i32
    %rem3A_1150 = arith.remsi %sub3A_1132, %jit3A_1133 : i32
    %ne3A_1151 = arith.constant 0 : i32
    %ne3A_1152 = arith.cmpi ne, %rem3A_1150, %ne3A_1151 : i32
    %and3A_1153 = arith.andi %ne3A_1149, %ne3A_1152 : i1
    %sub3A_1154 = arith.constant 1 : i32
    %sub3A_1155 = arith.subi %div3A_1134, %sub3A_1154 : i32
    %select_n3A_1156 = arith.select %and3A_1153, %sub3A_1155, %div3A_1134 : i32
    %mul3A_1157 = arith.constant 16 : i32
    %mul3A_1158 = arith.muli %arg0, %mul3A_1157 : i32
    %add3A_1159 = arith.constant 13 : i32
    %add3A_1160 = arith.addi %mul3A_1158, %add3A_1159 : i32
    %get3A_1161 = arith.index_cast %add3A_1160 : i32 to index
    %get3A_1162 = memref.load %arg2[%get3A_1161] : memref<64xi32, #tpu.memory_space<smem>>
    %while3A_1163 = arith.constant 0 : i32
    %while3A_1164 = arith.constant 0 : i32
    %while3A_1165 = arith.subi %select_n3A_1156, %while3A_1164 : i32
    %while3A_1166 = arith.addi %while3A_1164, %while3A_1165 : i32
    %while3A_1167 = arith.constant 1 : i32
    %while3A_1168 = arith.divsi %while3A_1165, %while3A_1167 : i32
    %while3A_1169 = arith.muli %while3A_1168, %while3A_1167 : i32
    %while3A_1170 = arith.addi %while3A_1164, %while3A_1169 : i32
    %while3A_1171 = arith.constant 1 : i32
    scf.for %while3A_1281 = %while3A_1164 to %while3A_1170 step %while3A_1171  : i32 {
      %sub3A_1282 = arith.constant 2048 : i32
      %sub3A_1283 = arith.subi %get3A_1162, %sub3A_1282 : i32
      %mul3A_1284 = arith.constant 32 : i32
      %mul3A_1285 = arith.muli %mul3A_1284, %while3A_1281 : i32
      %add3A_1286 = arith.addi %sub3A_1283, %mul3A_1285 : i32
      %multiple_of3A_1287 = tpu.assume_multiple %add3A_1286, 32 : i32
      %mul3A_1288 = arith.constant 32 : i32
      %mul3A_1289 = arith.muli %mul3A_1288, %while3A_1281 : i32
      %add3A_1290 = arith.addi %get3A_1162, %mul3A_1289 : i32
      %multiple_of3A_1291 = tpu.assume_multiple %add3A_1290, 32 : i32
      %get3A_1292 = arith.index_cast %multiple_of3A_1287 : i32 to index
      %get3A_1293 = arith.constant 0 : index
      %get3A_1294 = vector.load %arg4[%get3A_1292, %get3A_1293] : memref<1024x256xf32, #tpu.memory_space<vmem>>, vector<32x256xf32>
      %convert_element_type3A_1295 = arith.truncf %get3A_1294 : vector<32x256xf32> to vector<32x256xbf16>
      %get3A_1296 = arith.constant 13 : index
      %get3A_1297 = arith.constant 0 : index
      %get3A_1298 = arith.constant 0 : index
      %get3A_1299 = vector.load %arg5[%get3A_1296, %get3A_1297, %get3A_1298] : memref<16x256x256xf32, #tpu.memory_space<vmem>>, vector<1x256x256xf32>
      %get3A_1300 = vector.shape_cast %get3A_1299 : vector<1x256x256xf32> to vector<256x256xf32>
      %convert_element_type3A_1301 = arith.truncf %get3A_1300 : vector<256x256xf32> to vector<256x256xbf16>
      %dot_general3A_1302 = arith.constant dense<0.000000e+00> : vector<32x256xf32>
      %dot_general3A_1303 = tpu.matmul %convert_element_type3A_1295, %convert_element_type3A_1301, %dot_general3A_1302 {dimension_numbers = #tpu.dot_dimension_numbers<[1], [1], [0], [0], [0, 0, 1, 0], [], []>, transpose_lhs_hint = false} : vector<32x256xbf16>, vector<256x256xbf16>, vector<32x256xf32> -> vector<32x256xf32>
      %get3A_1304 = arith.constant 13 : index
      %get3A_1305 = arith.constant 0 : index
      %get3A_1306 = vector.load %arg6[%get3A_1304, %get3A_1305] : memref<16x256xf32, #tpu.memory_space<vmem>>, vector<1x256xf32>
      %get3A_1307 = vector.shape_cast %get3A_1306 : vector<1x256xf32> to vector<256xf32>
      %broadcast_in_dim3A_1308 = vector.shape_cast %get3A_1307 : vector<256xf32> to vector<1x256xf32>
      %add3A_1309 = vector.broadcast %broadcast_in_dim3A_1308 : vector<1x256xf32> to vector<32x256xf32>
      %add3A_1310 = arith.addf %dot_general3A_1303, %add3A_1309 : vector<32x256xf32>
      %max3A_1311 = arith.constant 0.000000e+00 : f32
      %max3A_1312 = vector.broadcast %max3A_1311 : f32 to vector<32x256xf32>
      %max3A_1313 = arith.maximumf %add3A_1310, %max3A_1312 : vector<32x256xf32>
      %swap3A_1314 = arith.index_cast %multiple_of3A_1291 : i32 to index
      %swap3A_1315 = arith.constant 0 : index
      %swap3A_1316 = vector.load %arg7[%swap3A_1314, %swap3A_1315] : memref<3072x256xf32, #tpu.memory_space<vmem>>, vector<32x256xf32>
      tpu.vector_store %arg7[%swap3A_1314, %swap3A_1315], %max3A_1313 {strides = array<i32>} : memref<3072x256xf32, #tpu.memory_space<vmem>>, vector<32x256xf32>,
    }
    %while3A_1172 = arith.constant 1 : i32
    scf.for %while3A_1281 = %while3A_1170 to %while3A_1166 step %while3A_1172  : i32 {
      %sub3A_1282 = arith.constant 2048 : i32
      %sub3A_1283 = arith.subi %get3A_1162, %sub3A_1282 : i32
      %mul3A_1284 = arith.constant 32 : i32
      %mul3A_1285 = arith.muli %mul3A_1284, %while3A_1281 : i32
      %add3A_1286 = arith.addi %sub3A_1283, %mul3A_1285 : i32
      %multiple_of3A_1287 = tpu.assume_multiple %add3A_1286, 32 : i32
      %mul3A_1288 = arith.constant 32 : i32
      %mul3A_1289 = arith.muli %mul3A_1288, %while3A_1281 : i32
      %add3A_1290 = arith.addi %get3A_1162, %mul3A_1289 : i32
      %multiple_of3A_1291 = tpu.assume_multiple %add3A_1290, 32 : i32
      %get3A_1292 = arith.index_cast %multiple_of3A_1287 : i32 to index
      %get3A_1293 = arith.constant 0 : index
      %get3A_1294 = vector.load %arg4[%get3A_1292, %get3A_1293] : memref<1024x256xf32, #tpu.memory_space<vmem>>, vector<32x256xf32>
      %convert_element_type3A_1295 = arith.truncf %get3A_1294 : vector<32x256xf32> to vector<32x256xbf16>
      %get3A_1296 = arith.constant 13 : index
      %get3A_1297 = arith.constant 0 : index
      %get3A_1298 = arith.constant 0 : index
      %get3A_1299 = vector.load %arg5[%get3A_1296, %get3A_1297, %get3A_1298] : memref<16x256x256xf32, #tpu.memory_space<vmem>>, vector<1x256x256xf32>
      %get3A_1300 = vector.shape_cast %get3A_1299 : vector<1x256x256xf32> to vector<256x256xf32>
      %convert_element_type3A_1301 = arith.truncf %get3A_1300 : vector<256x256xf32> to vector<256x256xbf16>
      %dot_general3A_1302 = arith.constant dense<0.000000e+00> : vector<32x256xf32>
      %dot_general3A_1303 = tpu.matmul %convert_element_type3A_1295, %convert_element_type3A_1301, %dot_general3A_1302 {dimension_numbers = #tpu.dot_dimension_numbers<[1], [1], [0], [0], [0, 0, 1, 0], [], []>, transpose_lhs_hint = false} : vector<32x256xbf16>, vector<256x256xbf16>, vector<32x256xf32> -> vector<32x256xf32>
      %get3A_1304 = arith.constant 13 : index
      %get3A_1305 = arith.constant 0 : index
      %get3A_1306 = vector.load %arg6[%get3A_1304, %get3A_1305] : memref<16x256xf32, #tpu.memory_space<vmem>>, vector<1x256xf32>
      %get3A_1307 = vector.shape_cast %get3A_1306 : vector<1x256xf32> to vector<256xf32>
      %broadcast_in_dim3A_1308 = vector.shape_cast %get3A_1307 : vector<256xf32> to vector<1x256xf32>
      %add3A_1309 = vector.broadcast %broadcast_in_dim3A_1308 : vector<1x256xf32> to vector<32x256xf32>
      %add3A_1310 = arith.addf %dot_general3A_1303, %add3A_1309 : vector<32x256xf32>
      %max3A_1311 = arith.constant 0.000000e+00 : f32
      %max3A_1312 = vector.broadcast %max3A_1311 : f32 to vector<32x256xf32>
      %max3A_1313 = arith.maximumf %add3A_1310, %max3A_1312 : vector<32x256xf32>
      %swap3A_1314 = arith.index_cast %multiple_of3A_1291 : i32 to index
      %swap3A_1315 = arith.constant 0 : index
      %swap3A_1316 = vector.load %arg7[%swap3A_1314, %swap3A_1315] : memref<3072x256xf32, #tpu.memory_space<vmem>>, vector<32x256xf32>
      tpu.vector_store %arg7[%swap3A_1314, %swap3A_1315], %max3A_1313 {strides = array<i32>} : memref<3072x256xf32, #tpu.memory_space<vmem>>, vector<32x256xf32>,
    }
    %mul3A_1173 = arith.constant 16 : i32
    %mul3A_1174 = arith.muli %arg0, %mul3A_1173 : i32
    %add3A_1175 = arith.constant 14 : i32
    %add3A_1176 = arith.addi %mul3A_1174, %add3A_1175 : i32
    %get3A_1177 = arith.index_cast %add3A_1176 : i32 to index
    %get3A_1178 = memref.load %arg1[%get3A_1177] : memref<64xi32, #tpu.memory_space<smem>>
    %sub3A_1179 = arith.constant 32 : i32
    %sub3A_1180 = arith.subi %get3A_1178, %sub3A_1179 : i32
    %max3A_1181 = arith.constant 0 : i32
    %max3A_1182 = arith.maxsi %sub3A_1180, %max3A_1181 : i32
    %add3A_1183 = arith.constant 32 : i32
    %add3A_1184 = arith.addi %max3A_1182, %add3A_1183 : i32
    %sub3A_1185 = arith.constant 1 : i32
    %sub3A_1186 = arith.subi %add3A_1184, %sub3A_1185 : i32
    %jit3A_1187 = arith.constant 32 : i32
    %div3A_1188 = arith.divsi %sub3A_1186, %jit3A_1187 : i32
    %sign3A_1189 = arith.constant 0 : i32
    %sign3A_1190 = arith.cmpi sgt, %sub3A_1186, %sign3A_1189 : i32
    %sign3A_1191 = arith.extui %sign3A_1190 : i1 to i32
    %sign3A_1192 = arith.constant 0 : i32
    %sign3A_1193 = arith.cmpi slt, %sub3A_1186, %sign3A_1192 : i32
    %sign3A_1194 = arith.extui %sign3A_1193 : i1 to i32
    %sign3A_1195 = arith.subi %sign3A_1191, %sign3A_1194 : i32
    %sign3A_1196 = arith.constant 0 : i32
    %sign3A_1197 = arith.cmpi sgt, %jit3A_1187, %sign3A_1196 : i32
    %sign3A_1198 = arith.extui %sign3A_1197 : i1 to i32
    %sign3A_1199 = arith.constant 0 : i32
    %sign3A_1200 = arith.cmpi slt, %jit3A_1187, %sign3A_1199 : i32
    %sign3A_1201 = arith.extui %sign3A_1200 : i1 to i32
    %sign3A_1202 = arith.subi %sign3A_1198, %sign3A_1201 : i32
    %ne3A_1203 = arith.cmpi ne, %sign3A_1195, %sign3A_1202 : i32
    %rem3A_1204 = arith.remsi %sub3A_1186, %jit3A_1187 : i32
    %ne3A_1205 = arith.constant 0 : i32
    %ne3A_1206 = arith.cmpi ne, %rem3A_1204, %ne3A_1205 : i32
    %and3A_1207 = arith.andi %ne3A_1203, %ne3A_1206 : i1
    %sub3A_1208 = arith.constant 1 : i32
    %sub3A_1209 = arith.subi %div3A_1188, %sub3A_1208 : i32
    %select_n3A_1210 = arith.select %and3A_1207, %sub3A_1209, %div3A_1188 : i32
    %mul3A_1211 = arith.constant 16 : i32
    %mul3A_1212 = arith.muli %arg0, %mul3A_1211 : i32
    %add3A_1213 = arith.constant 14 : i32
    %add3A_1214 = arith.addi %mul3A_1212, %add3A_1213 : i32
    %get3A_1215 = arith.index_cast %add3A_1214 : i32 to index
    %get3A_1216 = memref.load %arg2[%get3A_1215] : memref<64xi32, #tpu.memory_space<smem>>
    %while3A_1217 = arith.constant 0 : i32
    %while3A_1218 = arith.constant 0 : i32
    %while3A_1219 = arith.subi %select_n3A_1210, %while3A_1218 : i32
    %while3A_1220 = arith.addi %while3A_1218, %while3A_1219 : i32
    %while3A_1221 = arith.constant 1 : i32
    %while3A_1222 = arith.divsi %while3A_1219, %while3A_1221 : i32
    %while3A_1223 = arith.muli %while3A_1222, %while3A_1221 : i32
    %while3A_1224 = arith.addi %while3A_1218, %while3A_1223 : i32
    %while3A_1225 = arith.constant 1 : i32
    scf.for %while3A_1281 = %while3A_1218 to %while3A_1224 step %while3A_1225  : i32 {
      %sub3A_1282 = arith.constant 2048 : i32
      %sub3A_1283 = arith.subi %get3A_1216, %sub3A_1282 : i32
      %mul3A_1284 = arith.constant 32 : i32
      %mul3A_1285 = arith.muli %mul3A_1284, %while3A_1281 : i32
      %add3A_1286 = arith.addi %sub3A_1283, %mul3A_1285 : i32
      %multiple_of3A_1287 = tpu.assume_multiple %add3A_1286, 32 : i32
      %mul3A_1288 = arith.constant 32 : i32
      %mul3A_1289 = arith.muli %mul3A_1288, %while3A_1281 : i32
      %add3A_1290 = arith.addi %get3A_1216, %mul3A_1289 : i32
      %multiple_of3A_1291 = tpu.assume_multiple %add3A_1290, 32 : i32
      %get3A_1292 = arith.index_cast %multiple_of3A_1287 : i32 to index
      %get3A_1293 = arith.constant 0 : index
      %get3A_1294 = vector.load %arg4[%get3A_1292, %get3A_1293] : memref<1024x256xf32, #tpu.memory_space<vmem>>, vector<32x256xf32>
      %convert_element_type3A_1295 = arith.truncf %get3A_1294 : vector<32x256xf32> to vector<32x256xbf16>
      %get3A_1296 = arith.constant 14 : index
      %get3A_1297 = arith.constant 0 : index
      %get3A_1298 = arith.constant 0 : index
      %get3A_1299 = vector.load %arg5[%get3A_1296, %get3A_1297, %get3A_1298] : memref<16x256x256xf32, #tpu.memory_space<vmem>>, vector<1x256x256xf32>
      %get3A_1300 = vector.shape_cast %get3A_1299 : vector<1x256x256xf32> to vector<256x256xf32>
      %convert_element_type3A_1301 = arith.truncf %get3A_1300 : vector<256x256xf32> to vector<256x256xbf16>
      %dot_general3A_1302 = arith.constant dense<0.000000e+00> : vector<32x256xf32>
      %dot_general3A_1303 = tpu.matmul %convert_element_type3A_1295, %convert_element_type3A_1301, %dot_general3A_1302 {dimension_numbers = #tpu.dot_dimension_numbers<[1], [1], [0], [0], [0, 0, 1, 0], [], []>, transpose_lhs_hint = false} : vector<32x256xbf16>, vector<256x256xbf16>, vector<32x256xf32> -> vector<32x256xf32>
      %get3A_1304 = arith.constant 14 : index
      %get3A_1305 = arith.constant 0 : index
      %get3A_1306 = vector.load %arg6[%get3A_1304, %get3A_1305] : memref<16x256xf32, #tpu.memory_space<vmem>>, vector<1x256xf32>
      %get3A_1307 = vector.shape_cast %get3A_1306 : vector<1x256xf32> to vector<256xf32>
      %broadcast_in_dim3A_1308 = vector.shape_cast %get3A_1307 : vector<256xf32> to vector<1x256xf32>
      %add3A_1309 = vector.broadcast %broadcast_in_dim3A_1308 : vector<1x256xf32> to vector<32x256xf32>
      %add3A_1310 = arith.addf %dot_general3A_1303, %add3A_1309 : vector<32x256xf32>
      %max3A_1311 = arith.constant 0.000000e+00 : f32
      %max3A_1312 = vector.broadcast %max3A_1311 : f32 to vector<32x256xf32>
      %max3A_1313 = arith.maximumf %add3A_1310, %max3A_1312 : vector<32x256xf32>
      %swap3A_1314 = arith.index_cast %multiple_of3A_1291 : i32 to index
      %swap3A_1315 = arith.constant 0 : index
      %swap3A_1316 = vector.load %arg7[%swap3A_1314, %swap3A_1315] : memref<3072x256xf32, #tpu.memory_space<vmem>>, vector<32x256xf32>
      tpu.vector_store %arg7[%swap3A_1314, %swap3A_1315], %max3A_1313 {strides = array<i32>} : memref<3072x256xf32, #tpu.memory_space<vmem>>, vector<32x256xf32>,
    }
    %while3A_1226 = arith.constant 1 : i32
    scf.for %while3A_1281 = %while3A_1224 to %while3A_1220 step %while3A_1226  : i32 {
      %sub3A_1282 = arith.constant 2048 : i32
      %sub3A_1283 = arith.subi %get3A_1216, %sub3A_1282 : i32
      %mul3A_1284 = arith.constant 32 : i32
      %mul3A_1285 = arith.muli %mul3A_1284, %while3A_1281 : i32
      %add3A_1286 = arith.addi %sub3A_1283, %mul3A_1285 : i32
      %multiple_of3A_1287 = tpu.assume_multiple %add3A_1286, 32 : i32
      %mul3A_1288 = arith.constant 32 : i32
      %mul3A_1289 = arith.muli %mul3A_1288, %while3A_1281 : i32
      %add3A_1290 = arith.addi %get3A_1216, %mul3A_1289 : i32
      %multiple_of3A_1291 = tpu.assume_multiple %add3A_1290, 32 : i32
      %get3A_1292 = arith.index_cast %multiple_of3A_1287 : i32 to index
      %get3A_1293 = arith.constant 0 : index
      %get3A_1294 = vector.load %arg4[%get3A_1292, %get3A_1293] : memref<1024x256xf32, #tpu.memory_space<vmem>>, vector<32x256xf32>
      %convert_element_type3A_1295 = arith.truncf %get3A_1294 : vector<32x256xf32> to vector<32x256xbf16>
      %get3A_1296 = arith.constant 14 : index
      %get3A_1297 = arith.constant 0 : index
      %get3A_1298 = arith.constant 0 : index
      %get3A_1299 = vector.load %arg5[%get3A_1296, %get3A_1297, %get3A_1298] : memref<16x256x256xf32, #tpu.memory_space<vmem>>, vector<1x256x256xf32>
      %get3A_1300 = vector.shape_cast %get3A_1299 : vector<1x256x256xf32> to vector<256x256xf32>
      %convert_element_type3A_1301 = arith.truncf %get3A_1300 : vector<256x256xf32> to vector<256x256xbf16>
      %dot_general3A_1302 = arith.constant dense<0.000000e+00> : vector<32x256xf32>
      %dot_general3A_1303 = tpu.matmul %convert_element_type3A_1295, %convert_element_type3A_1301, %dot_general3A_1302 {dimension_numbers = #tpu.dot_dimension_numbers<[1], [1], [0], [0], [0, 0, 1, 0], [], []>, transpose_lhs_hint = false} : vector<32x256xbf16>, vector<256x256xbf16>, vector<32x256xf32> -> vector<32x256xf32>
      %get3A_1304 = arith.constant 14 : index
      %get3A_1305 = arith.constant 0 : index
      %get3A_1306 = vector.load %arg6[%get3A_1304, %get3A_1305] : memref<16x256xf32, #tpu.memory_space<vmem>>, vector<1x256xf32>
      %get3A_1307 = vector.shape_cast %get3A_1306 : vector<1x256xf32> to vector<256xf32>
      %broadcast_in_dim3A_1308 = vector.shape_cast %get3A_1307 : vector<256xf32> to vector<1x256xf32>
      %add3A_1309 = vector.broadcast %broadcast_in_dim3A_1308 : vector<1x256xf32> to vector<32x256xf32>
      %add3A_1310 = arith.addf %dot_general3A_1303, %add3A_1309 : vector<32x256xf32>
      %max3A_1311 = arith.constant 0.000000e+00 : f32
      %max3A_1312 = vector.broadcast %max3A_1311 : f32 to vector<32x256xf32>
      %max3A_1313 = arith.maximumf %add3A_1310, %max3A_1312 : vector<32x256xf32>
      %swap3A_1314 = arith.index_cast %multiple_of3A_1291 : i32 to index
      %swap3A_1315 = arith.constant 0 : index
      %swap3A_1316 = vector.load %arg7[%swap3A_1314, %swap3A_1315] : memref<3072x256xf32, #tpu.memory_space<vmem>>, vector<32x256xf32>
      tpu.vector_store %arg7[%swap3A_1314, %swap3A_1315], %max3A_1313 {strides = array<i32>} : memref<3072x256xf32, #tpu.memory_space<vmem>>, vector<32x256xf32>,
    }
    %mul3A_1227 = arith.constant 16 : i32
    %mul3A_1228 = arith.muli %arg0, %mul3A_1227 : i32
    %add3A_1229 = arith.constant 15 : i32
    %add3A_1230 = arith.addi %mul3A_1228, %add3A_1229 : i32
    %get3A_1231 = arith.index_cast %add3A_1230 : i32 to index
    %get3A_1232 = memref.load %arg1[%get3A_1231] : memref<64xi32, #tpu.memory_space<smem>>
    %sub3A_1233 = arith.constant 32 : i32
    %sub3A_1234 = arith.subi %get3A_1232, %sub3A_1233 : i32
    %max3A_1235 = arith.constant 0 : i32
    %max3A_1236 = arith.maxsi %sub3A_1234, %max3A_1235 : i32
    %add3A_1237 = arith.constant 32 : i32
    %add3A_1238 = arith.addi %max3A_1236, %add3A_1237 : i32
    %sub3A_1239 = arith.constant 1 : i32
    %sub3A_1240 = arith.subi %add3A_1238, %sub3A_1239 : i32
    %jit3A_1241 = arith.constant 32 : i32
    %div3A_1242 = arith.divsi %sub3A_1240, %jit3A_1241 : i32
    %sign3A_1243 = arith.constant 0 : i32
    %sign3A_1244 = arith.cmpi sgt, %sub3A_1240, %sign3A_1243 : i32
    %sign3A_1245 = arith.extui %sign3A_1244 : i1 to i32
    %sign3A_1246 = arith.constant 0 : i32
    %sign3A_1247 = arith.cmpi slt, %sub3A_1240, %sign3A_1246 : i32
    %sign3A_1248 = arith.extui %sign3A_1247 : i1 to i32
    %sign3A_1249 = arith.subi %sign3A_1245, %sign3A_1248 : i32
    %sign3A_1250 = arith.constant 0 : i32
    %sign3A_1251 = arith.cmpi sgt, %jit3A_1241, %sign3A_1250 : i32
    %sign3A_1252 = arith.extui %sign3A_1251 : i1 to i32
    %sign3A_1253 = arith.constant 0 : i32
    %sign3A_1254 = arith.cmpi slt, %jit3A_1241, %sign3A_1253 : i32
    %sign3A_1255 = arith.extui %sign3A_1254 : i1 to i32
    %sign3A_1256 = arith.subi %sign3A_1252, %sign3A_1255 : i32
    %ne3A_1257 = arith.cmpi ne, %sign3A_1249, %sign3A_1256 : i32
    %rem3A_1258 = arith.remsi %sub3A_1240, %jit3A_1241 : i32
    %ne3A_1259 = arith.constant 0 : i32
    %ne3A_1260 = arith.cmpi ne, %rem3A_1258, %ne3A_1259 : i32
    %and3A_1261 = arith.andi %ne3A_1257, %ne3A_1260 : i1
    %sub3A_1262 = arith.constant 1 : i32
    %sub3A_1263 = arith.subi %div3A_1242, %sub3A_1262 : i32
    %select_n3A_1264 = arith.select %and3A_1261, %sub3A_1263, %div3A_1242 : i32
    %mul3A_1265 = arith.constant 16 : i32
    %mul3A_1266 = arith.muli %arg0, %mul3A_1265 : i32
    %add3A_1267 = arith.constant 15 : i32
    %add3A_1268 = arith.addi %mul3A_1266, %add3A_1267 : i32
    %get3A_1269 = arith.index_cast %add3A_1268 : i32 to index
    %get3A_1270 = memref.load %arg2[%get3A_1269] : memref<64xi32, #tpu.memory_space<smem>>
    %while3A_1271 = arith.constant 0 : i32
    %while3A_1272 = arith.constant 0 : i32
    %while3A_1273 = arith.subi %select_n3A_1264, %while3A_1272 : i32
    %while3A_1274 = arith.addi %while3A_1272, %while3A_1273 : i32
    %while3A_1275 = arith.constant 1 : i32
    %while3A_1276 = arith.divsi %while3A_1273, %while3A_1275 : i32
    %while3A_1277 = arith.muli %while3A_1276, %while3A_1275 : i32
    %while3A_1278 = arith.addi %while3A_1272, %while3A_1277 : i32
    %while3A_1279 = arith.constant 1 : i32
    scf.for %while3A_1281 = %while3A_1272 to %while3A_1278 step %while3A_1279  : i32 {
      %sub3A_1282 = arith.constant 2048 : i32
      %sub3A_1283 = arith.subi %get3A_1270, %sub3A_1282 : i32
      %mul3A_1284 = arith.constant 32 : i32
      %mul3A_1285 = arith.muli %mul3A_1284, %while3A_1281 : i32
      %add3A_1286 = arith.addi %sub3A_1283, %mul3A_1285 : i32
      %multiple_of3A_1287 = tpu.assume_multiple %add3A_1286, 32 : i32
      %mul3A_1288 = arith.constant 32 : i32
      %mul3A_1289 = arith.muli %mul3A_1288, %while3A_1281 : i32
      %add3A_1290 = arith.addi %get3A_1270, %mul3A_1289 : i32
      %multiple_of3A_1291 = tpu.assume_multiple %add3A_1290, 32 : i32
      %get3A_1292 = arith.index_cast %multiple_of3A_1287 : i32 to index
      %get3A_1293 = arith.constant 0 : index
      %get3A_1294 = vector.load %arg4[%get3A_1292, %get3A_1293] : memref<1024x256xf32, #tpu.memory_space<vmem>>, vector<32x256xf32>
      %convert_element_type3A_1295 = arith.truncf %get3A_1294 : vector<32x256xf32> to vector<32x256xbf16>
      %get3A_1296 = arith.constant 15 : index
      %get3A_1297 = arith.constant 0 : index
      %get3A_1298 = arith.constant 0 : index
      %get3A_1299 = vector.load %arg5[%get3A_1296, %get3A_1297, %get3A_1298] : memref<16x256x256xf32, #tpu.memory_space<vmem>>, vector<1x256x256xf32>
      %get3A_1300 = vector.shape_cast %get3A_1299 : vector<1x256x256xf32> to vector<256x256xf32>
      %convert_element_type3A_1301 = arith.truncf %get3A_1300 : vector<256x256xf32> to vector<256x256xbf16>
      %dot_general3A_1302 = arith.constant dense<0.000000e+00> : vector<32x256xf32>
      %dot_general3A_1303 = tpu.matmul %convert_element_type3A_1295, %convert_element_type3A_1301, %dot_general3A_1302 {dimension_numbers = #tpu.dot_dimension_numbers<[1], [1], [0], [0], [0, 0, 1, 0], [], []>, transpose_lhs_hint = false} : vector<32x256xbf16>, vector<256x256xbf16>, vector<32x256xf32> -> vector<32x256xf32>
      %get3A_1304 = arith.constant 15 : index
      %get3A_1305 = arith.constant 0 : index
      %get3A_1306 = vector.load %arg6[%get3A_1304, %get3A_1305] : memref<16x256xf32, #tpu.memory_space<vmem>>, vector<1x256xf32>
      %get3A_1307 = vector.shape_cast %get3A_1306 : vector<1x256xf32> to vector<256xf32>
      %broadcast_in_dim3A_1308 = vector.shape_cast %get3A_1307 : vector<256xf32> to vector<1x256xf32>
      %add3A_1309 = vector.broadcast %broadcast_in_dim3A_1308 : vector<1x256xf32> to vector<32x256xf32>
      %add3A_1310 = arith.addf %dot_general3A_1303, %add3A_1309 : vector<32x256xf32>
      %max3A_1311 = arith.constant 0.000000e+00 : f32
      %max3A_1312 = vector.broadcast %max3A_1311 : f32 to vector<32x256xf32>
      %max3A_1313 = arith.maximumf %add3A_1310, %max3A_1312 : vector<32x256xf32>
      %swap3A_1314 = arith.index_cast %multiple_of3A_1291 : i32 to index
      %swap3A_1315 = arith.constant 0 : index
      %swap3A_1316 = vector.load %arg7[%swap3A_1314, %swap3A_1315] : memref<3072x256xf32, #tpu.memory_space<vmem>>, vector<32x256xf32>
      tpu.vector_store %arg7[%swap3A_1314, %swap3A_1315], %max3A_1313 {strides = array<i32>} : memref<3072x256xf32, #tpu.memory_space<vmem>>, vector<32x256xf32>,
    }
    %while3A_1280 = arith.constant 1 : i32
    scf.for %while3A_1281 = %while3A_1278 to %while3A_1274 step %while3A_1280  : i32 {
      %sub3A_1282 = arith.constant 2048 : i32
      %sub3A_1283 = arith.subi %get3A_1270, %sub3A_1282 : i32
      %mul3A_1284 = arith.constant 32 : i32
      %mul3A_1285 = arith.muli %mul3A_1284, %while3A_1281 : i32
      %add3A_1286 = arith.addi %sub3A_1283, %mul3A_1285 : i32
      %multiple_of3A_1287 = tpu.assume_multiple %add3A_1286, 32 : i32
      %mul3A_1288 = arith.constant 32 : i32
      %mul3A_1289 = arith.muli %mul3A_1288, %while3A_1281 : i32
      %add3A_1290 = arith.addi %get3A_1270, %mul3A_1289 : i32
      %multiple_of3A_1291 = tpu.assume_multiple %add3A_1290, 32 : i32
      %get3A_1292 = arith.index_cast %multiple_of3A_1287 : i32 to index
      %get3A_1293 = arith.constant 0 : index
      %get3A_1294 = vector.load %arg4[%get3A_1292, %get3A_1293] : memref<1024x256xf32, #tpu.memory_space<vmem>>, vector<32x256xf32>
      %convert_element_type3A_1295 = arith.truncf %get3A_1294 : vector<32x256xf32> to vector<32x256xbf16>
      %get3A_1296 = arith.constant 15 : index
      %get3A_1297 = arith.constant 0 : index
      %get3A_1298 = arith.constant 0 : index
      %get3A_1299 = vector.load %arg5[%get3A_1296, %get3A_1297, %get3A_1298] : memref<16x256x256xf32, #tpu.memory_space<vmem>>, vector<1x256x256xf32>
      %get3A_1300 = vector.shape_cast %get3A_1299 : vector<1x256x256xf32> to vector<256x256xf32>
      %convert_element_type3A_1301 = arith.truncf %get3A_1300 : vector<256x256xf32> to vector<256x256xbf16>
      %dot_general3A_1302 = arith.constant dense<0.000000e+00> : vector<32x256xf32>
      %dot_general3A_1303 = tpu.matmul %convert_element_type3A_1295, %convert_element_type3A_1301, %dot_general3A_1302 {dimension_numbers = #tpu.dot_dimension_numbers<[1], [1], [0], [0], [0, 0, 1, 0], [], []>, transpose_lhs_hint = false} : vector<32x256xbf16>, vector<256x256xbf16>, vector<32x256xf32> -> vector<32x256xf32>
      %get3A_1304 = arith.constant 15 : index
      %get3A_1305 = arith.constant 0 : index
      %get3A_1306 = vector.load %arg6[%get3A_1304, %get3A_1305] : memref<16x256xf32, #tpu.memory_space<vmem>>, vector<1x256xf32>
      %get3A_1307 = vector.shape_cast %get3A_1306 : vector<1x256xf32> to vector<256xf32>
      %broadcast_in_dim3A_1308 = vector.shape_cast %get3A_1307 : vector<256xf32> to vector<1x256xf32>
      %add3A_1309 = vector.broadcast %broadcast_in_dim3A_1308 : vector<1x256xf32> to vector<32x256xf32>
      %add3A_1310 = arith.addf %dot_general3A_1303, %add3A_1309 : vector<32x256xf32>
      %max3A_1311 = arith.constant 0.000000e+00 : f32
      %max3A_1312 = vector.broadcast %max3A_1311 : f32 to vector<32x256xf32>
      %max3A_1313 = arith.maximumf %add3A_1310, %max3A_1312 : vector<32x256xf32>
      %swap3A_1314 = arith.index_cast %multiple_of3A_1291 : i32 to index
      %swap3A_1315 = arith.constant 0 : index
      %swap3A_1316 = vector.load %arg7[%swap3A_1314, %swap3A_1315] : memref<3072x256xf32, #tpu.memory_space<vmem>>, vector<32x256xf32>
      tpu.vector_store %arg7[%swap3A_1314, %swap3A_1315], %max3A_1313 {strides = array<i32>} : memref<3072x256xf32, #tpu.memory_space<vmem>>, vector<32x256xf32>,
    }
    return
  }
  func.func @transform_0(%arg0: i32, %arg1: memref<64xi32, #tpu.memory_space<smem>>, %arg2: memref<64xi32, #tpu.memory_space<smem>>) -> (i32, i32) {
    %c0_i32 = arith.constant 0 : i32
    %c0_i32_0 = arith.constant 0 : i32
    return %arg0, %c0_i32 : i32, i32
  }
  func.func @transform_1(%arg0: i32, %arg1: memref<64xi32, #tpu.memory_space<smem>>, %arg2: memref<64xi32, #tpu.memory_space<smem>>) -> (i32, i32) {
    %c2_i32 = arith.constant 2 : i32
    %c0_i32 = arith.constant 0 : i32
    %c0_i32_0 = arith.constant 0 : i32
    return %c2_i32, %c0_i32 : i32, i32
  }
  func.func @transform_2(%arg0: i32, %arg1: memref<64xi32, #tpu.memory_space<smem>>, %arg2: memref<64xi32, #tpu.memory_space<smem>>) -> (i32, i32, i32) {
    %c0_i32 = arith.constant 0 : i32
    %c0_i32_0 = arith.constant 0 : i32
    %c0_i32_1 = arith.constant 0 : i32
    return %arg0, %c0_i32, %c0_i32_0 : i32, i32, i32
  }
  func.func @transform_3(%arg0: i32, %arg1: memref<64xi32, #tpu.memory_space<smem>>, %arg2: memref<64xi32, #tpu.memory_space<smem>>) -> (i32, i32) {
    %c0_i32 = arith.constant 0 : i32
    %c0_i32_0 = arith.constant 0 : i32
    return %arg0, %c0_i32 : i32, i32
  }
  func.func @transform_4(%arg0: i32, %arg1: memref<64xi32, #tpu.memory_space<smem>>, %arg2: memref<64xi32, #tpu.memory_space<smem>>) -> (i32, i32) {
    %c0_i32 = arith.constant 0 : i32
    %c0_i32_0 = arith.constant 0 : i32
    %c0_i32_1 = arith.constant 0 : i32
    return %c0_i32, %c0_i32_0 : i32, i32
  }
}

</mosaic_0001>

<sc_bundles>
// kernel: kernel.10.cloned.1.call-start
scs
__scs_entry_jumppad:
0x0: {  	(pc) =	sbr.rel $0x88, $3  }
0x1: {  	(tag) =	ssettag $0x0;
	lr =	simm.s32 $0x1  }
0x2: {  	[smem:$0x3F9B] =	sst lr;
	_ =	strace $0xD0000000  }
0x3: {  	_ = 	snop  }
0x4: {  	_ = 	snop  }
0x5: {  	_ = 	snop  }
0x6: {  	_ = 	snop  }
0x7: {  	_ = 	snop  }
__scs_overlays_trampoline_lowered:
0x8: {  	[smem:$0x3FAA] =	sst s0  }
0x9: {  	[smem:$0x3FAB] =	sst s1  }
0xa: {  	[smem:$0x3FAC] =	sst s2  }
0xb: {  	[smem:$0x3FAD] =	sst s3  }
0xc: {  	[smem:$0x3FAE] =	sst s4  }
0xd: {  	[smem:$0x3FAF] =	sst s5  }
0xe: {  	[smem:$0x3FB0] =	sst s6  }
0xf: {  	[smem:$0x3FB1] =	sst s7  }
0x10: {  	[smem:$0x3FB2] =	sst s8  }
0x11: {  	[smem:$0x3FB3] =	sst s9;
	s0 =	simm.s32 @!p0 $0x0  }
0x12: {  	s1 =	sld [smem:$0x3F99];
	s0 =	simm.s32 @p0 $0x1  }
0x13: {  	[smem:$0x3FB4] =	sst s0;
	s0 =	simm.s32 @!p1 $0x0  }
0x14: {  	s2 =	sld [smem:$0x3F98];
	s0 =	simm.s32 @p1 $0x1  }
0x15: {  	[smem:$0x3FB5] =	sst s0;
	s0 =	simm.s32 @!p2 $0x0  }
0x16: {  	s3 =	sld [smem:$0x3FDB];
	s0 =	simm.s32 @p2 $0x1  }
0x17: {  	s4 =	simm.s32 $0x1BF5;
	[smem:$0x3FB7] =	sst s0  }
0x18: {  	s0 =	sld [smem:$0x3F9A];
	_ =	swait.ge [sflag:s4], $0x0  }
0x19: {  	s7 =	sld [smem:$0x3F9B]  }
0x1a: {  	s8 =	sadd.s32 $0xFFFFE003, lr  }
0x1b: {  	s9 =	sadd.s32 $0xFFFFFEF7, lr;
	s5 =	simm.s32 $0xFFFFFFFF;
	p2 =	slt.u32 s8, $0xFFFFF086  }
0x1c: {  	p1 =	slt.u32 s9, $0xF7A;
	s5 =	simm.s32 @!p2 $0x0  }
0x1d: {  	s5 =	simm.s32 @p1 $0x1;
	p0 =	seq.s32 s7, s2  }
0x1e: {  	s7 =	smul.u32 @!p0 $0xF7A, s2;
	p2 =	seq.s32 @!p0 s5, $0x0  }
0x1f: {  	s9 =	smul.u32 $0xF7A, s1;
	s8 =	simm.s32 @!p0 $0x1BF5;
	p2 =	por !p2, p0  }
0x20: {  	[sflag:s8] =	ssyncset.s32 @!p0 $0xFFFFF086;
	s6 =	sadd.s32 @!p0 s3, s7;
	s7 =	simm.s32 @!p0 $0x108  }
0x21: {  	s3 =	sadd.s32 s3, s9;
	s6 =	sadd.s32 @!p0 $0x88, s6;
	s7 =	simm.s32 @p2 $0x1082  }
0x22: {  	[simem:s7], [sflag:s8] =	dma.local @!p0 [hbm:s6], $0xF7A  }
0x23: {  	s9 =	sor.u32 $0xD0000000, s2;
	s6 =	simm.s32 $0x108;
	_ =	swait.ge @!p0 [sflag:s8], $0x0  }
0x24: {  	s3 =	sadd.s32 $0x88, s3;
	s6 =	simm.s32 @!p1 $0x1082;
	[sflag:s4] =	ssyncset.s32 $0xFFFFF086  }
0x25: {  	[simem:s6], [sflag:s4] =	dma.local [hbm:s3], $0xF7A  }
0x26: {  	[smem:$0x3F9B] =	sst s1;
	(tag) =	ssettag s2;
	_ =	strace s9  }
0x27: {  	s1 =	sld [smem:$0x3FAB]  }
0x28: {  	s2 =	sld [smem:$0x3FAC]  }
0x29: {  	s4 =	sld [smem:$0x3FAE]  }
0x2a: {  	p0 =	seq.s32 s5, $0x0;
	s5 =	sld [smem:$0x3FAF]  }
0x2b: {  	s6 =	sld [smem:$0x3FB0]  }
0x2c: {  	s7 =	sld [smem:$0x3FB1]  }
0x2d: {  	s3 =	simm.s32 $0x108;
	s8 =	sld [smem:$0x3FB2]  }
0x2e: {  	s3 =	simm.s32 @!p0 $0x1082;
	s9 =	sld [smem:$0x3FB3]  }
0x2f: {  	lr =	sadd.s32 s0, s3;
	s0 =	sld [smem:$0x3FAA]  }
0x30: {  	s3 =	sld [smem:$0x3FAD]  }
0x31: {  	[smem:$0x3FB6] =	sst s10  }
0x32: {  	s10 =	sld [smem:$0x3FB4];
	_ =	sdelay $0x3  }
0x33: {  	p0 =	seq.s32 s10, $0x1;
	s10 =	sld [smem:$0x3FB6];
	_ =	sdelay $0x3  }
0x34: {  	[smem:$0x3FB6] =	sst s10  }
0x35: {  	s10 =	sld [smem:$0x3FB5];
	_ =	sdelay $0x3  }
0x36: {  	p1 =	seq.s32 s10, $0x1;
	s10 =	sld [smem:$0x3FB6];
	_ =	sdelay $0x3  }
0x37: {  	[smem:$0x3FB6] =	sst s10  }
0x38: {  	s10 =	sld [smem:$0x3FB7]  }
0x39: {  	_ = 	snop;
	(pc) =	sbr.ind lr, $3  }
0x3a: {  	_ = 	snop  }
0x3b: {  	_ = 	snop  }
0x3c: {  	p2 =	seq.s32 s10, $0x1;
	s10 =	sld [smem:$0x3FB6]  }
0x3d: {  	_ =	shalt  }
0x3e: {  	_ =	shalt  }
0x3f: {  	_ =	shalt  }
0x40: {  	_ =	shalt  }
0x41: {  	_ =	shalt  }
0x42: {  	_ =	shalt  }
0x43: {  	_ =	shalt  }
0x44: {  	_ =	shalt  }
0x45: {  	_ =	shalt  }
0x46: {  	_ =	shalt  }
0x47: {  	_ =	shalt  }
0x48: {  	_ =	shalt  }
0x49: {  	_ =	shalt  }
0x4a: {  	_ =	shalt  }
0x4b: {  	_ =	shalt  }
0x4c: {  	_ =	shalt  }
0x4d: {  	_ =	shalt  }
0x4e: {  	_ =	shalt  }
0x4f: {  	_ =	shalt  }
0x50: {  	_ =	shalt  }
0x51: {  	_ =	shalt  }
0x52: {  	_ =	shalt  }
0x53: {  	_ =	shalt  }
0x54: {  	_ =	shalt  }
0x55: {  	_ =	shalt  }
0x56: {  	_ =	shalt  }
0x57: {  	_ =	shalt  }
0x58: {  	_ =	shalt  }
0x59: {  	_ =	shalt  }
0x5a: {  	_ =	shalt  }
0x5b: {  	_ =	shalt  }
0x5c: {  	_ =	shalt  }
0x5d: {  	_ =	shalt  }
0x5e: {  	_ =	shalt  }
0x5f: {  	_ =	shalt  }
0x60: {  	_ =	shalt  }
0x61: {  	_ =	shalt  }
0x62: {  	_ =	shalt  }
0x63: {  	_ =	shalt  }
0x64: {  	_ =	shalt  }
0x65: {  	_ =	shalt  }
0x66: {  	_ =	shalt  }
0x67: {  	_ =	shalt  }
0x68: {  	_ =	shalt  }
0x69: {  	_ =	shalt  }
0x6a: {  	_ =	shalt  }
0x6b: {  	_ =	shalt  }
0x6c: {  	_ =	shalt  }
0x6d: {  	_ =	shalt  }
0x6e: {  	_ =	shalt  }
0x6f: {  	_ =	shalt  }
0x70: {  	_ =	shalt  }
0x71: {  	_ =	shalt  }
0x72: {  	_ =	shalt  }
0x73: {  	_ =	shalt  }
0x74: {  	_ =	shalt  }
0x75: {  	_ =	shalt  }
0x76: {  	_ =	shalt  }
0x77: {  	_ =	shalt  }
0x78: {  	_ =	shalt  }
0x79: {  	_ =	shalt  }
0x7a: {  	_ =	shalt  }
0x7b: {  	_ =	shalt  }
0x7c: {  	_ =	shalt  }
0x7d: {  	_ =	shalt  }
0x7e: {  	_ =	shalt  }
0x7f: {  	_ =	shalt  }
0x80: {  	_ =	shalt  }
0x81: {  	_ =	shalt  }
0x82: {  	_ =	shalt  }
0x83: {  	_ =	shalt  }
0x84: {  	_ =	shalt  }
0x85: {  	_ =	shalt  }
0x86: {  	_ =	shalt  }
0x87: {  	_ =	shalt  }
.Lfunc_end0:
.L_simem_size_0:
called_computation.1_lowered:
.L_overlay_start_0:
0x88: {  	s2 =	sld [smem:$0x3FD9]  }
0x89: {  	s3 =	sld [smem:$0x3FFE];
	_ =	sdelay $0x1  }
0x8a: {  	s1 =	srdreg.scid  }
0x8b: {  	s0 =	sand.u32 $0x1, s1  }
0x8c: {  	s14 =	sshll.u32 s0, $0xA;
	s2 =	sadd.s32 s3, s2  }
0x8d: {  	s2 =	sadd.s32 s2, s14  }
0x8e: {  	[smem:$0x3FC2] =	sst s2  }
0x8f: {  	_ = 	snop  }
0x90: {  	s2 =	sld [smem:$0x3FD0];
	_ =	sdelay $0x2  }
0x91: {  	s15 =	simm.s32 $0xA;
	s4 =	simm.s32 $0x10  }
0x92: {  	[smem:s4], [sflag:s15] =	dma.local [hbm:s2], $0x1  }
0x93: {  	_ =	swait.eq [sflag:s15], $0x1  }
0x94: {  	[sflag:s15] =	ssyncset.done $0x0  }
0x95: {  	[sflag:s15] =	ssyncadd.s32 $0xFFFFFFFF  }
0x96: {  	s16 =	sld [smem:$0x10];
	(tm) =	ssettm $0x1  }
0x97: {  	s17 =	sld [smem:$0x3FFB];
	_ =	sdelay $0x3  }
0x98: {  	_ =	strace s17  }
0x99: {  	s3 =	sld [smem:$0x3FFC];
	_ =	sdelay $0x3  }
0x9a: {  	_ =	strace s3  }
0x9b: {  	s3 =	sld [smem:$0x3FFD];
	_ =	sdelay $0x3  }
0x9c: {  	_ =	strace s3  }
0x9d: {  	_ =	strace $0x8FFFFFFF  }
0x9e: {  	s18 =	sld [smem:$0x3FDB];
	_ =	sdelay $0x1  }
0x9f: {  	s19 =	simm.s32 $_scs_section_size  }
0xa0: {  	s5 =	simm.s32 $_size__tile_overlayer_lowered;
	s6 =	simm.s32 $_tile_overlayer_lowered  }
0xa1: {  	s22 =	simm.s32 $0x1BFF;
	s21 =	sshll.u32 s6, $0x1;
	s3 =	sadd.s32 s19, s18  }
0xa2: {  	s7 =	simm.s32 $0x0;
	s20 =	sshll.u32 s5, $0x1;
	s5 =	sadd.s32 s21, s3  }
0xa3: {  	[timem:s7], [sflag:s22] =	dma.local [hbm:s5], s20  }
0xa4: {  	_ =	swait.ge [sflag:s22], s20  }
0xa5: {  	s4 =	ssub.s32 $0x0, s20;
	[sflag:s22] =	ssyncset.done $0x0  }
0xa6: {  	[sflag:s22] =	ssyncadd.s32 s4;
	_ =	sdelay $0x1  }
0xa7: {  	s23 =	simm.s32 $0x1B8B  }
0xa8: {  	_ =	swait.ge [sflag:s23], $0x1  }
0xa9: {  	[sflag:s23] =	ssyncset.done $0x0  }
0xaa: {  	s25 =	simm.s32 $0x1B8E;
	s24 =	sld [smem:$0x3FFE];
	[sflag:s23] =	ssyncadd.s32 $0xFFFFFFFF  }
0xab: {  	s26 =	simm.s32 $execute0_lowered;
	[smem:$0x3FD2] =	sst s25  }
0xac: {  	s5 =	sshll.u32 s26, $0x1;
	_ =	strace $0x8000004F;
	[dreg:$0x1] =	wrdreg $0xFFFFFFFF  }
0xad: {  	s28 =	simm.s32 $_size_execute0_lowered;
	s3 =	sadd.s32 s3, s5;
	[dreg:$0x0] =	wrdreg $0x0  }
0xae: {  	s5 =	sshll.u32 s28, $0x1;
	[dreg:$0x2] =	wrdreg s3  }
0xaf: {  	[dreg:$0x3] =	wrdreg s5  }
0xb0: {  	[dreg:$0x4] =	wrdreg $0xC0  }
0xb1: {  	_ =	task [dreg:s7], $0x5FFFF  }
0xb2: {  	[dreg:$0x1] =	wrdreg $0xFFFFFFFF  }
0xb3: {  	[dreg:$0x0] =	wrdreg $0x60  }
0xb4: {  	[dreg:$0x2] =	wrdreg s24  }
0xb5: {  	[dreg:$0x3] =	wrdreg s16  }
0xb6: {  	[dreg:$0x4] =	wrdreg $0x9  }
0xb7: {  	_ =	task.clear_ibuf [dreg:s7], $0x5FFFF;
	_ =	strace $0x9000004F  }
0xb8: {  	s29 =	simm.s32 $0x9;
	_ =	strace $0x80000058  }
0xb9: {  	_ =	swait.ge [sflag:s29], $0x1  }
0xba: {  	[sflag:s29] =	ssyncadd.s32 $0xFFFFFFFF  }
0xbb: {  	_ =	strace $0x90000058  }
0xbc: {  	_ =	sfence  }
0xbd: {  	s30 =	sld [smem:$0x0];
	_ =	sdelay $0x2  }
0xbe: {  	s31 =	sshll.u32 s1, $0xD;
	s1 =	sshrl.u32 s1, $0x2  }
0xbf: {  	s3 =	sand.u32 $0x4000, s31;
	s1 =	sadd.s32 s1, s30  }
0xc0: {  	s0 =	sor.u32 s3, s0;
	s1 =	sshll.u32 s1, $0x11  }
0xc1: {  	s0 =	sor.u32 s1, s0  }
0xc2: {  	s0 =	sadd.s32 $0x8F2B, s0  }
0xc3: {  	[sflag:s0] =	ssyncadd.remote.s32 $0x1  }
0xc4: {  	_ =	sfence.sel $0xFFFF  }
0xc5: {  	[dreg:$0x0] =	wrdreg $0xFFFFFFFF;
	(pc) =	sbr.abs _section_cstart, $3  }
0xc6: {  	[dreg:$0x1] =	wrdreg $0xFFFFFFFF  }
0xc7: {  	_ =	task.clear_ibuf [dreg:s7], $0x2FFFF;
	_ =	strace $0x9FFFFFFF  }
0xc8: {  	(tm) =	ssettm $0x7FFFFFFF  }
0xc9: {  	_ =	shalt  }
tec
execute0_lowered:
.L_overlay_start_1:
0x0: {  	(tag) =	ssettag $0x1  }
0x1: {  	s0 =	srdreg.scid  }
0x2: {  	s3 =	sand.u32 $0x1, s0  }
0x3: {  	s1 =	stileid.u32;
	s6 =	sshll.u32 s3, $0x4  }
0x4: {  	s6 =	sor.u32 s1, s6  }
0x5: {  	p0 =	sgt.u32 s6, $0x7  }
.Ltmp0:
0x6: {  	_ = 	snop;
	(pc) =	sbr.rel @p0 .LBB2_3-.Ltmp0, $4  }
0x7: {  	s4 =	rddreg [dreg:$0x0]  }
0x8: {  	s5 =	rddreg [dreg:$0x1];
	s2 =	simm.s32 $0x0  }
0x9: {  	[smem:$0x7FF] =	sst s2  }
0xa: {  	s0 =	rddreg [dreg:$0x2];
	_ =	strace $0x80000050  }
0xb: {  	s6 =	smin.u32 s6, $0x8;
	s8 =	ssub.s32 $0x2, s3;
	s3 =	sadd.s32 $0x1200, s4  }
0xc: {  	s9 =	simm.s32 $0x900;
	s10 =	simm.s32 $0x1100;
	s11 =	simm.s32 $0x1900  }
0xd: {  	s12 =	simm.s32 $0x2100;
	s13 =	simm.s32 $0x2900;
	s14 =	simm.s32 $0x3100  }
0xe: {  	s15 =	simm.s32 $0x3900;
	s16 =	simm.s32 $0x4100;
	s17 =	simm.s32 $0x4900  }
0xf: {  	s18 =	simm.s32 $0x5100;
	s19 =	simm.s32 $0x5900;
	s20 =	simm.s32 $0x6100  }
0x10: {  	s21 =	simm.s32 $0x6900;
	s22 =	simm.s32 $0x7100;
	s23 =	simm.s32 $0x7900  }
0x11: {  	s24 =	simm.s32 $0x5;
	s25 =	simm.s32 $0x3;
	s7 =	sshll.u32 s6, $0x4  }
0x12: {  	v2 =	vlaneseq.u32;
	s31 =	sshrl.u32 s8, $0x1;
	s6 =	sshll.u32 s6, $0xC;
	s30 =	sadd.s32 s7, s4  }
0x13: {  	vm0 =	vmmov $0xffff;
	v1 =	vshrl.u32 v2, $0x3;
	s7 =	ssub.s32 s8, s31;
	s5 =	sadd.s32 s5, s6;
	s8 =	simm.s32 $0x100  }
0x14: {  	v0 =	vand.u32 $0x7, v2;
	v2 =	vor.u32 $0x8, v2;
	v1 =	vmul.u32 $0x8, v1;
	s4 =	sadd.s32 $0x1000, s30;
	s6 =	smax.u32 s7, $0x1;
	s7 =	simm.s32 $0x1  }
.LBB2_2:
0x15: {  	_ =	strace $0x80000051  }
0x16: {  	[tilespmem:s2], [sflag:$0x1] =	stream.linear.gather [hbm4b:s4+s2], $0x80, $0x200038;
	[tilespmem:$0x10100] =	vst v63  }
0x17: {  	_ =	strace $0x90000051  }
0x18: {  	_ =	strace $0x80000053  }
0x19: {  	_ =	swait.ge [sflag:s7], $0x80  }
0x1a: {  	[sflag:s7] =	ssyncset.done $0x0  }
0x1b: {  	[sflag:s7] =	ssyncadd.s32 $0xFFFFFF80  }
0x1c: {  	_ =	strace $0x90000053  }
0x1d: {  	_ =	strace $0x80000054  }
0x1e: {  	v3 =	vld [tilespmem:$0x0];
	_ =	sdelay $0x4  }
0x1f: {  	v4 =	vshll.u32 v3, $0x1  }
0x20: {  	v3 =	vand.u32 $0x7, v3;
	v4 =	vand.u32 $0xFFFFFFF0, v4  }
0x21: {  	v3 =	vor.u32 v3, v4  }
0x22: {  	v4 =	vperm.xlane v3, v0;
	_ =	sdelay $0x1  }
0x23: {  	v3 =	vperm.xlane v3, v2;
	v4 =	vadd.s32 v1, v4;
	_ =	sdelay $0x1  }
0x24: {  	v3 =	vadd.s32 v1, v3;
	_ =	sdelay $0x2  }
0x25: {  	[tilespmem:s8], [sflag:$0x5] =	stream.indirect_vreg.gather [hbm4b:s3+s2], $0x80, v4, vm0, $0x2000b8;
	[tilespmem:$0x10100] =	vst v63  }
0x26: {  	_ = 	snop  }
0x27: {  	[tilespmem:s9], [sflag:$0x5] =	stream.indirect_vreg.gather [hbm4b:s3+s2], $0x80, v3, vm0, $0x2000b8;
	[tilespmem:$0x10100] =	vst v63  }
0x28: {  	v3 =	vld [tilespmem:$0x10];
	_ =	sdelay $0x4  }
0x29: {  	v57 =	vshll.u32 v3, $0x1  }
0x2a: {  	v3 =	vand.u32 $0x7, v3;
	v4 =	vand.u32 $0xFFFFFFF0, v57  }
0x2b: {  	v3 =	vor.u32 v3, v4  }
0x2c: {  	v4 =	vperm.xlane v3, v0;
	_ =	sdelay $0x1  }
0x2d: {  	v3 =	vperm.xlane v3, v2;
	v4 =	vadd.s32 v1, v4;
	_ =	sdelay $0x1  }
0x2e: {  	v3 =	vadd.s32 v1, v3;
	_ =	sdelay $0x2  }
0x2f: {  	[tilespmem:s10], [sflag:$0x5] =	stream.indirect_vreg.gather [hbm4b:s3+s2], $0x80, v4, vm0, $0x2000b8;
	[tilespmem:$0x10100] =	vst v63  }
0x30: {  	_ = 	snop  }
0x31: {  	[tilespmem:s11], [sflag:$0x5] =	stream.indirect_vreg.gather [hbm4b:s3+s2], $0x80, v3, vm0, $0x2000b8;
	[tilespmem:$0x10100] =	vst v63  }
0x32: {  	v3 =	vld [tilespmem:$0x20];
	_ =	sdelay $0x4  }
0x33: {  	v58 =	vshll.u32 v3, $0x1  }
0x34: {  	v3 =	vand.u32 $0x7, v3;
	v4 =	vand.u32 $0xFFFFFFF0, v58  }
0x35: {  	v3 =	vor.u32 v3, v4  }
0x36: {  	v4 =	vperm.xlane v3, v0;
	_ =	sdelay $0x1  }
0x37: {  	v3 =	vperm.xlane v3, v2;
	v4 =	vadd.s32 v1, v4;
	_ =	sdelay $0x1  }
0x38: {  	v3 =	vadd.s32 v1, v3;
	_ =	sdelay $0x2  }
0x39: {  	[tilespmem:s12], [sflag:$0x5] =	stream.indirect_vreg.gather [hbm4b:s3+s2], $0x80, v4, vm0, $0x2000b8;
	[tilespmem:$0x10100] =	vst v63  }
0x3a: {  	_ = 	snop  }
0x3b: {  	[tilespmem:s13], [sflag:$0x5] =	stream.indirect_vreg.gather [hbm4b:s3+s2], $0x80, v3, vm0, $0x2000b8;
	[tilespmem:$0x10100] =	vst v63  }
0x3c: {  	v3 =	vld [tilespmem:$0x30];
	_ =	sdelay $0x4  }
0x3d: {  	v59 =	vshll.u32 v3, $0x1  }
0x3e: {  	v3 =	vand.u32 $0x7, v3;
	v4 =	vand.u32 $0xFFFFFFF0, v59  }
0x3f: {  	v3 =	vor.u32 v3, v4  }
0x40: {  	v4 =	vperm.xlane v3, v0;
	_ =	sdelay $0x1  }
0x41: {  	v3 =	vperm.xlane v3, v2;
	v4 =	vadd.s32 v1, v4;
	_ =	sdelay $0x1  }
0x42: {  	v3 =	vadd.s32 v1, v3;
	_ =	sdelay $0x2  }
0x43: {  	[tilespmem:s14], [sflag:$0x5] =	stream.indirect_vreg.gather [hbm4b:s3+s2], $0x80, v4, vm0, $0x2000b8;
	[tilespmem:$0x10100] =	vst v63  }
0x44: {  	_ = 	snop  }
0x45: {  	[tilespmem:s15], [sflag:$0x5] =	stream.indirect_vreg.gather [hbm4b:s3+s2], $0x80, v3, vm0, $0x2000b8;
	[tilespmem:$0x10100] =	vst v63  }
0x46: {  	v3 =	vld [tilespmem:$0x40];
	_ =	sdelay $0x4  }
0x47: {  	v60 =	vshll.u32 v3, $0x1  }
0x48: {  	v3 =	vand.u32 $0x7, v3;
	v4 =	vand.u32 $0xFFFFFFF0, v60  }
0x49: {  	v3 =	vor.u32 v3, v4  }
0x4a: {  	v4 =	vperm.xlane v3, v0;
	_ =	sdelay $0x1  }
0x4b: {  	v3 =	vperm.xlane v3, v2;
	v4 =	vadd.s32 v1, v4;
	_ =	sdelay $0x1  }
0x4c: {  	v3 =	vadd.s32 v1, v3;
	_ =	sdelay $0x2  }
0x4d: {  	[tilespmem:s16], [sflag:$0x5] =	stream.indirect_vreg.gather [hbm4b:s3+s2], $0x80, v4, vm0, $0x2000b8;
	[tilespmem:$0x10100] =	vst v63  }
0x4e: {  	_ = 	snop  }
0x4f: {  	[tilespmem:s17], [sflag:$0x5] =	stream.indirect_vreg.gather [hbm4b:s3+s2], $0x80, v3, vm0, $0x2000b8;
	[tilespmem:$0x10100] =	vst v63  }
0x50: {  	v3 =	vld [tilespmem:$0x50];
	_ =	sdelay $0x4  }
0x51: {  	v61 =	vshll.u32 v3, $0x1  }
0x52: {  	v3 =	vand.u32 $0x7, v3;
	v4 =	vand.u32 $0xFFFFFFF0, v61  }
0x53: {  	v3 =	vor.u32 v3, v4  }
0x54: {  	v4 =	vperm.xlane v3, v0;
	_ =	sdelay $0x1  }
0x55: {  	v3 =	vperm.xlane v3, v2;
	v4 =	vadd.s32 v1, v4;
	_ =	sdelay $0x1  }
0x56: {  	v3 =	vadd.s32 v1, v3;
	_ =	sdelay $0x2  }
0x57: {  	[tilespmem:s18], [sflag:$0x5] =	stream.indirect_vreg.gather [hbm4b:s3+s2], $0x80, v4, vm0, $0x2000b8;
	[tilespmem:$0x10100] =	vst v63  }
0x58: {  	_ = 	snop  }
0x59: {  	[tilespmem:s19], [sflag:$0x5] =	stream.indirect_vreg.gather [hbm4b:s3+s2], $0x80, v3, vm0, $0x2000b8;
	[tilespmem:$0x10100] =	vst v63  }
0x5a: {  	v3 =	vld [tilespmem:$0x60];
	_ =	sdelay $0x4  }
0x5b: {  	v62 =	vshll.u32 v3, $0x1  }
0x5c: {  	v3 =	vand.u32 $0x7, v3;
	v4 =	vand.u32 $0xFFFFFFF0, v62  }
0x5d: {  	v3 =	vor.u32 v3, v4  }
0x5e: {  	v4 =	vperm.xlane v3, v0;
	_ =	sdelay $0x1  }
0x5f: {  	v3 =	vperm.xlane v3, v2;
	v4 =	vadd.s32 v1, v4;
	_ =	sdelay $0x1  }
0x60: {  	v3 =	vadd.s32 v1, v3;
	_ =	sdelay $0x2  }
0x61: {  	[tilespmem:s20], [sflag:$0x5] =	stream.indirect_vreg.gather [hbm4b:s3+s2], $0x80, v4, vm0, $0x2000b8;
	[tilespmem:$0x10100] =	vst v63  }
0x62: {  	_ = 	snop  }
0x63: {  	[tilespmem:s21], [sflag:$0x5] =	stream.indirect_vreg.gather [hbm4b:s3+s2], $0x80, v3, vm0, $0x2000b8;
	[tilespmem:$0x10100] =	vst v63  }
0x64: {  	v3 =	vld [tilespmem:$0x70];
	_ =	sdelay $0x4  }
0x65: {  	v63 =	vshll.u32 v3, $0x1  }
0x66: {  	v3 =	vand.u32 $0x7, v3;
	v4 =	vand.u32 $0xFFFFFFF0, v63  }
0x67: {  	v3 =	vor.u32 v3, v4  }
0x68: {  	v4 =	vperm.xlane v3, v0;
	_ =	sdelay $0x1  }
0x69: {  	v3 =	vperm.xlane v3, v2;
	v4 =	vadd.s32 v1, v4;
	_ =	sdelay $0x1  }
0x6a: {  	v3 =	vadd.s32 v1, v3;
	_ =	sdelay $0x2  }
0x6b: {  	[tilespmem:s22], [sflag:$0x5] =	stream.indirect_vreg.gather [hbm4b:s3+s2], $0x80, v4, vm0, $0x2000b8;
	[tilespmem:$0x10100] =	vst v63  }
0x6c: {  	_ = 	snop  }
0x6d: {  	[tilespmem:s23], [sflag:$0x5] =	stream.indirect_vreg.gather [hbm4b:s3+s2], $0x80, v3, vm0, $0x2000b8;
	[tilespmem:$0x10100] =	vst v63  }
0x6e: {  	_ =	swait.ge [sflag:s24], $0x8000  }
0x6f: {  	[sflag:s24] =	ssyncset.done $0x0  }
0x70: {  	[sflag:s24] =	ssyncadd.s32 $0xFFFF8000  }
0x71: {  	_ =	strace $0x90000054  }
0x72: {  	_ =	strace $0x80000055  }
0x73: {  	[hbm4b:s5+s2] =	stream.linear.scatter [tilespmem:s8], [sflag:$0x3], $0x8000, $0x200038;
	[tilespmem:$0x10100] =	vst v63  }
0x74: {  	p0 =	sne.s32 s6, $0x1;
	_ =	strace $0x90000055  }
.Ltmp1:
0x75: {  	_ =	strace $0x80000057;
	(pc) =	sbr.rel @p0 .LBB2_2-.Ltmp1, $4  }
0x76: {  	_ =	swait.ge [sflag:s25], $0x8000  }
0x77: {  	[sflag:s25] =	ssyncset.done $0x0  }
0x78: {  	[sflag:s25] =	ssyncadd.s32 $0xFFFF8000  }
0x79: {  	s6 =	sadd.s32 $0xFFFFFFFF, s6;
	_ =	strace $0x90000057  }
.LBB2_3:
0x7a: {  	_ =	sfence.sel $0x180000  }
0x7b: {  	[bflag:$0x0] =	sbarrier.arrive $0xFFFF  }
0x7c: {  	p0 =	sne.s32 s1, $0x0;
	_ =	strace $0x90000050  }
0x7d: {  	s0 =	sadd.s32 @!p0 $0x100000, s0;
	[bflag:$0x2] =	sbarrier.arrive $0xFFFF  }
0x7e: {  	[sflag:s0] =	ssyncadd.tile.s32 @!p0 $0x1;
	_ =	shalt  }
.Lfunc_end2:
_tile_overlayer_lowered:
.L_overlay_start_2:
0x7f: {  	(tag) =	ssettag $0x2  }
0x80: {  	s0 =	rddreg [dreg:$0x0];
	s2 =	stileid.u32  }
0x81: {  	s1 =	rddreg [dreg:$0x1];
	p0 =	sne.s32 s2, $0x0  }
0x82: {  	s3 =	rddreg [dreg:$0x2];
	[bflag:$0x3] =	sbarrier.arrive $0xFFFF;
	s2 =	simm.s32 @!p0 $0x1C01  }
0x83: {  	[timem:s3], [sflag:s2] =	dma.local @!p0 [hbm:s0], s1  }
0x84: {  	s0 =	simm.s32 @!p0 $0x1  }
0x85: {  	_ =	swait.ge @!p0 [sflag:s0], s1  }
0x86: {  	s1 =	ssub.s32 @!p0 $0x0, s1;
	[sflag:s0] =	ssyncset.done @!p0 $0x0  }
0x87: {  	[sflag:s0] =	ssyncadd.s32 @!p0 s1  }
0x88: {  	[bflag:$0x3] =	sbarrier.arrive $0xFFFF  }
0x89: {  	_ =	shalt  }

// kernel: kernel.7.cloned.1.call-start
scs
__scs_entry_jumppad:
0x0: {  	(pc) =	sbr.rel $0x88, $3  }
0x1: {  	(tag) =	ssettag $0x0;
	lr =	simm.s32 $0x1  }
0x2: {  	[smem:$0x3F9B] =	sst lr;
	_ =	strace $0xD0000000  }
0x3: {  	_ = 	snop  }
0x4: {  	_ = 	snop  }
0x5: {  	_ = 	snop  }
0x6: {  	_ = 	snop  }
0x7: {  	_ = 	snop  }
__scs_overlays_trampoline_lowered:
0x8: {  	[smem:$0x3FAA] =	sst s0  }
0x9: {  	[smem:$0x3FAB] =	sst s1  }
0xa: {  	[smem:$0x3FAC] =	sst s2  }
0xb: {  	[smem:$0x3FAD] =	sst s3  }
0xc: {  	[smem:$0x3FAE] =	sst s4  }
0xd: {  	[smem:$0x3FAF] =	sst s5  }
0xe: {  	[smem:$0x3FB0] =	sst s6  }
0xf: {  	[smem:$0x3FB1] =	sst s7  }
0x10: {  	[smem:$0x3FB2] =	sst s8  }
0x11: {  	[smem:$0x3FB3] =	sst s9;
	s0 =	simm.s32 @!p0 $0x0  }
0x12: {  	s1 =	sld [smem:$0x3F99];
	s0 =	simm.s32 @p0 $0x1  }
0x13: {  	[smem:$0x3FB4] =	sst s0;
	s0 =	simm.s32 @!p1 $0x0  }
0x14: {  	s2 =	sld [smem:$0x3F98];
	s0 =	simm.s32 @p1 $0x1  }
0x15: {  	[smem:$0x3FB5] =	sst s0;
	s0 =	simm.s32 @!p2 $0x0  }
0x16: {  	s3 =	sld [smem:$0x3FDB];
	s0 =	simm.s32 @p2 $0x1  }
0x17: {  	s4 =	simm.s32 $0x1BF5;
	[smem:$0x3FB7] =	sst s0  }
0x18: {  	s0 =	sld [smem:$0x3F9A];
	_ =	swait.ge [sflag:s4], $0x0  }
0x19: {  	s7 =	sld [smem:$0x3F9B]  }
0x1a: {  	s8 =	sadd.s32 $0xFFFFE003, lr  }
0x1b: {  	s9 =	sadd.s32 $0xFFFFFEF7, lr;
	s5 =	simm.s32 $0xFFFFFFFF;
	p2 =	slt.u32 s8, $0xFFFFF086  }
0x1c: {  	p1 =	slt.u32 s9, $0xF7A;
	s5 =	simm.s32 @!p2 $0x0  }
0x1d: {  	s5 =	simm.s32 @p1 $0x1;
	p0 =	seq.s32 s7, s2  }
0x1e: {  	s7 =	smul.u32 @!p0 $0xF7A, s2;
	p2 =	seq.s32 @!p0 s5, $0x0  }
0x1f: {  	s9 =	smul.u32 $0xF7A, s1;
	s8 =	simm.s32 @!p0 $0x1BF5;
	p2 =	por !p2, p0  }
0x20: {  	[sflag:s8] =	ssyncset.s32 @!p0 $0xFFFFF086;
	s6 =	sadd.s32 @!p0 s3, s7;
	s7 =	simm.s32 @!p0 $0x108  }
0x21: {  	s3 =	sadd.s32 s3, s9;
	s6 =	sadd.s32 @!p0 $0x88, s6;
	s7 =	simm.s32 @p2 $0x1082  }
0x22: {  	[simem:s7], [sflag:s8] =	dma.local @!p0 [hbm:s6], $0xF7A  }
0x23: {  	s9 =	sor.u32 $0xD0000000, s2;
	s6 =	simm.s32 $0x108;
	_ =	swait.ge @!p0 [sflag:s8], $0x0  }
0x24: {  	s3 =	sadd.s32 $0x88, s3;
	s6 =	simm.s32 @!p1 $0x1082;
	[sflag:s4] =	ssyncset.s32 $0xFFFFF086  }
0x25: {  	[simem:s6], [sflag:s4] =	dma.local [hbm:s3], $0xF7A  }
0x26: {  	[smem:$0x3F9B] =	sst s1;
	(tag) =	ssettag s2;
	_ =	strace s9  }
0x27: {  	s1 =	sld [smem:$0x3FAB]  }
0x28: {  	s2 =	sld [smem:$0x3FAC]  }
0x29: {  	s4 =	sld [smem:$0x3FAE]  }
0x2a: {  	p0 =	seq.s32 s5, $0x0;
	s5 =	sld [smem:$0x3FAF]  }
0x2b: {  	s6 =	sld [smem:$0x3FB0]  }
0x2c: {  	s7 =	sld [smem:$0x3FB1]  }
0x2d: {  	s3 =	simm.s32 $0x108;
	s8 =	sld [smem:$0x3FB2]  }
0x2e: {  	s3 =	simm.s32 @!p0 $0x1082;
	s9 =	sld [smem:$0x3FB3]  }
0x2f: {  	lr =	sadd.s32 s0, s3;
	s0 =	sld [smem:$0x3FAA]  }
0x30: {  	s3 =	sld [smem:$0x3FAD]  }
0x31: {  	[smem:$0x3FB6] =	sst s10  }
0x32: {  	s10 =	sld [smem:$0x3FB4];
	_ =	sdelay $0x3  }
0x33: {  	p0 =	seq.s32 s10, $0x1;
	s10 =	sld [smem:$0x3FB6];
	_ =	sdelay $0x3  }
0x34: {  	[smem:$0x3FB6] =	sst s10  }
0x35: {  	s10 =	sld [smem:$0x3FB5];
	_ =	sdelay $0x3  }
0x36: {  	p1 =	seq.s32 s10, $0x1;
	s10 =	sld [smem:$0x3FB6];
	_ =	sdelay $0x3  }
0x37: {  	[smem:$0x3FB6] =	sst s10  }
0x38: {  	s10 =	sld [smem:$0x3FB7]  }
0x39: {  	_ = 	snop;
	(pc) =	sbr.ind lr, $3  }
0x3a: {  	_ = 	snop  }
0x3b: {  	_ = 	snop  }
0x3c: {  	p2 =	seq.s32 s10, $0x1;
	s10 =	sld [smem:$0x3FB6]  }
0x3d: {  	_ =	shalt  }
0x3e: {  	_ =	shalt  }
0x3f: {  	_ =	shalt  }
0x40: {  	_ =	shalt  }
0x41: {  	_ =	shalt  }
0x42: {  	_ =	shalt  }
0x43: {  	_ =	shalt  }
0x44: {  	_ =	shalt  }
0x45: {  	_ =	shalt  }
0x46: {  	_ =	shalt  }
0x47: {  	_ =	shalt  }
0x48: {  	_ =	shalt  }
0x49: {  	_ =	shalt  }
0x4a: {  	_ =	shalt  }
0x4b: {  	_ =	shalt  }
0x4c: {  	_ =	shalt  }
0x4d: {  	_ =	shalt  }
0x4e: {  	_ =	shalt  }
0x4f: {  	_ =	shalt  }
0x50: {  	_ =	shalt  }
0x51: {  	_ =	shalt  }
0x52: {  	_ =	shalt  }
0x53: {  	_ =	shalt  }
0x54: {  	_ =	shalt  }
0x55: {  	_ =	shalt  }
0x56: {  	_ =	shalt  }
0x57: {  	_ =	shalt  }
0x58: {  	_ =	shalt  }
0x59: {  	_ =	shalt  }
0x5a: {  	_ =	shalt  }
0x5b: {  	_ =	shalt  }
0x5c: {  	_ =	shalt  }
0x5d: {  	_ =	shalt  }
0x5e: {  	_ =	shalt  }
0x5f: {  	_ =	shalt  }
0x60: {  	_ =	shalt  }
0x61: {  	_ =	shalt  }
0x62: {  	_ =	shalt  }
0x63: {  	_ =	shalt  }
0x64: {  	_ =	shalt  }
0x65: {  	_ =	shalt  }
0x66: {  	_ =	shalt  }
0x67: {  	_ =	shalt  }
0x68: {  	_ =	shalt  }
0x69: {  	_ =	shalt  }
0x6a: {  	_ =	shalt  }
0x6b: {  	_ =	shalt  }
0x6c: {  	_ =	shalt  }
0x6d: {  	_ =	shalt  }
0x6e: {  	_ =	shalt  }
0x6f: {  	_ =	shalt  }
0x70: {  	_ =	shalt  }
0x71: {  	_ =	shalt  }
0x72: {  	_ =	shalt  }
0x73: {  	_ =	shalt  }
0x74: {  	_ =	shalt  }
0x75: {  	_ =	shalt  }
0x76: {  	_ =	shalt  }
0x77: {  	_ =	shalt  }
0x78: {  	_ =	shalt  }
0x79: {  	_ =	shalt  }
0x7a: {  	_ =	shalt  }
0x7b: {  	_ =	shalt  }
0x7c: {  	_ =	shalt  }
0x7d: {  	_ =	shalt  }
0x7e: {  	_ =	shalt  }
0x7f: {  	_ =	shalt  }
0x80: {  	_ =	shalt  }
0x81: {  	_ =	shalt  }
0x82: {  	_ =	shalt  }
0x83: {  	_ =	shalt  }
0x84: {  	_ =	shalt  }
0x85: {  	_ =	shalt  }
0x86: {  	_ =	shalt  }
0x87: {  	_ =	shalt  }
.Lfunc_end0:
.L_simem_size_0:
called_computation_lowered:
.L_overlay_start_0:
0x88: {  	s2 =	sld [smem:$0x3FD9]  }
0x89: {  	s3 =	sld [smem:$0x3FFE];
	_ =	sdelay $0x1  }
0x8a: {  	s1 =	srdreg.scid  }
0x8b: {  	s0 =	sand.u32 $0x1, s1  }
0x8c: {  	s17 =	sshll.u32 s0, $0xA;
	s2 =	sadd.s32 s3, s2  }
0x8d: {  	s2 =	sadd.s32 s2, s17  }
0x8e: {  	[smem:$0x3FC2] =	sst s2  }
0x8f: {  	_ = 	snop  }
0x90: {  	s2 =	sld [smem:$0x3FC9];
	(tm) =	ssettm $0x1  }
0x91: {  	s18 =	sld [smem:$0x3FFB];
	_ =	sdelay $0x3  }
0x92: {  	_ =	strace s18  }
0x93: {  	s3 =	sld [smem:$0x3FFC];
	_ =	sdelay $0x3  }
0x94: {  	_ =	strace s3  }
0x95: {  	s3 =	sld [smem:$0x3FFD];
	_ =	sdelay $0x3  }
0x96: {  	_ =	strace s3  }
0x97: {  	_ =	strace $0x8FFFFFFF  }
0x98: {  	s19 =	sld [smem:$0x3FDB];
	_ =	sdelay $0x1  }
0x99: {  	s4 =	simm.s32 $_scs_section_size  }
0x9a: {  	s5 =	simm.s32 $_size__tile_overlayer_lowered;
	s6 =	simm.s32 $_tile_overlayer_lowered  }
0x9b: {  	s22 =	simm.s32 $0x1BFF;
	s21 =	sshll.u32 s6, $0x1;
	s3 =	sadd.s32 s4, s19  }
0x9c: {  	s7 =	simm.s32 $0x0;
	s20 =	sshll.u32 s5, $0x1;
	s5 =	sadd.s32 s21, s3  }
0x9d: {  	[timem:s7], [sflag:s22] =	dma.local [hbm:s5], s20  }
0x9e: {  	_ =	swait.ge [sflag:s22], s20  }
0x9f: {  	s4 =	ssub.s32 $0x0, s20;
	[sflag:s22] =	ssyncset.done $0x0  }
0xa0: {  	[sflag:s22] =	ssyncadd.s32 s4;
	_ =	sdelay $0x1  }
0xa1: {  	s23 =	simm.s32 $0x1B8B  }
0xa2: {  	_ =	swait.ge [sflag:s23], $0x1  }
0xa3: {  	[sflag:s23] =	ssyncset.done $0x0  }
0xa4: {  	s25 =	simm.s32 $0x1B8E;
	s24 =	sld [smem:$0x3FFE];
	[sflag:s23] =	ssyncadd.s32 $0xFFFFFFFF  }
0xa5: {  	s26 =	simm.s32 $execute0_lowered;
	[smem:$0x3FD2] =	sst s25  }
0xa6: {  	s5 =	sshll.u32 s26, $0x1;
	_ =	strace $0x80000046;
	[dreg:$0x1] =	wrdreg $0xFFFFFFFF  }
0xa7: {  	s28 =	simm.s32 $_size_execute0_lowered;
	s3 =	sadd.s32 s3, s5;
	[dreg:$0x0] =	wrdreg $0x0  }
0xa8: {  	s5 =	sshll.u32 s28, $0x1;
	[dreg:$0x2] =	wrdreg s3  }
0xa9: {  	[dreg:$0x3] =	wrdreg s5  }
0xaa: {  	[dreg:$0x4] =	wrdreg $0xC0  }
0xab: {  	_ =	task [dreg:s7], $0x5FFFF  }
0xac: {  	[dreg:$0x1] =	wrdreg $0xFFFFFFFF  }
0xad: {  	[dreg:$0x0] =	wrdreg $0x60  }
0xae: {  	[dreg:$0x2] =	wrdreg s2  }
0xaf: {  	[dreg:$0x3] =	wrdreg s24  }
0xb0: {  	[dreg:$0x4] =	wrdreg $0x9  }
0xb1: {  	_ =	task.clear_ibuf [dreg:s7], $0x5FFFF;
	_ =	strace $0x90000046  }
0xb2: {  	s29 =	simm.s32 $0x9;
	_ =	strace $0x8000004E  }
0xb3: {  	_ =	swait.ge [sflag:s29], $0x1  }
0xb4: {  	[sflag:s29] =	ssyncadd.s32 $0xFFFFFFFF  }
0xb5: {  	_ =	strace $0x9000004E  }
0xb6: {  	_ =	sfence  }
0xb7: {  	s30 =	sld [smem:$0x0];
	_ =	sdelay $0x2  }
0xb8: {  	s31 =	sshll.u32 s1, $0xD;
	s1 =	sshrl.u32 s1, $0x2  }
0xb9: {  	s3 =	sand.u32 $0x4000, s31;
	s1 =	sadd.s32 s1, s30  }
0xba: {  	s0 =	sor.u32 s3, s0;
	s1 =	sshll.u32 s1, $0x11  }
0xbb: {  	s0 =	sor.u32 s1, s0  }
0xbc: {  	s0 =	sadd.s32 $0x8F2B, s0  }
0xbd: {  	[sflag:s0] =	ssyncadd.remote.s32 $0x1  }
0xbe: {  	_ =	sfence.sel $0xFFFF  }
0xbf: {  	[dreg:$0x0] =	wrdreg $0xFFFFFFFF;
	(pc) =	sbr.abs _section_cstart, $3  }
0xc0: {  	[dreg:$0x1] =	wrdreg $0xFFFFFFFF  }
0xc1: {  	_ =	task.clear_ibuf [dreg:s7], $0x2FFFF;
	_ =	strace $0x9FFFFFFF  }
0xc2: {  	(tm) =	ssettm $0x7FFFFFFF  }
0xc3: {  	_ =	shalt  }
tec
execute0_lowered:
.L_overlay_start_1:
0x0: {  	(tag) =	ssettag $0x1  }
0x1: {  	s0 =	srdreg.scid  }
0x2: {  	s5 =	sand.u32 $0x1, s0  }
0x3: {  	s1 =	stileid.u32;
	s6 =	sshll.u32 s5, $0x4  }
0x4: {  	s6 =	sor.u32 s1, s6  }
0x5: {  	p0 =	sgt.u32 s6, $0x7  }
.Ltmp0:
0x6: {  	_ = 	snop;
	(pc) =	sbr.rel @p0 .LBB2_3-.Ltmp0, $4  }
0x7: {  	s4 =	rddreg [dreg:$0x0]  }
0x8: {  	s3 =	rddreg [dreg:$0x1];
	s2 =	simm.s32 $0x0  }
0x9: {  	[smem:$0x7FF] =	sst s2  }
0xa: {  	s0 =	rddreg [dreg:$0x2];
	_ =	strace $0x80000047  }
0xb: {  	s6 =	sshll.u32 s1, $0x4;
	s5 =	ssub.s32 $0x2, s5  }
0xc: {  	s7 =	sshll.u32 s1, $0xC;
	s9 =	simm.s32 $0x3;
	s10 =	simm.s32 $0x800  }
0xd: {  	s11 =	simm.s32 $0x1000;
	s12 =	simm.s32 $0x1800;
	s13 =	simm.s32 $0x2000  }
0xe: {  	s14 =	simm.s32 $0x2800;
	s15 =	simm.s32 $0x3000;
	s16 =	simm.s32 $0x3800  }
0xf: {  	s17 =	simm.s32 $0x4000;
	s18 =	simm.s32 $0x4800;
	s19 =	simm.s32 $0x5000  }
0x10: {  	s20 =	simm.s32 $0x5800;
	s21 =	simm.s32 $0x6000;
	s22 =	simm.s32 $0x6800  }
0x11: {  	s23 =	simm.s32 $0x7000;
	s24 =	simm.s32 $0x7800;
	s25 =	simm.s32 $0x5  }
0x12: {  	v2 =	vlaneseq.u32;
	s6 =	sadd.s32 s6, s3;
	s8 =	sshrl.u32 s5, $0x1;
	s3 =	sadd.s32 $0x1200, s3  }
0x13: {  	vm0 =	vmmov $0xffff;
	s4 =	sadd.s32 s4, s7;
	s7 =	simm.s32 $0x10000;
	v1 =	vshrl.u32 v2, $0x3;
	s31 =	ssub.s32 s5, s8  }
0x14: {  	v0 =	vand.u32 $0x7, v2;
	v2 =	vor.u32 $0x8, v2;
	s5 =	sadd.s32 $0x1000, s6;
	s8 =	simm.s32 $0x1;
	v1 =	vmul.u32 $0x8, v1;
	s6 =	smax.u32 s31, $0x1  }
.LBB2_2:
0x15: {  	_ =	strace $0x80000048  }
0x16: {  	[tilespmem:s2], [sflag:$0x1] =	stream.linear.gather [hbm4b:s4+s2], $0x8000, $0x200038;
	[tilespmem:$0x10100] =	vst v63  }
0x17: {  	_ = 	snop  }
0x18: {  	[tilespmem:s7], [sflag:$0x3] =	stream.linear.gather [hbm4b:s5+s2], $0x80, $0x200038;
	[tilespmem:$0x10100] =	vst v63  }
0x19: {  	_ =	strace $0x90000048  }
0x1a: {  	_ =	strace $0x8000004B  }
0x1b: {  	_ =	swait.ge [sflag:s8], $0x8000  }
0x1c: {  	[sflag:s8] =	ssyncset.done $0x0  }
0x1d: {  	[sflag:s8] =	ssyncadd.s32 $0xFFFF8000  }
0x1e: {  	_ =	strace $0x9000004B  }
0x1f: {  	_ =	strace $0x8000004C  }
0x20: {  	_ =	swait.ge [sflag:s9], $0x80  }
0x21: {  	[sflag:s9] =	ssyncset.done $0x0  }
0x22: {  	[sflag:s9] =	ssyncadd.s32 $0xFFFFFF80  }
0x23: {  	_ =	strace $0x9000004C  }
0x24: {  	_ =	strace $0x8000004D  }
0x25: {  	v3 =	vld [tilespmem:$0x10000];
	_ =	sdelay $0x4  }
0x26: {  	v4 =	vshll.u32 v3, $0x1  }
0x27: {  	v3 =	vand.u32 $0x7, v3;
	v4 =	vand.u32 $0xFFFFFFF0, v4  }
0x28: {  	v3 =	vor.u32 v3, v4  }
0x29: {  	v4 =	vperm.xlane v3, v0;
	_ =	sdelay $0x1  }
0x2a: {  	v3 =	vperm.xlane v3, v2;
	v4 =	vadd.s32 v1, v4;
	_ =	sdelay $0x1  }
0x2b: {  	v3 =	vadd.s32 v1, v3;
	_ =	sdelay $0x2  }
0x2c: {  	[hbm4b:s3+s2] =	stream.indirect_vreg.scatter [tilespmem:s2], [sflag:$0x5], $0x80, v4, vm0, $0x2000b8;
	[tilespmem:$0x10100] =	vst v63  }
0x2d: {  	_ = 	snop  }
0x2e: {  	[hbm4b:s3+s2] =	stream.indirect_vreg.scatter [tilespmem:s10], [sflag:$0x5], $0x80, v3, vm0, $0x2000b8;
	[tilespmem:$0x10100] =	vst v63  }
0x2f: {  	v3 =	vld [tilespmem:$0x10010];
	_ =	sdelay $0x4  }
0x30: {  	v57 =	vshll.u32 v3, $0x1  }
0x31: {  	v3 =	vand.u32 $0x7, v3;
	v4 =	vand.u32 $0xFFFFFFF0, v57  }
0x32: {  	v3 =	vor.u32 v3, v4  }
0x33: {  	v4 =	vperm.xlane v3, v0;
	_ =	sdelay $0x1  }
0x34: {  	v3 =	vperm.xlane v3, v2;
	v4 =	vadd.s32 v1, v4;
	_ =	sdelay $0x1  }
0x35: {  	v3 =	vadd.s32 v1, v3;
	_ =	sdelay $0x2  }
0x36: {  	[hbm4b:s3+s2] =	stream.indirect_vreg.scatter [tilespmem:s11], [sflag:$0x5], $0x80, v4, vm0, $0x2000b8;
	[tilespmem:$0x10100] =	vst v63  }
0x37: {  	_ = 	snop  }
0x38: {  	[hbm4b:s3+s2] =	stream.indirect_vreg.scatter [tilespmem:s12], [sflag:$0x5], $0x80, v3, vm0, $0x2000b8;
	[tilespmem:$0x10100] =	vst v63  }
0x39: {  	v3 =	vld [tilespmem:$0x10020];
	_ =	sdelay $0x4  }
0x3a: {  	v58 =	vshll.u32 v3, $0x1  }
0x3b: {  	v3 =	vand.u32 $0x7, v3;
	v4 =	vand.u32 $0xFFFFFFF0, v58  }
0x3c: {  	v3 =	vor.u32 v3, v4  }
0x3d: {  	v4 =	vperm.xlane v3, v0;
	_ =	sdelay $0x1  }
0x3e: {  	v3 =	vperm.xlane v3, v2;
	v4 =	vadd.s32 v1, v4;
	_ =	sdelay $0x1  }
0x3f: {  	v3 =	vadd.s32 v1, v3;
	_ =	sdelay $0x2  }
0x40: {  	[hbm4b:s3+s2] =	stream.indirect_vreg.scatter [tilespmem:s13], [sflag:$0x5], $0x80, v4, vm0, $0x2000b8;
	[tilespmem:$0x10100] =	vst v63  }
0x41: {  	_ = 	snop  }
0x42: {  	[hbm4b:s3+s2] =	stream.indirect_vreg.scatter [tilespmem:s14], [sflag:$0x5], $0x80, v3, vm0, $0x2000b8;
	[tilespmem:$0x10100] =	vst v63  }
0x43: {  	v3 =	vld [tilespmem:$0x10030];
	_ =	sdelay $0x4  }
0x44: {  	v59 =	vshll.u32 v3, $0x1  }
0x45: {  	v3 =	vand.u32 $0x7, v3;
	v4 =	vand.u32 $0xFFFFFFF0, v59  }
0x46: {  	v3 =	vor.u32 v3, v4  }
0x47: {  	v4 =	vperm.xlane v3, v0;
	_ =	sdelay $0x1  }
0x48: {  	v3 =	vperm.xlane v3, v2;
	v4 =	vadd.s32 v1, v4;
	_ =	sdelay $0x1  }
0x49: {  	v3 =	vadd.s32 v1, v3;
	_ =	sdelay $0x2  }
0x4a: {  	[hbm4b:s3+s2] =	stream.indirect_vreg.scatter [tilespmem:s15], [sflag:$0x5], $0x80, v4, vm0, $0x2000b8;
	[tilespmem:$0x10100] =	vst v63  }
0x4b: {  	_ = 	snop  }
0x4c: {  	[hbm4b:s3+s2] =	stream.indirect_vreg.scatter [tilespmem:s16], [sflag:$0x5], $0x80, v3, vm0, $0x2000b8;
	[tilespmem:$0x10100] =	vst v63  }
0x4d: {  	v3 =	vld [tilespmem:$0x10040];
	_ =	sdelay $0x4  }
0x4e: {  	v60 =	vshll.u32 v3, $0x1  }
0x4f: {  	v3 =	vand.u32 $0x7, v3;
	v4 =	vand.u32 $0xFFFFFFF0, v60  }
0x50: {  	v3 =	vor.u32 v3, v4  }
0x51: {  	v4 =	vperm.xlane v3, v0;
	_ =	sdelay $0x1  }
0x52: {  	v3 =	vperm.xlane v3, v2;
	v4 =	vadd.s32 v1, v4;
	_ =	sdelay $0x1  }
0x53: {  	v3 =	vadd.s32 v1, v3;
	_ =	sdelay $0x2  }
0x54: {  	[hbm4b:s3+s2] =	stream.indirect_vreg.scatter [tilespmem:s17], [sflag:$0x5], $0x80, v4, vm0, $0x2000b8;
	[tilespmem:$0x10100] =	vst v63  }
0x55: {  	_ = 	snop  }
0x56: {  	[hbm4b:s3+s2] =	stream.indirect_vreg.scatter [tilespmem:s18], [sflag:$0x5], $0x80, v3, vm0, $0x2000b8;
	[tilespmem:$0x10100] =	vst v63  }
0x57: {  	v3 =	vld [tilespmem:$0x10050];
	_ =	sdelay $0x4  }
0x58: {  	v61 =	vshll.u32 v3, $0x1  }
0x59: {  	v3 =	vand.u32 $0x7, v3;
	v4 =	vand.u32 $0xFFFFFFF0, v61  }
0x5a: {  	v3 =	vor.u32 v3, v4  }
0x5b: {  	v4 =	vperm.xlane v3, v0;
	_ =	sdelay $0x1  }
0x5c: {  	v3 =	vperm.xlane v3, v2;
	v4 =	vadd.s32 v1, v4;
	_ =	sdelay $0x1  }
0x5d: {  	v3 =	vadd.s32 v1, v3;
	_ =	sdelay $0x2  }
0x5e: {  	[hbm4b:s3+s2] =	stream.indirect_vreg.scatter [tilespmem:s19], [sflag:$0x5], $0x80, v4, vm0, $0x2000b8;
	[tilespmem:$0x10100] =	vst v63  }
0x5f: {  	_ = 	snop  }
0x60: {  	[hbm4b:s3+s2] =	stream.indirect_vreg.scatter [tilespmem:s20], [sflag:$0x5], $0x80, v3, vm0, $0x2000b8;
	[tilespmem:$0x10100] =	vst v63  }
0x61: {  	v3 =	vld [tilespmem:$0x10060];
	_ =	sdelay $0x4  }
0x62: {  	v62 =	vshll.u32 v3, $0x1  }
0x63: {  	v3 =	vand.u32 $0x7, v3;
	v4 =	vand.u32 $0xFFFFFFF0, v62  }
0x64: {  	v3 =	vor.u32 v3, v4  }
0x65: {  	v4 =	vperm.xlane v3, v0;
	_ =	sdelay $0x1  }
0x66: {  	v3 =	vperm.xlane v3, v2;
	v4 =	vadd.s32 v1, v4;
	_ =	sdelay $0x1  }
0x67: {  	v3 =	vadd.s32 v1, v3;
	_ =	sdelay $0x2  }
0x68: {  	[hbm4b:s3+s2] =	stream.indirect_vreg.scatter [tilespmem:s21], [sflag:$0x5], $0x80, v4, vm0, $0x2000b8;
	[tilespmem:$0x10100] =	vst v63  }
0x69: {  	_ = 	snop  }
0x6a: {  	[hbm4b:s3+s2] =	stream.indirect_vreg.scatter [tilespmem:s22], [sflag:$0x5], $0x80, v3, vm0, $0x2000b8;
	[tilespmem:$0x10100] =	vst v63  }
0x6b: {  	v3 =	vld [tilespmem:$0x10070];
	_ =	sdelay $0x4  }
0x6c: {  	v63 =	vshll.u32 v3, $0x1  }
0x6d: {  	v3 =	vand.u32 $0x7, v3;
	v4 =	vand.u32 $0xFFFFFFF0, v63  }
0x6e: {  	v3 =	vor.u32 v3, v4  }
0x6f: {  	v4 =	vperm.xlane v3, v0;
	_ =	sdelay $0x1  }
0x70: {  	v3 =	vperm.xlane v3, v2;
	v4 =	vadd.s32 v1, v4;
	_ =	sdelay $0x1  }
0x71: {  	v3 =	vadd.s32 v1, v3;
	_ =	sdelay $0x2  }
0x72: {  	[hbm4b:s3+s2] =	stream.indirect_vreg.scatter [tilespmem:s23], [sflag:$0x5], $0x80, v4, vm0, $0x2000b8;
	[tilespmem:$0x10100] =	vst v63  }
0x73: {  	p0 =	sne.s32 s6, $0x1  }
0x74: {  	[hbm4b:s3+s2] =	stream.indirect_vreg.scatter [tilespmem:s24], [sflag:$0x5], $0x80, v3, vm0, $0x2000b8;
	[tilespmem:$0x10100] =	vst v63  }
.Ltmp1:
0x75: {  	_ = 	snop;
	(pc) =	sbr.rel @p0 .LBB2_2-.Ltmp1, $4  }
0x76: {  	_ =	swait.ge [sflag:s25], $0x8000  }
0x77: {  	[sflag:s25] =	ssyncset.done $0x0  }
0x78: {  	[sflag:s25] =	ssyncadd.s32 $0xFFFF8000  }
0x79: {  	s6 =	sadd.s32 $0xFFFFFFFF, s6;
	_ =	strace $0x9000004D  }
.LBB2_3:
0x7a: {  	_ =	sfence.sel $0x180000  }
0x7b: {  	[bflag:$0x0] =	sbarrier.arrive $0xFFFF  }
0x7c: {  	p0 =	sne.s32 s1, $0x0;
	_ =	strace $0x90000047  }
0x7d: {  	s0 =	sadd.s32 @!p0 $0x100000, s0;
	[bflag:$0x2] =	sbarrier.arrive $0xFFFF  }
0x7e: {  	[sflag:s0] =	ssyncadd.tile.s32 @!p0 $0x1;
	_ =	shalt  }
.Lfunc_end2:
_tile_overlayer_lowered:
.L_overlay_start_2:
0x7f: {  	(tag) =	ssettag $0x2  }
0x80: {  	s0 =	rddreg [dreg:$0x0];
	s2 =	stileid.u32  }
0x81: {  	s1 =	rddreg [dreg:$0x1];
	p0 =	sne.s32 s2, $0x0  }
0x82: {  	s3 =	rddreg [dreg:$0x2];
	[bflag:$0x3] =	sbarrier.arrive $0xFFFF;
	s2 =	simm.s32 @!p0 $0x1C01  }
0x83: {  	[timem:s3], [sflag:s2] =	dma.local @!p0 [hbm:s0], s1  }
0x84: {  	s0 =	simm.s32 @!p0 $0x1  }
0x85: {  	_ =	swait.ge @!p0 [sflag:s0], s1  }
0x86: {  	s1 =	ssub.s32 @!p0 $0x0, s1;
	[sflag:s0] =	ssyncset.done @!p0 $0x0  }
0x87: {  	[sflag:s0] =	ssyncadd.s32 @!p0 s1  }
0x88: {  	[bflag:$0x3] =	sbarrier.arrive $0xFFFF  }
0x89: {  	_ =	shalt  }

</sc_bundles>
